<compile_context>
chip_gen: v7x
topology: tpu7x:2x2x1
jax: 0.10.2.dev20260603
libtpu: 0.0.44.dev20260713+nightly
codegen_flags: <defaults>
</compile_context>

<pallas_src>
import functools

import jax
import jax.numpy as jnp
from jax import lax
from jax.experimental import pallas as pl
from jax.experimental.pallas import tpu as pltpu
from jax.experimental.pallas import tpu_sc as plsc

N = 10000
E = 320000
D = 128
NH = 4
HD = D // NH

NSUB = 16
EPW = E // NSUB
ROWS = 80
NPAD = ROWS * 128
RPW = ROWS // NSUB
VPW = RPW * 128


def _rsqrt_newton(v):
    xi = lax.bitcast_convert_type(v, jnp.int32)
    yi = jnp.int32(0x5F3759DF) - lax.shift_right_logical(xi, 1)
    y = lax.bitcast_convert_type(yi, jnp.float32)
    for _ in range(3):
        y = y * (1.5 - 0.5 * v * y * y)
    return y


def _slot_reduce(sh_all, my0, stage, stg2, sem_r0, sem_r1, acc):
    bufs = (stage, stg2)
    sems = (sem_r0, sem_r1)
    pltpu.async_copy(sh_all.at[pl.ds(my0, VPW)], stage, sem_r0)
    for w in range(NSUB):
        cur, nxt = bufs[w % 2], bufs[(w + 1) % 2]
        pltpu.make_async_copy(sh_all.at[pl.ds(w * NPAD + my0, VPW)], cur,
                              sems[w % 2]).wait()
        if w + 1 < NSUB:
            pltpu.async_copy(sh_all.at[pl.ds((w + 1) * NPAD + my0, VPW)],
                             nxt, sems[(w + 1) % 2])
        if w == 0:
            @plsc.parallel_loop(0, VPW, 16, unroll=8)
            def _(j):
                acc[pl.ds(j, 16)] = cur[pl.ds(j, 16)]
        else:
            @plsc.parallel_loop(0, VPW, 16, unroll=8)
            def _(j):
                acc[pl.ds(j, 16)] = acc[pl.ds(j, 16)] + cur[pl.ds(j, 16)]


def _sc_body(ego_hbm, cut_hbm, out_e_hbm, out_c_hbm, cnt, tbuf, ebuf_s,
             ebuf_d, stage, stg2, dbuf, tacc, sh_all, sh_dinv,
             sem_s, sem_d, sem_r0, sem_r1):
    c = lax.axis_index("c")
    s = lax.axis_index("s")
    my0 = s * VPW

    e0 = s * EPW

    @pl.when(c == 0)
    def _():
        pltpu.async_copy(ego_hbm.at[1, pl.ds(e0, EPW)], ebuf_d, sem_d)
        pltpu.async_copy(ego_hbm.at[0, pl.ds(e0, EPW)], ebuf_s, sem_s)

    @pl.when(c == 1)
    def _():
        pltpu.async_copy(cut_hbm.at[1, pl.ds(e0, EPW)], ebuf_d, sem_d)
        pltpu.async_copy(cut_hbm.at[0, pl.ds(e0, EPW)], ebuf_s, sem_s)

    h_d = pltpu.make_async_copy(ego_hbm.at[1, pl.ds(e0, EPW)], ebuf_d, sem_d)
    h_s = pltpu.make_async_copy(ego_hbm.at[0, pl.ds(e0, EPW)], ebuf_s, sem_s)

    zeros16 = jnp.zeros((16,), jnp.float32)
    ones16 = jnp.ones((16,), jnp.float32)

    @plsc.parallel_loop(0, NPAD, 16, unroll=8)
    def _(i):
        cnt[pl.ds(i, 16)] = zeros16
        tbuf[pl.ds(i, 16)] = zeros16

    lane = lax.iota(jnp.int32, 16)
    h_d.wait()

    @plsc.parallel_loop(0, EPW, 16, unroll=8)
    def _(i):
        d16 = ebuf_d[pl.ds(i, 16)]
        plsc.addupdate_scatter(cnt, (d16,), ones16)

    pltpu.sync_copy(cnt, sh_all.at[pl.ds(s * NPAD, NPAD)])
    plsc.subcore_barrier()
    _slot_reduce(sh_all, my0, stage, stg2, sem_r0, sem_r1, dbuf)

    @plsc.parallel_loop(0, VPW, 16, unroll=4)
    def _(j):
        v = dbuf[pl.ds(j, 16)] + 1.0
        dbuf[pl.ds(j, 16)] = _rsqrt_newton(v)

    pltpu.sync_copy(dbuf, sh_dinv.at[pl.ds(my0, VPW)])
    plsc.subcore_barrier()
    pltpu.sync_copy(sh_dinv, cnt)

    h_s.wait()

    @plsc.parallel_loop(0, EPW, 16, unroll=8)
    def _(i):
        d16 = ebuf_d[pl.ds(i, 16)]
        s16 = ebuf_s[pl.ds(i, 16)]
        g = plsc.load_gather(cnt, (d16,))
        plsc.addupdate_scatter(tbuf, (s16,), g)

    pltpu.sync_copy(tbuf, sh_all.at[pl.ds(s * NPAD, NPAD)])
    plsc.subcore_barrier()
    _slot_reduce(sh_all, my0, stage, stg2, sem_r0, sem_r1, tacc)

    for j in range(VPW // 16):
        dv = dbuf[pl.ds(j * 16, 16)]
        tv = tacc[pl.ds(j * 16, 16)]
        wv = dv * (tv + dv)
        gi = my0 + j * 16 + lane
        wv = jnp.where(gi < N, wv, 0.0)
        tacc[pl.ds(j * 16, 16)] = wv

    @pl.when(c == 0)
    def _():
        pltpu.sync_copy(tacc, out_e_hbm.at[0, pl.ds(my0, VPW)])

    @pl.when(c == 1)
    def _():
        pltpu.sync_copy(tacc, out_c_hbm.at[0, pl.ds(my0, VPW)])


@functools.cache
def _sc_wvec():
    return functools.partial(
        pl.kernel,
        out_type=(jax.ShapeDtypeStruct((1, NPAD), jnp.float32),
                  jax.ShapeDtypeStruct((1, NPAD), jnp.float32)),
        mesh=plsc.VectorSubcoreMesh(core_axis_name="c", subcore_axis_name="s"),
        compiler_params=pltpu.CompilerParams(needs_layout_passes=False,
                                             use_tc_tiling_on_sc=False),
        scratch_types=[
            pltpu.VMEM((NPAD,), jnp.float32),
            pltpu.VMEM((NPAD,), jnp.float32),
            pltpu.VMEM((EPW,), jnp.int32),
            pltpu.VMEM((EPW,), jnp.int32),
            pltpu.VMEM((VPW,), jnp.float32),
            pltpu.VMEM((VPW,), jnp.float32),
            pltpu.VMEM((VPW,), jnp.float32),
            pltpu.VMEM((VPW,), jnp.float32),
            pltpu.VMEM_SHARED((NSUB * NPAD,), jnp.float32),
            pltpu.VMEM_SHARED((NPAD,), jnp.float32),
            pltpu.SemaphoreType.DMA,
            pltpu.SemaphoreType.DMA,
            pltpu.SemaphoreType.DMA,
            pltpu.SemaphoreType.DMA,
        ],
    )(_sc_body)


def _dgt(a, w):
    return lax.dot_general(a, w, (((1,), (1,)), ((), ())),
                           preferred_element_type=jnp.float32)


def _dg(a, b):
    return lax.dot_general(a, b, (((1,), (0,)), ((), ())),
                           preferred_element_type=jnp.float32)


def _tc_body(wv_e, wv_c, xe, xc, W1, b1, W2, b2, Wq, bq, Wk, bk, Wv_, bv,
             Wo, bo, g, b2_, Wout, bout, o_ref):
    inv_n = jnp.float32(1.0 / N)
    se = _dg(wv_e[...][:, :N], xe[...]) * inv_n
    sc = _dg(wv_c[...][:, :N], xc[...]) * inv_n
    pe = _dgt(se, W1[...]) + b1[...]
    pc = _dgt(sc, W2[...]) + b2[...]
    feats = jnp.concatenate([pe, pc], axis=0)

    q = _dgt(feats, Wq[...]) + bq[...]
    k = _dgt(feats, Wk[...]) + bk[...]
    v = _dgt(feats, Wv_[...]) + bv[...]
    outs = []
    scale = jnp.float32(1.0 / (HD ** 0.5))
    for h in range(NH):
        qh = q[:, h * HD:(h + 1) * HD]
        kh = k[:, h * HD:(h + 1) * HD]
        vh = v[:, h * HD:(h + 1) * HD]
        att = _dgt(qh, kh) * scale
        att = att - jnp.max(att, axis=-1, keepdims=True)
        ea = jnp.exp(att)
        att = ea / jnp.sum(ea, axis=-1, keepdims=True)
        outs.append(_dg(att, vh))
    o = jnp.concatenate(outs, axis=1)
    attended = _dgt(o, Wo[...]) + bo[...]

    xres = attended + feats
    m = jnp.mean(xres, axis=-1, keepdims=True)
    var = jnp.mean((xres - m) ** 2, axis=-1, keepdims=True)
    ln = (xres - m) / jnp.sqrt(var + 1e-5) * g[...] + b2_[...]
    fused = jnp.mean(ln, axis=0, keepdims=True)
    o_ref[...] = _dgt(fused, Wout[...]) + bout[...]


_tc_tail = pl.pallas_call(
    _tc_body,
    out_shape=jax.ShapeDtypeStruct((1, D), jnp.float32),
)


def kernel(x_ego, ego_edge_index, x_cut, cut_edge_index, W1, b1, W2, b2,
           Wq, bq, Wk, bk, Wv, bv, Wo, bo, ln_g, ln_b, Wout, bout):
    wv_e, wv_c = _sc_wvec()(ego_edge_index.astype(jnp.int32),
                            cut_edge_index.astype(jnp.int32))
    r = lambda a: a.reshape(1, D)
    return _tc_tail(wv_e, wv_c, x_ego, x_cut, W1, r(b1), W2, r(b2), Wq, r(bq),
                    Wk, r(bk), Wv, r(bv), Wo, r(bo), r(ln_g), r(ln_b),
                    Wout, r(bout))

# --- scband reference (transcript-rebuilt; emitter-appended) ---
"""Pipeline reference for scband-high-order-gnnencoder-86303072845900 (READ-ONLY COPY).

The authoritative reference and input builder live on the scoring server;
editing this copy changes nothing except your own understanding.
"""

import jax, jax.numpy as jnp
import numpy as np

N = 10000
E = 320000
D = 128
NH = 4
HD = D // NH


def gcn_conv(x, edge_index, W, b):
    # PyG GCNConv: symmetric-normalized adjacency with self-loops, linear (no bias) then bias
    src = edge_index[0]
    dst = edge_index[1]
    loop = jnp.arange(N, dtype=src.dtype)
    src = jnp.concatenate([src, loop])
    dst = jnp.concatenate([dst, loop])
    deg = jnp.zeros((N,), dtype=x.dtype).at[dst].add(1.0)
    dinv = jnp.where(deg > 0, deg ** -0.5, 0.0)
    norm = dinv[src] * dinv[dst]
    h = x @ W.T
    msg = h[src] * norm[:, None]
    out = jnp.zeros_like(h).at[dst].add(msg)
    return out + b


def layer_norm(x, g, b, eps=1e-5):
    m = jnp.mean(x, axis=-1, keepdims=True)
    v = jnp.mean((x - m) ** 2, axis=-1, keepdims=True)
    return (x - m) / jnp.sqrt(v + eps) * g + b


def mha(x, Wq, bq, Wk, bk, Wv, bv, Wo, bo):
    B, L, _ = x.shape
    q = (x @ Wq.T + bq).reshape(B, L, NH, HD).transpose(0, 2, 1, 3)
    k = (x @ Wk.T + bk).reshape(B, L, NH, HD).transpose(0, 2, 1, 3)
    v = (x @ Wv.T + bv).reshape(B, L, NH, HD).transpose(0, 2, 1, 3)
    att = jnp.einsum('bhqd,bhkd->bhqk', q, k) / jnp.sqrt(jnp.float32(HD))
    att = jax.nn.softmax(att, axis=-1)
    o = jnp.einsum('bhqk,bhkd->bhqd', att, v)
    o = o.transpose(0, 2, 1, 3).reshape(B, L, -1)
    return o @ Wo.T + bo


def setup_inputs(seed: int = 0):
    key = jax.random.key(seed)
    ks = jax.random.split(key, 16)

    def w(i, shape):
        return jax.random.normal(ks[i], shape, dtype=jnp.float32) * 0.05

    inp = {}
    inp['x_ego'] = jax.random.normal(ks[0], (N, D), dtype=jnp.float32)
    inp['ego_edge_index'] = jax.random.randint(ks[1], (2, E), 0, N)
    inp['x_cut'] = jax.random.normal(ks[2], (N, D), dtype=jnp.float32)
    inp['cut_edge_index'] = jax.random.randint(ks[3], (2, E), 0, N)
    inp['W1'] = w(4, (D, D))
    inp['b1'] = jnp.zeros((D,), jnp.float32)
    inp['W2'] = w(5, (D, D))
    inp['b2'] = jnp.zeros((D,), jnp.float32)
    inp['Wq'] = w(6, (D, D))
    inp['bq'] = jnp.zeros((D,), jnp.float32)
    inp['Wk'] = w(7, (D, D))
    inp['bk'] = jnp.zeros((D,), jnp.float32)
    inp['Wv'] = w(8, (D, D))
    inp['bv'] = jnp.zeros((D,), jnp.float32)
    inp['Wo'] = w(9, (D, D))
    inp['bo'] = jnp.zeros((D,), jnp.float32)
    inp['ln_g'] = jnp.ones((D,), jnp.float32)
    inp['ln_b'] = jnp.zeros((D,), jnp.float32)
    inp['Wout'] = w(10, (D, D))
    inp['bout'] = jnp.zeros((D,), jnp.float32)
    return inp


def reference(x_ego, ego_edge_index, x_cut, cut_edge_index, W1, b1, W2, b2, Wq, bq, Wk, bk, Wv, bv, Wo, bo, ln_g, ln_b, Wout, bout):
    h_ego = gcn_conv(x_ego, ego_edge_index, W1, b1)
    h_cut = gcn_conv(x_cut, cut_edge_index, W2, b2)
    # batch=None -> global_mean_pool over all nodes -> [1, D]
    p_ego = jnp.mean(h_ego, axis=0, keepdims=True)
    p_cut = jnp.mean(h_cut, axis=0, keepdims=True)
    feats = jnp.stack([p_ego, p_cut], axis=1)  # [1, 2, D]
    attended = mha(feats, Wq, bq, Wk, bk, Wv, bv, Wo, bo)
    attended = layer_norm(attended + feats, ln_g, ln_b)
    fused = jnp.mean(attended, axis=1)  # [1, D]
    return fused @ Wout.T + bout

if __name__ == "__main__":
    import jax
    _d = setup_inputs()
    print(jax.jit(kernel)(*tuple(_d.values())))

</pallas_src>

<mosaic_0001>
#map = affine_map<(d0, d1) -> (0, 0)>
module attributes {stable_mosaic.version = 14 : i64} {
  func.func @_sc_body(%arg0: i32, %arg1: i32, %arg2: memref<2x320000xi32, #tpu.memory_space<hbm>>, %arg3: memref<2x320000xi32, #tpu.memory_space<hbm>>, %arg4: memref<1x10240xf32, #tpu.memory_space<hbm>>, %arg5: memref<1x10240xf32, #tpu.memory_space<hbm>>, %arg6: memref<10240xf32, #tpu.memory_space<vmem>>, %arg7: memref<10240xf32, #tpu.memory_space<vmem>>, %arg8: memref<20000xi32, #tpu.memory_space<vmem>>, %arg9: memref<20000xi32, #tpu.memory_space<vmem>>, %arg10: memref<640xf32, #tpu.memory_space<vmem>>, %arg11: memref<640xf32, #tpu.memory_space<vmem>>, %arg12: memref<640xf32, #tpu.memory_space<vmem>>, %arg13: memref<640xf32, #tpu.memory_space<vmem>>, %arg14: memref<163840xf32, #tpu.memory_space<vmem_shared>>, %arg15: memref<10240xf32, #tpu.memory_space<vmem_shared>>, %arg16: memref<!tpu.dma_semaphore, #tpu.memory_space<semaphore_mem>>, %arg17: memref<!tpu.dma_semaphore, #tpu.memory_space<semaphore_mem>>, %arg18: memref<!tpu.dma_semaphore, #tpu.memory_space<semaphore_mem>>, %arg19: memref<!tpu.dma_semaphore, #tpu.memory_space<semaphore_mem>>) attributes {dimension_semantics = [#tpu.dimension_semantics<core_parallel>, #tpu.dimension_semantics<subcore_parallel>], iteration_bounds = array<i64: 2, 16>, scalar_prefetch = 0 : i64, scratch_operands = 14 : i64, tpu.core_type = #tpu.core_type<sc_vector_subcore>, window_params = [{transform_indices = #map}, {transform_indices = #map}, {transform_indices = #map}, {transform_indices = #map}]} {
    %mul3A = arith.constant 640 : i32
    %mul3A_0 = arith.muli %arg1, %mul3A : i32
    %mul3A_1 = arith.constant 20000 : i32
    %mul3A_2 = arith.muli %arg1, %mul3A_1 : i32
    %eq3A = arith.constant 0 : i32
    %eq3A_3 = arith.cmpi eq, %arg0, %eq3A : i32
    %convert_element_type3A = arith.extui %eq3A_3 : i1 to i32
    %cond3A = arith.constant 0 : i32
    %cond3A_4 = arith.cmpi ne, %convert_element_type3A, %cond3A : i32
    scf.if %cond3A_4 {
      %dma_start3A_1110 = arith.constant 1 : i32
      %dma_start3A_1111 = tpu.memref_slice %arg2[%dma_start3A_1110, %mul3A_2] : memref<2x320000xi32, #tpu.memory_space<hbm>> -> memref<1x20000xi32, #tpu.memory_space<hbm>>
      %dma_start3A_1112 = tpu.memref_squeeze %dma_start3A_1111 : memref<1x20000xi32, #tpu.memory_space<hbm>> -> memref<20000xi32, #tpu.memory_space<hbm>>
      %dma_start3A_1113 = tpu.memref_slice %arg2[%dma_start3A_1110, %mul3A_2] : memref<2x320000xi32, #tpu.memory_space<hbm>> -> memref<1x20000xi32, #tpu.memory_space<hbm>>
      %dma_start3A_1114 = tpu.memref_squeeze %dma_start3A_1113 : memref<1x20000xi32, #tpu.memory_space<hbm>> -> memref<20000xi32, #tpu.memory_space<hbm>>
      tpu.enqueue_dma source(%dma_start3A_1114 : memref<20000xi32, #tpu.memory_space<hbm>>) target(%arg9 : memref<20000xi32, #tpu.memory_space<vmem>>) target_semaphore(%arg17 : memref<!tpu.dma_semaphore, #tpu.memory_space<semaphore_mem>>)
      %dma_start3A_1115 = arith.constant 0 : i32
      %dma_start3A_1116 = tpu.memref_slice %arg2[%dma_start3A_1115, %mul3A_2] : memref<2x320000xi32, #tpu.memory_space<hbm>> -> memref<1x20000xi32, #tpu.memory_space<hbm>>
      %dma_start3A_1117 = tpu.memref_squeeze %dma_start3A_1116 : memref<1x20000xi32, #tpu.memory_space<hbm>> -> memref<20000xi32, #tpu.memory_space<hbm>>
      %dma_start3A_1118 = tpu.memref_slice %arg2[%dma_start3A_1115, %mul3A_2] : memref<2x320000xi32, #tpu.memory_space<hbm>> -> memref<1x20000xi32, #tpu.memory_space<hbm>>
      %dma_start3A_1119 = tpu.memref_squeeze %dma_start3A_1118 : memref<1x20000xi32, #tpu.memory_space<hbm>> -> memref<20000xi32, #tpu.memory_space<hbm>>
      tpu.enqueue_dma source(%dma_start3A_1119 : memref<20000xi32, #tpu.memory_space<hbm>>) target(%arg8 : memref<20000xi32, #tpu.memory_space<vmem>>) target_semaphore(%arg16 : memref<!tpu.dma_semaphore, #tpu.memory_space<semaphore_mem>>)
    } else {
    }
    %eq3A_5 = arith.constant 1 : i32
    %eq3A_6 = arith.cmpi eq, %arg0, %eq3A_5 : i32
    %convert_element_type3A_7 = arith.extui %eq3A_6 : i1 to i32
    %cond3A_8 = arith.constant 0 : i32
    %cond3A_9 = arith.cmpi ne, %convert_element_type3A_7, %cond3A_8 : i32
    scf.if %cond3A_9 {
      %dma_start3A_1110 = arith.constant 1 : i32
      %dma_start3A_1111 = tpu.memref_slice %arg3[%dma_start3A_1110, %mul3A_2] : memref<2x320000xi32, #tpu.memory_space<hbm>> -> memref<1x20000xi32, #tpu.memory_space<hbm>>
      %dma_start3A_1112 = tpu.memref_squeeze %dma_start3A_1111 : memref<1x20000xi32, #tpu.memory_space<hbm>> -> memref<20000xi32, #tpu.memory_space<hbm>>
      %dma_start3A_1113 = tpu.memref_slice %arg3[%dma_start3A_1110, %mul3A_2] : memref<2x320000xi32, #tpu.memory_space<hbm>> -> memref<1x20000xi32, #tpu.memory_space<hbm>>
      %dma_start3A_1114 = tpu.memref_squeeze %dma_start3A_1113 : memref<1x20000xi32, #tpu.memory_space<hbm>> -> memref<20000xi32, #tpu.memory_space<hbm>>
      tpu.enqueue_dma source(%dma_start3A_1114 : memref<20000xi32, #tpu.memory_space<hbm>>) target(%arg9 : memref<20000xi32, #tpu.memory_space<vmem>>) target_semaphore(%arg17 : memref<!tpu.dma_semaphore, #tpu.memory_space<semaphore_mem>>)
      %dma_start3A_1115 = arith.constant 0 : i32
      %dma_start3A_1116 = tpu.memref_slice %arg3[%dma_start3A_1115, %mul3A_2] : memref<2x320000xi32, #tpu.memory_space<hbm>> -> memref<1x20000xi32, #tpu.memory_space<hbm>>
      %dma_start3A_1117 = tpu.memref_squeeze %dma_start3A_1116 : memref<1x20000xi32, #tpu.memory_space<hbm>> -> memref<20000xi32, #tpu.memory_space<hbm>>
      %dma_start3A_1118 = tpu.memref_slice %arg3[%dma_start3A_1115, %mul3A_2] : memref<2x320000xi32, #tpu.memory_space<hbm>> -> memref<1x20000xi32, #tpu.memory_space<hbm>>
      %dma_start3A_1119 = tpu.memref_squeeze %dma_start3A_1118 : memref<1x20000xi32, #tpu.memory_space<hbm>> -> memref<20000xi32, #tpu.memory_space<hbm>>
      tpu.enqueue_dma source(%dma_start3A_1119 : memref<20000xi32, #tpu.memory_space<hbm>>) target(%arg8 : memref<20000xi32, #tpu.memory_space<vmem>>) target_semaphore(%arg16 : memref<!tpu.dma_semaphore, #tpu.memory_space<semaphore_mem>>)
    } else {
    }
    %broadcast_in_dim3A = arith.constant 0.000000e+00 : f32
    %broadcast_in_dim3A_10 = vector.broadcast %broadcast_in_dim3A : f32 to vector<16xf32>
    %broadcast_in_dim3A_11 = arith.constant 1.000000e+00 : f32
    %broadcast_in_dim3A_12 = vector.broadcast %broadcast_in_dim3A_11 : f32 to vector<16xf32>
    %parallel_loop3A = arith.constant 0 : i32
    %parallel_loop3A_13 = arith.constant 10240 : i32
    %parallel_loop3A_14 = arith.constant 16 : i32
    scf.for %parallel_loop3A_1110 = %parallel_loop3A to %parallel_loop3A_13 step %parallel_loop3A_14  : i32 {
      %parallel_loop3A_1111 = arith.index_cast %parallel_loop3A_1110 : i32 to index
      %parallel_loop3A_1112 = tpu.vector_load %arg6[%parallel_loop3A_1111] {strides = array<i32>} : memref<10240xf32, #tpu.memory_space<vmem>>, vector<16xf32>,
      tpu.vector_store %arg6[%parallel_loop3A_1111], %broadcast_in_dim3A_10 {strides = array<i32>} : memref<10240xf32, #tpu.memory_space<vmem>>, vector<16xf32>,
      %parallel_loop3A_1113 = arith.index_cast %parallel_loop3A_1110 : i32 to index
      %parallel_loop3A_1114 = tpu.vector_load %arg7[%parallel_loop3A_1113] {strides = array<i32>} : memref<10240xf32, #tpu.memory_space<vmem>>, vector<16xf32>,
      tpu.vector_store %arg7[%parallel_loop3A_1113], %broadcast_in_dim3A_10 {strides = array<i32>} : memref<10240xf32, #tpu.memory_space<vmem>>, vector<16xf32>,
    } {sc.loop_unroll_factor = 8 : i64, sc.parallel_access}
    %iota3A = tpu.iota {dimensions = array<i32: 0>} : vector<16xi32>
    %dma_wait3A = arith.constant 1 : i32
    %dma_wait3A_15 = tpu.memref_slice %arg2[%dma_wait3A, %mul3A_2] : memref<2x320000xi32, #tpu.memory_space<hbm>> -> memref<1x20000xi32, #tpu.memory_space<hbm>>
    %dma_wait3A_16 = tpu.memref_squeeze %dma_wait3A_15 : memref<1x20000xi32, #tpu.memory_space<hbm>> -> memref<20000xi32, #tpu.memory_space<hbm>>
    %dma_wait3A_17 = tpu.memref_slice %arg2[%dma_wait3A, %mul3A_2] : memref<2x320000xi32, #tpu.memory_space<hbm>> -> memref<1x20000xi32, #tpu.memory_space<hbm>>
    %dma_wait3A_18 = tpu.memref_squeeze %dma_wait3A_17 : memref<1x20000xi32, #tpu.memory_space<hbm>> -> memref<20000xi32, #tpu.memory_space<hbm>>
    tpu.wait_dma2 semaphore(%arg17 : memref<!tpu.dma_semaphore, #tpu.memory_space<semaphore_mem>>) src(%dma_wait3A_18 : memref<20000xi32, #tpu.memory_space<hbm>>) dst(%arg9 : memref<20000xi32, #tpu.memory_space<vmem>>)
    %parallel_loop3A_19 = arith.constant 0 : i32
    %parallel_loop3A_20 = arith.constant 20000 : i32
    %parallel_loop3A_21 = arith.constant 16 : i32
    scf.for %parallel_loop3A_1110 = %parallel_loop3A_19 to %parallel_loop3A_20 step %parallel_loop3A_21  : i32 {
      %parallel_loop3A_1111 = arith.index_cast %parallel_loop3A_1110 : i32 to index
      %parallel_loop3A_1112 = tpu.vector_load %arg9[%parallel_loop3A_1111] {strides = array<i32>} : memref<20000xi32, #tpu.memory_space<vmem>>, vector<16xi32>,
      tpu.vector_store_idx %arg6[%parallel_loop3A_1112], %broadcast_in_dim3A_12 {add = true} : memref<10240xf32, #tpu.memory_space<vmem>>[vector<16xi32>], vector<16xf32>,
    } {sc.loop_unroll_factor = 8 : i64, sc.parallel_access}
    %mul3A_22 = arith.constant 10240 : i32
    %mul3A_23 = arith.muli %arg1, %mul3A_22 : i32
    "tpu.region"() ({
      %run_scoped3A = tpu.sem_alloc : memref<!tpu.dma_semaphore, #tpu.memory_space<semaphore_mem>>
      %dma_start3A_1110 = tpu.memref_slice %arg14[%mul3A_23] : memref<163840xf32, #tpu.memory_space<vmem_shared>> -> memref<10240xf32, #tpu.memory_space<vmem_shared>>
      %dma_start3A_1111 = tpu.memref_slice %arg14[%mul3A_23] : memref<163840xf32, #tpu.memory_space<vmem_shared>> -> memref<10240xf32, #tpu.memory_space<vmem_shared>>
      tpu.enqueue_dma source(%arg6 : memref<10240xf32, #tpu.memory_space<vmem>>) target(%dma_start3A_1111 : memref<10240xf32, #tpu.memory_space<vmem_shared>>) target_semaphore(%run_scoped3A : memref<!tpu.dma_semaphore, #tpu.memory_space<semaphore_mem>>)
      %dma_wait3A_1112 = tpu.memref_slice %arg14[%mul3A_23] : memref<163840xf32, #tpu.memory_space<vmem_shared>> -> memref<10240xf32, #tpu.memory_space<vmem_shared>>
      %dma_wait3A_1113 = tpu.memref_slice %arg14[%mul3A_23] : memref<163840xf32, #tpu.memory_space<vmem_shared>> -> memref<10240xf32, #tpu.memory_space<vmem_shared>>
      tpu.wait_dma2 semaphore(%run_scoped3A : memref<!tpu.dma_semaphore, #tpu.memory_space<semaphore_mem>>) src(%arg6 : memref<10240xf32, #tpu.memory_space<vmem>>) dst(%dma_wait3A_1113 : memref<10240xf32, #tpu.memory_space<vmem_shared>>)
      tpu.yield
    }) : () -> ()
    %barrier3A = arith.constant 0 : index
    tpu.barrier barrier_id(%barrier3A)
    %dma_start3A = tpu.memref_slice %arg14[%mul3A_0] : memref<163840xf32, #tpu.memory_space<vmem_shared>> -> memref<640xf32, #tpu.memory_space<vmem_shared>>
    %dma_start3A_24 = tpu.memref_slice %arg14[%mul3A_0] : memref<163840xf32, #tpu.memory_space<vmem_shared>> -> memref<640xf32, #tpu.memory_space<vmem_shared>>
    tpu.enqueue_dma source(%dma_start3A_24 : memref<640xf32, #tpu.memory_space<vmem_shared>>) target(%arg10 : memref<640xf32, #tpu.memory_space<vmem>>) target_semaphore(%arg18 : memref<!tpu.dma_semaphore, #tpu.memory_space<semaphore_mem>>)
    %add3A = arith.constant 0 : i32
    %add3A_25 = arith.addi %add3A, %mul3A_0 : i32
    %dma_wait3A_26 = tpu.memref_slice %arg14[%add3A_25] : memref<163840xf32, #tpu.memory_space<vmem_shared>> -> memref<640xf32, #tpu.memory_space<vmem_shared>>
    %dma_wait3A_27 = tpu.memref_slice %arg14[%add3A_25] : memref<163840xf32, #tpu.memory_space<vmem_shared>> -> memref<640xf32, #tpu.memory_space<vmem_shared>>
    tpu.wait_dma2 semaphore(%arg18 : memref<!tpu.dma_semaphore, #tpu.memory_space<semaphore_mem>>) src(%dma_wait3A_27 : memref<640xf32, #tpu.memory_space<vmem_shared>>) dst(%arg10 : memref<640xf32, #tpu.memory_space<vmem>>)
    %add3A_28 = arith.constant 10240 : i32
    %add3A_29 = arith.addi %add3A_28, %mul3A_0 : i32
    %dma_start3A_30 = tpu.memref_slice %arg14[%add3A_29] : memref<163840xf32, #tpu.memory_space<vmem_shared>> -> memref<640xf32, #tpu.memory_space<vmem_shared>>
    %dma_start3A_31 = tpu.memref_slice %arg14[%add3A_29] : memref<163840xf32, #tpu.memory_space<vmem_shared>> -> memref<640xf32, #tpu.memory_space<vmem_shared>>
    tpu.enqueue_dma source(%dma_start3A_31 : memref<640xf32, #tpu.memory_space<vmem_shared>>) target(%arg11 : memref<640xf32, #tpu.memory_space<vmem>>) target_semaphore(%arg19 : memref<!tpu.dma_semaphore, #tpu.memory_space<semaphore_mem>>)
    %parallel_loop3A_32 = arith.constant 0 : i32
    %parallel_loop3A_33 = arith.constant 640 : i32
    %parallel_loop3A_34 = arith.constant 16 : i32
    scf.for %parallel_loop3A_1110 = %parallel_loop3A_32 to %parallel_loop3A_33 step %parallel_loop3A_34  : i32 {
      %parallel_loop3A_1111 = arith.index_cast %parallel_loop3A_1110 : i32 to index
      %parallel_loop3A_1112 = tpu.vector_load %arg10[%parallel_loop3A_1111] {strides = array<i32>} : memref<640xf32, #tpu.memory_space<vmem>>, vector<16xf32>,
      %parallel_loop3A_1113 = arith.index_cast %parallel_loop3A_1110 : i32 to index
      %parallel_loop3A_1114 = tpu.vector_load %arg12[%parallel_loop3A_1113] {strides = array<i32>} : memref<640xf32, #tpu.memory_space<vmem>>, vector<16xf32>,
      tpu.vector_store %arg12[%parallel_loop3A_1113], %parallel_loop3A_1112 {strides = array<i32>} : memref<640xf32, #tpu.memory_space<vmem>>, vector<16xf32>,
    } {sc.loop_unroll_factor = 8 : i64, sc.parallel_access}
    %add3A_35 = arith.constant 10240 : i32
    %add3A_36 = arith.addi %add3A_35, %mul3A_0 : i32
    %dma_wait3A_37 = tpu.memref_slice %arg14[%add3A_36] : memref<163840xf32, #tpu.memory_space<vmem_shared>> -> memref<640xf32, #tpu.memory_space<vmem_shared>>
    %dma_wait3A_38 = tpu.memref_slice %arg14[%add3A_36] : memref<163840xf32, #tpu.memory_space<vmem_shared>> -> memref<640xf32, #tpu.memory_space<vmem_shared>>
    tpu.wait_dma2 semaphore(%arg19 : memref<!tpu.dma_semaphore, #tpu.memory_space<semaphore_mem>>) src(%dma_wait3A_38 : memref<640xf32, #tpu.memory_space<vmem_shared>>) dst(%arg11 : memref<640xf32, #tpu.memory_space<vmem>>)
    %add3A_39 = arith.constant 20480 : i32
    %add3A_40 = arith.addi %add3A_39, %mul3A_0 : i32
    %dma_start3A_41 = tpu.memref_slice %arg14[%add3A_40] : memref<163840xf32, #tpu.memory_space<vmem_shared>> -> memref<640xf32, #tpu.memory_space<vmem_shared>>
    %dma_start3A_42 = tpu.memref_slice %arg14[%add3A_40] : memref<163840xf32, #tpu.memory_space<vmem_shared>> -> memref<640xf32, #tpu.memory_space<vmem_shared>>
    tpu.enqueue_dma source(%dma_start3A_42 : memref<640xf32, #tpu.memory_space<vmem_shared>>) target(%arg10 : memref<640xf32, #tpu.memory_space<vmem>>) target_semaphore(%arg18 : memref<!tpu.dma_semaphore, #tpu.memory_space<semaphore_mem>>)
    %parallel_loop3A_43 = arith.constant 0 : i32
    %parallel_loop3A_44 = arith.constant 640 : i32
    %parallel_loop3A_45 = arith.constant 16 : i32
    scf.for %parallel_loop3A_1110 = %parallel_loop3A_43 to %parallel_loop3A_44 step %parallel_loop3A_45  : i32 {
      %parallel_loop3A_1111 = arith.index_cast %parallel_loop3A_1110 : i32 to index
      %parallel_loop3A_1112 = tpu.vector_load %arg12[%parallel_loop3A_1111] {strides = array<i32>} : memref<640xf32, #tpu.memory_space<vmem>>, vector<16xf32>,
      %parallel_loop3A_1113 = arith.index_cast %parallel_loop3A_1110 : i32 to index
      %parallel_loop3A_1114 = tpu.vector_load %arg11[%parallel_loop3A_1113] {strides = array<i32>} : memref<640xf32, #tpu.memory_space<vmem>>, vector<16xf32>,
      %parallel_loop3A_1115 = arith.addf %parallel_loop3A_1112, %parallel_loop3A_1114 : vector<16xf32>
      %parallel_loop3A_1116 = arith.index_cast %parallel_loop3A_1110 : i32 to index
      %parallel_loop3A_1117 = tpu.vector_load %arg12[%parallel_loop3A_1116] {strides = array<i32>} : memref<640xf32, #tpu.memory_space<vmem>>, vector<16xf32>,
      tpu.vector_store %arg12[%parallel_loop3A_1116], %parallel_loop3A_1115 {strides = array<i32>} : memref<640xf32, #tpu.memory_space<vmem>>, vector<16xf32>,
    } {sc.loop_unroll_factor = 8 : i64, sc.parallel_access}
    %add3A_46 = arith.constant 20480 : i32
    %add3A_47 = arith.addi %add3A_46, %mul3A_0 : i32
    %dma_wait3A_48 = tpu.memref_slice %arg14[%add3A_47] : memref<163840xf32, #tpu.memory_space<vmem_shared>> -> memref<640xf32, #tpu.memory_space<vmem_shared>>
    %dma_wait3A_49 = tpu.memref_slice %arg14[%add3A_47] : memref<163840xf32, #tpu.memory_space<vmem_shared>> -> memref<640xf32, #tpu.memory_space<vmem_shared>>
    tpu.wait_dma2 semaphore(%arg18 : memref<!tpu.dma_semaphore, #tpu.memory_space<semaphore_mem>>) src(%dma_wait3A_49 : memref<640xf32, #tpu.memory_space<vmem_shared>>) dst(%arg10 : memref<640xf32, #tpu.memory_space<vmem>>)
    %add3A_50 = arith.constant 30720 : i32
    %add3A_51 = arith.addi %add3A_50, %mul3A_0 : i32
    %dma_start3A_52 = tpu.memref_slice %arg14[%add3A_51] : memref<163840xf32, #tpu.memory_space<vmem_shared>> -> memref<640xf32, #tpu.memory_space<vmem_shared>>
    %dma_start3A_53 = tpu.memref_slice %arg14[%add3A_51] : memref<163840xf32, #tpu.memory_space<vmem_shared>> -> memref<640xf32, #tpu.memory_space<vmem_shared>>
    tpu.enqueue_dma source(%dma_start3A_53 : memref<640xf32, #tpu.memory_space<vmem_shared>>) target(%arg11 : memref<640xf32, #tpu.memory_space<vmem>>) target_semaphore(%arg19 : memref<!tpu.dma_semaphore, #tpu.memory_space<semaphore_mem>>)
    %parallel_loop3A_54 = arith.constant 0 : i32
    %parallel_loop3A_55 = arith.constant 640 : i32
    %parallel_loop3A_56 = arith.constant 16 : i32
    scf.for %parallel_loop3A_1110 = %parallel_loop3A_54 to %parallel_loop3A_55 step %parallel_loop3A_56  : i32 {
      %parallel_loop3A_1111 = arith.index_cast %parallel_loop3A_1110 : i32 to index
      %parallel_loop3A_1112 = tpu.vector_load %arg12[%parallel_loop3A_1111] {strides = array<i32>} : memref<640xf32, #tpu.memory_space<vmem>>, vector<16xf32>,
      %parallel_loop3A_1113 = arith.index_cast %parallel_loop3A_1110 : i32 to index
      %parallel_loop3A_1114 = tpu.vector_load %arg10[%parallel_loop3A_1113] {strides = array<i32>} : memref<640xf32, #tpu.memory_space<vmem>>, vector<16xf32>,
      %parallel_loop3A_1115 = arith.addf %parallel_loop3A_1112, %parallel_loop3A_1114 : vector<16xf32>
      %parallel_loop3A_1116 = arith.index_cast %parallel_loop3A_1110 : i32 to index
      %parallel_loop3A_1117 = tpu.vector_load %arg12[%parallel_loop3A_1116] {strides = array<i32>} : memref<640xf32, #tpu.memory_space<vmem>>, vector<16xf32>,
      tpu.vector_store %arg12[%parallel_loop3A_1116], %parallel_loop3A_1115 {strides = array<i32>} : memref<640xf32, #tpu.memory_space<vmem>>, vector<16xf32>,
    } {sc.loop_unroll_factor = 8 : i64, sc.parallel_access}
    %add3A_57 = arith.constant 30720 : i32
    %add3A_58 = arith.addi %add3A_57, %mul3A_0 : i32
    %dma_wait3A_59 = tpu.memref_slice %arg14[%add3A_58] : memref<163840xf32, #tpu.memory_space<vmem_shared>> -> memref<640xf32, #tpu.memory_space<vmem_shared>>
    %dma_wait3A_60 = tpu.memref_slice %arg14[%add3A_58] : memref<163840xf32, #tpu.memory_space<vmem_shared>> -> memref<640xf32, #tpu.memory_space<vmem_shared>>
    tpu.wait_dma2 semaphore(%arg19 : memref<!tpu.dma_semaphore, #tpu.memory_space<semaphore_mem>>) src(%dma_wait3A_60 : memref<640xf32, #tpu.memory_space<vmem_shared>>) dst(%arg11 : memref<640xf32, #tpu.memory_space<vmem>>)
    %add3A_61 = arith.constant 40960 : i32
    %add3A_62 = arith.addi %add3A_61, %mul3A_0 : i32
    %dma_start3A_63 = tpu.memref_slice %arg14[%add3A_62] : memref<163840xf32, #tpu.memory_space<vmem_shared>> -> memref<640xf32, #tpu.memory_space<vmem_shared>>
    %dma_start3A_64 = tpu.memref_slice %arg14[%add3A_62] : memref<163840xf32, #tpu.memory_space<vmem_shared>> -> memref<640xf32, #tpu.memory_space<vmem_shared>>
    tpu.enqueue_dma source(%dma_start3A_64 : memref<640xf32, #tpu.memory_space<vmem_shared>>) target(%arg10 : memref<640xf32, #tpu.memory_space<vmem>>) target_semaphore(%arg18 : memref<!tpu.dma_semaphore, #tpu.memory_space<semaphore_mem>>)
    %parallel_loop3A_65 = arith.constant 0 : i32
    %parallel_loop3A_66 = arith.constant 640 : i32
    %parallel_loop3A_67 = arith.constant 16 : i32
    scf.for %parallel_loop3A_1110 = %parallel_loop3A_65 to %parallel_loop3A_66 step %parallel_loop3A_67  : i32 {
      %parallel_loop3A_1111 = arith.index_cast %parallel_loop3A_1110 : i32 to index
      %parallel_loop3A_1112 = tpu.vector_load %arg12[%parallel_loop3A_1111] {strides = array<i32>} : memref<640xf32, #tpu.memory_space<vmem>>, vector<16xf32>,
      %parallel_loop3A_1113 = arith.index_cast %parallel_loop3A_1110 : i32 to index
      %parallel_loop3A_1114 = tpu.vector_load %arg11[%parallel_loop3A_1113] {strides = array<i32>} : memref<640xf32, #tpu.memory_space<vmem>>, vector<16xf32>,
      %parallel_loop3A_1115 = arith.addf %parallel_loop3A_1112, %parallel_loop3A_1114 : vector<16xf32>
      %parallel_loop3A_1116 = arith.index_cast %parallel_loop3A_1110 : i32 to index
      %parallel_loop3A_1117 = tpu.vector_load %arg12[%parallel_loop3A_1116] {strides = array<i32>} : memref<640xf32, #tpu.memory_space<vmem>>, vector<16xf32>,
      tpu.vector_store %arg12[%parallel_loop3A_1116], %parallel_loop3A_1115 {strides = array<i32>} : memref<640xf32, #tpu.memory_space<vmem>>, vector<16xf32>,
    } {sc.loop_unroll_factor = 8 : i64, sc.parallel_access}
    %add3A_68 = arith.constant 40960 : i32
    %add3A_69 = arith.addi %add3A_68, %mul3A_0 : i32
    %dma_wait3A_70 = tpu.memref_slice %arg14[%add3A_69] : memref<163840xf32, #tpu.memory_space<vmem_shared>> -> memref<640xf32, #tpu.memory_space<vmem_shared>>
    %dma_wait3A_71 = tpu.memref_slice %arg14[%add3A_69] : memref<163840xf32, #tpu.memory_space<vmem_shared>> -> memref<640xf32, #tpu.memory_space<vmem_shared>>
    tpu.wait_dma2 semaphore(%arg18 : memref<!tpu.dma_semaphore, #tpu.memory_space<semaphore_mem>>) src(%dma_wait3A_71 : memref<640xf32, #tpu.memory_space<vmem_shared>>) dst(%arg10 : memref<640xf32, #tpu.memory_space<vmem>>)
    %add3A_72 = arith.constant 51200 : i32
    %add3A_73 = arith.addi %add3A_72, %mul3A_0 : i32
    %dma_start3A_74 = tpu.memref_slice %arg14[%add3A_73] : memref<163840xf32, #tpu.memory_space<vmem_shared>> -> memref<640xf32, #tpu.memory_space<vmem_shared>>
    %dma_start3A_75 = tpu.memref_slice %arg14[%add3A_73] : memref<163840xf32, #tpu.memory_space<vmem_shared>> -> memref<640xf32, #tpu.memory_space<vmem_shared>>
    tpu.enqueue_dma source(%dma_start3A_75 : memref<640xf32, #tpu.memory_space<vmem_shared>>) target(%arg11 : memref<640xf32, #tpu.memory_space<vmem>>) target_semaphore(%arg19 : memref<!tpu.dma_semaphore, #tpu.memory_space<semaphore_mem>>)
    %parallel_loop3A_76 = arith.constant 0 : i32
    %parallel_loop3A_77 = arith.constant 640 : i32
    %parallel_loop3A_78 = arith.constant 16 : i32
    scf.for %parallel_loop3A_1110 = %parallel_loop3A_76 to %parallel_loop3A_77 step %parallel_loop3A_78  : i32 {
      %parallel_loop3A_1111 = arith.index_cast %parallel_loop3A_1110 : i32 to index
      %parallel_loop3A_1112 = tpu.vector_load %arg12[%parallel_loop3A_1111] {strides = array<i32>} : memref<640xf32, #tpu.memory_space<vmem>>, vector<16xf32>,
      %parallel_loop3A_1113 = arith.index_cast %parallel_loop3A_1110 : i32 to index
      %parallel_loop3A_1114 = tpu.vector_load %arg10[%parallel_loop3A_1113] {strides = array<i32>} : memref<640xf32, #tpu.memory_space<vmem>>, vector<16xf32>,
      %parallel_loop3A_1115 = arith.addf %parallel_loop3A_1112, %parallel_loop3A_1114 : vector<16xf32>
      %parallel_loop3A_1116 = arith.index_cast %parallel_loop3A_1110 : i32 to index
      %parallel_loop3A_1117 = tpu.vector_load %arg12[%parallel_loop3A_1116] {strides = array<i32>} : memref<640xf32, #tpu.memory_space<vmem>>, vector<16xf32>,
      tpu.vector_store %arg12[%parallel_loop3A_1116], %parallel_loop3A_1115 {strides = array<i32>} : memref<640xf32, #tpu.memory_space<vmem>>, vector<16xf32>,
    } {sc.loop_unroll_factor = 8 : i64, sc.parallel_access}
    %add3A_79 = arith.constant 51200 : i32
    %add3A_80 = arith.addi %add3A_79, %mul3A_0 : i32
    %dma_wait3A_81 = tpu.memref_slice %arg14[%add3A_80] : memref<163840xf32, #tpu.memory_space<vmem_shared>> -> memref<640xf32, #tpu.memory_space<vmem_shared>>
    %dma_wait3A_82 = tpu.memref_slice %arg14[%add3A_80] : memref<163840xf32, #tpu.memory_space<vmem_shared>> -> memref<640xf32, #tpu.memory_space<vmem_shared>>
    tpu.wait_dma2 semaphore(%arg19 : memref<!tpu.dma_semaphore, #tpu.memory_space<semaphore_mem>>) src(%dma_wait3A_82 : memref<640xf32, #tpu.memory_space<vmem_shared>>) dst(%arg11 : memref<640xf32, #tpu.memory_space<vmem>>)
    %add3A_83 = arith.constant 61440 : i32
    %add3A_84 = arith.addi %add3A_83, %mul3A_0 : i32
    %dma_start3A_85 = tpu.memref_slice %arg14[%add3A_84] : memref<163840xf32, #tpu.memory_space<vmem_shared>> -> memref<640xf32, #tpu.memory_space<vmem_shared>>
    %dma_start3A_86 = tpu.memref_slice %arg14[%add3A_84] : memref<163840xf32, #tpu.memory_space<vmem_shared>> -> memref<640xf32, #tpu.memory_space<vmem_shared>>
    tpu.enqueue_dma source(%dma_start3A_86 : memref<640xf32, #tpu.memory_space<vmem_shared>>) target(%arg10 : memref<640xf32, #tpu.memory_space<vmem>>) target_semaphore(%arg18 : memref<!tpu.dma_semaphore, #tpu.memory_space<semaphore_mem>>)
    %parallel_loop3A_87 = arith.constant 0 : i32
    %parallel_loop3A_88 = arith.constant 640 : i32
    %parallel_loop3A_89 = arith.constant 16 : i32
    scf.for %parallel_loop3A_1110 = %parallel_loop3A_87 to %parallel_loop3A_88 step %parallel_loop3A_89  : i32 {
      %parallel_loop3A_1111 = arith.index_cast %parallel_loop3A_1110 : i32 to index
      %parallel_loop3A_1112 = tpu.vector_load %arg12[%parallel_loop3A_1111] {strides = array<i32>} : memref<640xf32, #tpu.memory_space<vmem>>, vector<16xf32>,
      %parallel_loop3A_1113 = arith.index_cast %parallel_loop3A_1110 : i32 to index
      %parallel_loop3A_1114 = tpu.vector_load %arg11[%parallel_loop3A_1113] {strides = array<i32>} : memref<640xf32, #tpu.memory_space<vmem>>, vector<16xf32>,
      %parallel_loop3A_1115 = arith.addf %parallel_loop3A_1112, %parallel_loop3A_1114 : vector<16xf32>
      %parallel_loop3A_1116 = arith.index_cast %parallel_loop3A_1110 : i32 to index
      %parallel_loop3A_1117 = tpu.vector_load %arg12[%parallel_loop3A_1116] {strides = array<i32>} : memref<640xf32, #tpu.memory_space<vmem>>, vector<16xf32>,
      tpu.vector_store %arg12[%parallel_loop3A_1116], %parallel_loop3A_1115 {strides = array<i32>} : memref<640xf32, #tpu.memory_space<vmem>>, vector<16xf32>,
    } {sc.loop_unroll_factor = 8 : i64, sc.parallel_access}
    %add3A_90 = arith.constant 61440 : i32
    %add3A_91 = arith.addi %add3A_90, %mul3A_0 : i32
    %dma_wait3A_92 = tpu.memref_slice %arg14[%add3A_91] : memref<163840xf32, #tpu.memory_space<vmem_shared>> -> memref<640xf32, #tpu.memory_space<vmem_shared>>
    %dma_wait3A_93 = tpu.memref_slice %arg14[%add3A_91] : memref<163840xf32, #tpu.memory_space<vmem_shared>> -> memref<640xf32, #tpu.memory_space<vmem_shared>>
    tpu.wait_dma2 semaphore(%arg18 : memref<!tpu.dma_semaphore, #tpu.memory_space<semaphore_mem>>) src(%dma_wait3A_93 : memref<640xf32, #tpu.memory_space<vmem_shared>>) dst(%arg10 : memref<640xf32, #tpu.memory_space<vmem>>)
    %add3A_94 = arith.constant 71680 : i32
    %add3A_95 = arith.addi %add3A_94, %mul3A_0 : i32
    %dma_start3A_96 = tpu.memref_slice %arg14[%add3A_95] : memref<163840xf32, #tpu.memory_space<vmem_shared>> -> memref<640xf32, #tpu.memory_space<vmem_shared>>
    %dma_start3A_97 = tpu.memref_slice %arg14[%add3A_95] : memref<163840xf32, #tpu.memory_space<vmem_shared>> -> memref<640xf32, #tpu.memory_space<vmem_shared>>
    tpu.enqueue_dma source(%dma_start3A_97 : memref<640xf32, #tpu.memory_space<vmem_shared>>) target(%arg11 : memref<640xf32, #tpu.memory_space<vmem>>) target_semaphore(%arg19 : memref<!tpu.dma_semaphore, #tpu.memory_space<semaphore_mem>>)
    %parallel_loop3A_98 = arith.constant 0 : i32
    %parallel_loop3A_99 = arith.constant 640 : i32
    %parallel_loop3A_100 = arith.constant 16 : i32
    scf.for %parallel_loop3A_1110 = %parallel_loop3A_98 to %parallel_loop3A_99 step %parallel_loop3A_100  : i32 {
      %parallel_loop3A_1111 = arith.index_cast %parallel_loop3A_1110 : i32 to index
      %parallel_loop3A_1112 = tpu.vector_load %arg12[%parallel_loop3A_1111] {strides = array<i32>} : memref<640xf32, #tpu.memory_space<vmem>>, vector<16xf32>,
      %parallel_loop3A_1113 = arith.index_cast %parallel_loop3A_1110 : i32 to index
      %parallel_loop3A_1114 = tpu.vector_load %arg10[%parallel_loop3A_1113] {strides = array<i32>} : memref<640xf32, #tpu.memory_space<vmem>>, vector<16xf32>,
      %parallel_loop3A_1115 = arith.addf %parallel_loop3A_1112, %parallel_loop3A_1114 : vector<16xf32>
      %parallel_loop3A_1116 = arith.index_cast %parallel_loop3A_1110 : i32 to index
      %parallel_loop3A_1117 = tpu.vector_load %arg12[%parallel_loop3A_1116] {strides = array<i32>} : memref<640xf32, #tpu.memory_space<vmem>>, vector<16xf32>,
      tpu.vector_store %arg12[%parallel_loop3A_1116], %parallel_loop3A_1115 {strides = array<i32>} : memref<640xf32, #tpu.memory_space<vmem>>, vector<16xf32>,
    } {sc.loop_unroll_factor = 8 : i64, sc.parallel_access}
    %add3A_101 = arith.constant 71680 : i32
    %add3A_102 = arith.addi %add3A_101, %mul3A_0 : i32
    %dma_wait3A_103 = tpu.memref_slice %arg14[%add3A_102] : memref<163840xf32, #tpu.memory_space<vmem_shared>> -> memref<640xf32, #tpu.memory_space<vmem_shared>>
    %dma_wait3A_104 = tpu.memref_slice %arg14[%add3A_102] : memref<163840xf32, #tpu.memory_space<vmem_shared>> -> memref<640xf32, #tpu.memory_space<vmem_shared>>
    tpu.wait_dma2 semaphore(%arg19 : memref<!tpu.dma_semaphore, #tpu.memory_space<semaphore_mem>>) src(%dma_wait3A_104 : memref<640xf32, #tpu.memory_space<vmem_shared>>) dst(%arg11 : memref<640xf32, #tpu.memory_space<vmem>>)
    %add3A_105 = arith.constant 81920 : i32
    %add3A_106 = arith.addi %add3A_105, %mul3A_0 : i32
    %dma_start3A_107 = tpu.memref_slice %arg14[%add3A_106] : memref<163840xf32, #tpu.memory_space<vmem_shared>> -> memref<640xf32, #tpu.memory_space<vmem_shared>>
    %dma_start3A_108 = tpu.memref_slice %arg14[%add3A_106] : memref<163840xf32, #tpu.memory_space<vmem_shared>> -> memref<640xf32, #tpu.memory_space<vmem_shared>>
    tpu.enqueue_dma source(%dma_start3A_108 : memref<640xf32, #tpu.memory_space<vmem_shared>>) target(%arg10 : memref<640xf32, #tpu.memory_space<vmem>>) target_semaphore(%arg18 : memref<!tpu.dma_semaphore, #tpu.memory_space<semaphore_mem>>)
    %parallel_loop3A_109 = arith.constant 0 : i32
    %parallel_loop3A_110 = arith.constant 640 : i32
    %parallel_loop3A_111 = arith.constant 16 : i32
    scf.for %parallel_loop3A_1110 = %parallel_loop3A_109 to %parallel_loop3A_110 step %parallel_loop3A_111  : i32 {
      %parallel_loop3A_1111 = arith.index_cast %parallel_loop3A_1110 : i32 to index
      %parallel_loop3A_1112 = tpu.vector_load %arg12[%parallel_loop3A_1111] {strides = array<i32>} : memref<640xf32, #tpu.memory_space<vmem>>, vector<16xf32>,
      %parallel_loop3A_1113 = arith.index_cast %parallel_loop3A_1110 : i32 to index
      %parallel_loop3A_1114 = tpu.vector_load %arg11[%parallel_loop3A_1113] {strides = array<i32>} : memref<640xf32, #tpu.memory_space<vmem>>, vector<16xf32>,
      %parallel_loop3A_1115 = arith.addf %parallel_loop3A_1112, %parallel_loop3A_1114 : vector<16xf32>
      %parallel_loop3A_1116 = arith.index_cast %parallel_loop3A_1110 : i32 to index
      %parallel_loop3A_1117 = tpu.vector_load %arg12[%parallel_loop3A_1116] {strides = array<i32>} : memref<640xf32, #tpu.memory_space<vmem>>, vector<16xf32>,
      tpu.vector_store %arg12[%parallel_loop3A_1116], %parallel_loop3A_1115 {strides = array<i32>} : memref<640xf32, #tpu.memory_space<vmem>>, vector<16xf32>,
    } {sc.loop_unroll_factor = 8 : i64, sc.parallel_access}
    %add3A_112 = arith.constant 81920 : i32
    %add3A_113 = arith.addi %add3A_112, %mul3A_0 : i32
    %dma_wait3A_114 = tpu.memref_slice %arg14[%add3A_113] : memref<163840xf32, #tpu.memory_space<vmem_shared>> -> memref<640xf32, #tpu.memory_space<vmem_shared>>
    %dma_wait3A_115 = tpu.memref_slice %arg14[%add3A_113] : memref<163840xf32, #tpu.memory_space<vmem_shared>> -> memref<640xf32, #tpu.memory_space<vmem_shared>>
    tpu.wait_dma2 semaphore(%arg18 : memref<!tpu.dma_semaphore, #tpu.memory_space<semaphore_mem>>) src(%dma_wait3A_115 : memref<640xf32, #tpu.memory_space<vmem_shared>>) dst(%arg10 : memref<640xf32, #tpu.memory_space<vmem>>)
    %add3A_116 = arith.constant 92160 : i32
    %add3A_117 = arith.addi %add3A_116, %mul3A_0 : i32
    %dma_start3A_118 = tpu.memref_slice %arg14[%add3A_117] : memref<163840xf32, #tpu.memory_space<vmem_shared>> -> memref<640xf32, #tpu.memory_space<vmem_shared>>
    %dma_start3A_119 = tpu.memref_slice %arg14[%add3A_117] : memref<163840xf32, #tpu.memory_space<vmem_shared>> -> memref<640xf32, #tpu.memory_space<vmem_shared>>
    tpu.enqueue_dma source(%dma_start3A_119 : memref<640xf32, #tpu.memory_space<vmem_shared>>) target(%arg11 : memref<640xf32, #tpu.memory_space<vmem>>) target_semaphore(%arg19 : memref<!tpu.dma_semaphore, #tpu.memory_space<semaphore_mem>>)
    %parallel_loop3A_120 = arith.constant 0 : i32
    %parallel_loop3A_121 = arith.constant 640 : i32
    %parallel_loop3A_122 = arith.constant 16 : i32
    scf.for %parallel_loop3A_1110 = %parallel_loop3A_120 to %parallel_loop3A_121 step %parallel_loop3A_122  : i32 {
      %parallel_loop3A_1111 = arith.index_cast %parallel_loop3A_1110 : i32 to index
      %parallel_loop3A_1112 = tpu.vector_load %arg12[%parallel_loop3A_1111] {strides = array<i32>} : memref<640xf32, #tpu.memory_space<vmem>>, vector<16xf32>,
      %parallel_loop3A_1113 = arith.index_cast %parallel_loop3A_1110 : i32 to index
      %parallel_loop3A_1114 = tpu.vector_load %arg10[%parallel_loop3A_1113] {strides = array<i32>} : memref<640xf32, #tpu.memory_space<vmem>>, vector<16xf32>,
      %parallel_loop3A_1115 = arith.addf %parallel_loop3A_1112, %parallel_loop3A_1114 : vector<16xf32>
      %parallel_loop3A_1116 = arith.index_cast %parallel_loop3A_1110 : i32 to index
      %parallel_loop3A_1117 = tpu.vector_load %arg12[%parallel_loop3A_1116] {strides = array<i32>} : memref<640xf32, #tpu.memory_space<vmem>>, vector<16xf32>,
      tpu.vector_store %arg12[%parallel_loop3A_1116], %parallel_loop3A_1115 {strides = array<i32>} : memref<640xf32, #tpu.memory_space<vmem>>, vector<16xf32>,
    } {sc.loop_unroll_factor = 8 : i64, sc.parallel_access}
    %add3A_123 = arith.constant 92160 : i32
    %add3A_124 = arith.addi %add3A_123, %mul3A_0 : i32
    %dma_wait3A_125 = tpu.memref_slice %arg14[%add3A_124] : memref<163840xf32, #tpu.memory_space<vmem_shared>> -> memref<640xf32, #tpu.memory_space<vmem_shared>>
    %dma_wait3A_126 = tpu.memref_slice %arg14[%add3A_124] : memref<163840xf32, #tpu.memory_space<vmem_shared>> -> memref<640xf32, #tpu.memory_space<vmem_shared>>
    tpu.wait_dma2 semaphore(%arg19 : memref<!tpu.dma_semaphore, #tpu.memory_space<semaphore_mem>>) src(%dma_wait3A_126 : memref<640xf32, #tpu.memory_space<vmem_shared>>) dst(%arg11 : memref<640xf32, #tpu.memory_space<vmem>>)
    %add3A_127 = arith.constant 102400 : i32
    %add3A_128 = arith.addi %add3A_127, %mul3A_0 : i32
    %dma_start3A_129 = tpu.memref_slice %arg14[%add3A_128] : memref<163840xf32, #tpu.memory_space<vmem_shared>> -> memref<640xf32, #tpu.memory_space<vmem_shared>>
    %dma_start3A_130 = tpu.memref_slice %arg14[%add3A_128] : memref<163840xf32, #tpu.memory_space<vmem_shared>> -> memref<640xf32, #tpu.memory_space<vmem_shared>>
    tpu.enqueue_dma source(%dma_start3A_130 : memref<640xf32, #tpu.memory_space<vmem_shared>>) target(%arg10 : memref<640xf32, #tpu.memory_space<vmem>>) target_semaphore(%arg18 : memref<!tpu.dma_semaphore, #tpu.memory_space<semaphore_mem>>)
    %parallel_loop3A_131 = arith.constant 0 : i32
    %parallel_loop3A_132 = arith.constant 640 : i32
    %parallel_loop3A_133 = arith.constant 16 : i32
    scf.for %parallel_loop3A_1110 = %parallel_loop3A_131 to %parallel_loop3A_132 step %parallel_loop3A_133  : i32 {
      %parallel_loop3A_1111 = arith.index_cast %parallel_loop3A_1110 : i32 to index
      %parallel_loop3A_1112 = tpu.vector_load %arg12[%parallel_loop3A_1111] {strides = array<i32>} : memref<640xf32, #tpu.memory_space<vmem>>, vector<16xf32>,
      %parallel_loop3A_1113 = arith.index_cast %parallel_loop3A_1110 : i32 to index
      %parallel_loop3A_1114 = tpu.vector_load %arg11[%parallel_loop3A_1113] {strides = array<i32>} : memref<640xf32, #tpu.memory_space<vmem>>, vector<16xf32>,
      %parallel_loop3A_1115 = arith.addf %parallel_loop3A_1112, %parallel_loop3A_1114 : vector<16xf32>
      %parallel_loop3A_1116 = arith.index_cast %parallel_loop3A_1110 : i32 to index
      %parallel_loop3A_1117 = tpu.vector_load %arg12[%parallel_loop3A_1116] {strides = array<i32>} : memref<640xf32, #tpu.memory_space<vmem>>, vector<16xf32>,
      tpu.vector_store %arg12[%parallel_loop3A_1116], %parallel_loop3A_1115 {strides = array<i32>} : memref<640xf32, #tpu.memory_space<vmem>>, vector<16xf32>,
    } {sc.loop_unroll_factor = 8 : i64, sc.parallel_access}
    %add3A_134 = arith.constant 102400 : i32
    %add3A_135 = arith.addi %add3A_134, %mul3A_0 : i32
    %dma_wait3A_136 = tpu.memref_slice %arg14[%add3A_135] : memref<163840xf32, #tpu.memory_space<vmem_shared>> -> memref<640xf32, #tpu.memory_space<vmem_shared>>
    %dma_wait3A_137 = tpu.memref_slice %arg14[%add3A_135] : memref<163840xf32, #tpu.memory_space<vmem_shared>> -> memref<640xf32, #tpu.memory_space<vmem_shared>>
    tpu.wait_dma2 semaphore(%arg18 : memref<!tpu.dma_semaphore, #tpu.memory_space<semaphore_mem>>) src(%dma_wait3A_137 : memref<640xf32, #tpu.memory_space<vmem_shared>>) dst(%arg10 : memref<640xf32, #tpu.memory_space<vmem>>)
    %add3A_138 = arith.constant 112640 : i32
    %add3A_139 = arith.addi %add3A_138, %mul3A_0 : i32
    %dma_start3A_140 = tpu.memref_slice %arg14[%add3A_139] : memref<163840xf32, #tpu.memory_space<vmem_shared>> -> memref<640xf32, #tpu.memory_space<vmem_shared>>
    %dma_start3A_141 = tpu.memref_slice %arg14[%add3A_139] : memref<163840xf32, #tpu.memory_space<vmem_shared>> -> memref<640xf32, #tpu.memory_space<vmem_shared>>
    tpu.enqueue_dma source(%dma_start3A_141 : memref<640xf32, #tpu.memory_space<vmem_shared>>) target(%arg11 : memref<640xf32, #tpu.memory_space<vmem>>) target_semaphore(%arg19 : memref<!tpu.dma_semaphore, #tpu.memory_space<semaphore_mem>>)
    %parallel_loop3A_142 = arith.constant 0 : i32
    %parallel_loop3A_143 = arith.constant 640 : i32
    %parallel_loop3A_144 = arith.constant 16 : i32
    scf.for %parallel_loop3A_1110 = %parallel_loop3A_142 to %parallel_loop3A_143 step %parallel_loop3A_144  : i32 {
      %parallel_loop3A_1111 = arith.index_cast %parallel_loop3A_1110 : i32 to index
      %parallel_loop3A_1112 = tpu.vector_load %arg12[%parallel_loop3A_1111] {strides = array<i32>} : memref<640xf32, #tpu.memory_space<vmem>>, vector<16xf32>,
      %parallel_loop3A_1113 = arith.index_cast %parallel_loop3A_1110 : i32 to index
      %parallel_loop3A_1114 = tpu.vector_load %arg10[%parallel_loop3A_1113] {strides = array<i32>} : memref<640xf32, #tpu.memory_space<vmem>>, vector<16xf32>,
      %parallel_loop3A_1115 = arith.addf %parallel_loop3A_1112, %parallel_loop3A_1114 : vector<16xf32>
      %parallel_loop3A_1116 = arith.index_cast %parallel_loop3A_1110 : i32 to index
      %parallel_loop3A_1117 = tpu.vector_load %arg12[%parallel_loop3A_1116] {strides = array<i32>} : memref<640xf32, #tpu.memory_space<vmem>>, vector<16xf32>,
      tpu.vector_store %arg12[%parallel_loop3A_1116], %parallel_loop3A_1115 {strides = array<i32>} : memref<640xf32, #tpu.memory_space<vmem>>, vector<16xf32>,
    } {sc.loop_unroll_factor = 8 : i64, sc.parallel_access}
    %add3A_145 = arith.constant 112640 : i32
    %add3A_146 = arith.addi %add3A_145, %mul3A_0 : i32
    %dma_wait3A_147 = tpu.memref_slice %arg14[%add3A_146] : memref<163840xf32, #tpu.memory_space<vmem_shared>> -> memref<640xf32, #tpu.memory_space<vmem_shared>>
    %dma_wait3A_148 = tpu.memref_slice %arg14[%add3A_146] : memref<163840xf32, #tpu.memory_space<vmem_shared>> -> memref<640xf32, #tpu.memory_space<vmem_shared>>
    tpu.wait_dma2 semaphore(%arg19 : memref<!tpu.dma_semaphore, #tpu.memory_space<semaphore_mem>>) src(%dma_wait3A_148 : memref<640xf32, #tpu.memory_space<vmem_shared>>) dst(%arg11 : memref<640xf32, #tpu.memory_space<vmem>>)
    %add3A_149 = arith.constant 122880 : i32
    %add3A_150 = arith.addi %add3A_149, %mul3A_0 : i32
    %dma_start3A_151 = tpu.memref_slice %arg14[%add3A_150] : memref<163840xf32, #tpu.memory_space<vmem_shared>> -> memref<640xf32, #tpu.memory_space<vmem_shared>>
    %dma_start3A_152 = tpu.memref_slice %arg14[%add3A_150] : memref<163840xf32, #tpu.memory_space<vmem_shared>> -> memref<640xf32, #tpu.memory_space<vmem_shared>>
    tpu.enqueue_dma source(%dma_start3A_152 : memref<640xf32, #tpu.memory_space<vmem_shared>>) target(%arg10 : memref<640xf32, #tpu.memory_space<vmem>>) target_semaphore(%arg18 : memref<!tpu.dma_semaphore, #tpu.memory_space<semaphore_mem>>)
    %parallel_loop3A_153 = arith.constant 0 : i32
    %parallel_loop3A_154 = arith.constant 640 : i32
    %parallel_loop3A_155 = arith.constant 16 : i32
    scf.for %parallel_loop3A_1110 = %parallel_loop3A_153 to %parallel_loop3A_154 step %parallel_loop3A_155  : i32 {
      %parallel_loop3A_1111 = arith.index_cast %parallel_loop3A_1110 : i32 to index
      %parallel_loop3A_1112 = tpu.vector_load %arg12[%parallel_loop3A_1111] {strides = array<i32>} : memref<640xf32, #tpu.memory_space<vmem>>, vector<16xf32>,
      %parallel_loop3A_1113 = arith.index_cast %parallel_loop3A_1110 : i32 to index
      %parallel_loop3A_1114 = tpu.vector_load %arg11[%parallel_loop3A_1113] {strides = array<i32>} : memref<640xf32, #tpu.memory_space<vmem>>, vector<16xf32>,
      %parallel_loop3A_1115 = arith.addf %parallel_loop3A_1112, %parallel_loop3A_1114 : vector<16xf32>
      %parallel_loop3A_1116 = arith.index_cast %parallel_loop3A_1110 : i32 to index
      %parallel_loop3A_1117 = tpu.vector_load %arg12[%parallel_loop3A_1116] {strides = array<i32>} : memref<640xf32, #tpu.memory_space<vmem>>, vector<16xf32>,
      tpu.vector_store %arg12[%parallel_loop3A_1116], %parallel_loop3A_1115 {strides = array<i32>} : memref<640xf32, #tpu.memory_space<vmem>>, vector<16xf32>,
    } {sc.loop_unroll_factor = 8 : i64, sc.parallel_access}
    %add3A_156 = arith.constant 122880 : i32
    %add3A_157 = arith.addi %add3A_156, %mul3A_0 : i32
    %dma_wait3A_158 = tpu.memref_slice %arg14[%add3A_157] : memref<163840xf32, #tpu.memory_space<vmem_shared>> -> memref<640xf32, #tpu.memory_space<vmem_shared>>
    %dma_wait3A_159 = tpu.memref_slice %arg14[%add3A_157] : memref<163840xf32, #tpu.memory_space<vmem_shared>> -> memref<640xf32, #tpu.memory_space<vmem_shared>>
    tpu.wait_dma2 semaphore(%arg18 : memref<!tpu.dma_semaphore, #tpu.memory_space<semaphore_mem>>) src(%dma_wait3A_159 : memref<640xf32, #tpu.memory_space<vmem_shared>>) dst(%arg10 : memref<640xf32, #tpu.memory_space<vmem>>)
    %add3A_160 = arith.constant 133120 : i32
    %add3A_161 = arith.addi %add3A_160, %mul3A_0 : i32
    %dma_start3A_162 = tpu.memref_slice %arg14[%add3A_161] : memref<163840xf32, #tpu.memory_space<vmem_shared>> -> memref<640xf32, #tpu.memory_space<vmem_shared>>
    %dma_start3A_163 = tpu.memref_slice %arg14[%add3A_161] : memref<163840xf32, #tpu.memory_space<vmem_shared>> -> memref<640xf32, #tpu.memory_space<vmem_shared>>
    tpu.enqueue_dma source(%dma_start3A_163 : memref<640xf32, #tpu.memory_space<vmem_shared>>) target(%arg11 : memref<640xf32, #tpu.memory_space<vmem>>) target_semaphore(%arg19 : memref<!tpu.dma_semaphore, #tpu.memory_space<semaphore_mem>>)
    %parallel_loop3A_164 = arith.constant 0 : i32
    %parallel_loop3A_165 = arith.constant 640 : i32
    %parallel_loop3A_166 = arith.constant 16 : i32
    scf.for %parallel_loop3A_1110 = %parallel_loop3A_164 to %parallel_loop3A_165 step %parallel_loop3A_166  : i32 {
      %parallel_loop3A_1111 = arith.index_cast %parallel_loop3A_1110 : i32 to index
      %parallel_loop3A_1112 = tpu.vector_load %arg12[%parallel_loop3A_1111] {strides = array<i32>} : memref<640xf32, #tpu.memory_space<vmem>>, vector<16xf32>,
      %parallel_loop3A_1113 = arith.index_cast %parallel_loop3A_1110 : i32 to index
      %parallel_loop3A_1114 = tpu.vector_load %arg10[%parallel_loop3A_1113] {strides = array<i32>} : memref<640xf32, #tpu.memory_space<vmem>>, vector<16xf32>,
      %parallel_loop3A_1115 = arith.addf %parallel_loop3A_1112, %parallel_loop3A_1114 : vector<16xf32>
      %parallel_loop3A_1116 = arith.index_cast %parallel_loop3A_1110 : i32 to index
      %parallel_loop3A_1117 = tpu.vector_load %arg12[%parallel_loop3A_1116] {strides = array<i32>} : memref<640xf32, #tpu.memory_space<vmem>>, vector<16xf32>,
      tpu.vector_store %arg12[%parallel_loop3A_1116], %parallel_loop3A_1115 {strides = array<i32>} : memref<640xf32, #tpu.memory_space<vmem>>, vector<16xf32>,
    } {sc.loop_unroll_factor = 8 : i64, sc.parallel_access}
    %add3A_167 = arith.constant 133120 : i32
    %add3A_168 = arith.addi %add3A_167, %mul3A_0 : i32
    %dma_wait3A_169 = tpu.memref_slice %arg14[%add3A_168] : memref<163840xf32, #tpu.memory_space<vmem_shared>> -> memref<640xf32, #tpu.memory_space<vmem_shared>>
    %dma_wait3A_170 = tpu.memref_slice %arg14[%add3A_168] : memref<163840xf32, #tpu.memory_space<vmem_shared>> -> memref<640xf32, #tpu.memory_space<vmem_shared>>
    tpu.wait_dma2 semaphore(%arg19 : memref<!tpu.dma_semaphore, #tpu.memory_space<semaphore_mem>>) src(%dma_wait3A_170 : memref<640xf32, #tpu.memory_space<vmem_shared>>) dst(%arg11 : memref<640xf32, #tpu.memory_space<vmem>>)
    %add3A_171 = arith.constant 143360 : i32
    %add3A_172 = arith.addi %add3A_171, %mul3A_0 : i32
    %dma_start3A_173 = tpu.memref_slice %arg14[%add3A_172] : memref<163840xf32, #tpu.memory_space<vmem_shared>> -> memref<640xf32, #tpu.memory_space<vmem_shared>>
    %dma_start3A_174 = tpu.memref_slice %arg14[%add3A_172] : memref<163840xf32, #tpu.memory_space<vmem_shared>> -> memref<640xf32, #tpu.memory_space<vmem_shared>>
    tpu.enqueue_dma source(%dma_start3A_174 : memref<640xf32, #tpu.memory_space<vmem_shared>>) target(%arg10 : memref<640xf32, #tpu.memory_space<vmem>>) target_semaphore(%arg18 : memref<!tpu.dma_semaphore, #tpu.memory_space<semaphore_mem>>)
    %parallel_loop3A_175 = arith.constant 0 : i32
    %parallel_loop3A_176 = arith.constant 640 : i32
    %parallel_loop3A_177 = arith.constant 16 : i32
    scf.for %parallel_loop3A_1110 = %parallel_loop3A_175 to %parallel_loop3A_176 step %parallel_loop3A_177  : i32 {
      %parallel_loop3A_1111 = arith.index_cast %parallel_loop3A_1110 : i32 to index
      %parallel_loop3A_1112 = tpu.vector_load %arg12[%parallel_loop3A_1111] {strides = array<i32>} : memref<640xf32, #tpu.memory_space<vmem>>, vector<16xf32>,
      %parallel_loop3A_1113 = arith.index_cast %parallel_loop3A_1110 : i32 to index
      %parallel_loop3A_1114 = tpu.vector_load %arg11[%parallel_loop3A_1113] {strides = array<i32>} : memref<640xf32, #tpu.memory_space<vmem>>, vector<16xf32>,
      %parallel_loop3A_1115 = arith.addf %parallel_loop3A_1112, %parallel_loop3A_1114 : vector<16xf32>
      %parallel_loop3A_1116 = arith.index_cast %parallel_loop3A_1110 : i32 to index
      %parallel_loop3A_1117 = tpu.vector_load %arg12[%parallel_loop3A_1116] {strides = array<i32>} : memref<640xf32, #tpu.memory_space<vmem>>, vector<16xf32>,
      tpu.vector_store %arg12[%parallel_loop3A_1116], %parallel_loop3A_1115 {strides = array<i32>} : memref<640xf32, #tpu.memory_space<vmem>>, vector<16xf32>,
    } {sc.loop_unroll_factor = 8 : i64, sc.parallel_access}
    %add3A_178 = arith.constant 143360 : i32
    %add3A_179 = arith.addi %add3A_178, %mul3A_0 : i32
    %dma_wait3A_180 = tpu.memref_slice %arg14[%add3A_179] : memref<163840xf32, #tpu.memory_space<vmem_shared>> -> memref<640xf32, #tpu.memory_space<vmem_shared>>
    %dma_wait3A_181 = tpu.memref_slice %arg14[%add3A_179] : memref<163840xf32, #tpu.memory_space<vmem_shared>> -> memref<640xf32, #tpu.memory_space<vmem_shared>>
    tpu.wait_dma2 semaphore(%arg18 : memref<!tpu.dma_semaphore, #tpu.memory_space<semaphore_mem>>) src(%dma_wait3A_181 : memref<640xf32, #tpu.memory_space<vmem_shared>>) dst(%arg10 : memref<640xf32, #tpu.memory_space<vmem>>)
    %add3A_182 = arith.constant 153600 : i32
    %add3A_183 = arith.addi %add3A_182, %mul3A_0 : i32
    %dma_start3A_184 = tpu.memref_slice %arg14[%add3A_183] : memref<163840xf32, #tpu.memory_space<vmem_shared>> -> memref<640xf32, #tpu.memory_space<vmem_shared>>
    %dma_start3A_185 = tpu.memref_slice %arg14[%add3A_183] : memref<163840xf32, #tpu.memory_space<vmem_shared>> -> memref<640xf32, #tpu.memory_space<vmem_shared>>
    tpu.enqueue_dma source(%dma_start3A_185 : memref<640xf32, #tpu.memory_space<vmem_shared>>) target(%arg11 : memref<640xf32, #tpu.memory_space<vmem>>) target_semaphore(%arg19 : memref<!tpu.dma_semaphore, #tpu.memory_space<semaphore_mem>>)
    %parallel_loop3A_186 = arith.constant 0 : i32
    %parallel_loop3A_187 = arith.constant 640 : i32
    %parallel_loop3A_188 = arith.constant 16 : i32
    scf.for %parallel_loop3A_1110 = %parallel_loop3A_186 to %parallel_loop3A_187 step %parallel_loop3A_188  : i32 {
      %parallel_loop3A_1111 = arith.index_cast %parallel_loop3A_1110 : i32 to index
      %parallel_loop3A_1112 = tpu.vector_load %arg12[%parallel_loop3A_1111] {strides = array<i32>} : memref<640xf32, #tpu.memory_space<vmem>>, vector<16xf32>,
      %parallel_loop3A_1113 = arith.index_cast %parallel_loop3A_1110 : i32 to index
      %parallel_loop3A_1114 = tpu.vector_load %arg10[%parallel_loop3A_1113] {strides = array<i32>} : memref<640xf32, #tpu.memory_space<vmem>>, vector<16xf32>,
      %parallel_loop3A_1115 = arith.addf %parallel_loop3A_1112, %parallel_loop3A_1114 : vector<16xf32>
      %parallel_loop3A_1116 = arith.index_cast %parallel_loop3A_1110 : i32 to index
      %parallel_loop3A_1117 = tpu.vector_load %arg12[%parallel_loop3A_1116] {strides = array<i32>} : memref<640xf32, #tpu.memory_space<vmem>>, vector<16xf32>,
      tpu.vector_store %arg12[%parallel_loop3A_1116], %parallel_loop3A_1115 {strides = array<i32>} : memref<640xf32, #tpu.memory_space<vmem>>, vector<16xf32>,
    } {sc.loop_unroll_factor = 8 : i64, sc.parallel_access}
    %add3A_189 = arith.constant 153600 : i32
    %add3A_190 = arith.addi %add3A_189, %mul3A_0 : i32
    %dma_wait3A_191 = tpu.memref_slice %arg14[%add3A_190] : memref<163840xf32, #tpu.memory_space<vmem_shared>> -> memref<640xf32, #tpu.memory_space<vmem_shared>>
    %dma_wait3A_192 = tpu.memref_slice %arg14[%add3A_190] : memref<163840xf32, #tpu.memory_space<vmem_shared>> -> memref<640xf32, #tpu.memory_space<vmem_shared>>
    tpu.wait_dma2 semaphore(%arg19 : memref<!tpu.dma_semaphore, #tpu.memory_space<semaphore_mem>>) src(%dma_wait3A_192 : memref<640xf32, #tpu.memory_space<vmem_shared>>) dst(%arg11 : memref<640xf32, #tpu.memory_space<vmem>>)
    %parallel_loop3A_193 = arith.constant 0 : i32
    %parallel_loop3A_194 = arith.constant 640 : i32
    %parallel_loop3A_195 = arith.constant 16 : i32
    scf.for %parallel_loop3A_1110 = %parallel_loop3A_193 to %parallel_loop3A_194 step %parallel_loop3A_195  : i32 {
      %parallel_loop3A_1111 = arith.index_cast %parallel_loop3A_1110 : i32 to index
      %parallel_loop3A_1112 = tpu.vector_load %arg12[%parallel_loop3A_1111] {strides = array<i32>} : memref<640xf32, #tpu.memory_space<vmem>>, vector<16xf32>,
      %parallel_loop3A_1113 = arith.index_cast %parallel_loop3A_1110 : i32 to index
      %parallel_loop3A_1114 = tpu.vector_load %arg11[%parallel_loop3A_1113] {strides = array<i32>} : memref<640xf32, #tpu.memory_space<vmem>>, vector<16xf32>,
      %parallel_loop3A_1115 = arith.addf %parallel_loop3A_1112, %parallel_loop3A_1114 : vector<16xf32>
      %parallel_loop3A_1116 = arith.index_cast %parallel_loop3A_1110 : i32 to index
      %parallel_loop3A_1117 = tpu.vector_load %arg12[%parallel_loop3A_1116] {strides = array<i32>} : memref<640xf32, #tpu.memory_space<vmem>>, vector<16xf32>,
      tpu.vector_store %arg12[%parallel_loop3A_1116], %parallel_loop3A_1115 {strides = array<i32>} : memref<640xf32, #tpu.memory_space<vmem>>, vector<16xf32>,
    } {sc.loop_unroll_factor = 8 : i64, sc.parallel_access}
    %parallel_loop3A_196 = arith.constant 0 : i32
    %parallel_loop3A_197 = arith.constant 640 : i32
    %parallel_loop3A_198 = arith.constant 16 : i32
    scf.for %parallel_loop3A_1110 = %parallel_loop3A_196 to %parallel_loop3A_197 step %parallel_loop3A_198  : i32 {
      %parallel_loop3A_1111 = arith.index_cast %parallel_loop3A_1110 : i32 to index
      %parallel_loop3A_1112 = tpu.vector_load %arg12[%parallel_loop3A_1111] {strides = array<i32>} : memref<640xf32, #tpu.memory_space<vmem>>, vector<16xf32>,
      %parallel_loop3A_1113 = arith.constant 1.000000e+00 : f32
      %parallel_loop3A_1114 = vector.broadcast %parallel_loop3A_1113 : f32 to vector<16xf32>
      %parallel_loop3A_1115 = arith.addf %parallel_loop3A_1112, %parallel_loop3A_1114 : vector<16xf32>
      %parallel_loop3A_1116 = tpu.bitcast %parallel_loop3A_1115 : vector<16xf32> -> vector<16xi32>
      %parallel_loop3A_1117 = arith.constant 1 : i32
      %parallel_loop3A_1118 = vector.broadcast %parallel_loop3A_1117 : i32 to vector<16xi32>
      %parallel_loop3A_1119 = arith.shrui %parallel_loop3A_1116, %parallel_loop3A_1118 : vector<16xi32>
      %parallel_loop3A_1120 = arith.constant 1597463007 : i32
      %parallel_loop3A_1121 = vector.broadcast %parallel_loop3A_1120 : i32 to vector<16xi32>
      %parallel_loop3A_1122 = arith.subi %parallel_loop3A_1121, %parallel_loop3A_1119 : vector<16xi32>
      %parallel_loop3A_1123 = tpu.bitcast %parallel_loop3A_1122 : vector<16xi32> -> vector<16xf32>
      %parallel_loop3A_1124 = arith.constant 5.000000e-01 : f32
      %parallel_loop3A_1125 = vector.broadcast %parallel_loop3A_1124 : f32 to vector<16xf32>
      %parallel_loop3A_1126 = arith.mulf %parallel_loop3A_1125, %parallel_loop3A_1115 : vector<16xf32>
      %parallel_loop3A_1127 = arith.mulf %parallel_loop3A_1126, %parallel_loop3A_1123 : vector<16xf32>
      %parallel_loop3A_1128 = arith.mulf %parallel_loop3A_1127, %parallel_loop3A_1123 : vector<16xf32>
      %parallel_loop3A_1129 = arith.constant 1.500000e+00 : f32
      %parallel_loop3A_1130 = vector.broadcast %parallel_loop3A_1129 : f32 to vector<16xf32>
      %parallel_loop3A_1131 = arith.subf %parallel_loop3A_1130, %parallel_loop3A_1128 : vector<16xf32>
      %parallel_loop3A_1132 = arith.mulf %parallel_loop3A_1123, %parallel_loop3A_1131 : vector<16xf32>
      %parallel_loop3A_1133 = arith.constant 5.000000e-01 : f32
      %parallel_loop3A_1134 = vector.broadcast %parallel_loop3A_1133 : f32 to vector<16xf32>
      %parallel_loop3A_1135 = arith.mulf %parallel_loop3A_1134, %parallel_loop3A_1115 : vector<16xf32>
      %parallel_loop3A_1136 = arith.mulf %parallel_loop3A_1135, %parallel_loop3A_1132 : vector<16xf32>
      %parallel_loop3A_1137 = arith.mulf %parallel_loop3A_1136, %parallel_loop3A_1132 : vector<16xf32>
      %parallel_loop3A_1138 = arith.constant 1.500000e+00 : f32
      %parallel_loop3A_1139 = vector.broadcast %parallel_loop3A_1138 : f32 to vector<16xf32>
      %parallel_loop3A_1140 = arith.subf %parallel_loop3A_1139, %parallel_loop3A_1137 : vector<16xf32>
      %parallel_loop3A_1141 = arith.mulf %parallel_loop3A_1132, %parallel_loop3A_1140 : vector<16xf32>
      %parallel_loop3A_1142 = arith.constant 5.000000e-01 : f32
      %parallel_loop3A_1143 = vector.broadcast %parallel_loop3A_1142 : f32 to vector<16xf32>
      %parallel_loop3A_1144 = arith.mulf %parallel_loop3A_1143, %parallel_loop3A_1115 : vector<16xf32>
      %parallel_loop3A_1145 = arith.mulf %parallel_loop3A_1144, %parallel_loop3A_1141 : vector<16xf32>
      %parallel_loop3A_1146 = arith.mulf %parallel_loop3A_1145, %parallel_loop3A_1141 : vector<16xf32>
      %parallel_loop3A_1147 = arith.constant 1.500000e+00 : f32
      %parallel_loop3A_1148 = vector.broadcast %parallel_loop3A_1147 : f32 to vector<16xf32>
      %parallel_loop3A_1149 = arith.subf %parallel_loop3A_1148, %parallel_loop3A_1146 : vector<16xf32>
      %parallel_loop3A_1150 = arith.mulf %parallel_loop3A_1141, %parallel_loop3A_1149 : vector<16xf32>
      %parallel_loop3A_1151 = arith.index_cast %parallel_loop3A_1110 : i32 to index
      %parallel_loop3A_1152 = tpu.vector_load %arg12[%parallel_loop3A_1151] {strides = array<i32>} : memref<640xf32, #tpu.memory_space<vmem>>, vector<16xf32>,
      tpu.vector_store %arg12[%parallel_loop3A_1151], %parallel_loop3A_1150 {strides = array<i32>} : memref<640xf32, #tpu.memory_space<vmem>>, vector<16xf32>,
    } {sc.loop_unroll_factor = 4 : i64, sc.parallel_access}
    "tpu.region"() ({
      %run_scoped3A = tpu.sem_alloc : memref<!tpu.dma_semaphore, #tpu.memory_space<semaphore_mem>>
      %dma_start3A_1110 = tpu.memref_slice %arg15[%mul3A_0] : memref<10240xf32, #tpu.memory_space<vmem_shared>> -> memref<640xf32, #tpu.memory_space<vmem_shared>>
      %dma_start3A_1111 = tpu.memref_slice %arg15[%mul3A_0] : memref<10240xf32, #tpu.memory_space<vmem_shared>> -> memref<640xf32, #tpu.memory_space<vmem_shared>>
      tpu.enqueue_dma source(%arg12 : memref<640xf32, #tpu.memory_space<vmem>>) target(%dma_start3A_1111 : memref<640xf32, #tpu.memory_space<vmem_shared>>) target_semaphore(%run_scoped3A : memref<!tpu.dma_semaphore, #tpu.memory_space<semaphore_mem>>)
      %dma_wait3A_1112 = tpu.memref_slice %arg15[%mul3A_0] : memref<10240xf32, #tpu.memory_space<vmem_shared>> -> memref<640xf32, #tpu.memory_space<vmem_shared>>
      %dma_wait3A_1113 = tpu.memref_slice %arg15[%mul3A_0] : memref<10240xf32, #tpu.memory_space<vmem_shared>> -> memref<640xf32, #tpu.memory_space<vmem_shared>>
      tpu.wait_dma2 semaphore(%run_scoped3A : memref<!tpu.dma_semaphore, #tpu.memory_space<semaphore_mem>>) src(%arg12 : memref<640xf32, #tpu.memory_space<vmem>>) dst(%dma_wait3A_1113 : memref<640xf32, #tpu.memory_space<vmem_shared>>)
      tpu.yield
    }) : () -> ()
    %barrier3A_199 = arith.constant 0 : index
    tpu.barrier barrier_id(%barrier3A_199)
    "tpu.region"() ({
      %run_scoped3A = tpu.sem_alloc : memref<!tpu.dma_semaphore, #tpu.memory_space<semaphore_mem>>
      tpu.enqueue_dma source(%arg15 : memref<10240xf32, #tpu.memory_space<vmem_shared>>) target(%arg6 : memref<10240xf32, #tpu.memory_space<vmem>>) target_semaphore(%run_scoped3A : memref<!tpu.dma_semaphore, #tpu.memory_space<semaphore_mem>>)
      tpu.wait_dma2 semaphore(%run_scoped3A : memref<!tpu.dma_semaphore, #tpu.memory_space<semaphore_mem>>) src(%arg15 : memref<10240xf32, #tpu.memory_space<vmem_shared>>) dst(%arg6 : memref<10240xf32, #tpu.memory_space<vmem>>)
      tpu.yield
    }) : () -> ()
    %dma_wait3A_200 = arith.constant 0 : i32
    %dma_wait3A_201 = tpu.memref_slice %arg2[%dma_wait3A_200, %mul3A_2] : memref<2x320000xi32, #tpu.memory_space<hbm>> -> memref<1x20000xi32, #tpu.memory_space<hbm>>
    %dma_wait3A_202 = tpu.memref_squeeze %dma_wait3A_201 : memref<1x20000xi32, #tpu.memory_space<hbm>> -> memref<20000xi32, #tpu.memory_space<hbm>>
    %dma_wait3A_203 = tpu.memref_slice %arg2[%dma_wait3A_200, %mul3A_2] : memref<2x320000xi32, #tpu.memory_space<hbm>> -> memref<1x20000xi32, #tpu.memory_space<hbm>>
    %dma_wait3A_204 = tpu.memref_squeeze %dma_wait3A_203 : memref<1x20000xi32, #tpu.memory_space<hbm>> -> memref<20000xi32, #tpu.memory_space<hbm>>
    tpu.wait_dma2 semaphore(%arg16 : memref<!tpu.dma_semaphore, #tpu.memory_space<semaphore_mem>>) src(%dma_wait3A_204 : memref<20000xi32, #tpu.memory_space<hbm>>) dst(%arg8 : memref<20000xi32, #tpu.memory_space<vmem>>)
    %parallel_loop3A_205 = arith.constant 0 : i32
    %parallel_loop3A_206 = arith.constant 20000 : i32
    %parallel_loop3A_207 = arith.constant 16 : i32
    scf.for %parallel_loop3A_1110 = %parallel_loop3A_205 to %parallel_loop3A_206 step %parallel_loop3A_207  : i32 {
      %parallel_loop3A_1111 = arith.index_cast %parallel_loop3A_1110 : i32 to index
      %parallel_loop3A_1112 = tpu.vector_load %arg9[%parallel_loop3A_1111] {strides = array<i32>} : memref<20000xi32, #tpu.memory_space<vmem>>, vector<16xi32>,
      %parallel_loop3A_1113 = arith.index_cast %parallel_loop3A_1110 : i32 to index
      %parallel_loop3A_1114 = tpu.vector_load %arg8[%parallel_loop3A_1113] {strides = array<i32>} : memref<20000xi32, #tpu.memory_space<vmem>>, vector<16xi32>,
      %parallel_loop3A_1115 = tpu.vector_load_idx %arg6[%parallel_loop3A_1112] : memref<10240xf32, #tpu.memory_space<vmem>>[vector<16xi32>], vector<16xf32>,
      tpu.vector_store_idx %arg7[%parallel_loop3A_1114], %parallel_loop3A_1115 {add = true} : memref<10240xf32, #tpu.memory_space<vmem>>[vector<16xi32>], vector<16xf32>,
    } {sc.loop_unroll_factor = 8 : i64, sc.parallel_access}
    %mul3A_208 = arith.constant 10240 : i32
    %mul3A_209 = arith.muli %arg1, %mul3A_208 : i32
    "tpu.region"() ({
      %run_scoped3A = tpu.sem_alloc : memref<!tpu.dma_semaphore, #tpu.memory_space<semaphore_mem>>
      %dma_start3A_1110 = tpu.memref_slice %arg14[%mul3A_209] : memref<163840xf32, #tpu.memory_space<vmem_shared>> -> memref<10240xf32, #tpu.memory_space<vmem_shared>>
      %dma_start3A_1111 = tpu.memref_slice %arg14[%mul3A_209] : memref<163840xf32, #tpu.memory_space<vmem_shared>> -> memref<10240xf32, #tpu.memory_space<vmem_shared>>
      tpu.enqueue_dma source(%arg7 : memref<10240xf32, #tpu.memory_space<vmem>>) target(%dma_start3A_1111 : memref<10240xf32, #tpu.memory_space<vmem_shared>>) target_semaphore(%run_scoped3A : memref<!tpu.dma_semaphore, #tpu.memory_space<semaphore_mem>>)
      %dma_wait3A_1112 = tpu.memref_slice %arg14[%mul3A_209] : memref<163840xf32, #tpu.memory_space<vmem_shared>> -> memref<10240xf32, #tpu.memory_space<vmem_shared>>
      %dma_wait3A_1113 = tpu.memref_slice %arg14[%mul3A_209] : memref<163840xf32, #tpu.memory_space<vmem_shared>> -> memref<10240xf32, #tpu.memory_space<vmem_shared>>
      tpu.wait_dma2 semaphore(%run_scoped3A : memref<!tpu.dma_semaphore, #tpu.memory_space<semaphore_mem>>) src(%arg7 : memref<10240xf32, #tpu.memory_space<vmem>>) dst(%dma_wait3A_1113 : memref<10240xf32, #tpu.memory_space<vmem_shared>>)
      tpu.yield
    }) : () -> ()
    %barrier3A_210 = arith.constant 0 : index
    tpu.barrier barrier_id(%barrier3A_210)
    %dma_start3A_211 = tpu.memref_slice %arg14[%mul3A_0] : memref<163840xf32, #tpu.memory_space<vmem_shared>> -> memref<640xf32, #tpu.memory_space<vmem_shared>>
    %dma_start3A_212 = tpu.memref_slice %arg14[%mul3A_0] : memref<163840xf32, #tpu.memory_space<vmem_shared>> -> memref<640xf32, #tpu.memory_space<vmem_shared>>
    tpu.enqueue_dma source(%dma_start3A_212 : memref<640xf32, #tpu.memory_space<vmem_shared>>) target(%arg10 : memref<640xf32, #tpu.memory_space<vmem>>) target_semaphore(%arg18 : memref<!tpu.dma_semaphore, #tpu.memory_space<semaphore_mem>>)
    %add3A_213 = arith.constant 0 : i32
    %add3A_214 = arith.addi %add3A_213, %mul3A_0 : i32
    %dma_wait3A_215 = tpu.memref_slice %arg14[%add3A_214] : memref<163840xf32, #tpu.memory_space<vmem_shared>> -> memref<640xf32, #tpu.memory_space<vmem_shared>>
    %dma_wait3A_216 = tpu.memref_slice %arg14[%add3A_214] : memref<163840xf32, #tpu.memory_space<vmem_shared>> -> memref<640xf32, #tpu.memory_space<vmem_shared>>
    tpu.wait_dma2 semaphore(%arg18 : memref<!tpu.dma_semaphore, #tpu.memory_space<semaphore_mem>>) src(%dma_wait3A_216 : memref<640xf32, #tpu.memory_space<vmem_shared>>) dst(%arg10 : memref<640xf32, #tpu.memory_space<vmem>>)
    %add3A_217 = arith.constant 10240 : i32
    %add3A_218 = arith.addi %add3A_217, %mul3A_0 : i32
    %dma_start3A_219 = tpu.memref_slice %arg14[%add3A_218] : memref<163840xf32, #tpu.memory_space<vmem_shared>> -> memref<640xf32, #tpu.memory_space<vmem_shared>>
    %dma_start3A_220 = tpu.memref_slice %arg14[%add3A_218] : memref<163840xf32, #tpu.memory_space<vmem_shared>> -> memref<640xf32, #tpu.memory_space<vmem_shared>>
    tpu.enqueue_dma source(%dma_start3A_220 : memref<640xf32, #tpu.memory_space<vmem_shared>>) target(%arg11 : memref<640xf32, #tpu.memory_space<vmem>>) target_semaphore(%arg19 : memref<!tpu.dma_semaphore, #tpu.memory_space<semaphore_mem>>)
    %parallel_loop3A_221 = arith.constant 0 : i32
    %parallel_loop3A_222 = arith.constant 640 : i32
    %parallel_loop3A_223 = arith.constant 16 : i32
    scf.for %parallel_loop3A_1110 = %parallel_loop3A_221 to %parallel_loop3A_222 step %parallel_loop3A_223  : i32 {
      %parallel_loop3A_1111 = arith.index_cast %parallel_loop3A_1110 : i32 to index
      %parallel_loop3A_1112 = tpu.vector_load %arg10[%parallel_loop3A_1111] {strides = array<i32>} : memref<640xf32, #tpu.memory_space<vmem>>, vector<16xf32>,
      %parallel_loop3A_1113 = arith.index_cast %parallel_loop3A_1110 : i32 to index
      %parallel_loop3A_1114 = tpu.vector_load %arg13[%parallel_loop3A_1113] {strides = array<i32>} : memref<640xf32, #tpu.memory_space<vmem>>, vector<16xf32>,
      tpu.vector_store %arg13[%parallel_loop3A_1113], %parallel_loop3A_1112 {strides = array<i32>} : memref<640xf32, #tpu.memory_space<vmem>>, vector<16xf32>,
    } {sc.loop_unroll_factor = 8 : i64, sc.parallel_access}
    %add3A_224 = arith.constant 10240 : i32
    %add3A_225 = arith.addi %add3A_224, %mul3A_0 : i32
    %dma_wait3A_226 = tpu.memref_slice %arg14[%add3A_225] : memref<163840xf32, #tpu.memory_space<vmem_shared>> -> memref<640xf32, #tpu.memory_space<vmem_shared>>
    %dma_wait3A_227 = tpu.memref_slice %arg14[%add3A_225] : memref<163840xf32, #tpu.memory_space<vmem_shared>> -> memref<640xf32, #tpu.memory_space<vmem_shared>>
    tpu.wait_dma2 semaphore(%arg19 : memref<!tpu.dma_semaphore, #tpu.memory_space<semaphore_mem>>) src(%dma_wait3A_227 : memref<640xf32, #tpu.memory_space<vmem_shared>>) dst(%arg11 : memref<640xf32, #tpu.memory_space<vmem>>)
    %add3A_228 = arith.constant 20480 : i32
    %add3A_229 = arith.addi %add3A_228, %mul3A_0 : i32
    %dma_start3A_230 = tpu.memref_slice %arg14[%add3A_229] : memref<163840xf32, #tpu.memory_space<vmem_shared>> -> memref<640xf32, #tpu.memory_space<vmem_shared>>
    %dma_start3A_231 = tpu.memref_slice %arg14[%add3A_229] : memref<163840xf32, #tpu.memory_space<vmem_shared>> -> memref<640xf32, #tpu.memory_space<vmem_shared>>
    tpu.enqueue_dma source(%dma_start3A_231 : memref<640xf32, #tpu.memory_space<vmem_shared>>) target(%arg10 : memref<640xf32, #tpu.memory_space<vmem>>) target_semaphore(%arg18 : memref<!tpu.dma_semaphore, #tpu.memory_space<semaphore_mem>>)
    %parallel_loop3A_232 = arith.constant 0 : i32
    %parallel_loop3A_233 = arith.constant 640 : i32
    %parallel_loop3A_234 = arith.constant 16 : i32
    scf.for %parallel_loop3A_1110 = %parallel_loop3A_232 to %parallel_loop3A_233 step %parallel_loop3A_234  : i32 {
      %parallel_loop3A_1111 = arith.index_cast %parallel_loop3A_1110 : i32 to index
      %parallel_loop3A_1112 = tpu.vector_load %arg13[%parallel_loop3A_1111] {strides = array<i32>} : memref<640xf32, #tpu.memory_space<vmem>>, vector<16xf32>,
      %parallel_loop3A_1113 = arith.index_cast %parallel_loop3A_1110 : i32 to index
      %parallel_loop3A_1114 = tpu.vector_load %arg11[%parallel_loop3A_1113] {strides = array<i32>} : memref<640xf32, #tpu.memory_space<vmem>>, vector<16xf32>,
      %parallel_loop3A_1115 = arith.addf %parallel_loop3A_1112, %parallel_loop3A_1114 : vector<16xf32>
      %parallel_loop3A_1116 = arith.index_cast %parallel_loop3A_1110 : i32 to index
      %parallel_loop3A_1117 = tpu.vector_load %arg13[%parallel_loop3A_1116] {strides = array<i32>} : memref<640xf32, #tpu.memory_space<vmem>>, vector<16xf32>,
      tpu.vector_store %arg13[%parallel_loop3A_1116], %parallel_loop3A_1115 {strides = array<i32>} : memref<640xf32, #tpu.memory_space<vmem>>, vector<16xf32>,
    } {sc.loop_unroll_factor = 8 : i64, sc.parallel_access}
    %add3A_235 = arith.constant 20480 : i32
    %add3A_236 = arith.addi %add3A_235, %mul3A_0 : i32
    %dma_wait3A_237 = tpu.memref_slice %arg14[%add3A_236] : memref<163840xf32, #tpu.memory_space<vmem_shared>> -> memref<640xf32, #tpu.memory_space<vmem_shared>>
    %dma_wait3A_238 = tpu.memref_slice %arg14[%add3A_236] : memref<163840xf32, #tpu.memory_space<vmem_shared>> -> memref<640xf32, #tpu.memory_space<vmem_shared>>
    tpu.wait_dma2 semaphore(%arg18 : memref<!tpu.dma_semaphore, #tpu.memory_space<semaphore_mem>>) src(%dma_wait3A_238 : memref<640xf32, #tpu.memory_space<vmem_shared>>) dst(%arg10 : memref<640xf32, #tpu.memory_space<vmem>>)
    %add3A_239 = arith.constant 30720 : i32
    %add3A_240 = arith.addi %add3A_239, %mul3A_0 : i32
    %dma_start3A_241 = tpu.memref_slice %arg14[%add3A_240] : memref<163840xf32, #tpu.memory_space<vmem_shared>> -> memref<640xf32, #tpu.memory_space<vmem_shared>>
    %dma_start3A_242 = tpu.memref_slice %arg14[%add3A_240] : memref<163840xf32, #tpu.memory_space<vmem_shared>> -> memref<640xf32, #tpu.memory_space<vmem_shared>>
    tpu.enqueue_dma source(%dma_start3A_242 : memref<640xf32, #tpu.memory_space<vmem_shared>>) target(%arg11 : memref<640xf32, #tpu.memory_space<vmem>>) target_semaphore(%arg19 : memref<!tpu.dma_semaphore, #tpu.memory_space<semaphore_mem>>)
    %parallel_loop3A_243 = arith.constant 0 : i32
    %parallel_loop3A_244 = arith.constant 640 : i32
    %parallel_loop3A_245 = arith.constant 16 : i32
    scf.for %parallel_loop3A_1110 = %parallel_loop3A_243 to %parallel_loop3A_244 step %parallel_loop3A_245  : i32 {
      %parallel_loop3A_1111 = arith.index_cast %parallel_loop3A_1110 : i32 to index
      %parallel_loop3A_1112 = tpu.vector_load %arg13[%parallel_loop3A_1111] {strides = array<i32>} : memref<640xf32, #tpu.memory_space<vmem>>, vector<16xf32>,
      %parallel_loop3A_1113 = arith.index_cast %parallel_loop3A_1110 : i32 to index
      %parallel_loop3A_1114 = tpu.vector_load %arg10[%parallel_loop3A_1113] {strides = array<i32>} : memref<640xf32, #tpu.memory_space<vmem>>, vector<16xf32>,
      %parallel_loop3A_1115 = arith.addf %parallel_loop3A_1112, %parallel_loop3A_1114 : vector<16xf32>
      %parallel_loop3A_1116 = arith.index_cast %parallel_loop3A_1110 : i32 to index
      %parallel_loop3A_1117 = tpu.vector_load %arg13[%parallel_loop3A_1116] {strides = array<i32>} : memref<640xf32, #tpu.memory_space<vmem>>, vector<16xf32>,
      tpu.vector_store %arg13[%parallel_loop3A_1116], %parallel_loop3A_1115 {strides = array<i32>} : memref<640xf32, #tpu.memory_space<vmem>>, vector<16xf32>,
    } {sc.loop_unroll_factor = 8 : i64, sc.parallel_access}
    %add3A_246 = arith.constant 30720 : i32
    %add3A_247 = arith.addi %add3A_246, %mul3A_0 : i32
    %dma_wait3A_248 = tpu.memref_slice %arg14[%add3A_247] : memref<163840xf32, #tpu.memory_space<vmem_shared>> -> memref<640xf32, #tpu.memory_space<vmem_shared>>
    %dma_wait3A_249 = tpu.memref_slice %arg14[%add3A_247] : memref<163840xf32, #tpu.memory_space<vmem_shared>> -> memref<640xf32, #tpu.memory_space<vmem_shared>>
    tpu.wait_dma2 semaphore(%arg19 : memref<!tpu.dma_semaphore, #tpu.memory_space<semaphore_mem>>) src(%dma_wait3A_249 : memref<640xf32, #tpu.memory_space<vmem_shared>>) dst(%arg11 : memref<640xf32, #tpu.memory_space<vmem>>)
    %add3A_250 = arith.constant 40960 : i32
    %add3A_251 = arith.addi %add3A_250, %mul3A_0 : i32
    %dma_start3A_252 = tpu.memref_slice %arg14[%add3A_251] : memref<163840xf32, #tpu.memory_space<vmem_shared>> -> memref<640xf32, #tpu.memory_space<vmem_shared>>
    %dma_start3A_253 = tpu.memref_slice %arg14[%add3A_251] : memref<163840xf32, #tpu.memory_space<vmem_shared>> -> memref<640xf32, #tpu.memory_space<vmem_shared>>
    tpu.enqueue_dma source(%dma_start3A_253 : memref<640xf32, #tpu.memory_space<vmem_shared>>) target(%arg10 : memref<640xf32, #tpu.memory_space<vmem>>) target_semaphore(%arg18 : memref<!tpu.dma_semaphore, #tpu.memory_space<semaphore_mem>>)
    %parallel_loop3A_254 = arith.constant 0 : i32
    %parallel_loop3A_255 = arith.constant 640 : i32
    %parallel_loop3A_256 = arith.constant 16 : i32
    scf.for %parallel_loop3A_1110 = %parallel_loop3A_254 to %parallel_loop3A_255 step %parallel_loop3A_256  : i32 {
      %parallel_loop3A_1111 = arith.index_cast %parallel_loop3A_1110 : i32 to index
      %parallel_loop3A_1112 = tpu.vector_load %arg13[%parallel_loop3A_1111] {strides = array<i32>} : memref<640xf32, #tpu.memory_space<vmem>>, vector<16xf32>,
      %parallel_loop3A_1113 = arith.index_cast %parallel_loop3A_1110 : i32 to index
      %parallel_loop3A_1114 = tpu.vector_load %arg11[%parallel_loop3A_1113] {strides = array<i32>} : memref<640xf32, #tpu.memory_space<vmem>>, vector<16xf32>,
      %parallel_loop3A_1115 = arith.addf %parallel_loop3A_1112, %parallel_loop3A_1114 : vector<16xf32>
      %parallel_loop3A_1116 = arith.index_cast %parallel_loop3A_1110 : i32 to index
      %parallel_loop3A_1117 = tpu.vector_load %arg13[%parallel_loop3A_1116] {strides = array<i32>} : memref<640xf32, #tpu.memory_space<vmem>>, vector<16xf32>,
      tpu.vector_store %arg13[%parallel_loop3A_1116], %parallel_loop3A_1115 {strides = array<i32>} : memref<640xf32, #tpu.memory_space<vmem>>, vector<16xf32>,
    } {sc.loop_unroll_factor = 8 : i64, sc.parallel_access}
    %add3A_257 = arith.constant 40960 : i32
    %add3A_258 = arith.addi %add3A_257, %mul3A_0 : i32
    %dma_wait3A_259 = tpu.memref_slice %arg14[%add3A_258] : memref<163840xf32, #tpu.memory_space<vmem_shared>> -> memref<640xf32, #tpu.memory_space<vmem_shared>>
    %dma_wait3A_260 = tpu.memref_slice %arg14[%add3A_258] : memref<163840xf32, #tpu.memory_space<vmem_shared>> -> memref<640xf32, #tpu.memory_space<vmem_shared>>
    tpu.wait_dma2 semaphore(%arg18 : memref<!tpu.dma_semaphore, #tpu.memory_space<semaphore_mem>>) src(%dma_wait3A_260 : memref<640xf32, #tpu.memory_space<vmem_shared>>) dst(%arg10 : memref<640xf32, #tpu.memory_space<vmem>>)
    %add3A_261 = arith.constant 51200 : i32
    %add3A_262 = arith.addi %add3A_261, %mul3A_0 : i32
    %dma_start3A_263 = tpu.memref_slice %arg14[%add3A_262] : memref<163840xf32, #tpu.memory_space<vmem_shared>> -> memref<640xf32, #tpu.memory_space<vmem_shared>>
    %dma_start3A_264 = tpu.memref_slice %arg14[%add3A_262] : memref<163840xf32, #tpu.memory_space<vmem_shared>> -> memref<640xf32, #tpu.memory_space<vmem_shared>>
    tpu.enqueue_dma source(%dma_start3A_264 : memref<640xf32, #tpu.memory_space<vmem_shared>>) target(%arg11 : memref<640xf32, #tpu.memory_space<vmem>>) target_semaphore(%arg19 : memref<!tpu.dma_semaphore, #tpu.memory_space<semaphore_mem>>)
    %parallel_loop3A_265 = arith.constant 0 : i32
    %parallel_loop3A_266 = arith.constant 640 : i32
    %parallel_loop3A_267 = arith.constant 16 : i32
    scf.for %parallel_loop3A_1110 = %parallel_loop3A_265 to %parallel_loop3A_266 step %parallel_loop3A_267  : i32 {
      %parallel_loop3A_1111 = arith.index_cast %parallel_loop3A_1110 : i32 to index
      %parallel_loop3A_1112 = tpu.vector_load %arg13[%parallel_loop3A_1111] {strides = array<i32>} : memref<640xf32, #tpu.memory_space<vmem>>, vector<16xf32>,
      %parallel_loop3A_1113 = arith.index_cast %parallel_loop3A_1110 : i32 to index
      %parallel_loop3A_1114 = tpu.vector_load %arg10[%parallel_loop3A_1113] {strides = array<i32>} : memref<640xf32, #tpu.memory_space<vmem>>, vector<16xf32>,
      %parallel_loop3A_1115 = arith.addf %parallel_loop3A_1112, %parallel_loop3A_1114 : vector<16xf32>
      %parallel_loop3A_1116 = arith.index_cast %parallel_loop3A_1110 : i32 to index
      %parallel_loop3A_1117 = tpu.vector_load %arg13[%parallel_loop3A_1116] {strides = array<i32>} : memref<640xf32, #tpu.memory_space<vmem>>, vector<16xf32>,
      tpu.vector_store %arg13[%parallel_loop3A_1116], %parallel_loop3A_1115 {strides = array<i32>} : memref<640xf32, #tpu.memory_space<vmem>>, vector<16xf32>,
    } {sc.loop_unroll_factor = 8 : i64, sc.parallel_access}
    %add3A_268 = arith.constant 51200 : i32
    %add3A_269 = arith.addi %add3A_268, %mul3A_0 : i32
    %dma_wait3A_270 = tpu.memref_slice %arg14[%add3A_269] : memref<163840xf32, #tpu.memory_space<vmem_shared>> -> memref<640xf32, #tpu.memory_space<vmem_shared>>
    %dma_wait3A_271 = tpu.memref_slice %arg14[%add3A_269] : memref<163840xf32, #tpu.memory_space<vmem_shared>> -> memref<640xf32, #tpu.memory_space<vmem_shared>>
    tpu.wait_dma2 semaphore(%arg19 : memref<!tpu.dma_semaphore, #tpu.memory_space<semaphore_mem>>) src(%dma_wait3A_271 : memref<640xf32, #tpu.memory_space<vmem_shared>>) dst(%arg11 : memref<640xf32, #tpu.memory_space<vmem>>)
    %add3A_272 = arith.constant 61440 : i32
    %add3A_273 = arith.addi %add3A_272, %mul3A_0 : i32
    %dma_start3A_274 = tpu.memref_slice %arg14[%add3A_273] : memref<163840xf32, #tpu.memory_space<vmem_shared>> -> memref<640xf32, #tpu.memory_space<vmem_shared>>
    %dma_start3A_275 = tpu.memref_slice %arg14[%add3A_273] : memref<163840xf32, #tpu.memory_space<vmem_shared>> -> memref<640xf32, #tpu.memory_space<vmem_shared>>
    tpu.enqueue_dma source(%dma_start3A_275 : memref<640xf32, #tpu.memory_space<vmem_shared>>) target(%arg10 : memref<640xf32, #tpu.memory_space<vmem>>) target_semaphore(%arg18 : memref<!tpu.dma_semaphore, #tpu.memory_space<semaphore_mem>>)
    %parallel_loop3A_276 = arith.constant 0 : i32
    %parallel_loop3A_277 = arith.constant 640 : i32
    %parallel_loop3A_278 = arith.constant 16 : i32
    scf.for %parallel_loop3A_1110 = %parallel_loop3A_276 to %parallel_loop3A_277 step %parallel_loop3A_278  : i32 {
      %parallel_loop3A_1111 = arith.index_cast %parallel_loop3A_1110 : i32 to index
      %parallel_loop3A_1112 = tpu.vector_load %arg13[%parallel_loop3A_1111] {strides = array<i32>} : memref<640xf32, #tpu.memory_space<vmem>>, vector<16xf32>,
      %parallel_loop3A_1113 = arith.index_cast %parallel_loop3A_1110 : i32 to index
      %parallel_loop3A_1114 = tpu.vector_load %arg11[%parallel_loop3A_1113] {strides = array<i32>} : memref<640xf32, #tpu.memory_space<vmem>>, vector<16xf32>,
      %parallel_loop3A_1115 = arith.addf %parallel_loop3A_1112, %parallel_loop3A_1114 : vector<16xf32>
      %parallel_loop3A_1116 = arith.index_cast %parallel_loop3A_1110 : i32 to index
      %parallel_loop3A_1117 = tpu.vector_load %arg13[%parallel_loop3A_1116] {strides = array<i32>} : memref<640xf32, #tpu.memory_space<vmem>>, vector<16xf32>,
      tpu.vector_store %arg13[%parallel_loop3A_1116], %parallel_loop3A_1115 {strides = array<i32>} : memref<640xf32, #tpu.memory_space<vmem>>, vector<16xf32>,
    } {sc.loop_unroll_factor = 8 : i64, sc.parallel_access}
    %add3A_279 = arith.constant 61440 : i32
    %add3A_280 = arith.addi %add3A_279, %mul3A_0 : i32
    %dma_wait3A_281 = tpu.memref_slice %arg14[%add3A_280] : memref<163840xf32, #tpu.memory_space<vmem_shared>> -> memref<640xf32, #tpu.memory_space<vmem_shared>>
    %dma_wait3A_282 = tpu.memref_slice %arg14[%add3A_280] : memref<163840xf32, #tpu.memory_space<vmem_shared>> -> memref<640xf32, #tpu.memory_space<vmem_shared>>
    tpu.wait_dma2 semaphore(%arg18 : memref<!tpu.dma_semaphore, #tpu.memory_space<semaphore_mem>>) src(%dma_wait3A_282 : memref<640xf32, #tpu.memory_space<vmem_shared>>) dst(%arg10 : memref<640xf32, #tpu.memory_space<vmem>>)
    %add3A_283 = arith.constant 71680 : i32
    %add3A_284 = arith.addi %add3A_283, %mul3A_0 : i32
    %dma_start3A_285 = tpu.memref_slice %arg14[%add3A_284] : memref<163840xf32, #tpu.memory_space<vmem_shared>> -> memref<640xf32, #tpu.memory_space<vmem_shared>>
    %dma_start3A_286 = tpu.memref_slice %arg14[%add3A_284] : memref<163840xf32, #tpu.memory_space<vmem_shared>> -> memref<640xf32, #tpu.memory_space<vmem_shared>>
    tpu.enqueue_dma source(%dma_start3A_286 : memref<640xf32, #tpu.memory_space<vmem_shared>>) target(%arg11 : memref<640xf32, #tpu.memory_space<vmem>>) target_semaphore(%arg19 : memref<!tpu.dma_semaphore, #tpu.memory_space<semaphore_mem>>)
    %parallel_loop3A_287 = arith.constant 0 : i32
    %parallel_loop3A_288 = arith.constant 640 : i32
    %parallel_loop3A_289 = arith.constant 16 : i32
    scf.for %parallel_loop3A_1110 = %parallel_loop3A_287 to %parallel_loop3A_288 step %parallel_loop3A_289  : i32 {
      %parallel_loop3A_1111 = arith.index_cast %parallel_loop3A_1110 : i32 to index
      %parallel_loop3A_1112 = tpu.vector_load %arg13[%parallel_loop3A_1111] {strides = array<i32>} : memref<640xf32, #tpu.memory_space<vmem>>, vector<16xf32>,
      %parallel_loop3A_1113 = arith.index_cast %parallel_loop3A_1110 : i32 to index
      %parallel_loop3A_1114 = tpu.vector_load %arg10[%parallel_loop3A_1113] {strides = array<i32>} : memref<640xf32, #tpu.memory_space<vmem>>, vector<16xf32>,
      %parallel_loop3A_1115 = arith.addf %parallel_loop3A_1112, %parallel_loop3A_1114 : vector<16xf32>
      %parallel_loop3A_1116 = arith.index_cast %parallel_loop3A_1110 : i32 to index
      %parallel_loop3A_1117 = tpu.vector_load %arg13[%parallel_loop3A_1116] {strides = array<i32>} : memref<640xf32, #tpu.memory_space<vmem>>, vector<16xf32>,
      tpu.vector_store %arg13[%parallel_loop3A_1116], %parallel_loop3A_1115 {strides = array<i32>} : memref<640xf32, #tpu.memory_space<vmem>>, vector<16xf32>,
    } {sc.loop_unroll_factor = 8 : i64, sc.parallel_access}
    %add3A_290 = arith.constant 71680 : i32
    %add3A_291 = arith.addi %add3A_290, %mul3A_0 : i32
    %dma_wait3A_292 = tpu.memref_slice %arg14[%add3A_291] : memref<163840xf32, #tpu.memory_space<vmem_shared>> -> memref<640xf32, #tpu.memory_space<vmem_shared>>
    %dma_wait3A_293 = tpu.memref_slice %arg14[%add3A_291] : memref<163840xf32, #tpu.memory_space<vmem_shared>> -> memref<640xf32, #tpu.memory_space<vmem_shared>>
    tpu.wait_dma2 semaphore(%arg19 : memref<!tpu.dma_semaphore, #tpu.memory_space<semaphore_mem>>) src(%dma_wait3A_293 : memref<640xf32, #tpu.memory_space<vmem_shared>>) dst(%arg11 : memref<640xf32, #tpu.memory_space<vmem>>)
    %add3A_294 = arith.constant 81920 : i32
    %add3A_295 = arith.addi %add3A_294, %mul3A_0 : i32
    %dma_start3A_296 = tpu.memref_slice %arg14[%add3A_295] : memref<163840xf32, #tpu.memory_space<vmem_shared>> -> memref<640xf32, #tpu.memory_space<vmem_shared>>
    %dma_start3A_297 = tpu.memref_slice %arg14[%add3A_295] : memref<163840xf32, #tpu.memory_space<vmem_shared>> -> memref<640xf32, #tpu.memory_space<vmem_shared>>
    tpu.enqueue_dma source(%dma_start3A_297 : memref<640xf32, #tpu.memory_space<vmem_shared>>) target(%arg10 : memref<640xf32, #tpu.memory_space<vmem>>) target_semaphore(%arg18 : memref<!tpu.dma_semaphore, #tpu.memory_space<semaphore_mem>>)
    %parallel_loop3A_298 = arith.constant 0 : i32
    %parallel_loop3A_299 = arith.constant 640 : i32
    %parallel_loop3A_300 = arith.constant 16 : i32
    scf.for %parallel_loop3A_1110 = %parallel_loop3A_298 to %parallel_loop3A_299 step %parallel_loop3A_300  : i32 {
      %parallel_loop3A_1111 = arith.index_cast %parallel_loop3A_1110 : i32 to index
      %parallel_loop3A_1112 = tpu.vector_load %arg13[%parallel_loop3A_1111] {strides = array<i32>} : memref<640xf32, #tpu.memory_space<vmem>>, vector<16xf32>,
      %parallel_loop3A_1113 = arith.index_cast %parallel_loop3A_1110 : i32 to index
      %parallel_loop3A_1114 = tpu.vector_load %arg11[%parallel_loop3A_1113] {strides = array<i32>} : memref<640xf32, #tpu.memory_space<vmem>>, vector<16xf32>,
      %parallel_loop3A_1115 = arith.addf %parallel_loop3A_1112, %parallel_loop3A_1114 : vector<16xf32>
      %parallel_loop3A_1116 = arith.index_cast %parallel_loop3A_1110 : i32 to index
      %parallel_loop3A_1117 = tpu.vector_load %arg13[%parallel_loop3A_1116] {strides = array<i32>} : memref<640xf32, #tpu.memory_space<vmem>>, vector<16xf32>,
      tpu.vector_store %arg13[%parallel_loop3A_1116], %parallel_loop3A_1115 {strides = array<i32>} : memref<640xf32, #tpu.memory_space<vmem>>, vector<16xf32>,
    } {sc.loop_unroll_factor = 8 : i64, sc.parallel_access}
    %add3A_301 = arith.constant 81920 : i32
    %add3A_302 = arith.addi %add3A_301, %mul3A_0 : i32
    %dma_wait3A_303 = tpu.memref_slice %arg14[%add3A_302] : memref<163840xf32, #tpu.memory_space<vmem_shared>> -> memref<640xf32, #tpu.memory_space<vmem_shared>>
    %dma_wait3A_304 = tpu.memref_slice %arg14[%add3A_302] : memref<163840xf32, #tpu.memory_space<vmem_shared>> -> memref<640xf32, #tpu.memory_space<vmem_shared>>
    tpu.wait_dma2 semaphore(%arg18 : memref<!tpu.dma_semaphore, #tpu.memory_space<semaphore_mem>>) src(%dma_wait3A_304 : memref<640xf32, #tpu.memory_space<vmem_shared>>) dst(%arg10 : memref<640xf32, #tpu.memory_space<vmem>>)
    %add3A_305 = arith.constant 92160 : i32
    %add3A_306 = arith.addi %add3A_305, %mul3A_0 : i32
    %dma_start3A_307 = tpu.memref_slice %arg14[%add3A_306] : memref<163840xf32, #tpu.memory_space<vmem_shared>> -> memref<640xf32, #tpu.memory_space<vmem_shared>>
    %dma_start3A_308 = tpu.memref_slice %arg14[%add3A_306] : memref<163840xf32, #tpu.memory_space<vmem_shared>> -> memref<640xf32, #tpu.memory_space<vmem_shared>>
    tpu.enqueue_dma source(%dma_start3A_308 : memref<640xf32, #tpu.memory_space<vmem_shared>>) target(%arg11 : memref<640xf32, #tpu.memory_space<vmem>>) target_semaphore(%arg19 : memref<!tpu.dma_semaphore, #tpu.memory_space<semaphore_mem>>)
    %parallel_loop3A_309 = arith.constant 0 : i32
    %parallel_loop3A_310 = arith.constant 640 : i32
    %parallel_loop3A_311 = arith.constant 16 : i32
    scf.for %parallel_loop3A_1110 = %parallel_loop3A_309 to %parallel_loop3A_310 step %parallel_loop3A_311  : i32 {
      %parallel_loop3A_1111 = arith.index_cast %parallel_loop3A_1110 : i32 to index
      %parallel_loop3A_1112 = tpu.vector_load %arg13[%parallel_loop3A_1111] {strides = array<i32>} : memref<640xf32, #tpu.memory_space<vmem>>, vector<16xf32>,
      %parallel_loop3A_1113 = arith.index_cast %parallel_loop3A_1110 : i32 to index
      %parallel_loop3A_1114 = tpu.vector_load %arg10[%parallel_loop3A_1113] {strides = array<i32>} : memref<640xf32, #tpu.memory_space<vmem>>, vector<16xf32>,
      %parallel_loop3A_1115 = arith.addf %parallel_loop3A_1112, %parallel_loop3A_1114 : vector<16xf32>
      %parallel_loop3A_1116 = arith.index_cast %parallel_loop3A_1110 : i32 to index
      %parallel_loop3A_1117 = tpu.vector_load %arg13[%parallel_loop3A_1116] {strides = array<i32>} : memref<640xf32, #tpu.memory_space<vmem>>, vector<16xf32>,
      tpu.vector_store %arg13[%parallel_loop3A_1116], %parallel_loop3A_1115 {strides = array<i32>} : memref<640xf32, #tpu.memory_space<vmem>>, vector<16xf32>,
    } {sc.loop_unroll_factor = 8 : i64, sc.parallel_access}
    %add3A_312 = arith.constant 92160 : i32
    %add3A_313 = arith.addi %add3A_312, %mul3A_0 : i32
    %dma_wait3A_314 = tpu.memref_slice %arg14[%add3A_313] : memref<163840xf32, #tpu.memory_space<vmem_shared>> -> memref<640xf32, #tpu.memory_space<vmem_shared>>
    %dma_wait3A_315 = tpu.memref_slice %arg14[%add3A_313] : memref<163840xf32, #tpu.memory_space<vmem_shared>> -> memref<640xf32, #tpu.memory_space<vmem_shared>>
    tpu.wait_dma2 semaphore(%arg19 : memref<!tpu.dma_semaphore, #tpu.memory_space<semaphore_mem>>) src(%dma_wait3A_315 : memref<640xf32, #tpu.memory_space<vmem_shared>>) dst(%arg11 : memref<640xf32, #tpu.memory_space<vmem>>)
    %add3A_316 = arith.constant 102400 : i32
    %add3A_317 = arith.addi %add3A_316, %mul3A_0 : i32
    %dma_start3A_318 = tpu.memref_slice %arg14[%add3A_317] : memref<163840xf32, #tpu.memory_space<vmem_shared>> -> memref<640xf32, #tpu.memory_space<vmem_shared>>
    %dma_start3A_319 = tpu.memref_slice %arg14[%add3A_317] : memref<163840xf32, #tpu.memory_space<vmem_shared>> -> memref<640xf32, #tpu.memory_space<vmem_shared>>
    tpu.enqueue_dma source(%dma_start3A_319 : memref<640xf32, #tpu.memory_space<vmem_shared>>) target(%arg10 : memref<640xf32, #tpu.memory_space<vmem>>) target_semaphore(%arg18 : memref<!tpu.dma_semaphore, #tpu.memory_space<semaphore_mem>>)
    %parallel_loop3A_320 = arith.constant 0 : i32
    %parallel_loop3A_321 = arith.constant 640 : i32
    %parallel_loop3A_322 = arith.constant 16 : i32
    scf.for %parallel_loop3A_1110 = %parallel_loop3A_320 to %parallel_loop3A_321 step %parallel_loop3A_322  : i32 {
      %parallel_loop3A_1111 = arith.index_cast %parallel_loop3A_1110 : i32 to index
      %parallel_loop3A_1112 = tpu.vector_load %arg13[%parallel_loop3A_1111] {strides = array<i32>} : memref<640xf32, #tpu.memory_space<vmem>>, vector<16xf32>,
      %parallel_loop3A_1113 = arith.index_cast %parallel_loop3A_1110 : i32 to index
      %parallel_loop3A_1114 = tpu.vector_load %arg11[%parallel_loop3A_1113] {strides = array<i32>} : memref<640xf32, #tpu.memory_space<vmem>>, vector<16xf32>,
      %parallel_loop3A_1115 = arith.addf %parallel_loop3A_1112, %parallel_loop3A_1114 : vector<16xf32>
      %parallel_loop3A_1116 = arith.index_cast %parallel_loop3A_1110 : i32 to index
      %parallel_loop3A_1117 = tpu.vector_load %arg13[%parallel_loop3A_1116] {strides = array<i32>} : memref<640xf32, #tpu.memory_space<vmem>>, vector<16xf32>,
      tpu.vector_store %arg13[%parallel_loop3A_1116], %parallel_loop3A_1115 {strides = array<i32>} : memref<640xf32, #tpu.memory_space<vmem>>, vector<16xf32>,
    } {sc.loop_unroll_factor = 8 : i64, sc.parallel_access}
    %add3A_323 = arith.constant 102400 : i32
    %add3A_324 = arith.addi %add3A_323, %mul3A_0 : i32
    %dma_wait3A_325 = tpu.memref_slice %arg14[%add3A_324] : memref<163840xf32, #tpu.memory_space<vmem_shared>> -> memref<640xf32, #tpu.memory_space<vmem_shared>>
    %dma_wait3A_326 = tpu.memref_slice %arg14[%add3A_324] : memref<163840xf32, #tpu.memory_space<vmem_shared>> -> memref<640xf32, #tpu.memory_space<vmem_shared>>
    tpu.wait_dma2 semaphore(%arg18 : memref<!tpu.dma_semaphore, #tpu.memory_space<semaphore_mem>>) src(%dma_wait3A_326 : memref<640xf32, #tpu.memory_space<vmem_shared>>) dst(%arg10 : memref<640xf32, #tpu.memory_space<vmem>>)
    %add3A_327 = arith.constant 112640 : i32
    %add3A_328 = arith.addi %add3A_327, %mul3A_0 : i32
    %dma_start3A_329 = tpu.memref_slice %arg14[%add3A_328] : memref<163840xf32, #tpu.memory_space<vmem_shared>> -> memref<640xf32, #tpu.memory_space<vmem_shared>>
    %dma_start3A_330 = tpu.memref_slice %arg14[%add3A_328] : memref<163840xf32, #tpu.memory_space<vmem_shared>> -> memref<640xf32, #tpu.memory_space<vmem_shared>>
    tpu.enqueue_dma source(%dma_start3A_330 : memref<640xf32, #tpu.memory_space<vmem_shared>>) target(%arg11 : memref<640xf32, #tpu.memory_space<vmem>>) target_semaphore(%arg19 : memref<!tpu.dma_semaphore, #tpu.memory_space<semaphore_mem>>)
    %parallel_loop3A_331 = arith.constant 0 : i32
    %parallel_loop3A_332 = arith.constant 640 : i32
    %parallel_loop3A_333 = arith.constant 16 : i32
    scf.for %parallel_loop3A_1110 = %parallel_loop3A_331 to %parallel_loop3A_332 step %parallel_loop3A_333  : i32 {
      %parallel_loop3A_1111 = arith.index_cast %parallel_loop3A_1110 : i32 to index
      %parallel_loop3A_1112 = tpu.vector_load %arg13[%parallel_loop3A_1111] {strides = array<i32>} : memref<640xf32, #tpu.memory_space<vmem>>, vector<16xf32>,
      %parallel_loop3A_1113 = arith.index_cast %parallel_loop3A_1110 : i32 to index
      %parallel_loop3A_1114 = tpu.vector_load %arg10[%parallel_loop3A_1113] {strides = array<i32>} : memref<640xf32, #tpu.memory_space<vmem>>, vector<16xf32>,
      %parallel_loop3A_1115 = arith.addf %parallel_loop3A_1112, %parallel_loop3A_1114 : vector<16xf32>
      %parallel_loop3A_1116 = arith.index_cast %parallel_loop3A_1110 : i32 to index
      %parallel_loop3A_1117 = tpu.vector_load %arg13[%parallel_loop3A_1116] {strides = array<i32>} : memref<640xf32, #tpu.memory_space<vmem>>, vector<16xf32>,
      tpu.vector_store %arg13[%parallel_loop3A_1116], %parallel_loop3A_1115 {strides = array<i32>} : memref<640xf32, #tpu.memory_space<vmem>>, vector<16xf32>,
    } {sc.loop_unroll_factor = 8 : i64, sc.parallel_access}
    %add3A_334 = arith.constant 112640 : i32
    %add3A_335 = arith.addi %add3A_334, %mul3A_0 : i32
    %dma_wait3A_336 = tpu.memref_slice %arg14[%add3A_335] : memref<163840xf32, #tpu.memory_space<vmem_shared>> -> memref<640xf32, #tpu.memory_space<vmem_shared>>
    %dma_wait3A_337 = tpu.memref_slice %arg14[%add3A_335] : memref<163840xf32, #tpu.memory_space<vmem_shared>> -> memref<640xf32, #tpu.memory_space<vmem_shared>>
    tpu.wait_dma2 semaphore(%arg19 : memref<!tpu.dma_semaphore, #tpu.memory_space<semaphore_mem>>) src(%dma_wait3A_337 : memref<640xf32, #tpu.memory_space<vmem_shared>>) dst(%arg11 : memref<640xf32, #tpu.memory_space<vmem>>)
    %add3A_338 = arith.constant 122880 : i32
    %add3A_339 = arith.addi %add3A_338, %mul3A_0 : i32
    %dma_start3A_340 = tpu.memref_slice %arg14[%add3A_339] : memref<163840xf32, #tpu.memory_space<vmem_shared>> -> memref<640xf32, #tpu.memory_space<vmem_shared>>
    %dma_start3A_341 = tpu.memref_slice %arg14[%add3A_339] : memref<163840xf32, #tpu.memory_space<vmem_shared>> -> memref<640xf32, #tpu.memory_space<vmem_shared>>
    tpu.enqueue_dma source(%dma_start3A_341 : memref<640xf32, #tpu.memory_space<vmem_shared>>) target(%arg10 : memref<640xf32, #tpu.memory_space<vmem>>) target_semaphore(%arg18 : memref<!tpu.dma_semaphore, #tpu.memory_space<semaphore_mem>>)
    %parallel_loop3A_342 = arith.constant 0 : i32
    %parallel_loop3A_343 = arith.constant 640 : i32
    %parallel_loop3A_344 = arith.constant 16 : i32
    scf.for %parallel_loop3A_1110 = %parallel_loop3A_342 to %parallel_loop3A_343 step %parallel_loop3A_344  : i32 {
      %parallel_loop3A_1111 = arith.index_cast %parallel_loop3A_1110 : i32 to index
      %parallel_loop3A_1112 = tpu.vector_load %arg13[%parallel_loop3A_1111] {strides = array<i32>} : memref<640xf32, #tpu.memory_space<vmem>>, vector<16xf32>,
      %parallel_loop3A_1113 = arith.index_cast %parallel_loop3A_1110 : i32 to index
      %parallel_loop3A_1114 = tpu.vector_load %arg11[%parallel_loop3A_1113] {strides = array<i32>} : memref<640xf32, #tpu.memory_space<vmem>>, vector<16xf32>,
      %parallel_loop3A_1115 = arith.addf %parallel_loop3A_1112, %parallel_loop3A_1114 : vector<16xf32>
      %parallel_loop3A_1116 = arith.index_cast %parallel_loop3A_1110 : i32 to index
      %parallel_loop3A_1117 = tpu.vector_load %arg13[%parallel_loop3A_1116] {strides = array<i32>} : memref<640xf32, #tpu.memory_space<vmem>>, vector<16xf32>,
      tpu.vector_store %arg13[%parallel_loop3A_1116], %parallel_loop3A_1115 {strides = array<i32>} : memref<640xf32, #tpu.memory_space<vmem>>, vector<16xf32>,
    } {sc.loop_unroll_factor = 8 : i64, sc.parallel_access}
    %add3A_345 = arith.constant 122880 : i32
    %add3A_346 = arith.addi %add3A_345, %mul3A_0 : i32
    %dma_wait3A_347 = tpu.memref_slice %arg14[%add3A_346] : memref<163840xf32, #tpu.memory_space<vmem_shared>> -> memref<640xf32, #tpu.memory_space<vmem_shared>>
    %dma_wait3A_348 = tpu.memref_slice %arg14[%add3A_346] : memref<163840xf32, #tpu.memory_space<vmem_shared>> -> memref<640xf32, #tpu.memory_space<vmem_shared>>
    tpu.wait_dma2 semaphore(%arg18 : memref<!tpu.dma_semaphore, #tpu.memory_space<semaphore_mem>>) src(%dma_wait3A_348 : memref<640xf32, #tpu.memory_space<vmem_shared>>) dst(%arg10 : memref<640xf32, #tpu.memory_space<vmem>>)
    %add3A_349 = arith.constant 133120 : i32
    %add3A_350 = arith.addi %add3A_349, %mul3A_0 : i32
    %dma_start3A_351 = tpu.memref_slice %arg14[%add3A_350] : memref<163840xf32, #tpu.memory_space<vmem_shared>> -> memref<640xf32, #tpu.memory_space<vmem_shared>>
    %dma_start3A_352 = tpu.memref_slice %arg14[%add3A_350] : memref<163840xf32, #tpu.memory_space<vmem_shared>> -> memref<640xf32, #tpu.memory_space<vmem_shared>>
    tpu.enqueue_dma source(%dma_start3A_352 : memref<640xf32, #tpu.memory_space<vmem_shared>>) target(%arg11 : memref<640xf32, #tpu.memory_space<vmem>>) target_semaphore(%arg19 : memref<!tpu.dma_semaphore, #tpu.memory_space<semaphore_mem>>)
    %parallel_loop3A_353 = arith.constant 0 : i32
    %parallel_loop3A_354 = arith.constant 640 : i32
    %parallel_loop3A_355 = arith.constant 16 : i32
    scf.for %parallel_loop3A_1110 = %parallel_loop3A_353 to %parallel_loop3A_354 step %parallel_loop3A_355  : i32 {
      %parallel_loop3A_1111 = arith.index_cast %parallel_loop3A_1110 : i32 to index
      %parallel_loop3A_1112 = tpu.vector_load %arg13[%parallel_loop3A_1111] {strides = array<i32>} : memref<640xf32, #tpu.memory_space<vmem>>, vector<16xf32>,
      %parallel_loop3A_1113 = arith.index_cast %parallel_loop3A_1110 : i32 to index
      %parallel_loop3A_1114 = tpu.vector_load %arg10[%parallel_loop3A_1113] {strides = array<i32>} : memref<640xf32, #tpu.memory_space<vmem>>, vector<16xf32>,
      %parallel_loop3A_1115 = arith.addf %parallel_loop3A_1112, %parallel_loop3A_1114 : vector<16xf32>
      %parallel_loop3A_1116 = arith.index_cast %parallel_loop3A_1110 : i32 to index
      %parallel_loop3A_1117 = tpu.vector_load %arg13[%parallel_loop3A_1116] {strides = array<i32>} : memref<640xf32, #tpu.memory_space<vmem>>, vector<16xf32>,
      tpu.vector_store %arg13[%parallel_loop3A_1116], %parallel_loop3A_1115 {strides = array<i32>} : memref<640xf32, #tpu.memory_space<vmem>>, vector<16xf32>,
    } {sc.loop_unroll_factor = 8 : i64, sc.parallel_access}
    %add3A_356 = arith.constant 133120 : i32
    %add3A_357 = arith.addi %add3A_356, %mul3A_0 : i32
    %dma_wait3A_358 = tpu.memref_slice %arg14[%add3A_357] : memref<163840xf32, #tpu.memory_space<vmem_shared>> -> memref<640xf32, #tpu.memory_space<vmem_shared>>
    %dma_wait3A_359 = tpu.memref_slice %arg14[%add3A_357] : memref<163840xf32, #tpu.memory_space<vmem_shared>> -> memref<640xf32, #tpu.memory_space<vmem_shared>>
    tpu.wait_dma2 semaphore(%arg19 : memref<!tpu.dma_semaphore, #tpu.memory_space<semaphore_mem>>) src(%dma_wait3A_359 : memref<640xf32, #tpu.memory_space<vmem_shared>>) dst(%arg11 : memref<640xf32, #tpu.memory_space<vmem>>)
    %add3A_360 = arith.constant 143360 : i32
    %add3A_361 = arith.addi %add3A_360, %mul3A_0 : i32
    %dma_start3A_362 = tpu.memref_slice %arg14[%add3A_361] : memref<163840xf32, #tpu.memory_space<vmem_shared>> -> memref<640xf32, #tpu.memory_space<vmem_shared>>
    %dma_start3A_363 = tpu.memref_slice %arg14[%add3A_361] : memref<163840xf32, #tpu.memory_space<vmem_shared>> -> memref<640xf32, #tpu.memory_space<vmem_shared>>
    tpu.enqueue_dma source(%dma_start3A_363 : memref<640xf32, #tpu.memory_space<vmem_shared>>) target(%arg10 : memref<640xf32, #tpu.memory_space<vmem>>) target_semaphore(%arg18 : memref<!tpu.dma_semaphore, #tpu.memory_space<semaphore_mem>>)
    %parallel_loop3A_364 = arith.constant 0 : i32
    %parallel_loop3A_365 = arith.constant 640 : i32
    %parallel_loop3A_366 = arith.constant 16 : i32
    scf.for %parallel_loop3A_1110 = %parallel_loop3A_364 to %parallel_loop3A_365 step %parallel_loop3A_366  : i32 {
      %parallel_loop3A_1111 = arith.index_cast %parallel_loop3A_1110 : i32 to index
      %parallel_loop3A_1112 = tpu.vector_load %arg13[%parallel_loop3A_1111] {strides = array<i32>} : memref<640xf32, #tpu.memory_space<vmem>>, vector<16xf32>,
      %parallel_loop3A_1113 = arith.index_cast %parallel_loop3A_1110 : i32 to index
      %parallel_loop3A_1114 = tpu.vector_load %arg11[%parallel_loop3A_1113] {strides = array<i32>} : memref<640xf32, #tpu.memory_space<vmem>>, vector<16xf32>,
      %parallel_loop3A_1115 = arith.addf %parallel_loop3A_1112, %parallel_loop3A_1114 : vector<16xf32>
      %parallel_loop3A_1116 = arith.index_cast %parallel_loop3A_1110 : i32 to index
      %parallel_loop3A_1117 = tpu.vector_load %arg13[%parallel_loop3A_1116] {strides = array<i32>} : memref<640xf32, #tpu.memory_space<vmem>>, vector<16xf32>,
      tpu.vector_store %arg13[%parallel_loop3A_1116], %parallel_loop3A_1115 {strides = array<i32>} : memref<640xf32, #tpu.memory_space<vmem>>, vector<16xf32>,
    } {sc.loop_unroll_factor = 8 : i64, sc.parallel_access}
    %add3A_367 = arith.constant 143360 : i32
    %add3A_368 = arith.addi %add3A_367, %mul3A_0 : i32
    %dma_wait3A_369 = tpu.memref_slice %arg14[%add3A_368] : memref<163840xf32, #tpu.memory_space<vmem_shared>> -> memref<640xf32, #tpu.memory_space<vmem_shared>>
    %dma_wait3A_370 = tpu.memref_slice %arg14[%add3A_368] : memref<163840xf32, #tpu.memory_space<vmem_shared>> -> memref<640xf32, #tpu.memory_space<vmem_shared>>
    tpu.wait_dma2 semaphore(%arg18 : memref<!tpu.dma_semaphore, #tpu.memory_space<semaphore_mem>>) src(%dma_wait3A_370 : memref<640xf32, #tpu.memory_space<vmem_shared>>) dst(%arg10 : memref<640xf32, #tpu.memory_space<vmem>>)
    %add3A_371 = arith.constant 153600 : i32
    %add3A_372 = arith.addi %add3A_371, %mul3A_0 : i32
    %dma_start3A_373 = tpu.memref_slice %arg14[%add3A_372] : memref<163840xf32, #tpu.memory_space<vmem_shared>> -> memref<640xf32, #tpu.memory_space<vmem_shared>>
    %dma_start3A_374 = tpu.memref_slice %arg14[%add3A_372] : memref<163840xf32, #tpu.memory_space<vmem_shared>> -> memref<640xf32, #tpu.memory_space<vmem_shared>>
    tpu.enqueue_dma source(%dma_start3A_374 : memref<640xf32, #tpu.memory_space<vmem_shared>>) target(%arg11 : memref<640xf32, #tpu.memory_space<vmem>>) target_semaphore(%arg19 : memref<!tpu.dma_semaphore, #tpu.memory_space<semaphore_mem>>)
    %parallel_loop3A_375 = arith.constant 0 : i32
    %parallel_loop3A_376 = arith.constant 640 : i32
    %parallel_loop3A_377 = arith.constant 16 : i32
    scf.for %parallel_loop3A_1110 = %parallel_loop3A_375 to %parallel_loop3A_376 step %parallel_loop3A_377  : i32 {
      %parallel_loop3A_1111 = arith.index_cast %parallel_loop3A_1110 : i32 to index
      %parallel_loop3A_1112 = tpu.vector_load %arg13[%parallel_loop3A_1111] {strides = array<i32>} : memref<640xf32, #tpu.memory_space<vmem>>, vector<16xf32>,
      %parallel_loop3A_1113 = arith.index_cast %parallel_loop3A_1110 : i32 to index
      %parallel_loop3A_1114 = tpu.vector_load %arg10[%parallel_loop3A_1113] {strides = array<i32>} : memref<640xf32, #tpu.memory_space<vmem>>, vector<16xf32>,
      %parallel_loop3A_1115 = arith.addf %parallel_loop3A_1112, %parallel_loop3A_1114 : vector<16xf32>
      %parallel_loop3A_1116 = arith.index_cast %parallel_loop3A_1110 : i32 to index
      %parallel_loop3A_1117 = tpu.vector_load %arg13[%parallel_loop3A_1116] {strides = array<i32>} : memref<640xf32, #tpu.memory_space<vmem>>, vector<16xf32>,
      tpu.vector_store %arg13[%parallel_loop3A_1116], %parallel_loop3A_1115 {strides = array<i32>} : memref<640xf32, #tpu.memory_space<vmem>>, vector<16xf32>,
    } {sc.loop_unroll_factor = 8 : i64, sc.parallel_access}
    %add3A_378 = arith.constant 153600 : i32
    %add3A_379 = arith.addi %add3A_378, %mul3A_0 : i32
    %dma_wait3A_380 = tpu.memref_slice %arg14[%add3A_379] : memref<163840xf32, #tpu.memory_space<vmem_shared>> -> memref<640xf32, #tpu.memory_space<vmem_shared>>
    %dma_wait3A_381 = tpu.memref_slice %arg14[%add3A_379] : memref<163840xf32, #tpu.memory_space<vmem_shared>> -> memref<640xf32, #tpu.memory_space<vmem_shared>>
    tpu.wait_dma2 semaphore(%arg19 : memref<!tpu.dma_semaphore, #tpu.memory_space<semaphore_mem>>) src(%dma_wait3A_381 : memref<640xf32, #tpu.memory_space<vmem_shared>>) dst(%arg11 : memref<640xf32, #tpu.memory_space<vmem>>)
    %parallel_loop3A_382 = arith.constant 0 : i32
    %parallel_loop3A_383 = arith.constant 640 : i32
    %parallel_loop3A_384 = arith.constant 16 : i32
    scf.for %parallel_loop3A_1110 = %parallel_loop3A_382 to %parallel_loop3A_383 step %parallel_loop3A_384  : i32 {
      %parallel_loop3A_1111 = arith.index_cast %parallel_loop3A_1110 : i32 to index
      %parallel_loop3A_1112 = tpu.vector_load %arg13[%parallel_loop3A_1111] {strides = array<i32>} : memref<640xf32, #tpu.memory_space<vmem>>, vector<16xf32>,
      %parallel_loop3A_1113 = arith.index_cast %parallel_loop3A_1110 : i32 to index
      %parallel_loop3A_1114 = tpu.vector_load %arg11[%parallel_loop3A_1113] {strides = array<i32>} : memref<640xf32, #tpu.memory_space<vmem>>, vector<16xf32>,
      %parallel_loop3A_1115 = arith.addf %parallel_loop3A_1112, %parallel_loop3A_1114 : vector<16xf32>
      %parallel_loop3A_1116 = arith.index_cast %parallel_loop3A_1110 : i32 to index
      %parallel_loop3A_1117 = tpu.vector_load %arg13[%parallel_loop3A_1116] {strides = array<i32>} : memref<640xf32, #tpu.memory_space<vmem>>, vector<16xf32>,
      tpu.vector_store %arg13[%parallel_loop3A_1116], %parallel_loop3A_1115 {strides = array<i32>} : memref<640xf32, #tpu.memory_space<vmem>>, vector<16xf32>,
    } {sc.loop_unroll_factor = 8 : i64, sc.parallel_access}
    %get3A = arith.constant 0 : index
    %get3A_385 = tpu.vector_load %arg12[%get3A] {strides = array<i32>} : memref<640xf32, #tpu.memory_space<vmem>>, vector<16xf32>,
    %get3A_386 = arith.constant 0 : index
    %get3A_387 = tpu.vector_load %arg13[%get3A_386] {strides = array<i32>} : memref<640xf32, #tpu.memory_space<vmem>>, vector<16xf32>,
    %add3A_388 = arith.addf %get3A_387, %get3A_385 : vector<16xf32>
    %mul3A_389 = arith.mulf %get3A_385, %add3A_388 : vector<16xf32>
    %add3A_390 = arith.constant 0 : i32
    %add3A_391 = arith.addi %mul3A_0, %add3A_390 : i32
    %add3A_392 = vector.broadcast %add3A_391 : i32 to vector<16xi32>
    %add3A_393 = arith.addi %add3A_392, %iota3A : vector<16xi32>
    %lt3A = arith.constant 10000 : i32
    %lt3A_394 = vector.broadcast %lt3A : i32 to vector<16xi32>
    %lt3A_395 = arith.cmpi slt, %add3A_393, %lt3A_394 : vector<16xi32>
    %jit3A = arith.constant 0.000000e+00 : f32
    %broadcast_in_dim3A_396 = vector.broadcast %jit3A : f32 to vector<16xf32>
    %select_n3A = arith.select %lt3A_395, %mul3A_389, %broadcast_in_dim3A_396 : vector<16xi1>, vector<16xf32>
    %swap3A = arith.constant 0 : index
    %swap3A_397 = tpu.vector_load %arg13[%swap3A] {strides = array<i32>} : memref<640xf32, #tpu.memory_space<vmem>>, vector<16xf32>,
    tpu.vector_store %arg13[%swap3A], %select_n3A {strides = array<i32>} : memref<640xf32, #tpu.memory_space<vmem>>, vector<16xf32>,
    %get3A_398 = arith.constant 16 : index
    %get3A_399 = tpu.vector_load %arg12[%get3A_398] {strides = array<i32>} : memref<640xf32, #tpu.memory_space<vmem>>, vector<16xf32>,
    %get3A_400 = arith.constant 16 : index
    %get3A_401 = tpu.vector_load %arg13[%get3A_400] {strides = array<i32>} : memref<640xf32, #tpu.memory_space<vmem>>, vector<16xf32>,
    %add3A_402 = arith.addf %get3A_401, %get3A_399 : vector<16xf32>
    %mul3A_403 = arith.mulf %get3A_399, %add3A_402 : vector<16xf32>
    %add3A_404 = arith.constant 16 : i32
    %add3A_405 = arith.addi %mul3A_0, %add3A_404 : i32
    %add3A_406 = vector.broadcast %add3A_405 : i32 to vector<16xi32>
    %add3A_407 = arith.addi %add3A_406, %iota3A : vector<16xi32>
    %lt3A_408 = arith.constant 10000 : i32
    %lt3A_409 = vector.broadcast %lt3A_408 : i32 to vector<16xi32>
    %lt3A_410 = arith.cmpi slt, %add3A_407, %lt3A_409 : vector<16xi32>
    %jit3A_411 = arith.constant 0.000000e+00 : f32
    %broadcast_in_dim3A_412 = vector.broadcast %jit3A_411 : f32 to vector<16xf32>
    %select_n3A_413 = arith.select %lt3A_410, %mul3A_403, %broadcast_in_dim3A_412 : vector<16xi1>, vector<16xf32>
    %swap3A_414 = arith.constant 16 : index
    %swap3A_415 = tpu.vector_load %arg13[%swap3A_414] {strides = array<i32>} : memref<640xf32, #tpu.memory_space<vmem>>, vector<16xf32>,
    tpu.vector_store %arg13[%swap3A_414], %select_n3A_413 {strides = array<i32>} : memref<640xf32, #tpu.memory_space<vmem>>, vector<16xf32>,
    %get3A_416 = arith.constant 32 : index
    %get3A_417 = tpu.vector_load %arg12[%get3A_416] {strides = array<i32>} : memref<640xf32, #tpu.memory_space<vmem>>, vector<16xf32>,
    %get3A_418 = arith.constant 32 : index
    %get3A_419 = tpu.vector_load %arg13[%get3A_418] {strides = array<i32>} : memref<640xf32, #tpu.memory_space<vmem>>, vector<16xf32>,
    %add3A_420 = arith.addf %get3A_419, %get3A_417 : vector<16xf32>
    %mul3A_421 = arith.mulf %get3A_417, %add3A_420 : vector<16xf32>
    %add3A_422 = arith.constant 32 : i32
    %add3A_423 = arith.addi %mul3A_0, %add3A_422 : i32
    %add3A_424 = vector.broadcast %add3A_423 : i32 to vector<16xi32>
    %add3A_425 = arith.addi %add3A_424, %iota3A : vector<16xi32>
    %lt3A_426 = arith.constant 10000 : i32
    %lt3A_427 = vector.broadcast %lt3A_426 : i32 to vector<16xi32>
    %lt3A_428 = arith.cmpi slt, %add3A_425, %lt3A_427 : vector<16xi32>
    %jit3A_429 = arith.constant 0.000000e+00 : f32
    %broadcast_in_dim3A_430 = vector.broadcast %jit3A_429 : f32 to vector<16xf32>
    %select_n3A_431 = arith.select %lt3A_428, %mul3A_421, %broadcast_in_dim3A_430 : vector<16xi1>, vector<16xf32>
    %swap3A_432 = arith.constant 32 : index
    %swap3A_433 = tpu.vector_load %arg13[%swap3A_432] {strides = array<i32>} : memref<640xf32, #tpu.memory_space<vmem>>, vector<16xf32>,
    tpu.vector_store %arg13[%swap3A_432], %select_n3A_431 {strides = array<i32>} : memref<640xf32, #tpu.memory_space<vmem>>, vector<16xf32>,
    %get3A_434 = arith.constant 48 : index
    %get3A_435 = tpu.vector_load %arg12[%get3A_434] {strides = array<i32>} : memref<640xf32, #tpu.memory_space<vmem>>, vector<16xf32>,
    %get3A_436 = arith.constant 48 : index
    %get3A_437 = tpu.vector_load %arg13[%get3A_436] {strides = array<i32>} : memref<640xf32, #tpu.memory_space<vmem>>, vector<16xf32>,
    %add3A_438 = arith.addf %get3A_437, %get3A_435 : vector<16xf32>
    %mul3A_439 = arith.mulf %get3A_435, %add3A_438 : vector<16xf32>
    %add3A_440 = arith.constant 48 : i32
    %add3A_441 = arith.addi %mul3A_0, %add3A_440 : i32
    %add3A_442 = vector.broadcast %add3A_441 : i32 to vector<16xi32>
    %add3A_443 = arith.addi %add3A_442, %iota3A : vector<16xi32>
    %lt3A_444 = arith.constant 10000 : i32
    %lt3A_445 = vector.broadcast %lt3A_444 : i32 to vector<16xi32>
    %lt3A_446 = arith.cmpi slt, %add3A_443, %lt3A_445 : vector<16xi32>
    %jit3A_447 = arith.constant 0.000000e+00 : f32
    %broadcast_in_dim3A_448 = vector.broadcast %jit3A_447 : f32 to vector<16xf32>
    %select_n3A_449 = arith.select %lt3A_446, %mul3A_439, %broadcast_in_dim3A_448 : vector<16xi1>, vector<16xf32>
    %swap3A_450 = arith.constant 48 : index
    %swap3A_451 = tpu.vector_load %arg13[%swap3A_450] {strides = array<i32>} : memref<640xf32, #tpu.memory_space<vmem>>, vector<16xf32>,
    tpu.vector_store %arg13[%swap3A_450], %select_n3A_449 {strides = array<i32>} : memref<640xf32, #tpu.memory_space<vmem>>, vector<16xf32>,
    %get3A_452 = arith.constant 64 : index
    %get3A_453 = tpu.vector_load %arg12[%get3A_452] {strides = array<i32>} : memref<640xf32, #tpu.memory_space<vmem>>, vector<16xf32>,
    %get3A_454 = arith.constant 64 : index
    %get3A_455 = tpu.vector_load %arg13[%get3A_454] {strides = array<i32>} : memref<640xf32, #tpu.memory_space<vmem>>, vector<16xf32>,
    %add3A_456 = arith.addf %get3A_455, %get3A_453 : vector<16xf32>
    %mul3A_457 = arith.mulf %get3A_453, %add3A_456 : vector<16xf32>
    %add3A_458 = arith.constant 64 : i32
    %add3A_459 = arith.addi %mul3A_0, %add3A_458 : i32
    %add3A_460 = vector.broadcast %add3A_459 : i32 to vector<16xi32>
    %add3A_461 = arith.addi %add3A_460, %iota3A : vector<16xi32>
    %lt3A_462 = arith.constant 10000 : i32
    %lt3A_463 = vector.broadcast %lt3A_462 : i32 to vector<16xi32>
    %lt3A_464 = arith.cmpi slt, %add3A_461, %lt3A_463 : vector<16xi32>
    %jit3A_465 = arith.constant 0.000000e+00 : f32
    %broadcast_in_dim3A_466 = vector.broadcast %jit3A_465 : f32 to vector<16xf32>
    %select_n3A_467 = arith.select %lt3A_464, %mul3A_457, %broadcast_in_dim3A_466 : vector<16xi1>, vector<16xf32>
    %swap3A_468 = arith.constant 64 : index
    %swap3A_469 = tpu.vector_load %arg13[%swap3A_468] {strides = array<i32>} : memref<640xf32, #tpu.memory_space<vmem>>, vector<16xf32>,
    tpu.vector_store %arg13[%swap3A_468], %select_n3A_467 {strides = array<i32>} : memref<640xf32, #tpu.memory_space<vmem>>, vector<16xf32>,
    %get3A_470 = arith.constant 80 : index
    %get3A_471 = tpu.vector_load %arg12[%get3A_470] {strides = array<i32>} : memref<640xf32, #tpu.memory_space<vmem>>, vector<16xf32>,
    %get3A_472 = arith.constant 80 : index
    %get3A_473 = tpu.vector_load %arg13[%get3A_472] {strides = array<i32>} : memref<640xf32, #tpu.memory_space<vmem>>, vector<16xf32>,
    %add3A_474 = arith.addf %get3A_473, %get3A_471 : vector<16xf32>
    %mul3A_475 = arith.mulf %get3A_471, %add3A_474 : vector<16xf32>
    %add3A_476 = arith.constant 80 : i32
    %add3A_477 = arith.addi %mul3A_0, %add3A_476 : i32
    %add3A_478 = vector.broadcast %add3A_477 : i32 to vector<16xi32>
    %add3A_479 = arith.addi %add3A_478, %iota3A : vector<16xi32>
    %lt3A_480 = arith.constant 10000 : i32
    %lt3A_481 = vector.broadcast %lt3A_480 : i32 to vector<16xi32>
    %lt3A_482 = arith.cmpi slt, %add3A_479, %lt3A_481 : vector<16xi32>
    %jit3A_483 = arith.constant 0.000000e+00 : f32
    %broadcast_in_dim3A_484 = vector.broadcast %jit3A_483 : f32 to vector<16xf32>
    %select_n3A_485 = arith.select %lt3A_482, %mul3A_475, %broadcast_in_dim3A_484 : vector<16xi1>, vector<16xf32>
    %swap3A_486 = arith.constant 80 : index
    %swap3A_487 = tpu.vector_load %arg13[%swap3A_486] {strides = array<i32>} : memref<640xf32, #tpu.memory_space<vmem>>, vector<16xf32>,
    tpu.vector_store %arg13[%swap3A_486], %select_n3A_485 {strides = array<i32>} : memref<640xf32, #tpu.memory_space<vmem>>, vector<16xf32>,
    %get3A_488 = arith.constant 96 : index
    %get3A_489 = tpu.vector_load %arg12[%get3A_488] {strides = array<i32>} : memref<640xf32, #tpu.memory_space<vmem>>, vector<16xf32>,
    %get3A_490 = arith.constant 96 : index
    %get3A_491 = tpu.vector_load %arg13[%get3A_490] {strides = array<i32>} : memref<640xf32, #tpu.memory_space<vmem>>, vector<16xf32>,
    %add3A_492 = arith.addf %get3A_491, %get3A_489 : vector<16xf32>
    %mul3A_493 = arith.mulf %get3A_489, %add3A_492 : vector<16xf32>
    %add3A_494 = arith.constant 96 : i32
    %add3A_495 = arith.addi %mul3A_0, %add3A_494 : i32
    %add3A_496 = vector.broadcast %add3A_495 : i32 to vector<16xi32>
    %add3A_497 = arith.addi %add3A_496, %iota3A : vector<16xi32>
    %lt3A_498 = arith.constant 10000 : i32
    %lt3A_499 = vector.broadcast %lt3A_498 : i32 to vector<16xi32>
    %lt3A_500 = arith.cmpi slt, %add3A_497, %lt3A_499 : vector<16xi32>
    %jit3A_501 = arith.constant 0.000000e+00 : f32
    %broadcast_in_dim3A_502 = vector.broadcast %jit3A_501 : f32 to vector<16xf32>
    %select_n3A_503 = arith.select %lt3A_500, %mul3A_493, %broadcast_in_dim3A_502 : vector<16xi1>, vector<16xf32>
    %swap3A_504 = arith.constant 96 : index
    %swap3A_505 = tpu.vector_load %arg13[%swap3A_504] {strides = array<i32>} : memref<640xf32, #tpu.memory_space<vmem>>, vector<16xf32>,
    tpu.vector_store %arg13[%swap3A_504], %select_n3A_503 {strides = array<i32>} : memref<640xf32, #tpu.memory_space<vmem>>, vector<16xf32>,
    %get3A_506 = arith.constant 112 : index
    %get3A_507 = tpu.vector_load %arg12[%get3A_506] {strides = array<i32>} : memref<640xf32, #tpu.memory_space<vmem>>, vector<16xf32>,
    %get3A_508 = arith.constant 112 : index
    %get3A_509 = tpu.vector_load %arg13[%get3A_508] {strides = array<i32>} : memref<640xf32, #tpu.memory_space<vmem>>, vector<16xf32>,
    %add3A_510 = arith.addf %get3A_509, %get3A_507 : vector<16xf32>
    %mul3A_511 = arith.mulf %get3A_507, %add3A_510 : vector<16xf32>
    %add3A_512 = arith.constant 112 : i32
    %add3A_513 = arith.addi %mul3A_0, %add3A_512 : i32
    %add3A_514 = vector.broadcast %add3A_513 : i32 to vector<16xi32>
    %add3A_515 = arith.addi %add3A_514, %iota3A : vector<16xi32>
    %lt3A_516 = arith.constant 10000 : i32
    %lt3A_517 = vector.broadcast %lt3A_516 : i32 to vector<16xi32>
    %lt3A_518 = arith.cmpi slt, %add3A_515, %lt3A_517 : vector<16xi32>
    %jit3A_519 = arith.constant 0.000000e+00 : f32
    %broadcast_in_dim3A_520 = vector.broadcast %jit3A_519 : f32 to vector<16xf32>
    %select_n3A_521 = arith.select %lt3A_518, %mul3A_511, %broadcast_in_dim3A_520 : vector<16xi1>, vector<16xf32>
    %swap3A_522 = arith.constant 112 : index
    %swap3A_523 = tpu.vector_load %arg13[%swap3A_522] {strides = array<i32>} : memref<640xf32, #tpu.memory_space<vmem>>, vector<16xf32>,
    tpu.vector_store %arg13[%swap3A_522], %select_n3A_521 {strides = array<i32>} : memref<640xf32, #tpu.memory_space<vmem>>, vector<16xf32>,
    %get3A_524 = arith.constant 128 : index
    %get3A_525 = tpu.vector_load %arg12[%get3A_524] {strides = array<i32>} : memref<640xf32, #tpu.memory_space<vmem>>, vector<16xf32>,
    %get3A_526 = arith.constant 128 : index
    %get3A_527 = tpu.vector_load %arg13[%get3A_526] {strides = array<i32>} : memref<640xf32, #tpu.memory_space<vmem>>, vector<16xf32>,
    %add3A_528 = arith.addf %get3A_527, %get3A_525 : vector<16xf32>
    %mul3A_529 = arith.mulf %get3A_525, %add3A_528 : vector<16xf32>
    %add3A_530 = arith.constant 128 : i32
    %add3A_531 = arith.addi %mul3A_0, %add3A_530 : i32
    %add3A_532 = vector.broadcast %add3A_531 : i32 to vector<16xi32>
    %add3A_533 = arith.addi %add3A_532, %iota3A : vector<16xi32>
    %lt3A_534 = arith.constant 10000 : i32
    %lt3A_535 = vector.broadcast %lt3A_534 : i32 to vector<16xi32>
    %lt3A_536 = arith.cmpi slt, %add3A_533, %lt3A_535 : vector<16xi32>
    %jit3A_537 = arith.constant 0.000000e+00 : f32
    %broadcast_in_dim3A_538 = vector.broadcast %jit3A_537 : f32 to vector<16xf32>
    %select_n3A_539 = arith.select %lt3A_536, %mul3A_529, %broadcast_in_dim3A_538 : vector<16xi1>, vector<16xf32>
    %swap3A_540 = arith.constant 128 : index
    %swap3A_541 = tpu.vector_load %arg13[%swap3A_540] {strides = array<i32>} : memref<640xf32, #tpu.memory_space<vmem>>, vector<16xf32>,
    tpu.vector_store %arg13[%swap3A_540], %select_n3A_539 {strides = array<i32>} : memref<640xf32, #tpu.memory_space<vmem>>, vector<16xf32>,
    %get3A_542 = arith.constant 144 : index
    %get3A_543 = tpu.vector_load %arg12[%get3A_542] {strides = array<i32>} : memref<640xf32, #tpu.memory_space<vmem>>, vector<16xf32>,
    %get3A_544 = arith.constant 144 : index
    %get3A_545 = tpu.vector_load %arg13[%get3A_544] {strides = array<i32>} : memref<640xf32, #tpu.memory_space<vmem>>, vector<16xf32>,
    %add3A_546 = arith.addf %get3A_545, %get3A_543 : vector<16xf32>
    %mul3A_547 = arith.mulf %get3A_543, %add3A_546 : vector<16xf32>
    %add3A_548 = arith.constant 144 : i32
    %add3A_549 = arith.addi %mul3A_0, %add3A_548 : i32
    %add3A_550 = vector.broadcast %add3A_549 : i32 to vector<16xi32>
    %add3A_551 = arith.addi %add3A_550, %iota3A : vector<16xi32>
    %lt3A_552 = arith.constant 10000 : i32
    %lt3A_553 = vector.broadcast %lt3A_552 : i32 to vector<16xi32>
    %lt3A_554 = arith.cmpi slt, %add3A_551, %lt3A_553 : vector<16xi32>
    %jit3A_555 = arith.constant 0.000000e+00 : f32
    %broadcast_in_dim3A_556 = vector.broadcast %jit3A_555 : f32 to vector<16xf32>
    %select_n3A_557 = arith.select %lt3A_554, %mul3A_547, %broadcast_in_dim3A_556 : vector<16xi1>, vector<16xf32>
    %swap3A_558 = arith.constant 144 : index
    %swap3A_559 = tpu.vector_load %arg13[%swap3A_558] {strides = array<i32>} : memref<640xf32, #tpu.memory_space<vmem>>, vector<16xf32>,
    tpu.vector_store %arg13[%swap3A_558], %select_n3A_557 {strides = array<i32>} : memref<640xf32, #tpu.memory_space<vmem>>, vector<16xf32>,
    %get3A_560 = arith.constant 160 : index
    %get3A_561 = tpu.vector_load %arg12[%get3A_560] {strides = array<i32>} : memref<640xf32, #tpu.memory_space<vmem>>, vector<16xf32>,
    %get3A_562 = arith.constant 160 : index
    %get3A_563 = tpu.vector_load %arg13[%get3A_562] {strides = array<i32>} : memref<640xf32, #tpu.memory_space<vmem>>, vector<16xf32>,
    %add3A_564 = arith.addf %get3A_563, %get3A_561 : vector<16xf32>
    %mul3A_565 = arith.mulf %get3A_561, %add3A_564 : vector<16xf32>
    %add3A_566 = arith.constant 160 : i32
    %add3A_567 = arith.addi %mul3A_0, %add3A_566 : i32
    %add3A_568 = vector.broadcast %add3A_567 : i32 to vector<16xi32>
    %add3A_569 = arith.addi %add3A_568, %iota3A : vector<16xi32>
    %lt3A_570 = arith.constant 10000 : i32
    %lt3A_571 = vector.broadcast %lt3A_570 : i32 to vector<16xi32>
    %lt3A_572 = arith.cmpi slt, %add3A_569, %lt3A_571 : vector<16xi32>
    %jit3A_573 = arith.constant 0.000000e+00 : f32
    %broadcast_in_dim3A_574 = vector.broadcast %jit3A_573 : f32 to vector<16xf32>
    %select_n3A_575 = arith.select %lt3A_572, %mul3A_565, %broadcast_in_dim3A_574 : vector<16xi1>, vector<16xf32>
    %swap3A_576 = arith.constant 160 : index
    %swap3A_577 = tpu.vector_load %arg13[%swap3A_576] {strides = array<i32>} : memref<640xf32, #tpu.memory_space<vmem>>, vector<16xf32>,
    tpu.vector_store %arg13[%swap3A_576], %select_n3A_575 {strides = array<i32>} : memref<640xf32, #tpu.memory_space<vmem>>, vector<16xf32>,
    %get3A_578 = arith.constant 176 : index
    %get3A_579 = tpu.vector_load %arg12[%get3A_578] {strides = array<i32>} : memref<640xf32, #tpu.memory_space<vmem>>, vector<16xf32>,
    %get3A_580 = arith.constant 176 : index
    %get3A_581 = tpu.vector_load %arg13[%get3A_580] {strides = array<i32>} : memref<640xf32, #tpu.memory_space<vmem>>, vector<16xf32>,
    %add3A_582 = arith.addf %get3A_581, %get3A_579 : vector<16xf32>
    %mul3A_583 = arith.mulf %get3A_579, %add3A_582 : vector<16xf32>
    %add3A_584 = arith.constant 176 : i32
    %add3A_585 = arith.addi %mul3A_0, %add3A_584 : i32
    %add3A_586 = vector.broadcast %add3A_585 : i32 to vector<16xi32>
    %add3A_587 = arith.addi %add3A_586, %iota3A : vector<16xi32>
    %lt3A_588 = arith.constant 10000 : i32
    %lt3A_589 = vector.broadcast %lt3A_588 : i32 to vector<16xi32>
    %lt3A_590 = arith.cmpi slt, %add3A_587, %lt3A_589 : vector<16xi32>
    %jit3A_591 = arith.constant 0.000000e+00 : f32
    %broadcast_in_dim3A_592 = vector.broadcast %jit3A_591 : f32 to vector<16xf32>
    %select_n3A_593 = arith.select %lt3A_590, %mul3A_583, %broadcast_in_dim3A_592 : vector<16xi1>, vector<16xf32>
    %swap3A_594 = arith.constant 176 : index
    %swap3A_595 = tpu.vector_load %arg13[%swap3A_594] {strides = array<i32>} : memref<640xf32, #tpu.memory_space<vmem>>, vector<16xf32>,
    tpu.vector_store %arg13[%swap3A_594], %select_n3A_593 {strides = array<i32>} : memref<640xf32, #tpu.memory_space<vmem>>, vector<16xf32>,
    %get3A_596 = arith.constant 192 : index
    %get3A_597 = tpu.vector_load %arg12[%get3A_596] {strides = array<i32>} : memref<640xf32, #tpu.memory_space<vmem>>, vector<16xf32>,
    %get3A_598 = arith.constant 192 : index
    %get3A_599 = tpu.vector_load %arg13[%get3A_598] {strides = array<i32>} : memref<640xf32, #tpu.memory_space<vmem>>, vector<16xf32>,
    %add3A_600 = arith.addf %get3A_599, %get3A_597 : vector<16xf32>
    %mul3A_601 = arith.mulf %get3A_597, %add3A_600 : vector<16xf32>
    %add3A_602 = arith.constant 192 : i32
    %add3A_603 = arith.addi %mul3A_0, %add3A_602 : i32
    %add3A_604 = vector.broadcast %add3A_603 : i32 to vector<16xi32>
    %add3A_605 = arith.addi %add3A_604, %iota3A : vector<16xi32>
    %lt3A_606 = arith.constant 10000 : i32
    %lt3A_607 = vector.broadcast %lt3A_606 : i32 to vector<16xi32>
    %lt3A_608 = arith.cmpi slt, %add3A_605, %lt3A_607 : vector<16xi32>
    %jit3A_609 = arith.constant 0.000000e+00 : f32
    %broadcast_in_dim3A_610 = vector.broadcast %jit3A_609 : f32 to vector<16xf32>
    %select_n3A_611 = arith.select %lt3A_608, %mul3A_601, %broadcast_in_dim3A_610 : vector<16xi1>, vector<16xf32>
    %swap3A_612 = arith.constant 192 : index
    %swap3A_613 = tpu.vector_load %arg13[%swap3A_612] {strides = array<i32>} : memref<640xf32, #tpu.memory_space<vmem>>, vector<16xf32>,
    tpu.vector_store %arg13[%swap3A_612], %select_n3A_611 {strides = array<i32>} : memref<640xf32, #tpu.memory_space<vmem>>, vector<16xf32>,
    %get3A_614 = arith.constant 208 : index
    %get3A_615 = tpu.vector_load %arg12[%get3A_614] {strides = array<i32>} : memref<640xf32, #tpu.memory_space<vmem>>, vector<16xf32>,
    %get3A_616 = arith.constant 208 : index
    %get3A_617 = tpu.vector_load %arg13[%get3A_616] {strides = array<i32>} : memref<640xf32, #tpu.memory_space<vmem>>, vector<16xf32>,
    %add3A_618 = arith.addf %get3A_617, %get3A_615 : vector<16xf32>
    %mul3A_619 = arith.mulf %get3A_615, %add3A_618 : vector<16xf32>
    %add3A_620 = arith.constant 208 : i32
    %add3A_621 = arith.addi %mul3A_0, %add3A_620 : i32
    %add3A_622 = vector.broadcast %add3A_621 : i32 to vector<16xi32>
    %add3A_623 = arith.addi %add3A_622, %iota3A : vector<16xi32>
    %lt3A_624 = arith.constant 10000 : i32
    %lt3A_625 = vector.broadcast %lt3A_624 : i32 to vector<16xi32>
    %lt3A_626 = arith.cmpi slt, %add3A_623, %lt3A_625 : vector<16xi32>
    %jit3A_627 = arith.constant 0.000000e+00 : f32
    %broadcast_in_dim3A_628 = vector.broadcast %jit3A_627 : f32 to vector<16xf32>
    %select_n3A_629 = arith.select %lt3A_626, %mul3A_619, %broadcast_in_dim3A_628 : vector<16xi1>, vector<16xf32>
    %swap3A_630 = arith.constant 208 : index
    %swap3A_631 = tpu.vector_load %arg13[%swap3A_630] {strides = array<i32>} : memref<640xf32, #tpu.memory_space<vmem>>, vector<16xf32>,
    tpu.vector_store %arg13[%swap3A_630], %select_n3A_629 {strides = array<i32>} : memref<640xf32, #tpu.memory_space<vmem>>, vector<16xf32>,
    %get3A_632 = arith.constant 224 : index
    %get3A_633 = tpu.vector_load %arg12[%get3A_632] {strides = array<i32>} : memref<640xf32, #tpu.memory_space<vmem>>, vector<16xf32>,
    %get3A_634 = arith.constant 224 : index
    %get3A_635 = tpu.vector_load %arg13[%get3A_634] {strides = array<i32>} : memref<640xf32, #tpu.memory_space<vmem>>, vector<16xf32>,
    %add3A_636 = arith.addf %get3A_635, %get3A_633 : vector<16xf32>
    %mul3A_637 = arith.mulf %get3A_633, %add3A_636 : vector<16xf32>
    %add3A_638 = arith.constant 224 : i32
    %add3A_639 = arith.addi %mul3A_0, %add3A_638 : i32
    %add3A_640 = vector.broadcast %add3A_639 : i32 to vector<16xi32>
    %add3A_641 = arith.addi %add3A_640, %iota3A : vector<16xi32>
    %lt3A_642 = arith.constant 10000 : i32
    %lt3A_643 = vector.broadcast %lt3A_642 : i32 to vector<16xi32>
    %lt3A_644 = arith.cmpi slt, %add3A_641, %lt3A_643 : vector<16xi32>
    %jit3A_645 = arith.constant 0.000000e+00 : f32
    %broadcast_in_dim3A_646 = vector.broadcast %jit3A_645 : f32 to vector<16xf32>
    %select_n3A_647 = arith.select %lt3A_644, %mul3A_637, %broadcast_in_dim3A_646 : vector<16xi1>, vector<16xf32>
    %swap3A_648 = arith.constant 224 : index
    %swap3A_649 = tpu.vector_load %arg13[%swap3A_648] {strides = array<i32>} : memref<640xf32, #tpu.memory_space<vmem>>, vector<16xf32>,
    tpu.vector_store %arg13[%swap3A_648], %select_n3A_647 {strides = array<i32>} : memref<640xf32, #tpu.memory_space<vmem>>, vector<16xf32>,
    %get3A_650 = arith.constant 240 : index
    %get3A_651 = tpu.vector_load %arg12[%get3A_650] {strides = array<i32>} : memref<640xf32, #tpu.memory_space<vmem>>, vector<16xf32>,
    %get3A_652 = arith.constant 240 : index
    %get3A_653 = tpu.vector_load %arg13[%get3A_652] {strides = array<i32>} : memref<640xf32, #tpu.memory_space<vmem>>, vector<16xf32>,
    %add3A_654 = arith.addf %get3A_653, %get3A_651 : vector<16xf32>
    %mul3A_655 = arith.mulf %get3A_651, %add3A_654 : vector<16xf32>
    %add3A_656 = arith.constant 240 : i32
    %add3A_657 = arith.addi %mul3A_0, %add3A_656 : i32
    %add3A_658 = vector.broadcast %add3A_657 : i32 to vector<16xi32>
    %add3A_659 = arith.addi %add3A_658, %iota3A : vector<16xi32>
    %lt3A_660 = arith.constant 10000 : i32
    %lt3A_661 = vector.broadcast %lt3A_660 : i32 to vector<16xi32>
    %lt3A_662 = arith.cmpi slt, %add3A_659, %lt3A_661 : vector<16xi32>
    %jit3A_663 = arith.constant 0.000000e+00 : f32
    %broadcast_in_dim3A_664 = vector.broadcast %jit3A_663 : f32 to vector<16xf32>
    %select_n3A_665 = arith.select %lt3A_662, %mul3A_655, %broadcast_in_dim3A_664 : vector<16xi1>, vector<16xf32>
    %swap3A_666 = arith.constant 240 : index
    %swap3A_667 = tpu.vector_load %arg13[%swap3A_666] {strides = array<i32>} : memref<640xf32, #tpu.memory_space<vmem>>, vector<16xf32>,
    tpu.vector_store %arg13[%swap3A_666], %select_n3A_665 {strides = array<i32>} : memref<640xf32, #tpu.memory_space<vmem>>, vector<16xf32>,
    %get3A_668 = arith.constant 256 : index
    %get3A_669 = tpu.vector_load %arg12[%get3A_668] {strides = array<i32>} : memref<640xf32, #tpu.memory_space<vmem>>, vector<16xf32>,
    %get3A_670 = arith.constant 256 : index
    %get3A_671 = tpu.vector_load %arg13[%get3A_670] {strides = array<i32>} : memref<640xf32, #tpu.memory_space<vmem>>, vector<16xf32>,
    %add3A_672 = arith.addf %get3A_671, %get3A_669 : vector<16xf32>
    %mul3A_673 = arith.mulf %get3A_669, %add3A_672 : vector<16xf32>
    %add3A_674 = arith.constant 256 : i32
    %add3A_675 = arith.addi %mul3A_0, %add3A_674 : i32
    %add3A_676 = vector.broadcast %add3A_675 : i32 to vector<16xi32>
    %add3A_677 = arith.addi %add3A_676, %iota3A : vector<16xi32>
    %lt3A_678 = arith.constant 10000 : i32
    %lt3A_679 = vector.broadcast %lt3A_678 : i32 to vector<16xi32>
    %lt3A_680 = arith.cmpi slt, %add3A_677, %lt3A_679 : vector<16xi32>
    %jit3A_681 = arith.constant 0.000000e+00 : f32
    %broadcast_in_dim3A_682 = vector.broadcast %jit3A_681 : f32 to vector<16xf32>
    %select_n3A_683 = arith.select %lt3A_680, %mul3A_673, %broadcast_in_dim3A_682 : vector<16xi1>, vector<16xf32>
    %swap3A_684 = arith.constant 256 : index
    %swap3A_685 = tpu.vector_load %arg13[%swap3A_684] {strides = array<i32>} : memref<640xf32, #tpu.memory_space<vmem>>, vector<16xf32>,
    tpu.vector_store %arg13[%swap3A_684], %select_n3A_683 {strides = array<i32>} : memref<640xf32, #tpu.memory_space<vmem>>, vector<16xf32>,
    %get3A_686 = arith.constant 272 : index
    %get3A_687 = tpu.vector_load %arg12[%get3A_686] {strides = array<i32>} : memref<640xf32, #tpu.memory_space<vmem>>, vector<16xf32>,
    %get3A_688 = arith.constant 272 : index
    %get3A_689 = tpu.vector_load %arg13[%get3A_688] {strides = array<i32>} : memref<640xf32, #tpu.memory_space<vmem>>, vector<16xf32>,
    %add3A_690 = arith.addf %get3A_689, %get3A_687 : vector<16xf32>
    %mul3A_691 = arith.mulf %get3A_687, %add3A_690 : vector<16xf32>
    %add3A_692 = arith.constant 272 : i32
    %add3A_693 = arith.addi %mul3A_0, %add3A_692 : i32
    %add3A_694 = vector.broadcast %add3A_693 : i32 to vector<16xi32>
    %add3A_695 = arith.addi %add3A_694, %iota3A : vector<16xi32>
    %lt3A_696 = arith.constant 10000 : i32
    %lt3A_697 = vector.broadcast %lt3A_696 : i32 to vector<16xi32>
    %lt3A_698 = arith.cmpi slt, %add3A_695, %lt3A_697 : vector<16xi32>
    %jit3A_699 = arith.constant 0.000000e+00 : f32
    %broadcast_in_dim3A_700 = vector.broadcast %jit3A_699 : f32 to vector<16xf32>
    %select_n3A_701 = arith.select %lt3A_698, %mul3A_691, %broadcast_in_dim3A_700 : vector<16xi1>, vector<16xf32>
    %swap3A_702 = arith.constant 272 : index
    %swap3A_703 = tpu.vector_load %arg13[%swap3A_702] {strides = array<i32>} : memref<640xf32, #tpu.memory_space<vmem>>, vector<16xf32>,
    tpu.vector_store %arg13[%swap3A_702], %select_n3A_701 {strides = array<i32>} : memref<640xf32, #tpu.memory_space<vmem>>, vector<16xf32>,
    %get3A_704 = arith.constant 288 : index
    %get3A_705 = tpu.vector_load %arg12[%get3A_704] {strides = array<i32>} : memref<640xf32, #tpu.memory_space<vmem>>, vector<16xf32>,
    %get3A_706 = arith.constant 288 : index
    %get3A_707 = tpu.vector_load %arg13[%get3A_706] {strides = array<i32>} : memref<640xf32, #tpu.memory_space<vmem>>, vector<16xf32>,
    %add3A_708 = arith.addf %get3A_707, %get3A_705 : vector<16xf32>
    %mul3A_709 = arith.mulf %get3A_705, %add3A_708 : vector<16xf32>
    %add3A_710 = arith.constant 288 : i32
    %add3A_711 = arith.addi %mul3A_0, %add3A_710 : i32
    %add3A_712 = vector.broadcast %add3A_711 : i32 to vector<16xi32>
    %add3A_713 = arith.addi %add3A_712, %iota3A : vector<16xi32>
    %lt3A_714 = arith.constant 10000 : i32
    %lt3A_715 = vector.broadcast %lt3A_714 : i32 to vector<16xi32>
    %lt3A_716 = arith.cmpi slt, %add3A_713, %lt3A_715 : vector<16xi32>
    %jit3A_717 = arith.constant 0.000000e+00 : f32
    %broadcast_in_dim3A_718 = vector.broadcast %jit3A_717 : f32 to vector<16xf32>
    %select_n3A_719 = arith.select %lt3A_716, %mul3A_709, %broadcast_in_dim3A_718 : vector<16xi1>, vector<16xf32>
    %swap3A_720 = arith.constant 288 : index
    %swap3A_721 = tpu.vector_load %arg13[%swap3A_720] {strides = array<i32>} : memref<640xf32, #tpu.memory_space<vmem>>, vector<16xf32>,
    tpu.vector_store %arg13[%swap3A_720], %select_n3A_719 {strides = array<i32>} : memref<640xf32, #tpu.memory_space<vmem>>, vector<16xf32>,
    %get3A_722 = arith.constant 304 : index
    %get3A_723 = tpu.vector_load %arg12[%get3A_722] {strides = array<i32>} : memref<640xf32, #tpu.memory_space<vmem>>, vector<16xf32>,
    %get3A_724 = arith.constant 304 : index
    %get3A_725 = tpu.vector_load %arg13[%get3A_724] {strides = array<i32>} : memref<640xf32, #tpu.memory_space<vmem>>, vector<16xf32>,
    %add3A_726 = arith.addf %get3A_725, %get3A_723 : vector<16xf32>
    %mul3A_727 = arith.mulf %get3A_723, %add3A_726 : vector<16xf32>
    %add3A_728 = arith.constant 304 : i32
    %add3A_729 = arith.addi %mul3A_0, %add3A_728 : i32
    %add3A_730 = vector.broadcast %add3A_729 : i32 to vector<16xi32>
    %add3A_731 = arith.addi %add3A_730, %iota3A : vector<16xi32>
    %lt3A_732 = arith.constant 10000 : i32
    %lt3A_733 = vector.broadcast %lt3A_732 : i32 to vector<16xi32>
    %lt3A_734 = arith.cmpi slt, %add3A_731, %lt3A_733 : vector<16xi32>
    %jit3A_735 = arith.constant 0.000000e+00 : f32
    %broadcast_in_dim3A_736 = vector.broadcast %jit3A_735 : f32 to vector<16xf32>
    %select_n3A_737 = arith.select %lt3A_734, %mul3A_727, %broadcast_in_dim3A_736 : vector<16xi1>, vector<16xf32>
    %swap3A_738 = arith.constant 304 : index
    %swap3A_739 = tpu.vector_load %arg13[%swap3A_738] {strides = array<i32>} : memref<640xf32, #tpu.memory_space<vmem>>, vector<16xf32>,
    tpu.vector_store %arg13[%swap3A_738], %select_n3A_737 {strides = array<i32>} : memref<640xf32, #tpu.memory_space<vmem>>, vector<16xf32>,
    %get3A_740 = arith.constant 320 : index
    %get3A_741 = tpu.vector_load %arg12[%get3A_740] {strides = array<i32>} : memref<640xf32, #tpu.memory_space<vmem>>, vector<16xf32>,
    %get3A_742 = arith.constant 320 : index
    %get3A_743 = tpu.vector_load %arg13[%get3A_742] {strides = array<i32>} : memref<640xf32, #tpu.memory_space<vmem>>, vector<16xf32>,
    %add3A_744 = arith.addf %get3A_743, %get3A_741 : vector<16xf32>
    %mul3A_745 = arith.mulf %get3A_741, %add3A_744 : vector<16xf32>
    %add3A_746 = arith.constant 320 : i32
    %add3A_747 = arith.addi %mul3A_0, %add3A_746 : i32
    %add3A_748 = vector.broadcast %add3A_747 : i32 to vector<16xi32>
    %add3A_749 = arith.addi %add3A_748, %iota3A : vector<16xi32>
    %lt3A_750 = arith.constant 10000 : i32
    %lt3A_751 = vector.broadcast %lt3A_750 : i32 to vector<16xi32>
    %lt3A_752 = arith.cmpi slt, %add3A_749, %lt3A_751 : vector<16xi32>
    %jit3A_753 = arith.constant 0.000000e+00 : f32
    %broadcast_in_dim3A_754 = vector.broadcast %jit3A_753 : f32 to vector<16xf32>
    %select_n3A_755 = arith.select %lt3A_752, %mul3A_745, %broadcast_in_dim3A_754 : vector<16xi1>, vector<16xf32>
    %swap3A_756 = arith.constant 320 : index
    %swap3A_757 = tpu.vector_load %arg13[%swap3A_756] {strides = array<i32>} : memref<640xf32, #tpu.memory_space<vmem>>, vector<16xf32>,
    tpu.vector_store %arg13[%swap3A_756], %select_n3A_755 {strides = array<i32>} : memref<640xf32, #tpu.memory_space<vmem>>, vector<16xf32>,
    %get3A_758 = arith.constant 336 : index
    %get3A_759 = tpu.vector_load %arg12[%get3A_758] {strides = array<i32>} : memref<640xf32, #tpu.memory_space<vmem>>, vector<16xf32>,
    %get3A_760 = arith.constant 336 : index
    %get3A_761 = tpu.vector_load %arg13[%get3A_760] {strides = array<i32>} : memref<640xf32, #tpu.memory_space<vmem>>, vector<16xf32>,
    %add3A_762 = arith.addf %get3A_761, %get3A_759 : vector<16xf32>
    %mul3A_763 = arith.mulf %get3A_759, %add3A_762 : vector<16xf32>
    %add3A_764 = arith.constant 336 : i32
    %add3A_765 = arith.addi %mul3A_0, %add3A_764 : i32
    %add3A_766 = vector.broadcast %add3A_765 : i32 to vector<16xi32>
    %add3A_767 = arith.addi %add3A_766, %iota3A : vector<16xi32>
    %lt3A_768 = arith.constant 10000 : i32
    %lt3A_769 = vector.broadcast %lt3A_768 : i32 to vector<16xi32>
    %lt3A_770 = arith.cmpi slt, %add3A_767, %lt3A_769 : vector<16xi32>
    %jit3A_771 = arith.constant 0.000000e+00 : f32
    %broadcast_in_dim3A_772 = vector.broadcast %jit3A_771 : f32 to vector<16xf32>
    %select_n3A_773 = arith.select %lt3A_770, %mul3A_763, %broadcast_in_dim3A_772 : vector<16xi1>, vector<16xf32>
    %swap3A_774 = arith.constant 336 : index
    %swap3A_775 = tpu.vector_load %arg13[%swap3A_774] {strides = array<i32>} : memref<640xf32, #tpu.memory_space<vmem>>, vector<16xf32>,
    tpu.vector_store %arg13[%swap3A_774], %select_n3A_773 {strides = array<i32>} : memref<640xf32, #tpu.memory_space<vmem>>, vector<16xf32>,
    %get3A_776 = arith.constant 352 : index
    %get3A_777 = tpu.vector_load %arg12[%get3A_776] {strides = array<i32>} : memref<640xf32, #tpu.memory_space<vmem>>, vector<16xf32>,
    %get3A_778 = arith.constant 352 : index
    %get3A_779 = tpu.vector_load %arg13[%get3A_778] {strides = array<i32>} : memref<640xf32, #tpu.memory_space<vmem>>, vector<16xf32>,
    %add3A_780 = arith.addf %get3A_779, %get3A_777 : vector<16xf32>
    %mul3A_781 = arith.mulf %get3A_777, %add3A_780 : vector<16xf32>
    %add3A_782 = arith.constant 352 : i32
    %add3A_783 = arith.addi %mul3A_0, %add3A_782 : i32
    %add3A_784 = vector.broadcast %add3A_783 : i32 to vector<16xi32>
    %add3A_785 = arith.addi %add3A_784, %iota3A : vector<16xi32>
    %lt3A_786 = arith.constant 10000 : i32
    %lt3A_787 = vector.broadcast %lt3A_786 : i32 to vector<16xi32>
    %lt3A_788 = arith.cmpi slt, %add3A_785, %lt3A_787 : vector<16xi32>
    %jit3A_789 = arith.constant 0.000000e+00 : f32
    %broadcast_in_dim3A_790 = vector.broadcast %jit3A_789 : f32 to vector<16xf32>
    %select_n3A_791 = arith.select %lt3A_788, %mul3A_781, %broadcast_in_dim3A_790 : vector<16xi1>, vector<16xf32>
    %swap3A_792 = arith.constant 352 : index
    %swap3A_793 = tpu.vector_load %arg13[%swap3A_792] {strides = array<i32>} : memref<640xf32, #tpu.memory_space<vmem>>, vector<16xf32>,
    tpu.vector_store %arg13[%swap3A_792], %select_n3A_791 {strides = array<i32>} : memref<640xf32, #tpu.memory_space<vmem>>, vector<16xf32>,
    %get3A_794 = arith.constant 368 : index
    %get3A_795 = tpu.vector_load %arg12[%get3A_794] {strides = array<i32>} : memref<640xf32, #tpu.memory_space<vmem>>, vector<16xf32>,
    %get3A_796 = arith.constant 368 : index
    %get3A_797 = tpu.vector_load %arg13[%get3A_796] {strides = array<i32>} : memref<640xf32, #tpu.memory_space<vmem>>, vector<16xf32>,
    %add3A_798 = arith.addf %get3A_797, %get3A_795 : vector<16xf32>
    %mul3A_799 = arith.mulf %get3A_795, %add3A_798 : vector<16xf32>
    %add3A_800 = arith.constant 368 : i32
    %add3A_801 = arith.addi %mul3A_0, %add3A_800 : i32
    %add3A_802 = vector.broadcast %add3A_801 : i32 to vector<16xi32>
    %add3A_803 = arith.addi %add3A_802, %iota3A : vector<16xi32>
    %lt3A_804 = arith.constant 10000 : i32
    %lt3A_805 = vector.broadcast %lt3A_804 : i32 to vector<16xi32>
    %lt3A_806 = arith.cmpi slt, %add3A_803, %lt3A_805 : vector<16xi32>
    %jit3A_807 = arith.constant 0.000000e+00 : f32
    %broadcast_in_dim3A_808 = vector.broadcast %jit3A_807 : f32 to vector<16xf32>
    %select_n3A_809 = arith.select %lt3A_806, %mul3A_799, %broadcast_in_dim3A_808 : vector<16xi1>, vector<16xf32>
    %swap3A_810 = arith.constant 368 : index
    %swap3A_811 = tpu.vector_load %arg13[%swap3A_810] {strides = array<i32>} : memref<640xf32, #tpu.memory_space<vmem>>, vector<16xf32>,
    tpu.vector_store %arg13[%swap3A_810], %select_n3A_809 {strides = array<i32>} : memref<640xf32, #tpu.memory_space<vmem>>, vector<16xf32>,
    %get3A_812 = arith.constant 384 : index
    %get3A_813 = tpu.vector_load %arg12[%get3A_812] {strides = array<i32>} : memref<640xf32, #tpu.memory_space<vmem>>, vector<16xf32>,
    %get3A_814 = arith.constant 384 : index
    %get3A_815 = tpu.vector_load %arg13[%get3A_814] {strides = array<i32>} : memref<640xf32, #tpu.memory_space<vmem>>, vector<16xf32>,
    %add3A_816 = arith.addf %get3A_815, %get3A_813 : vector<16xf32>
    %mul3A_817 = arith.mulf %get3A_813, %add3A_816 : vector<16xf32>
    %add3A_818 = arith.constant 384 : i32
    %add3A_819 = arith.addi %mul3A_0, %add3A_818 : i32
    %add3A_820 = vector.broadcast %add3A_819 : i32 to vector<16xi32>
    %add3A_821 = arith.addi %add3A_820, %iota3A : vector<16xi32>
    %lt3A_822 = arith.constant 10000 : i32
    %lt3A_823 = vector.broadcast %lt3A_822 : i32 to vector<16xi32>
    %lt3A_824 = arith.cmpi slt, %add3A_821, %lt3A_823 : vector<16xi32>
    %jit3A_825 = arith.constant 0.000000e+00 : f32
    %broadcast_in_dim3A_826 = vector.broadcast %jit3A_825 : f32 to vector<16xf32>
    %select_n3A_827 = arith.select %lt3A_824, %mul3A_817, %broadcast_in_dim3A_826 : vector<16xi1>, vector<16xf32>
    %swap3A_828 = arith.constant 384 : index
    %swap3A_829 = tpu.vector_load %arg13[%swap3A_828] {strides = array<i32>} : memref<640xf32, #tpu.memory_space<vmem>>, vector<16xf32>,
    tpu.vector_store %arg13[%swap3A_828], %select_n3A_827 {strides = array<i32>} : memref<640xf32, #tpu.memory_space<vmem>>, vector<16xf32>,
    %get3A_830 = arith.constant 400 : index
    %get3A_831 = tpu.vector_load %arg12[%get3A_830] {strides = array<i32>} : memref<640xf32, #tpu.memory_space<vmem>>, vector<16xf32>,
    %get3A_832 = arith.constant 400 : index
    %get3A_833 = tpu.vector_load %arg13[%get3A_832] {strides = array<i32>} : memref<640xf32, #tpu.memory_space<vmem>>, vector<16xf32>,
    %add3A_834 = arith.addf %get3A_833, %get3A_831 : vector<16xf32>
    %mul3A_835 = arith.mulf %get3A_831, %add3A_834 : vector<16xf32>
    %add3A_836 = arith.constant 400 : i32
    %add3A_837 = arith.addi %mul3A_0, %add3A_836 : i32
    %add3A_838 = vector.broadcast %add3A_837 : i32 to vector<16xi32>
    %add3A_839 = arith.addi %add3A_838, %iota3A : vector<16xi32>
    %lt3A_840 = arith.constant 10000 : i32
    %lt3A_841 = vector.broadcast %lt3A_840 : i32 to vector<16xi32>
    %lt3A_842 = arith.cmpi slt, %add3A_839, %lt3A_841 : vector<16xi32>
    %jit3A_843 = arith.constant 0.000000e+00 : f32
    %broadcast_in_dim3A_844 = vector.broadcast %jit3A_843 : f32 to vector<16xf32>
    %select_n3A_845 = arith.select %lt3A_842, %mul3A_835, %broadcast_in_dim3A_844 : vector<16xi1>, vector<16xf32>
    %swap3A_846 = arith.constant 400 : index
    %swap3A_847 = tpu.vector_load %arg13[%swap3A_846] {strides = array<i32>} : memref<640xf32, #tpu.memory_space<vmem>>, vector<16xf32>,
    tpu.vector_store %arg13[%swap3A_846], %select_n3A_845 {strides = array<i32>} : memref<640xf32, #tpu.memory_space<vmem>>, vector<16xf32>,
    %get3A_848 = arith.constant 416 : index
    %get3A_849 = tpu.vector_load %arg12[%get3A_848] {strides = array<i32>} : memref<640xf32, #tpu.memory_space<vmem>>, vector<16xf32>,
    %get3A_850 = arith.constant 416 : index
    %get3A_851 = tpu.vector_load %arg13[%get3A_850] {strides = array<i32>} : memref<640xf32, #tpu.memory_space<vmem>>, vector<16xf32>,
    %add3A_852 = arith.addf %get3A_851, %get3A_849 : vector<16xf32>
    %mul3A_853 = arith.mulf %get3A_849, %add3A_852 : vector<16xf32>
    %add3A_854 = arith.constant 416 : i32
    %add3A_855 = arith.addi %mul3A_0, %add3A_854 : i32
    %add3A_856 = vector.broadcast %add3A_855 : i32 to vector<16xi32>
    %add3A_857 = arith.addi %add3A_856, %iota3A : vector<16xi32>
    %lt3A_858 = arith.constant 10000 : i32
    %lt3A_859 = vector.broadcast %lt3A_858 : i32 to vector<16xi32>
    %lt3A_860 = arith.cmpi slt, %add3A_857, %lt3A_859 : vector<16xi32>
    %jit3A_861 = arith.constant 0.000000e+00 : f32
    %broadcast_in_dim3A_862 = vector.broadcast %jit3A_861 : f32 to vector<16xf32>
    %select_n3A_863 = arith.select %lt3A_860, %mul3A_853, %broadcast_in_dim3A_862 : vector<16xi1>, vector<16xf32>
    %swap3A_864 = arith.constant 416 : index
    %swap3A_865 = tpu.vector_load %arg13[%swap3A_864] {strides = array<i32>} : memref<640xf32, #tpu.memory_space<vmem>>, vector<16xf32>,
    tpu.vector_store %arg13[%swap3A_864], %select_n3A_863 {strides = array<i32>} : memref<640xf32, #tpu.memory_space<vmem>>, vector<16xf32>,
    %get3A_866 = arith.constant 432 : index
    %get3A_867 = tpu.vector_load %arg12[%get3A_866] {strides = array<i32>} : memref<640xf32, #tpu.memory_space<vmem>>, vector<16xf32>,
    %get3A_868 = arith.constant 432 : index
    %get3A_869 = tpu.vector_load %arg13[%get3A_868] {strides = array<i32>} : memref<640xf32, #tpu.memory_space<vmem>>, vector<16xf32>,
    %add3A_870 = arith.addf %get3A_869, %get3A_867 : vector<16xf32>
    %mul3A_871 = arith.mulf %get3A_867, %add3A_870 : vector<16xf32>
    %add3A_872 = arith.constant 432 : i32
    %add3A_873 = arith.addi %mul3A_0, %add3A_872 : i32
    %add3A_874 = vector.broadcast %add3A_873 : i32 to vector<16xi32>
    %add3A_875 = arith.addi %add3A_874, %iota3A : vector<16xi32>
    %lt3A_876 = arith.constant 10000 : i32
    %lt3A_877 = vector.broadcast %lt3A_876 : i32 to vector<16xi32>
    %lt3A_878 = arith.cmpi slt, %add3A_875, %lt3A_877 : vector<16xi32>
    %jit3A_879 = arith.constant 0.000000e+00 : f32
    %broadcast_in_dim3A_880 = vector.broadcast %jit3A_879 : f32 to vector<16xf32>
    %select_n3A_881 = arith.select %lt3A_878, %mul3A_871, %broadcast_in_dim3A_880 : vector<16xi1>, vector<16xf32>
    %swap3A_882 = arith.constant 432 : index
    %swap3A_883 = tpu.vector_load %arg13[%swap3A_882] {strides = array<i32>} : memref<640xf32, #tpu.memory_space<vmem>>, vector<16xf32>,
    tpu.vector_store %arg13[%swap3A_882], %select_n3A_881 {strides = array<i32>} : memref<640xf32, #tpu.memory_space<vmem>>, vector<16xf32>,
    %get3A_884 = arith.constant 448 : index
    %get3A_885 = tpu.vector_load %arg12[%get3A_884] {strides = array<i32>} : memref<640xf32, #tpu.memory_space<vmem>>, vector<16xf32>,
    %get3A_886 = arith.constant 448 : index
    %get3A_887 = tpu.vector_load %arg13[%get3A_886] {strides = array<i32>} : memref<640xf32, #tpu.memory_space<vmem>>, vector<16xf32>,
    %add3A_888 = arith.addf %get3A_887, %get3A_885 : vector<16xf32>
    %mul3A_889 = arith.mulf %get3A_885, %add3A_888 : vector<16xf32>
    %add3A_890 = arith.constant 448 : i32
    %add3A_891 = arith.addi %mul3A_0, %add3A_890 : i32
    %add3A_892 = vector.broadcast %add3A_891 : i32 to vector<16xi32>
    %add3A_893 = arith.addi %add3A_892, %iota3A : vector<16xi32>
    %lt3A_894 = arith.constant 10000 : i32
    %lt3A_895 = vector.broadcast %lt3A_894 : i32 to vector<16xi32>
    %lt3A_896 = arith.cmpi slt, %add3A_893, %lt3A_895 : vector<16xi32>
    %jit3A_897 = arith.constant 0.000000e+00 : f32
    %broadcast_in_dim3A_898 = vector.broadcast %jit3A_897 : f32 to vector<16xf32>
    %select_n3A_899 = arith.select %lt3A_896, %mul3A_889, %broadcast_in_dim3A_898 : vector<16xi1>, vector<16xf32>
    %swap3A_900 = arith.constant 448 : index
    %swap3A_901 = tpu.vector_load %arg13[%swap3A_900] {strides = array<i32>} : memref<640xf32, #tpu.memory_space<vmem>>, vector<16xf32>,
    tpu.vector_store %arg13[%swap3A_900], %select_n3A_899 {strides = array<i32>} : memref<640xf32, #tpu.memory_space<vmem>>, vector<16xf32>,
    %get3A_902 = arith.constant 464 : index
    %get3A_903 = tpu.vector_load %arg12[%get3A_902] {strides = array<i32>} : memref<640xf32, #tpu.memory_space<vmem>>, vector<16xf32>,
    %get3A_904 = arith.constant 464 : index
    %get3A_905 = tpu.vector_load %arg13[%get3A_904] {strides = array<i32>} : memref<640xf32, #tpu.memory_space<vmem>>, vector<16xf32>,
    %add3A_906 = arith.addf %get3A_905, %get3A_903 : vector<16xf32>
    %mul3A_907 = arith.mulf %get3A_903, %add3A_906 : vector<16xf32>
    %add3A_908 = arith.constant 464 : i32
    %add3A_909 = arith.addi %mul3A_0, %add3A_908 : i32
    %add3A_910 = vector.broadcast %add3A_909 : i32 to vector<16xi32>
    %add3A_911 = arith.addi %add3A_910, %iota3A : vector<16xi32>
    %lt3A_912 = arith.constant 10000 : i32
    %lt3A_913 = vector.broadcast %lt3A_912 : i32 to vector<16xi32>
    %lt3A_914 = arith.cmpi slt, %add3A_911, %lt3A_913 : vector<16xi32>
    %jit3A_915 = arith.constant 0.000000e+00 : f32
    %broadcast_in_dim3A_916 = vector.broadcast %jit3A_915 : f32 to vector<16xf32>
    %select_n3A_917 = arith.select %lt3A_914, %mul3A_907, %broadcast_in_dim3A_916 : vector<16xi1>, vector<16xf32>
    %swap3A_918 = arith.constant 464 : index
    %swap3A_919 = tpu.vector_load %arg13[%swap3A_918] {strides = array<i32>} : memref<640xf32, #tpu.memory_space<vmem>>, vector<16xf32>,
    tpu.vector_store %arg13[%swap3A_918], %select_n3A_917 {strides = array<i32>} : memref<640xf32, #tpu.memory_space<vmem>>, vector<16xf32>,
    %get3A_920 = arith.constant 480 : index
    %get3A_921 = tpu.vector_load %arg12[%get3A_920] {strides = array<i32>} : memref<640xf32, #tpu.memory_space<vmem>>, vector<16xf32>,
    %get3A_922 = arith.constant 480 : index
    %get3A_923 = tpu.vector_load %arg13[%get3A_922] {strides = array<i32>} : memref<640xf32, #tpu.memory_space<vmem>>, vector<16xf32>,
    %add3A_924 = arith.addf %get3A_923, %get3A_921 : vector<16xf32>
    %mul3A_925 = arith.mulf %get3A_921, %add3A_924 : vector<16xf32>
    %add3A_926 = arith.constant 480 : i32
    %add3A_927 = arith.addi %mul3A_0, %add3A_926 : i32
    %add3A_928 = vector.broadcast %add3A_927 : i32 to vector<16xi32>
    %add3A_929 = arith.addi %add3A_928, %iota3A : vector<16xi32>
    %lt3A_930 = arith.constant 10000 : i32
    %lt3A_931 = vector.broadcast %lt3A_930 : i32 to vector<16xi32>
    %lt3A_932 = arith.cmpi slt, %add3A_929, %lt3A_931 : vector<16xi32>
    %jit3A_933 = arith.constant 0.000000e+00 : f32
    %broadcast_in_dim3A_934 = vector.broadcast %jit3A_933 : f32 to vector<16xf32>
    %select_n3A_935 = arith.select %lt3A_932, %mul3A_925, %broadcast_in_dim3A_934 : vector<16xi1>, vector<16xf32>
    %swap3A_936 = arith.constant 480 : index
    %swap3A_937 = tpu.vector_load %arg13[%swap3A_936] {strides = array<i32>} : memref<640xf32, #tpu.memory_space<vmem>>, vector<16xf32>,
    tpu.vector_store %arg13[%swap3A_936], %select_n3A_935 {strides = array<i32>} : memref<640xf32, #tpu.memory_space<vmem>>, vector<16xf32>,
    %get3A_938 = arith.constant 496 : index
    %get3A_939 = tpu.vector_load %arg12[%get3A_938] {strides = array<i32>} : memref<640xf32, #tpu.memory_space<vmem>>, vector<16xf32>,
    %get3A_940 = arith.constant 496 : index
    %get3A_941 = tpu.vector_load %arg13[%get3A_940] {strides = array<i32>} : memref<640xf32, #tpu.memory_space<vmem>>, vector<16xf32>,
    %add3A_942 = arith.addf %get3A_941, %get3A_939 : vector<16xf32>
    %mul3A_943 = arith.mulf %get3A_939, %add3A_942 : vector<16xf32>
    %add3A_944 = arith.constant 496 : i32
    %add3A_945 = arith.addi %mul3A_0, %add3A_944 : i32
    %add3A_946 = vector.broadcast %add3A_945 : i32 to vector<16xi32>
    %add3A_947 = arith.addi %add3A_946, %iota3A : vector<16xi32>
    %lt3A_948 = arith.constant 10000 : i32
    %lt3A_949 = vector.broadcast %lt3A_948 : i32 to vector<16xi32>
    %lt3A_950 = arith.cmpi slt, %add3A_947, %lt3A_949 : vector<16xi32>
    %jit3A_951 = arith.constant 0.000000e+00 : f32
    %broadcast_in_dim3A_952 = vector.broadcast %jit3A_951 : f32 to vector<16xf32>
    %select_n3A_953 = arith.select %lt3A_950, %mul3A_943, %broadcast_in_dim3A_952 : vector<16xi1>, vector<16xf32>
    %swap3A_954 = arith.constant 496 : index
    %swap3A_955 = tpu.vector_load %arg13[%swap3A_954] {strides = array<i32>} : memref<640xf32, #tpu.memory_space<vmem>>, vector<16xf32>,
    tpu.vector_store %arg13[%swap3A_954], %select_n3A_953 {strides = array<i32>} : memref<640xf32, #tpu.memory_space<vmem>>, vector<16xf32>,
    %get3A_956 = arith.constant 512 : index
    %get3A_957 = tpu.vector_load %arg12[%get3A_956] {strides = array<i32>} : memref<640xf32, #tpu.memory_space<vmem>>, vector<16xf32>,
    %get3A_958 = arith.constant 512 : index
    %get3A_959 = tpu.vector_load %arg13[%get3A_958] {strides = array<i32>} : memref<640xf32, #tpu.memory_space<vmem>>, vector<16xf32>,
    %add3A_960 = arith.addf %get3A_959, %get3A_957 : vector<16xf32>
    %mul3A_961 = arith.mulf %get3A_957, %add3A_960 : vector<16xf32>
    %add3A_962 = arith.constant 512 : i32
    %add3A_963 = arith.addi %mul3A_0, %add3A_962 : i32
    %add3A_964 = vector.broadcast %add3A_963 : i32 to vector<16xi32>
    %add3A_965 = arith.addi %add3A_964, %iota3A : vector<16xi32>
    %lt3A_966 = arith.constant 10000 : i32
    %lt3A_967 = vector.broadcast %lt3A_966 : i32 to vector<16xi32>
    %lt3A_968 = arith.cmpi slt, %add3A_965, %lt3A_967 : vector<16xi32>
    %jit3A_969 = arith.constant 0.000000e+00 : f32
    %broadcast_in_dim3A_970 = vector.broadcast %jit3A_969 : f32 to vector<16xf32>
    %select_n3A_971 = arith.select %lt3A_968, %mul3A_961, %broadcast_in_dim3A_970 : vector<16xi1>, vector<16xf32>
    %swap3A_972 = arith.constant 512 : index
    %swap3A_973 = tpu.vector_load %arg13[%swap3A_972] {strides = array<i32>} : memref<640xf32, #tpu.memory_space<vmem>>, vector<16xf32>,
    tpu.vector_store %arg13[%swap3A_972], %select_n3A_971 {strides = array<i32>} : memref<640xf32, #tpu.memory_space<vmem>>, vector<16xf32>,
    %get3A_974 = arith.constant 528 : index
    %get3A_975 = tpu.vector_load %arg12[%get3A_974] {strides = array<i32>} : memref<640xf32, #tpu.memory_space<vmem>>, vector<16xf32>,
    %get3A_976 = arith.constant 528 : index
    %get3A_977 = tpu.vector_load %arg13[%get3A_976] {strides = array<i32>} : memref<640xf32, #tpu.memory_space<vmem>>, vector<16xf32>,
    %add3A_978 = arith.addf %get3A_977, %get3A_975 : vector<16xf32>
    %mul3A_979 = arith.mulf %get3A_975, %add3A_978 : vector<16xf32>
    %add3A_980 = arith.constant 528 : i32
    %add3A_981 = arith.addi %mul3A_0, %add3A_980 : i32
    %add3A_982 = vector.broadcast %add3A_981 : i32 to vector<16xi32>
    %add3A_983 = arith.addi %add3A_982, %iota3A : vector<16xi32>
    %lt3A_984 = arith.constant 10000 : i32
    %lt3A_985 = vector.broadcast %lt3A_984 : i32 to vector<16xi32>
    %lt3A_986 = arith.cmpi slt, %add3A_983, %lt3A_985 : vector<16xi32>
    %jit3A_987 = arith.constant 0.000000e+00 : f32
    %broadcast_in_dim3A_988 = vector.broadcast %jit3A_987 : f32 to vector<16xf32>
    %select_n3A_989 = arith.select %lt3A_986, %mul3A_979, %broadcast_in_dim3A_988 : vector<16xi1>, vector<16xf32>
    %swap3A_990 = arith.constant 528 : index
    %swap3A_991 = tpu.vector_load %arg13[%swap3A_990] {strides = array<i32>} : memref<640xf32, #tpu.memory_space<vmem>>, vector<16xf32>,
    tpu.vector_store %arg13[%swap3A_990], %select_n3A_989 {strides = array<i32>} : memref<640xf32, #tpu.memory_space<vmem>>, vector<16xf32>,
    %get3A_992 = arith.constant 544 : index
    %get3A_993 = tpu.vector_load %arg12[%get3A_992] {strides = array<i32>} : memref<640xf32, #tpu.memory_space<vmem>>, vector<16xf32>,
    %get3A_994 = arith.constant 544 : index
    %get3A_995 = tpu.vector_load %arg13[%get3A_994] {strides = array<i32>} : memref<640xf32, #tpu.memory_space<vmem>>, vector<16xf32>,
    %add3A_996 = arith.addf %get3A_995, %get3A_993 : vector<16xf32>
    %mul3A_997 = arith.mulf %get3A_993, %add3A_996 : vector<16xf32>
    %add3A_998 = arith.constant 544 : i32
    %add3A_999 = arith.addi %mul3A_0, %add3A_998 : i32
    %add3A_1000 = vector.broadcast %add3A_999 : i32 to vector<16xi32>
    %add3A_1001 = arith.addi %add3A_1000, %iota3A : vector<16xi32>
    %lt3A_1002 = arith.constant 10000 : i32
    %lt3A_1003 = vector.broadcast %lt3A_1002 : i32 to vector<16xi32>
    %lt3A_1004 = arith.cmpi slt, %add3A_1001, %lt3A_1003 : vector<16xi32>
    %jit3A_1005 = arith.constant 0.000000e+00 : f32
    %broadcast_in_dim3A_1006 = vector.broadcast %jit3A_1005 : f32 to vector<16xf32>
    %select_n3A_1007 = arith.select %lt3A_1004, %mul3A_997, %broadcast_in_dim3A_1006 : vector<16xi1>, vector<16xf32>
    %swap3A_1008 = arith.constant 544 : index
    %swap3A_1009 = tpu.vector_load %arg13[%swap3A_1008] {strides = array<i32>} : memref<640xf32, #tpu.memory_space<vmem>>, vector<16xf32>,
    tpu.vector_store %arg13[%swap3A_1008], %select_n3A_1007 {strides = array<i32>} : memref<640xf32, #tpu.memory_space<vmem>>, vector<16xf32>,
    %get3A_1010 = arith.constant 560 : index
    %get3A_1011 = tpu.vector_load %arg12[%get3A_1010] {strides = array<i32>} : memref<640xf32, #tpu.memory_space<vmem>>, vector<16xf32>,
    %get3A_1012 = arith.constant 560 : index
    %get3A_1013 = tpu.vector_load %arg13[%get3A_1012] {strides = array<i32>} : memref<640xf32, #tpu.memory_space<vmem>>, vector<16xf32>,
    %add3A_1014 = arith.addf %get3A_1013, %get3A_1011 : vector<16xf32>
    %mul3A_1015 = arith.mulf %get3A_1011, %add3A_1014 : vector<16xf32>
    %add3A_1016 = arith.constant 560 : i32
    %add3A_1017 = arith.addi %mul3A_0, %add3A_1016 : i32
    %add3A_1018 = vector.broadcast %add3A_1017 : i32 to vector<16xi32>
    %add3A_1019 = arith.addi %add3A_1018, %iota3A : vector<16xi32>
    %lt3A_1020 = arith.constant 10000 : i32
    %lt3A_1021 = vector.broadcast %lt3A_1020 : i32 to vector<16xi32>
    %lt3A_1022 = arith.cmpi slt, %add3A_1019, %lt3A_1021 : vector<16xi32>
    %jit3A_1023 = arith.constant 0.000000e+00 : f32
    %broadcast_in_dim3A_1024 = vector.broadcast %jit3A_1023 : f32 to vector<16xf32>
    %select_n3A_1025 = arith.select %lt3A_1022, %mul3A_1015, %broadcast_in_dim3A_1024 : vector<16xi1>, vector<16xf32>
    %swap3A_1026 = arith.constant 560 : index
    %swap3A_1027 = tpu.vector_load %arg13[%swap3A_1026] {strides = array<i32>} : memref<640xf32, #tpu.memory_space<vmem>>, vector<16xf32>,
    tpu.vector_store %arg13[%swap3A_1026], %select_n3A_1025 {strides = array<i32>} : memref<640xf32, #tpu.memory_space<vmem>>, vector<16xf32>,
    %get3A_1028 = arith.constant 576 : index
    %get3A_1029 = tpu.vector_load %arg12[%get3A_1028] {strides = array<i32>} : memref<640xf32, #tpu.memory_space<vmem>>, vector<16xf32>,
    %get3A_1030 = arith.constant 576 : index
    %get3A_1031 = tpu.vector_load %arg13[%get3A_1030] {strides = array<i32>} : memref<640xf32, #tpu.memory_space<vmem>>, vector<16xf32>,
    %add3A_1032 = arith.addf %get3A_1031, %get3A_1029 : vector<16xf32>
    %mul3A_1033 = arith.mulf %get3A_1029, %add3A_1032 : vector<16xf32>
    %add3A_1034 = arith.constant 576 : i32
    %add3A_1035 = arith.addi %mul3A_0, %add3A_1034 : i32
    %add3A_1036 = vector.broadcast %add3A_1035 : i32 to vector<16xi32>
    %add3A_1037 = arith.addi %add3A_1036, %iota3A : vector<16xi32>
    %lt3A_1038 = arith.constant 10000 : i32
    %lt3A_1039 = vector.broadcast %lt3A_1038 : i32 to vector<16xi32>
    %lt3A_1040 = arith.cmpi slt, %add3A_1037, %lt3A_1039 : vector<16xi32>
    %jit3A_1041 = arith.constant 0.000000e+00 : f32
    %broadcast_in_dim3A_1042 = vector.broadcast %jit3A_1041 : f32 to vector<16xf32>
    %select_n3A_1043 = arith.select %lt3A_1040, %mul3A_1033, %broadcast_in_dim3A_1042 : vector<16xi1>, vector<16xf32>
    %swap3A_1044 = arith.constant 576 : index
    %swap3A_1045 = tpu.vector_load %arg13[%swap3A_1044] {strides = array<i32>} : memref<640xf32, #tpu.memory_space<vmem>>, vector<16xf32>,
    tpu.vector_store %arg13[%swap3A_1044], %select_n3A_1043 {strides = array<i32>} : memref<640xf32, #tpu.memory_space<vmem>>, vector<16xf32>,
    %get3A_1046 = arith.constant 592 : index
    %get3A_1047 = tpu.vector_load %arg12[%get3A_1046] {strides = array<i32>} : memref<640xf32, #tpu.memory_space<vmem>>, vector<16xf32>,
    %get3A_1048 = arith.constant 592 : index
    %get3A_1049 = tpu.vector_load %arg13[%get3A_1048] {strides = array<i32>} : memref<640xf32, #tpu.memory_space<vmem>>, vector<16xf32>,
    %add3A_1050 = arith.addf %get3A_1049, %get3A_1047 : vector<16xf32>
    %mul3A_1051 = arith.mulf %get3A_1047, %add3A_1050 : vector<16xf32>
    %add3A_1052 = arith.constant 592 : i32
    %add3A_1053 = arith.addi %mul3A_0, %add3A_1052 : i32
    %add3A_1054 = vector.broadcast %add3A_1053 : i32 to vector<16xi32>
    %add3A_1055 = arith.addi %add3A_1054, %iota3A : vector<16xi32>
    %lt3A_1056 = arith.constant 10000 : i32
    %lt3A_1057 = vector.broadcast %lt3A_1056 : i32 to vector<16xi32>
    %lt3A_1058 = arith.cmpi slt, %add3A_1055, %lt3A_1057 : vector<16xi32>
    %jit3A_1059 = arith.constant 0.000000e+00 : f32
    %broadcast_in_dim3A_1060 = vector.broadcast %jit3A_1059 : f32 to vector<16xf32>
    %select_n3A_1061 = arith.select %lt3A_1058, %mul3A_1051, %broadcast_in_dim3A_1060 : vector<16xi1>, vector<16xf32>
    %swap3A_1062 = arith.constant 592 : index
    %swap3A_1063 = tpu.vector_load %arg13[%swap3A_1062] {strides = array<i32>} : memref<640xf32, #tpu.memory_space<vmem>>, vector<16xf32>,
    tpu.vector_store %arg13[%swap3A_1062], %select_n3A_1061 {strides = array<i32>} : memref<640xf32, #tpu.memory_space<vmem>>, vector<16xf32>,
    %get3A_1064 = arith.constant 608 : index
    %get3A_1065 = tpu.vector_load %arg12[%get3A_1064] {strides = array<i32>} : memref<640xf32, #tpu.memory_space<vmem>>, vector<16xf32>,
    %get3A_1066 = arith.constant 608 : index
    %get3A_1067 = tpu.vector_load %arg13[%get3A_1066] {strides = array<i32>} : memref<640xf32, #tpu.memory_space<vmem>>, vector<16xf32>,
    %add3A_1068 = arith.addf %get3A_1067, %get3A_1065 : vector<16xf32>
    %mul3A_1069 = arith.mulf %get3A_1065, %add3A_1068 : vector<16xf32>
    %add3A_1070 = arith.constant 608 : i32
    %add3A_1071 = arith.addi %mul3A_0, %add3A_1070 : i32
    %add3A_1072 = vector.broadcast %add3A_1071 : i32 to vector<16xi32>
    %add3A_1073 = arith.addi %add3A_1072, %iota3A : vector<16xi32>
    %lt3A_1074 = arith.constant 10000 : i32
    %lt3A_1075 = vector.broadcast %lt3A_1074 : i32 to vector<16xi32>
    %lt3A_1076 = arith.cmpi slt, %add3A_1073, %lt3A_1075 : vector<16xi32>
    %jit3A_1077 = arith.constant 0.000000e+00 : f32
    %broadcast_in_dim3A_1078 = vector.broadcast %jit3A_1077 : f32 to vector<16xf32>
    %select_n3A_1079 = arith.select %lt3A_1076, %mul3A_1069, %broadcast_in_dim3A_1078 : vector<16xi1>, vector<16xf32>
    %swap3A_1080 = arith.constant 608 : index
    %swap3A_1081 = tpu.vector_load %arg13[%swap3A_1080] {strides = array<i32>} : memref<640xf32, #tpu.memory_space<vmem>>, vector<16xf32>,
    tpu.vector_store %arg13[%swap3A_1080], %select_n3A_1079 {strides = array<i32>} : memref<640xf32, #tpu.memory_space<vmem>>, vector<16xf32>,
    %get3A_1082 = arith.constant 624 : index
    %get3A_1083 = tpu.vector_load %arg12[%get3A_1082] {strides = array<i32>} : memref<640xf32, #tpu.memory_space<vmem>>, vector<16xf32>,
    %get3A_1084 = arith.constant 624 : index
    %get3A_1085 = tpu.vector_load %arg13[%get3A_1084] {strides = array<i32>} : memref<640xf32, #tpu.memory_space<vmem>>, vector<16xf32>,
    %add3A_1086 = arith.addf %get3A_1085, %get3A_1083 : vector<16xf32>
    %mul3A_1087 = arith.mulf %get3A_1083, %add3A_1086 : vector<16xf32>
    %add3A_1088 = arith.constant 624 : i32
    %add3A_1089 = arith.addi %mul3A_0, %add3A_1088 : i32
    %add3A_1090 = vector.broadcast %add3A_1089 : i32 to vector<16xi32>
    %add3A_1091 = arith.addi %add3A_1090, %iota3A : vector<16xi32>
    %lt3A_1092 = arith.constant 10000 : i32
    %lt3A_1093 = vector.broadcast %lt3A_1092 : i32 to vector<16xi32>
    %lt3A_1094 = arith.cmpi slt, %add3A_1091, %lt3A_1093 : vector<16xi32>
    %jit3A_1095 = arith.constant 0.000000e+00 : f32
    %broadcast_in_dim3A_1096 = vector.broadcast %jit3A_1095 : f32 to vector<16xf32>
    %select_n3A_1097 = arith.select %lt3A_1094, %mul3A_1087, %broadcast_in_dim3A_1096 : vector<16xi1>, vector<16xf32>
    %swap3A_1098 = arith.constant 624 : index
    %swap3A_1099 = tpu.vector_load %arg13[%swap3A_1098] {strides = array<i32>} : memref<640xf32, #tpu.memory_space<vmem>>, vector<16xf32>,
    tpu.vector_store %arg13[%swap3A_1098], %select_n3A_1097 {strides = array<i32>} : memref<640xf32, #tpu.memory_space<vmem>>, vector<16xf32>,
    %eq3A_1100 = arith.constant 0 : i32
    %eq3A_1101 = arith.cmpi eq, %arg0, %eq3A_1100 : i32
    %convert_element_type3A_1102 = arith.extui %eq3A_1101 : i1 to i32
    %cond3A_1103 = arith.constant 0 : i32
    %cond3A_1104 = arith.cmpi ne, %convert_element_type3A_1102, %cond3A_1103 : i32
    scf.if %cond3A_1104 {
      %run_scoped3A = arith.constant 0 : i32
      "tpu.region"() ({
        %run_scoped3A_1110 = tpu.sem_alloc : memref<!tpu.dma_semaphore, #tpu.memory_space<semaphore_mem>>
        %dma_start3A_1111 = tpu.memref_slice %arg4[%run_scoped3A, %mul3A_0] : memref<1x10240xf32, #tpu.memory_space<hbm>> -> memref<1x640xf32, #tpu.memory_space<hbm>>
        %dma_start3A_1112 = tpu.memref_squeeze %dma_start3A_1111 : memref<1x640xf32, #tpu.memory_space<hbm>> -> memref<640xf32, #tpu.memory_space<hbm>>
        %dma_start3A_1113 = tpu.memref_slice %arg4[%run_scoped3A, %mul3A_0] : memref<1x10240xf32, #tpu.memory_space<hbm>> -> memref<1x640xf32, #tpu.memory_space<hbm>>
        %dma_start3A_1114 = tpu.memref_squeeze %dma_start3A_1113 : memref<1x640xf32, #tpu.memory_space<hbm>> -> memref<640xf32, #tpu.memory_space<hbm>>
        tpu.enqueue_dma source(%arg13 : memref<640xf32, #tpu.memory_space<vmem>>) target(%dma_start3A_1114 : memref<640xf32, #tpu.memory_space<hbm>>) target_semaphore(%run_scoped3A_1110 : memref<!tpu.dma_semaphore, #tpu.memory_space<semaphore_mem>>)
        %dma_wait3A_1115 = tpu.memref_slice %arg4[%run_scoped3A, %mul3A_0] : memref<1x10240xf32, #tpu.memory_space<hbm>> -> memref<1x640xf32, #tpu.memory_space<hbm>>
        %dma_wait3A_1116 = tpu.memref_squeeze %dma_wait3A_1115 : memref<1x640xf32, #tpu.memory_space<hbm>> -> memref<640xf32, #tpu.memory_space<hbm>>
        %dma_wait3A_1117 = tpu.memref_slice %arg4[%run_scoped3A, %mul3A_0] : memref<1x10240xf32, #tpu.memory_space<hbm>> -> memref<1x640xf32, #tpu.memory_space<hbm>>
        %dma_wait3A_1118 = tpu.memref_squeeze %dma_wait3A_1117 : memref<1x640xf32, #tpu.memory_space<hbm>> -> memref<640xf32, #tpu.memory_space<hbm>>
        tpu.wait_dma2 semaphore(%run_scoped3A_1110 : memref<!tpu.dma_semaphore, #tpu.memory_space<semaphore_mem>>) src(%arg13 : memref<640xf32, #tpu.memory_space<vmem>>) dst(%dma_wait3A_1118 : memref<640xf32, #tpu.memory_space<hbm>>)
        tpu.yield
      }) : () -> ()
    } else {
    }
    %eq3A_1105 = arith.constant 1 : i32
    %eq3A_1106 = arith.cmpi eq, %arg0, %eq3A_1105 : i32
    %convert_element_type3A_1107 = arith.extui %eq3A_1106 : i1 to i32
    %cond3A_1108 = arith.constant 0 : i32
    %cond3A_1109 = arith.cmpi ne, %convert_element_type3A_1107, %cond3A_1108 : i32
    scf.if %cond3A_1109 {
      %run_scoped3A = arith.constant 0 : i32
      "tpu.region"() ({
        %run_scoped3A_1110 = tpu.sem_alloc : memref<!tpu.dma_semaphore, #tpu.memory_space<semaphore_mem>>
        %dma_start3A_1111 = tpu.memref_slice %arg5[%run_scoped3A, %mul3A_0] : memref<1x10240xf32, #tpu.memory_space<hbm>> -> memref<1x640xf32, #tpu.memory_space<hbm>>
        %dma_start3A_1112 = tpu.memref_squeeze %dma_start3A_1111 : memref<1x640xf32, #tpu.memory_space<hbm>> -> memref<640xf32, #tpu.memory_space<hbm>>
        %dma_start3A_1113 = tpu.memref_slice %arg5[%run_scoped3A, %mul3A_0] : memref<1x10240xf32, #tpu.memory_space<hbm>> -> memref<1x640xf32, #tpu.memory_space<hbm>>
        %dma_start3A_1114 = tpu.memref_squeeze %dma_start3A_1113 : memref<1x640xf32, #tpu.memory_space<hbm>> -> memref<640xf32, #tpu.memory_space<hbm>>
        tpu.enqueue_dma source(%arg13 : memref<640xf32, #tpu.memory_space<vmem>>) target(%dma_start3A_1114 : memref<640xf32, #tpu.memory_space<hbm>>) target_semaphore(%run_scoped3A_1110 : memref<!tpu.dma_semaphore, #tpu.memory_space<semaphore_mem>>)
        %dma_wait3A_1115 = tpu.memref_slice %arg5[%run_scoped3A, %mul3A_0] : memref<1x10240xf32, #tpu.memory_space<hbm>> -> memref<1x640xf32, #tpu.memory_space<hbm>>
        %dma_wait3A_1116 = tpu.memref_squeeze %dma_wait3A_1115 : memref<1x640xf32, #tpu.memory_space<hbm>> -> memref<640xf32, #tpu.memory_space<hbm>>
        %dma_wait3A_1117 = tpu.memref_slice %arg5[%run_scoped3A, %mul3A_0] : memref<1x10240xf32, #tpu.memory_space<hbm>> -> memref<1x640xf32, #tpu.memory_space<hbm>>
        %dma_wait3A_1118 = tpu.memref_squeeze %dma_wait3A_1117 : memref<1x640xf32, #tpu.memory_space<hbm>> -> memref<640xf32, #tpu.memory_space<hbm>>
        tpu.wait_dma2 semaphore(%run_scoped3A_1110 : memref<!tpu.dma_semaphore, #tpu.memory_space<semaphore_mem>>) src(%arg13 : memref<640xf32, #tpu.memory_space<vmem>>) dst(%dma_wait3A_1118 : memref<640xf32, #tpu.memory_space<hbm>>)
        tpu.yield
      }) : () -> ()
    } else {
    }
    return
  }
}

module attributes {stable_mosaic.version = 14 : i64} {
  func.func @_tc_body(%arg0: memref<1x10240xf32, #tpu.memory_space<vmem>>, %arg1: memref<1x10240xf32, #tpu.memory_space<vmem>>, %arg2: memref<10000x128xf32, #tpu.memory_space<vmem>>, %arg3: memref<10000x128xf32, #tpu.memory_space<vmem>>, %arg4: memref<128x128xf32, #tpu.memory_space<vmem>>, %arg5: memref<1x128xf32, #tpu.memory_space<vmem>>, %arg6: memref<128x128xf32, #tpu.memory_space<vmem>>, %arg7: memref<1x128xf32, #tpu.memory_space<vmem>>, %arg8: memref<128x128xf32, #tpu.memory_space<vmem>>, %arg9: memref<1x128xf32, #tpu.memory_space<vmem>>, %arg10: memref<128x128xf32, #tpu.memory_space<vmem>>, %arg11: memref<1x128xf32, #tpu.memory_space<vmem>>, %arg12: memref<128x128xf32, #tpu.memory_space<vmem>>, %arg13: memref<1x128xf32, #tpu.memory_space<vmem>>, %arg14: memref<128x128xf32, #tpu.memory_space<vmem>>, %arg15: memref<1x128xf32, #tpu.memory_space<vmem>>, %arg16: memref<1x128xf32, #tpu.memory_space<vmem>>, %arg17: memref<1x128xf32, #tpu.memory_space<vmem>>, %arg18: memref<128x128xf32, #tpu.memory_space<vmem>>, %arg19: memref<1x128xf32, #tpu.memory_space<vmem>>, %arg20: memref<1x128xf32, #tpu.memory_space<vmem>>) attributes {dimension_semantics = [], scalar_prefetch = 0 : i64, scratch_operands = 0 : i64, tpu.core_type = #tpu.core_type<tc>} {
    %get3A = arith.constant 0 : index
    %get3A_0 = arith.constant 0 : index
    %get3A_1 = vector.load %arg0[%get3A, %get3A_0] : memref<1x10240xf32, #tpu.memory_space<vmem>>, vector<1x10240xf32>
    %slice3A = vector.extract_strided_slice %get3A_1 {offsets = [0, 0], sizes = [1, 10000], strides = [1, 1]} : vector<1x10240xf32> to vector<1x10000xf32>
    %get3A_2 = arith.constant 0 : index
    %get3A_3 = arith.constant 0 : index
    %get3A_4 = vector.load %arg2[%get3A_2, %get3A_3] : memref<10000x128xf32, #tpu.memory_space<vmem>>, vector<10000x128xf32>
    %dot_general3A = arith.constant dense<0.000000e+00> : vector<1x128xf32>
    %dot_general3A_5 = tpu.matmul %slice3A, %get3A_4, %dot_general3A {dimension_numbers = #tpu.dot_dimension_numbers<[1], [0], [0], [1], [0, 0, 1, 1], [], []>, transpose_lhs_hint = false} : vector<1x10000xf32>, vector<10000x128xf32>, vector<1x128xf32> -> vector<1x128xf32>
    %mul3A = arith.constant 9.99999974E-5 : f32
    %mul3A_6 = vector.broadcast %mul3A : f32 to vector<1x128xf32>
    %mul3A_7 = arith.mulf %dot_general3A_5, %mul3A_6 : vector<1x128xf32>
    %get3A_8 = arith.constant 0 : index
    %get3A_9 = arith.constant 0 : index
    %get3A_10 = vector.load %arg1[%get3A_8, %get3A_9] : memref<1x10240xf32, #tpu.memory_space<vmem>>, vector<1x10240xf32>
    %slice3A_11 = vector.extract_strided_slice %get3A_10 {offsets = [0, 0], sizes = [1, 10000], strides = [1, 1]} : vector<1x10240xf32> to vector<1x10000xf32>
    %get3A_12 = arith.constant 0 : index
    %get3A_13 = arith.constant 0 : index
    %get3A_14 = vector.load %arg3[%get3A_12, %get3A_13] : memref<10000x128xf32, #tpu.memory_space<vmem>>, vector<10000x128xf32>
    %dot_general3A_15 = arith.constant dense<0.000000e+00> : vector<1x128xf32>
    %dot_general3A_16 = tpu.matmul %slice3A_11, %get3A_14, %dot_general3A_15 {dimension_numbers = #tpu.dot_dimension_numbers<[1], [0], [0], [1], [0, 0, 1, 1], [], []>, transpose_lhs_hint = false} : vector<1x10000xf32>, vector<10000x128xf32>, vector<1x128xf32> -> vector<1x128xf32>
    %mul3A_17 = arith.constant 9.99999974E-5 : f32
    %mul3A_18 = vector.broadcast %mul3A_17 : f32 to vector<1x128xf32>
    %mul3A_19 = arith.mulf %dot_general3A_16, %mul3A_18 : vector<1x128xf32>
    %get3A_20 = arith.constant 0 : index
    %get3A_21 = arith.constant 0 : index
    %get3A_22 = vector.load %arg4[%get3A_20, %get3A_21] : memref<128x128xf32, #tpu.memory_space<vmem>>, vector<128x128xf32>
    %dot_general3A_23 = arith.constant dense<0.000000e+00> : vector<1x128xf32>
    %dot_general3A_24 = tpu.matmul %mul3A_7, %get3A_22, %dot_general3A_23 {dimension_numbers = #tpu.dot_dimension_numbers<[1], [1], [0], [0], [0, 0, 1, 0], [], []>, transpose_lhs_hint = false} : vector<1x128xf32>, vector<128x128xf32>, vector<1x128xf32> -> vector<1x128xf32>
    %get3A_25 = arith.constant 0 : index
    %get3A_26 = arith.constant 0 : index
    %get3A_27 = vector.load %arg5[%get3A_25, %get3A_26] : memref<1x128xf32, #tpu.memory_space<vmem>>, vector<1x128xf32>
    %add3A = arith.addf %dot_general3A_24, %get3A_27 : vector<1x128xf32>
    %get3A_28 = arith.constant 0 : index
    %get3A_29 = arith.constant 0 : index
    %get3A_30 = vector.load %arg6[%get3A_28, %get3A_29] : memref<128x128xf32, #tpu.memory_space<vmem>>, vector<128x128xf32>
    %dot_general3A_31 = arith.constant dense<0.000000e+00> : vector<1x128xf32>
    %dot_general3A_32 = tpu.matmul %mul3A_19, %get3A_30, %dot_general3A_31 {dimension_numbers = #tpu.dot_dimension_numbers<[1], [1], [0], [0], [0, 0, 1, 0], [], []>, transpose_lhs_hint = false} : vector<1x128xf32>, vector<128x128xf32>, vector<1x128xf32> -> vector<1x128xf32>
    %get3A_33 = arith.constant 0 : index
    %get3A_34 = arith.constant 0 : index
    %get3A_35 = vector.load %arg7[%get3A_33, %get3A_34] : memref<1x128xf32, #tpu.memory_space<vmem>>, vector<1x128xf32>
    %add3A_36 = arith.addf %dot_general3A_32, %get3A_35 : vector<1x128xf32>
    %concatenate3A = tpu.concatenate %add3A, %add3A_36 in 0 : vector<1x128xf32>, vector<1x128xf32> -> vector<2x128xf32>
    %get3A_37 = arith.constant 0 : index
    %get3A_38 = arith.constant 0 : index
    %get3A_39 = vector.load %arg8[%get3A_37, %get3A_38] : memref<128x128xf32, #tpu.memory_space<vmem>>, vector<128x128xf32>
    %dot_general3A_40 = arith.constant dense<0.000000e+00> : vector<2x128xf32>
    %dot_general3A_41 = tpu.matmul %concatenate3A, %get3A_39, %dot_general3A_40 {dimension_numbers = #tpu.dot_dimension_numbers<[1], [1], [0], [0], [0, 0, 1, 0], [], []>, transpose_lhs_hint = false} : vector<2x128xf32>, vector<128x128xf32>, vector<2x128xf32> -> vector<2x128xf32>
    %get3A_42 = arith.constant 0 : index
    %get3A_43 = arith.constant 0 : index
    %get3A_44 = vector.load %arg9[%get3A_42, %get3A_43] : memref<1x128xf32, #tpu.memory_space<vmem>>, vector<1x128xf32>
    %add3A_45 = vector.broadcast %get3A_44 : vector<1x128xf32> to vector<2x128xf32>
    %add3A_46 = arith.addf %dot_general3A_41, %add3A_45 : vector<2x128xf32>
    %get3A_47 = arith.constant 0 : index
    %get3A_48 = arith.constant 0 : index
    %get3A_49 = vector.load %arg10[%get3A_47, %get3A_48] : memref<128x128xf32, #tpu.memory_space<vmem>>, vector<128x128xf32>
    %dot_general3A_50 = arith.constant dense<0.000000e+00> : vector<2x128xf32>
    %dot_general3A_51 = tpu.matmul %concatenate3A, %get3A_49, %dot_general3A_50 {dimension_numbers = #tpu.dot_dimension_numbers<[1], [1], [0], [0], [0, 0, 1, 0], [], []>, transpose_lhs_hint = false} : vector<2x128xf32>, vector<128x128xf32>, vector<2x128xf32> -> vector<2x128xf32>
    %get3A_52 = arith.constant 0 : index
    %get3A_53 = arith.constant 0 : index
    %get3A_54 = vector.load %arg11[%get3A_52, %get3A_53] : memref<1x128xf32, #tpu.memory_space<vmem>>, vector<1x128xf32>
    %add3A_55 = vector.broadcast %get3A_54 : vector<1x128xf32> to vector<2x128xf32>
    %add3A_56 = arith.addf %dot_general3A_51, %add3A_55 : vector<2x128xf32>
    %get3A_57 = arith.constant 0 : index
    %get3A_58 = arith.constant 0 : index
    %get3A_59 = vector.load %arg12[%get3A_57, %get3A_58] : memref<128x128xf32, #tpu.memory_space<vmem>>, vector<128x128xf32>
    %dot_general3A_60 = arith.constant dense<0.000000e+00> : vector<2x128xf32>
    %dot_general3A_61 = tpu.matmul %concatenate3A, %get3A_59, %dot_general3A_60 {dimension_numbers = #tpu.dot_dimension_numbers<[1], [1], [0], [0], [0, 0, 1, 0], [], []>, transpose_lhs_hint = false} : vector<2x128xf32>, vector<128x128xf32>, vector<2x128xf32> -> vector<2x128xf32>
    %get3A_62 = arith.constant 0 : index
    %get3A_63 = arith.constant 0 : index
    %get3A_64 = vector.load %arg13[%get3A_62, %get3A_63] : memref<1x128xf32, #tpu.memory_space<vmem>>, vector<1x128xf32>
    %add3A_65 = vector.broadcast %get3A_64 : vector<1x128xf32> to vector<2x128xf32>
    %add3A_66 = arith.addf %dot_general3A_61, %add3A_65 : vector<2x128xf32>
    %slice3A_67 = vector.extract_strided_slice %add3A_46 {offsets = [0, 0], sizes = [2, 32], strides = [1, 1]} : vector<2x128xf32> to vector<2x32xf32>
    %slice3A_68 = vector.extract_strided_slice %add3A_56 {offsets = [0, 0], sizes = [2, 32], strides = [1, 1]} : vector<2x128xf32> to vector<2x32xf32>
    %slice3A_69 = vector.extract_strided_slice %add3A_66 {offsets = [0, 0], sizes = [2, 32], strides = [1, 1]} : vector<2x128xf32> to vector<2x32xf32>
    %dot_general3A_70 = arith.constant dense<0.000000e+00> : vector<2x2xf32>
    %dot_general3A_71 = tpu.matmul %slice3A_67, %slice3A_68, %dot_general3A_70 {dimension_numbers = #tpu.dot_dimension_numbers<[1], [1], [0], [0], [0, 0, 1, 0], [], []>, transpose_lhs_hint = false} : vector<2x32xf32>, vector<2x32xf32>, vector<2x2xf32> -> vector<2x2xf32>
    %mul3A_72 = arith.constant 0.176776692 : f32
    %mul3A_73 = vector.broadcast %mul3A_72 : f32 to vector<2x2xf32>
    %mul3A_74 = arith.mulf %dot_general3A_71, %mul3A_73 : vector<2x2xf32>
    %reduce_max3A = arith.constant dense<0xFF800000> : vector<2xf32>
    %reduce_max3A_75 = vector.multi_reduction <maximumf>, %mul3A_74, %reduce_max3A [1] : vector<2x2xf32> to vector<2xf32>
    %broadcast_in_dim3A = vector.shape_cast %reduce_max3A_75 : vector<2xf32> to vector<2x1xf32>
    %sub3A = vector.broadcast %broadcast_in_dim3A : vector<2x1xf32> to vector<2x2xf32>
    %sub3A_76 = arith.subf %mul3A_74, %sub3A : vector<2x2xf32>
    %exp3A = math.exp %sub3A_76 : vector<2x2xf32>
    %reduce_sum3A = arith.constant dense<0.000000e+00> : vector<2xf32>
    %reduce_sum3A_77 = vector.multi_reduction <add>, %exp3A, %reduce_sum3A [1] : vector<2x2xf32> to vector<2xf32>
    %broadcast_in_dim3A_78 = vector.shape_cast %reduce_sum3A_77 : vector<2xf32> to vector<2x1xf32>
    %div3A = vector.broadcast %broadcast_in_dim3A_78 : vector<2x1xf32> to vector<2x2xf32>
    %div3A_79 = arith.divf %exp3A, %div3A : vector<2x2xf32>
    %dot_general3A_80 = arith.constant dense<0.000000e+00> : vector<2x32xf32>
    %dot_general3A_81 = tpu.matmul %div3A_79, %slice3A_69, %dot_general3A_80 {dimension_numbers = #tpu.dot_dimension_numbers<[1], [0], [0], [1], [0, 0, 1, 1], [], []>, transpose_lhs_hint = false} : vector<2x2xf32>, vector<2x32xf32>, vector<2x32xf32> -> vector<2x32xf32>
    %slice3A_82 = vector.extract_strided_slice %add3A_46 {offsets = [0, 32], sizes = [2, 32], strides = [1, 1]} : vector<2x128xf32> to vector<2x32xf32>
    %slice3A_83 = vector.extract_strided_slice %add3A_56 {offsets = [0, 32], sizes = [2, 32], strides = [1, 1]} : vector<2x128xf32> to vector<2x32xf32>
    %slice3A_84 = vector.extract_strided_slice %add3A_66 {offsets = [0, 32], sizes = [2, 32], strides = [1, 1]} : vector<2x128xf32> to vector<2x32xf32>
    %dot_general3A_85 = arith.constant dense<0.000000e+00> : vector<2x2xf32>
    %dot_general3A_86 = tpu.matmul %slice3A_82, %slice3A_83, %dot_general3A_85 {dimension_numbers = #tpu.dot_dimension_numbers<[1], [1], [0], [0], [0, 0, 1, 0], [], []>, transpose_lhs_hint = false} : vector<2x32xf32>, vector<2x32xf32>, vector<2x2xf32> -> vector<2x2xf32>
    %mul3A_87 = arith.constant 0.176776692 : f32
    %mul3A_88 = vector.broadcast %mul3A_87 : f32 to vector<2x2xf32>
    %mul3A_89 = arith.mulf %dot_general3A_86, %mul3A_88 : vector<2x2xf32>
    %reduce_max3A_90 = arith.constant dense<0xFF800000> : vector<2xf32>
    %reduce_max3A_91 = vector.multi_reduction <maximumf>, %mul3A_89, %reduce_max3A_90 [1] : vector<2x2xf32> to vector<2xf32>
    %broadcast_in_dim3A_92 = vector.shape_cast %reduce_max3A_91 : vector<2xf32> to vector<2x1xf32>
    %sub3A_93 = vector.broadcast %broadcast_in_dim3A_92 : vector<2x1xf32> to vector<2x2xf32>
    %sub3A_94 = arith.subf %mul3A_89, %sub3A_93 : vector<2x2xf32>
    %exp3A_95 = math.exp %sub3A_94 : vector<2x2xf32>
    %reduce_sum3A_96 = arith.constant dense<0.000000e+00> : vector<2xf32>
    %reduce_sum3A_97 = vector.multi_reduction <add>, %exp3A_95, %reduce_sum3A_96 [1] : vector<2x2xf32> to vector<2xf32>
    %broadcast_in_dim3A_98 = vector.shape_cast %reduce_sum3A_97 : vector<2xf32> to vector<2x1xf32>
    %div3A_99 = vector.broadcast %broadcast_in_dim3A_98 : vector<2x1xf32> to vector<2x2xf32>
    %div3A_100 = arith.divf %exp3A_95, %div3A_99 : vector<2x2xf32>
    %dot_general3A_101 = arith.constant dense<0.000000e+00> : vector<2x32xf32>
    %dot_general3A_102 = tpu.matmul %div3A_100, %slice3A_84, %dot_general3A_101 {dimension_numbers = #tpu.dot_dimension_numbers<[1], [0], [0], [1], [0, 0, 1, 1], [], []>, transpose_lhs_hint = false} : vector<2x2xf32>, vector<2x32xf32>, vector<2x32xf32> -> vector<2x32xf32>
    %slice3A_103 = vector.extract_strided_slice %add3A_46 {offsets = [0, 64], sizes = [2, 32], strides = [1, 1]} : vector<2x128xf32> to vector<2x32xf32>
    %slice3A_104 = vector.extract_strided_slice %add3A_56 {offsets = [0, 64], sizes = [2, 32], strides = [1, 1]} : vector<2x128xf32> to vector<2x32xf32>
    %slice3A_105 = vector.extract_strided_slice %add3A_66 {offsets = [0, 64], sizes = [2, 32], strides = [1, 1]} : vector<2x128xf32> to vector<2x32xf32>
    %dot_general3A_106 = arith.constant dense<0.000000e+00> : vector<2x2xf32>
    %dot_general3A_107 = tpu.matmul %slice3A_103, %slice3A_104, %dot_general3A_106 {dimension_numbers = #tpu.dot_dimension_numbers<[1], [1], [0], [0], [0, 0, 1, 0], [], []>, transpose_lhs_hint = false} : vector<2x32xf32>, vector<2x32xf32>, vector<2x2xf32> -> vector<2x2xf32>
    %mul3A_108 = arith.constant 0.176776692 : f32
    %mul3A_109 = vector.broadcast %mul3A_108 : f32 to vector<2x2xf32>
    %mul3A_110 = arith.mulf %dot_general3A_107, %mul3A_109 : vector<2x2xf32>
    %reduce_max3A_111 = arith.constant dense<0xFF800000> : vector<2xf32>
    %reduce_max3A_112 = vector.multi_reduction <maximumf>, %mul3A_110, %reduce_max3A_111 [1] : vector<2x2xf32> to vector<2xf32>
    %broadcast_in_dim3A_113 = vector.shape_cast %reduce_max3A_112 : vector<2xf32> to vector<2x1xf32>
    %sub3A_114 = vector.broadcast %broadcast_in_dim3A_113 : vector<2x1xf32> to vector<2x2xf32>
    %sub3A_115 = arith.subf %mul3A_110, %sub3A_114 : vector<2x2xf32>
    %exp3A_116 = math.exp %sub3A_115 : vector<2x2xf32>
    %reduce_sum3A_117 = arith.constant dense<0.000000e+00> : vector<2xf32>
    %reduce_sum3A_118 = vector.multi_reduction <add>, %exp3A_116, %reduce_sum3A_117 [1] : vector<2x2xf32> to vector<2xf32>
    %broadcast_in_dim3A_119 = vector.shape_cast %reduce_sum3A_118 : vector<2xf32> to vector<2x1xf32>
    %div3A_120 = vector.broadcast %broadcast_in_dim3A_119 : vector<2x1xf32> to vector<2x2xf32>
    %div3A_121 = arith.divf %exp3A_116, %div3A_120 : vector<2x2xf32>
    %dot_general3A_122 = arith.constant dense<0.000000e+00> : vector<2x32xf32>
    %dot_general3A_123 = tpu.matmul %div3A_121, %slice3A_105, %dot_general3A_122 {dimension_numbers = #tpu.dot_dimension_numbers<[1], [0], [0], [1], [0, 0, 1, 1], [], []>, transpose_lhs_hint = false} : vector<2x2xf32>, vector<2x32xf32>, vector<2x32xf32> -> vector<2x32xf32>
    %slice3A_124 = vector.extract_strided_slice %add3A_46 {offsets = [0, 96], sizes = [2, 32], strides = [1, 1]} : vector<2x128xf32> to vector<2x32xf32>
    %slice3A_125 = vector.extract_strided_slice %add3A_56 {offsets = [0, 96], sizes = [2, 32], strides = [1, 1]} : vector<2x128xf32> to vector<2x32xf32>
    %slice3A_126 = vector.extract_strided_slice %add3A_66 {offsets = [0, 96], sizes = [2, 32], strides = [1, 1]} : vector<2x128xf32> to vector<2x32xf32>
    %dot_general3A_127 = arith.constant dense<0.000000e+00> : vector<2x2xf32>
    %dot_general3A_128 = tpu.matmul %slice3A_124, %slice3A_125, %dot_general3A_127 {dimension_numbers = #tpu.dot_dimension_numbers<[1], [1], [0], [0], [0, 0, 1, 0], [], []>, transpose_lhs_hint = false} : vector<2x32xf32>, vector<2x32xf32>, vector<2x2xf32> -> vector<2x2xf32>
    %mul3A_129 = arith.constant 0.176776692 : f32
    %mul3A_130 = vector.broadcast %mul3A_129 : f32 to vector<2x2xf32>
    %mul3A_131 = arith.mulf %dot_general3A_128, %mul3A_130 : vector<2x2xf32>
    %reduce_max3A_132 = arith.constant dense<0xFF800000> : vector<2xf32>
    %reduce_max3A_133 = vector.multi_reduction <maximumf>, %mul3A_131, %reduce_max3A_132 [1] : vector<2x2xf32> to vector<2xf32>
    %broadcast_in_dim3A_134 = vector.shape_cast %reduce_max3A_133 : vector<2xf32> to vector<2x1xf32>
    %sub3A_135 = vector.broadcast %broadcast_in_dim3A_134 : vector<2x1xf32> to vector<2x2xf32>
    %sub3A_136 = arith.subf %mul3A_131, %sub3A_135 : vector<2x2xf32>
    %exp3A_137 = math.exp %sub3A_136 : vector<2x2xf32>
    %reduce_sum3A_138 = arith.constant dense<0.000000e+00> : vector<2xf32>
    %reduce_sum3A_139 = vector.multi_reduction <add>, %exp3A_137, %reduce_sum3A_138 [1] : vector<2x2xf32> to vector<2xf32>
    %broadcast_in_dim3A_140 = vector.shape_cast %reduce_sum3A_139 : vector<2xf32> to vector<2x1xf32>
    %div3A_141 = vector.broadcast %broadcast_in_dim3A_140 : vector<2x1xf32> to vector<2x2xf32>
    %div3A_142 = arith.divf %exp3A_137, %div3A_141 : vector<2x2xf32>
    %dot_general3A_143 = arith.constant dense<0.000000e+00> : vector<2x32xf32>
    %dot_general3A_144 = tpu.matmul %div3A_142, %slice3A_126, %dot_general3A_143 {dimension_numbers = #tpu.dot_dimension_numbers<[1], [0], [0], [1], [0, 0, 1, 1], [], []>, transpose_lhs_hint = false} : vector<2x2xf32>, vector<2x32xf32>, vector<2x32xf32> -> vector<2x32xf32>
    %concatenate3A_145 = tpu.concatenate %dot_general3A_81, %dot_general3A_102, %dot_general3A_123, %dot_general3A_144 in 1 : vector<2x32xf32>, vector<2x32xf32>, vector<2x32xf32>, vector<2x32xf32> -> vector<2x128xf32>
    %get3A_146 = arith.constant 0 : index
    %get3A_147 = arith.constant 0 : index
    %get3A_148 = vector.load %arg14[%get3A_146, %get3A_147] : memref<128x128xf32, #tpu.memory_space<vmem>>, vector<128x128xf32>
    %dot_general3A_149 = arith.constant dense<0.000000e+00> : vector<2x128xf32>
    %dot_general3A_150 = tpu.matmul %concatenate3A_145, %get3A_148, %dot_general3A_149 {dimension_numbers = #tpu.dot_dimension_numbers<[1], [1], [0], [0], [0, 0, 1, 0], [], []>, transpose_lhs_hint = false} : vector<2x128xf32>, vector<128x128xf32>, vector<2x128xf32> -> vector<2x128xf32>
    %get3A_151 = arith.constant 0 : index
    %get3A_152 = arith.constant 0 : index
    %get3A_153 = vector.load %arg15[%get3A_151, %get3A_152] : memref<1x128xf32, #tpu.memory_space<vmem>>, vector<1x128xf32>
    %add3A_154 = vector.broadcast %get3A_153 : vector<1x128xf32> to vector<2x128xf32>
    %add3A_155 = arith.addf %dot_general3A_150, %add3A_154 : vector<2x128xf32>
    %add3A_156 = arith.addf %add3A_155, %concatenate3A : vector<2x128xf32>
    %reduce_sum3A_157 = arith.constant dense<0.000000e+00> : vector<2xf32>
    %reduce_sum3A_158 = vector.multi_reduction <add>, %add3A_156, %reduce_sum3A_157 [1] : vector<2x128xf32> to vector<2xf32>
    %broadcast_in_dim3A_159 = vector.shape_cast %reduce_sum3A_158 : vector<2xf32> to vector<2x1xf32>
    %div3A_160 = arith.constant 1.280000e+02 : f32
    %div3A_161 = vector.broadcast %div3A_160 : f32 to vector<2x1xf32>
    %div3A_162 = arith.divf %broadcast_in_dim3A_159, %div3A_161 : vector<2x1xf32>
    %sub3A_163 = vector.broadcast %div3A_162 : vector<2x1xf32> to vector<2x128xf32>
    %sub3A_164 = arith.subf %add3A_156, %sub3A_163 : vector<2x128xf32>
    %integer_pow3A = arith.mulf %sub3A_164, %sub3A_164 : vector<2x128xf32>
    %reduce_sum3A_165 = arith.constant dense<0.000000e+00> : vector<2xf32>
    %reduce_sum3A_166 = vector.multi_reduction <add>, %integer_pow3A, %reduce_sum3A_165 [1] : vector<2x128xf32> to vector<2xf32>
    %broadcast_in_dim3A_167 = vector.shape_cast %reduce_sum3A_166 : vector<2xf32> to vector<2x1xf32>
    %div3A_168 = arith.constant 1.280000e+02 : f32
    %div3A_169 = vector.broadcast %div3A_168 : f32 to vector<2x1xf32>
    %div3A_170 = arith.divf %broadcast_in_dim3A_167, %div3A_169 : vector<2x1xf32>
    %sub3A_171 = vector.broadcast %div3A_162 : vector<2x1xf32> to vector<2x128xf32>
    %sub3A_172 = arith.subf %add3A_156, %sub3A_171 : vector<2x128xf32>
    %add3A_173 = arith.constant 9.99999974E-6 : f32
    %add3A_174 = vector.broadcast %add3A_173 : f32 to vector<2x1xf32>
    %add3A_175 = arith.addf %div3A_170, %add3A_174 : vector<2x1xf32>
    %sqrt3A = math.sqrt %add3A_175 : vector<2x1xf32>
    %div3A_176 = vector.broadcast %sqrt3A : vector<2x1xf32> to vector<2x128xf32>
    %div3A_177 = arith.divf %sub3A_172, %div3A_176 : vector<2x128xf32>
    %get3A_178 = arith.constant 0 : index
    %get3A_179 = arith.constant 0 : index
    %get3A_180 = vector.load %arg16[%get3A_178, %get3A_179] : memref<1x128xf32, #tpu.memory_space<vmem>>, vector<1x128xf32>
    %mul3A_181 = vector.broadcast %get3A_180 : vector<1x128xf32> to vector<2x128xf32>
    %mul3A_182 = arith.mulf %div3A_177, %mul3A_181 : vector<2x128xf32>
    %get3A_183 = arith.constant 0 : index
    %get3A_184 = arith.constant 0 : index
    %get3A_185 = vector.load %arg17[%get3A_183, %get3A_184] : memref<1x128xf32, #tpu.memory_space<vmem>>, vector<1x128xf32>
    %add3A_186 = vector.broadcast %get3A_185 : vector<1x128xf32> to vector<2x128xf32>
    %add3A_187 = arith.addf %mul3A_182, %add3A_186 : vector<2x128xf32>
    %reduce_sum3A_188 = arith.constant dense<0.000000e+00> : vector<128xf32>
    %reduce_sum3A_189 = vector.multi_reduction <add>, %add3A_187, %reduce_sum3A_188 [0] : vector<2x128xf32> to vector<128xf32>
    %broadcast_in_dim3A_190 = vector.shape_cast %reduce_sum3A_189 : vector<128xf32> to vector<1x128xf32>
    %div3A_191 = arith.constant 2.000000e+00 : f32
    %div3A_192 = vector.broadcast %div3A_191 : f32 to vector<1x128xf32>
    %div3A_193 = arith.divf %broadcast_in_dim3A_190, %div3A_192 : vector<1x128xf32>
    %get3A_194 = arith.constant 0 : index
    %get3A_195 = arith.constant 0 : index
    %get3A_196 = vector.load %arg18[%get3A_194, %get3A_195] : memref<128x128xf32, #tpu.memory_space<vmem>>, vector<128x128xf32>
    %dot_general3A_197 = arith.constant dense<0.000000e+00> : vector<1x128xf32>
    %dot_general3A_198 = tpu.matmul %div3A_193, %get3A_196, %dot_general3A_197 {dimension_numbers = #tpu.dot_dimension_numbers<[1], [1], [0], [0], [0, 0, 1, 0], [], []>, transpose_lhs_hint = false} : vector<1x128xf32>, vector<128x128xf32>, vector<1x128xf32> -> vector<1x128xf32>
    %get3A_199 = arith.constant 0 : index
    %get3A_200 = arith.constant 0 : index
    %get3A_201 = vector.load %arg19[%get3A_199, %get3A_200] : memref<1x128xf32, #tpu.memory_space<vmem>>, vector<1x128xf32>
    %add3A_202 = arith.addf %dot_general3A_198, %get3A_201 : vector<1x128xf32>
    %swap3A = arith.constant 0 : index
    %swap3A_203 = arith.constant 0 : index
    %swap3A_204 = vector.load %arg20[%swap3A, %swap3A_203] : memref<1x128xf32, #tpu.memory_space<vmem>>, vector<1x128xf32>
    tpu.vector_store %arg20[%swap3A, %swap3A_203], %add3A_202 {strides = array<i32>} : memref<1x128xf32, #tpu.memory_space<vmem>>, vector<1x128xf32>,
    return
  }
}

</mosaic_0001>

<sc_bundles>
// kernel: kernel.4.cloned.1.call-start
scs
__scs_entry_jumppad:
0x0: {  	(pc) =	sbr.rel $0x88, $3  }
0x1: {  	(tag) =	ssettag $0x0;
	lr =	simm.s32 $0x1  }
0x2: {  	[smem:$0x3F8D] =	sst lr;
	_ =	strace $0xD0000000  }
0x3: {  	_ = 	snop  }
0x4: {  	_ = 	snop  }
0x5: {  	_ = 	snop  }
0x6: {  	_ = 	snop  }
0x7: {  	_ = 	snop  }
__scs_overlays_trampoline_lowered:
0x8: {  	[smem:$0x3F9C] =	sst s0  }
0x9: {  	[smem:$0x3F9D] =	sst s1  }
0xa: {  	[smem:$0x3F9E] =	sst s2  }
0xb: {  	[smem:$0x3F9F] =	sst s3  }
0xc: {  	[smem:$0x3FA0] =	sst s4  }
0xd: {  	[smem:$0x3FA1] =	sst s5  }
0xe: {  	[smem:$0x3FA2] =	sst s6  }
0xf: {  	[smem:$0x3FA3] =	sst s7  }
0x10: {  	[smem:$0x3FA4] =	sst s8  }
0x11: {  	[smem:$0x3FA5] =	sst s9;
	s0 =	simm.s32 @!p0 $0x0  }
0x12: {  	s1 =	sld [smem:$0x3F8B];
	s0 =	simm.s32 @p0 $0x1  }
0x13: {  	[smem:$0x3FA6] =	sst s0;
	s0 =	simm.s32 @!p1 $0x0  }
0x14: {  	s2 =	sld [smem:$0x3F8A];
	s0 =	simm.s32 @p1 $0x1  }
0x15: {  	[smem:$0x3FA7] =	sst s0;
	s0 =	simm.s32 @!p2 $0x0  }
0x16: {  	s3 =	sld [smem:$0x3FDB];
	s0 =	simm.s32 @p2 $0x1  }
0x17: {  	s4 =	simm.s32 $0x1BF5;
	[smem:$0x3FA9] =	sst s0  }
0x18: {  	s0 =	sld [smem:$0x3F8C];
	_ =	swait.ge [sflag:s4], $0x0  }
0x19: {  	s7 =	sld [smem:$0x3F8D]  }
0x1a: {  	s8 =	sadd.s32 $0xFFFFE003, lr  }
0x1b: {  	s9 =	sadd.s32 $0xFFFFFEF7, lr;
	s5 =	simm.s32 $0xFFFFFFFF;
	p2 =	slt.u32 s8, $0xFFFFF086  }
0x1c: {  	p1 =	slt.u32 s9, $0xF7A;
	s5 =	simm.s32 @!p2 $0x0  }
0x1d: {  	s5 =	simm.s32 @p1 $0x1;
	p0 =	seq.s32 s7, s2  }
0x1e: {  	s7 =	smul.u32 @!p0 $0xF7A, s2;
	p2 =	seq.s32 @!p0 s5, $0x0  }
0x1f: {  	s9 =	smul.u32 $0xF7A, s1;
	s8 =	simm.s32 @!p0 $0x1BF5;
	p2 =	por !p2, p0  }
0x20: {  	[sflag:s8] =	ssyncset.s32 @!p0 $0xFFFFF086;
	s6 =	sadd.s32 @!p0 s3, s7;
	s7 =	simm.s32 @!p0 $0x108  }
0x21: {  	s3 =	sadd.s32 s3, s9;
	s6 =	sadd.s32 @!p0 $0x88, s6;
	s7 =	simm.s32 @p2 $0x1082  }
0x22: {  	[simem:s7], [sflag:s8] =	dma.local @!p0 [hbm:s6], $0xF7A  }
0x23: {  	s9 =	sor.u32 $0xD0000000, s2;
	s6 =	simm.s32 $0x108;
	_ =	swait.ge @!p0 [sflag:s8], $0x0  }
0x24: {  	s3 =	sadd.s32 $0x88, s3;
	s6 =	simm.s32 @!p1 $0x1082;
	[sflag:s4] =	ssyncset.s32 $0xFFFFF086  }
0x25: {  	[simem:s6], [sflag:s4] =	dma.local [hbm:s3], $0xF7A  }
0x26: {  	[smem:$0x3F8D] =	sst s1;
	(tag) =	ssettag s2;
	_ =	strace s9  }
0x27: {  	s1 =	sld [smem:$0x3F9D]  }
0x28: {  	s2 =	sld [smem:$0x3F9E]  }
0x29: {  	s4 =	sld [smem:$0x3FA0]  }
0x2a: {  	p0 =	seq.s32 s5, $0x0;
	s5 =	sld [smem:$0x3FA1]  }
0x2b: {  	s6 =	sld [smem:$0x3FA2]  }
0x2c: {  	s7 =	sld [smem:$0x3FA3]  }
0x2d: {  	s3 =	simm.s32 $0x108;
	s8 =	sld [smem:$0x3FA4]  }
0x2e: {  	s3 =	simm.s32 @!p0 $0x1082;
	s9 =	sld [smem:$0x3FA5]  }
0x2f: {  	lr =	sadd.s32 s0, s3;
	s0 =	sld [smem:$0x3F9C]  }
0x30: {  	s3 =	sld [smem:$0x3F9F]  }
0x31: {  	[smem:$0x3FA8] =	sst s10  }
0x32: {  	s10 =	sld [smem:$0x3FA6];
	_ =	sdelay $0x3  }
0x33: {  	p0 =	seq.s32 s10, $0x1;
	s10 =	sld [smem:$0x3FA8];
	_ =	sdelay $0x3  }
0x34: {  	[smem:$0x3FA8] =	sst s10  }
0x35: {  	s10 =	sld [smem:$0x3FA7];
	_ =	sdelay $0x3  }
0x36: {  	p1 =	seq.s32 s10, $0x1;
	s10 =	sld [smem:$0x3FA8];
	_ =	sdelay $0x3  }
0x37: {  	[smem:$0x3FA8] =	sst s10  }
0x38: {  	s10 =	sld [smem:$0x3FA9]  }
0x39: {  	_ = 	snop;
	(pc) =	sbr.ind lr, $3  }
0x3a: {  	_ = 	snop  }
0x3b: {  	_ = 	snop  }
0x3c: {  	p2 =	seq.s32 s10, $0x1;
	s10 =	sld [smem:$0x3FA8]  }
0x3d: {  	_ =	shalt  }
0x3e: {  	_ =	shalt  }
0x3f: {  	_ =	shalt  }
0x40: {  	_ =	shalt  }
0x41: {  	_ =	shalt  }
0x42: {  	_ =	shalt  }
0x43: {  	_ =	shalt  }
0x44: {  	_ =	shalt  }
0x45: {  	_ =	shalt  }
0x46: {  	_ =	shalt  }
0x47: {  	_ =	shalt  }
0x48: {  	_ =	shalt  }
0x49: {  	_ =	shalt  }
0x4a: {  	_ =	shalt  }
0x4b: {  	_ =	shalt  }
0x4c: {  	_ =	shalt  }
0x4d: {  	_ =	shalt  }
0x4e: {  	_ =	shalt  }
0x4f: {  	_ =	shalt  }
0x50: {  	_ =	shalt  }
0x51: {  	_ =	shalt  }
0x52: {  	_ =	shalt  }
0x53: {  	_ =	shalt  }
0x54: {  	_ =	shalt  }
0x55: {  	_ =	shalt  }
0x56: {  	_ =	shalt  }
0x57: {  	_ =	shalt  }
0x58: {  	_ =	shalt  }
0x59: {  	_ =	shalt  }
0x5a: {  	_ =	shalt  }
0x5b: {  	_ =	shalt  }
0x5c: {  	_ =	shalt  }
0x5d: {  	_ =	shalt  }
0x5e: {  	_ =	shalt  }
0x5f: {  	_ =	shalt  }
0x60: {  	_ =	shalt  }
0x61: {  	_ =	shalt  }
0x62: {  	_ =	shalt  }
0x63: {  	_ =	shalt  }
0x64: {  	_ =	shalt  }
0x65: {  	_ =	shalt  }
0x66: {  	_ =	shalt  }
0x67: {  	_ =	shalt  }
0x68: {  	_ =	shalt  }
0x69: {  	_ =	shalt  }
0x6a: {  	_ =	shalt  }
0x6b: {  	_ =	shalt  }
0x6c: {  	_ =	shalt  }
0x6d: {  	_ =	shalt  }
0x6e: {  	_ =	shalt  }
0x6f: {  	_ =	shalt  }
0x70: {  	_ =	shalt  }
0x71: {  	_ =	shalt  }
0x72: {  	_ =	shalt  }
0x73: {  	_ =	shalt  }
0x74: {  	_ =	shalt  }
0x75: {  	_ =	shalt  }
0x76: {  	_ =	shalt  }
0x77: {  	_ =	shalt  }
0x78: {  	_ =	shalt  }
0x79: {  	_ =	shalt  }
0x7a: {  	_ =	shalt  }
0x7b: {  	_ =	shalt  }
0x7c: {  	_ =	shalt  }
0x7d: {  	_ =	shalt  }
0x7e: {  	_ =	shalt  }
0x7f: {  	_ =	shalt  }
0x80: {  	_ =	shalt  }
0x81: {  	_ =	shalt  }
0x82: {  	_ =	shalt  }
0x83: {  	_ =	shalt  }
0x84: {  	_ =	shalt  }
0x85: {  	_ =	shalt  }
0x86: {  	_ =	shalt  }
0x87: {  	_ =	shalt  }
.Lfunc_end0:
.L_simem_size_0:
called_computation_lowered:
.L_overlay_start_0:
0x88: {  	s2 =	sld [smem:$0x3FD9]  }
0x89: {  	s3 =	sld [smem:$0x3FFE];
	_ =	sdelay $0x1  }
0x8a: {  	s1 =	srdreg.scid  }
0x8b: {  	s0 =	sand.u32 $0x1, s1  }
0x8c: {  	s16 =	sshll.u32 s0, $0xA;
	s2 =	sadd.s32 s3, s2  }
0x8d: {  	s2 =	sadd.s32 s2, s16  }
0x8e: {  	[smem:$0x3FB4] =	sst s2  }
0x8f: {  	_ = 	snop  }
0x90: {  	(tm) =	ssettm $0x1  }
0x91: {  	s17 =	sld [smem:$0x3FFB];
	_ =	sdelay $0x3  }
0x92: {  	_ =	strace s17  }
0x93: {  	s2 =	sld [smem:$0x3FFC];
	_ =	sdelay $0x3  }
0x94: {  	_ =	strace s2  }
0x95: {  	s2 =	sld [smem:$0x3FFD];
	_ =	sdelay $0x3  }
0x96: {  	_ =	strace s2  }
0x97: {  	_ =	strace $0x8FFFFFFF  }
0x98: {  	s18 =	sld [smem:$0x3FDB];
	_ =	sdelay $0x1  }
0x99: {  	s19 =	simm.s32 $_scs_section_size  }
0x9a: {  	s4 =	simm.s32 $_size__tile_overlayer_lowered;
	s5 =	simm.s32 $_tile_overlayer_lowered  }
0x9b: {  	s22 =	simm.s32 $0x1BFF;
	s21 =	sshll.u32 s5, $0x1;
	s2 =	sadd.s32 s19, s18  }
0x9c: {  	s6 =	simm.s32 $0x0;
	s20 =	sshll.u32 s4, $0x1;
	s4 =	sadd.s32 s21, s2  }
0x9d: {  	[timem:s6], [sflag:s22] =	dma.local [hbm:s4], s20  }
0x9e: {  	_ =	swait.ge [sflag:s22], s20  }
0x9f: {  	s3 =	ssub.s32 $0x0, s20;
	[sflag:s22] =	ssyncset.done $0x0  }
0xa0: {  	[sflag:s22] =	ssyncadd.s32 s3;
	_ =	sdelay $0x1  }
0xa1: {  	s23 =	simm.s32 $0x1B8B  }
0xa2: {  	_ =	swait.ge [sflag:s23], $0x1  }
0xa3: {  	[sflag:s23] =	ssyncset.done $0x0  }
0xa4: {  	s25 =	simm.s32 $0x1B8E;
	s24 =	sld [smem:$0x3FFE];
	[sflag:s23] =	ssyncadd.s32 $0xFFFFFFFF  }
0xa5: {  	s26 =	simm.s32 $execute0_lowered;
	[smem:$0x3FD2] =	sst s25  }
0xa6: {  	s4 =	sshll.u32 s26, $0x1;
	_ =	strace $0x80000046;
	[dreg:$0x1] =	wrdreg $0xFFFFFFFF  }
0xa7: {  	s28 =	simm.s32 $_size_execute0_lowered;
	s2 =	sadd.s32 s2, s4;
	[dreg:$0x0] =	wrdreg $0x0  }
0xa8: {  	s4 =	sshll.u32 s28, $0x1;
	[dreg:$0x2] =	wrdreg s2  }
0xa9: {  	[dreg:$0x3] =	wrdreg s4  }
0xaa: {  	[dreg:$0x4] =	wrdreg $0xC0  }
0xab: {  	_ =	task [dreg:s6], $0x5FFFF  }
0xac: {  	[dreg:$0x1] =	wrdreg $0xFFFFFFFF  }
0xad: {  	[dreg:$0x0] =	wrdreg $0x60  }
0xae: {  	[dreg:$0x2] =	wrdreg s24  }
0xaf: {  	[dreg:$0x3] =	wrdreg $0xF6400  }
0xb0: {  	[dreg:$0x4] =	wrdreg $0x11E400  }
0xb1: {  	[dreg:$0x5] =	wrdreg $0x9  }
0xb2: {  	_ =	task.clear_ibuf [dreg:s6], $0x6FFFF;
	_ =	strace $0x90000046  }
0xb3: {  	s29 =	simm.s32 $0x9;
	_ =	strace $0x80000048  }
0xb4: {  	_ =	swait.ge [sflag:s29], $0x1  }
0xb5: {  	[sflag:s29] =	ssyncadd.s32 $0xFFFFFFFF  }
0xb6: {  	_ =	strace $0x90000048  }
0xb7: {  	_ =	sfence  }
0xb8: {  	s30 =	sld [smem:$0x0];
	_ =	sdelay $0x2  }
0xb9: {  	s31 =	sshll.u32 s1, $0xD;
	s1 =	sshrl.u32 s1, $0x2  }
0xba: {  	s3 =	sand.u32 $0x4000, s31;
	s1 =	sadd.s32 s1, s30  }
0xbb: {  	s0 =	sor.u32 s3, s0;
	s1 =	sshll.u32 s1, $0x11  }
0xbc: {  	s0 =	sor.u32 s1, s0  }
0xbd: {  	s0 =	sadd.s32 $0x8F2B, s0  }
0xbe: {  	[sflag:s0] =	ssyncadd.remote.s32 $0x1  }
0xbf: {  	_ =	sfence.sel $0xFFFF  }
0xc0: {  	[dreg:$0x0] =	wrdreg $0xFFFFFFFF;
	(pc) =	sbr.abs _section_cstart, $3  }
0xc1: {  	[dreg:$0x1] =	wrdreg $0xFFFFFFFF  }
0xc2: {  	_ =	task.clear_ibuf [dreg:s6], $0x2FFFF;
	_ =	strace $0x9FFFFFFF  }
0xc3: {  	(tm) =	ssettm $0x7FFFFFFF  }
tec
execute0_lowered:
.L_overlay_start_1:
0x0: {  	(tag) =	ssettag $0x1  }
0x1: {  	s0 =	rddreg [dreg:$0x0]  }
0x2: {  	s1 =	rddreg [dreg:$0x1]  }
0x3: {  	s24 =	rddreg [dreg:$0x2];
	s2 =	simm.s32 $0x0;
	s4 =	srdreg.scid  }
0x4: {  	s8 =	stileid.u32;
	s30 =	simm.s32 $0x5;
	s31 =	simm.s32 $0xEC40  }
0x5: {  	[smem:$0x7FF] =	sst s2;
	s3 =	sadd.s32 $0x3E00, s0;
	s21 =	smul.u32 $0x280, s8  }
0x6: {  	s20 =	sadd.s32 $0x17800, s0;
	s4 =	sand.u32 $0x1, s4;
	s6 =	smul.u32 $0xA000, s8  }
0x7: {  	s19 =	sadd.s32 $0x2B200, s0;
	s0 =	sadd.s32 $0x2B800, s0;
	s8 =	smul.u32 $0x4E20, s8  }
0x8: {  	_ =	strace $0x80000047;
	s5 =	ssub.s32 $0x2, s4;
	p0 =	seq.s32 s4, $0x0  }
0x9: {  	s7 =	sshrl.u32 s5, $0x1;
	s26 =	sshrl.u32 s6, $0x2;
	s22 =	sshrl.u32 s8, $0x3  }
0xa: {  	s28 =	sadd.s32 $0x190, s21;
	s29 =	sadd.s32 $0x1A0, s21;
	s17 =	sadd.s32 $0x1B0, s21  }
0xb: {  	s18 =	sadd.s32 $0x1C0, s21;
	s25 =	sadd.s32 $0x1D0, s21;
	s20 =	smov.u32 @p0 s3  }
0xc: {  	s0 =	smov.u32 @p0 s19;
	s3 =	sadd.s32 $0x260, s21;
	s23 =	ssub.s32 s5, s7  }
0xd: {  	s4 =	sadd.s32 s26, s1;
	s5 =	sadd.s32 s21, s1;
	p1 =	slt.u32 s28, $0x2710  }
0xe: {  	s26 =	sadd.s32 $0x1F0, s21;
	s28 =	sadd.s32 $0x200, s21;
	s20 =	sadd.s32 s20, s22  }
0xf: {  	s22 =	sadd.s32 $0x210, s21;
	p6 =	slt.u32 s3, $0x2710;
	s3 =	simm.s32 $0xEEC0  }
0x10: {  	s6 =	sadd.s32 $0x2800, s5;
	s7 =	sadd.s32 $0x5000, s5;
	s8 =	sadd.s32 $0x7800, s5  }
0x11: {  	s9 =	sadd.s32 $0xA000, s5;
	s10 =	sadd.s32 $0xC800, s5;
	s11 =	sadd.s32 $0xF000, s5  }
0x12: {  	s12 =	sadd.s32 $0x11800, s5;
	s13 =	sadd.s32 $0x14000, s5;
	s14 =	sadd.s32 $0x16800, s5  }
0x13: {  	s15 =	sadd.s32 $0x19000, s5;
	s16 =	sadd.s32 $0x1B800, s5;
	s1 =	simm.s32 @!p1 $0x0  }
0x14: {  	s19 =	sadd.s32 $0x23000, s5;
	p0 =	slt.u32 s26, $0x2710;
	s26 =	sadd.s32 $0x230, s21  }
0x15: {  	[dreg:$0x4] =	wrdreg s20;
	s1 =	simm.s32 @p1 $0x1;
	p1 =	slt.u32 s29, $0x2710  }
0x16: {  	s29 =	sshrl.u32 s21, $0x3;
	p3 =	slt.u32 s26, $0x2710;
	s26 =	sadd.s32 $0x270, s21  }
0x17: {  	[smem:$0x7F5] =	sst s1;
	s1 =	simm.s32 @!p1 $0x0;
	s0 =	sadd.s32 s0, s29  }
0x18: {  	s29 =	sadd.s32 $0x250, s21;
	s1 =	simm.s32 @p1 $0x1;
	p1 =	slt.u32 s17, $0x2710  }
0x19: {  	s17 =	sadd.s32 $0x1E000, s5;
	[smem:$0x7F6] =	sst s1;
	s1 =	simm.s32 @!p1 $0x0  }
0x1a: {  	[dreg:$0x5] =	wrdreg s0;
	s1 =	simm.s32 @p1 $0x1;
	p1 =	slt.u32 s18, $0x2710  }
0x1b: {  	p5 =	slt.u32 s29, $0x2710;
	[smem:$0x7F7] =	sst s1;
	s1 =	simm.s32 @!p1 $0x0  }
0x1c: {  	s29 =	sadd.s32 $0x9C40, s20;
	s1 =	simm.s32 @p1 $0x1;
	p1 =	slt.u32 s25, $0x2710  }
0x1d: {  	s18 =	sadd.s32 $0x1E0, s21;
	[smem:$0x7F8] =	sst s1;
	s1 =	simm.s32 @!p1 $0x0  }
0x1e: {  	[dreg:$0x8] =	wrdreg s29;
	s1 =	simm.s32 @p1 $0x1;
	p1 =	slt.u32 s18, $0x2710  }
0x1f: {  	s25 =	sadd.s32 $0x220, s21;
	[smem:$0x7F9] =	sst s1;
	s1 =	simm.s32 @!p1 $0x0  }
0x20: {  	p2 =	slt.u32 s25, $0x2710;
	s25 =	sadd.s32 s21, s24;
	s1 =	simm.s32 @p1 $0x1  }
0x21: {  	s18 =	sadd.s32 $0x20800, s5;
	[smem:$0x7FA] =	sst s1;
	s1 =	simm.s32 @!p0 $0x0  }
0x22: {  	[dreg:$0x6] =	wrdreg s25;
	s1 =	simm.s32 @p0 $0x1;
	p0 =	slt.u32 s28, $0x2710  }
0x23: {  	s28 =	sadd.s32 $0x240, s21;
	s21 =	simm.s32 $0x0;
	[smem:$0x7FB] =	sst s1  }
0x24: {  	s1 =	simm.s32 @!p0 $0x0;
	p4 =	slt.u32 s28, $0x2710;
	s28 =	smax.u32 s23, $0x1  }
0x25: {  	s1 =	simm.s32 @p0 $0x1;
	p0 =	slt.u32 s22, $0x2710;
	[dreg:$0x7] =	wrdreg s28  }
0x26: {  	s22 =	sadd.s32 $0x25800, s5;
	[smem:$0x7FC] =	sst s1;
	s0 =	simm.s32 @!p0 $0x0  }
0x27: {  	s1 =	simm.s32 $0x2800;
	s0 =	simm.s32 @p0 $0x1;
	p0 =	slt.u32 s26, $0x2710  }
0x28: {  	v0 =	vimm.f32 $0.0e+00;
	v1 =	vimm.f32 $1.000000000e+00;
	s26 =	simm.s32 $0x4;
	[smem:$0x7FD] =	sst s0;
	s0 =	simm.s32 $0x3  }
.LBB2_1:
0x29: {  	s20 =	rddreg [dreg:$0x8];
	s23 =	simm.s32 $0x9E20  }
0x2a: {  	[tilespmem:s23], [sflag:$0x2] =	stream.linear.gather [hbm4b:s20+s2], $0x4E20, $0x38;
	[tilespmem:$0x120C0] =	vst v63  }
0x2b: {  	s28 =	rddreg [dreg:$0x4];
	s29 =	simm.s32 $0x5000;
	s20 =	simm.s32 $0x40  }
0x2c: {  	[tilespmem:s29], [sflag:$0x1] =	stream.linear.gather [hbm4b:s28+s2], $0x4E20, $0x38;
	[tilespmem:$0x120C0] =	vst v63  }
0x2d: {  	[tilespmem:s20+$0x30] =	vst v0  }
0x2e: {  	[tilespmem:s20+$0xFFFFFFF0] =	vst v0  }
0x2f: {  	[tilespmem:s20+$0xFFFFFFC0] =	vst v0  }
0x30: {  	[tilespmem:s20+$0xFFFFFFE0] =	vst v0  }
0x31: {  	[tilespmem:s20+$0x10] =	vst v0  }
0x32: {  	[tilespmem:s20+$0x20] =	vst v0  }
0x33: {  	[tilespmem:s20+$0x0] =	vst v0  }
0x34: {  	s23 =	simm.s32 $0x2840;
	[tilespmem:s20+$0xFFFFFFD0] =	vst v0  }
0x35: {  	[tilespmem:s23+$0xFFFFFFC0] =	vst v0  }
0x36: {  	[tilespmem:s23+$0x30] =	vst v0  }
0x37: {  	[tilespmem:s23+$0x20] =	vst v0  }
0x38: {  	[tilespmem:s23+$0x10] =	vst v0  }
0x39: {  	[tilespmem:s23+$0xFFFFFFE0] =	vst v0  }
0x3a: {  	[tilespmem:s23+$0x0] =	vst v0  }
0x3b: {  	s24 =	simm.s32 $0x0;
	[tilespmem:s23+$0xFFFFFFF0] =	vst v0  }
.LBB2_2:
0x3c: {  	s24 =	sadd.s32 $0x80, s24;
	[tilespmem:s23+$0xFFFFFFD0] =	vst v0;
	s20 =	sadd.s32 $0x80, s20;
	s23 =	sadd.s32 $0x80, s23  }
0x3d: {  	[tilespmem:s20+$0x30] =	vst v0;
	p1 =	slt.u32 s24, $0x2780  }
0x3e: {  	[tilespmem:s20+$0xFFFFFFF0] =	vst v0  }
0x3f: {  	[tilespmem:s20+$0xFFFFFFC0] =	vst v0  }
0x40: {  	[tilespmem:s23+$0xFFFFFFC0] =	vst v0  }
0x41: {  	[tilespmem:s23+$0x30] =	vst v0  }
0x42: {  	[tilespmem:s20+$0xFFFFFFE0] =	vst v0  }
0x43: {  	[tilespmem:s20+$0x10] =	vst v0  }
0x44: {  	[tilespmem:s20+$0x20] =	vst v0  }
0x45: {  	[tilespmem:s23+$0x20] =	vst v0  }
0x46: {  	[tilespmem:s23+$0x10] =	vst v0  }
.Ltmp0:
0x47: {  	[tilespmem:s23+$0xFFFFFFE0] =	vst v0;
	(pc) =	sbr.rel @p1 .LBB2_2-.Ltmp0, $4  }
0x48: {  	[tilespmem:s20+$0x0] =	vst v0  }
0x49: {  	[tilespmem:s23+$0x0] =	vst v0  }
0x4a: {  	[tilespmem:s23+$0xFFFFFFF0] =	vst v0  }
0x4b: {  	[tilespmem:s20+$0xFFFFFFD0] =	vst v0  }
0x4c: {  	[tilespmem:s23+$0xFFFFFFD0] =	vst v0;
	s20 =	simm.s32 $0x2  }
0x4d: {  	_ =	swait.ge [sflag:s20], $0x4E20  }
0x4e: {  	[sflag:s20] =	ssyncset.done $0x0  }
0x4f: {  	[sflag:s20] =	ssyncadd.s32 $0xFFFFB1E0;
	s20 =	simm.s32 $0x9E60  }
0x50: {  	v3 =	vld [tilespmem:s20+$0xFFFFFFC0]  }
0x51: {  	v4 =	vld [tilespmem:s20+$0x30]  }
0x52: {  	v5 =	vld [tilespmem:s20+$0x20]  }
0x53: {  	v6 =	vld [tilespmem:s20+$0x10]  }
0x54: {  	v7 =	vld [tilespmem:s20+$0x0]  }
0x55: {  	v8 =	vld [tilespmem:s20+$0xFFFFFFF0]  }
0x56: {  	v9 =	vld [tilespmem:s20+$0xFFFFFFE0]  }
0x57: {  	v2 =	vld [tilespmem:s20+$0xFFFFFFD0]  }
0x58: {  	[tilespmem:v3+s2+$0x0] =	vst.idx.add.f32.msk $0xffff, v1  }
0x59: {  	[tilespmem:v4+s2+$0x0] =	vst.idx.add.f32.msk $0xffff, v1  }
0x5a: {  	[tilespmem:v5+s2+$0x0] =	vst.idx.add.f32.msk $0xffff, v1  }
0x5b: {  	[tilespmem:v6+s2+$0x0] =	vst.idx.add.f32.msk $0xffff, v1  }
0x5c: {  	[tilespmem:v7+s2+$0x0] =	vst.idx.add.f32.msk $0xffff, v1  }
0x5d: {  	[tilespmem:v8+s2+$0x0] =	vst.idx.add.f32.msk $0xffff, v1  }
0x5e: {  	s25 =	simm.s32 $0x0;
	s23 =	simm.s32 $0xEC20;
	[tilespmem:v9+s2+$0x0] =	vst.idx.add.f32.msk $0xffff, v1  }
.LBB2_4:
0x5f: {  	s25 =	sadd.s32 $0x80, s25;
	[tilespmem:v2+s2+$0x0] =	vst.idx.add.f32.msk $0xffff, v1;
	s20 =	sadd.s32 $0x80, s20;
	s24 =	simm.s32 $0x4DF0  }
0x60: {  	v3 =	vld [tilespmem:s20+$0xFFFFFFC0];
	p1 =	slt.u32 s25, $0x4D80  }
0x61: {  	v4 =	vld [tilespmem:s20+$0x30]  }
0x62: {  	v5 =	vld [tilespmem:s20+$0x20]  }
0x63: {  	v6 =	vld [tilespmem:s20+$0x10]  }
0x64: {  	v7 =	vld [tilespmem:s20+$0x0]  }
0x65: {  	v8 =	vld [tilespmem:s20+$0xFFFFFFF0]  }
0x66: {  	v9 =	vld [tilespmem:s20+$0xFFFFFFE0]  }
0x67: {  	v2 =	vld [tilespmem:s20+$0xFFFFFFD0]  }
0x68: {  	[tilespmem:v3+s2+$0x0] =	vst.idx.add.f32.msk $0xffff, v1  }
0x69: {  	[tilespmem:v4+s2+$0x0] =	vst.idx.add.f32.msk $0xffff, v1  }
.Ltmp1:
0x6a: {  	[tilespmem:v5+s2+$0x0] =	vst.idx.add.f32.msk $0xffff, v1;
	(pc) =	sbr.rel @p1 .LBB2_4-.Ltmp1, $4  }
0x6b: {  	[tilespmem:v6+s2+$0x0] =	vst.idx.add.f32.msk $0xffff, v1  }
0x6c: {  	[tilespmem:v7+s2+$0x0] =	vst.idx.add.f32.msk $0xffff, v1  }
0x6d: {  	[tilespmem:v8+s2+$0x0] =	vst.idx.add.f32.msk $0xffff, v1  }
0x6e: {  	[tilespmem:v9+s2+$0x0] =	vst.idx.add.f32.msk $0xffff, v1  }
0x6f: {  	_ =	sdelay $0x3  }
0x70: {  	[tilespmem:v2+s2+$0x0] =	vst.idx.add.f32.msk $0xffff, v1  }
.LBB2_6:
0x71: {  	v2 =	vld [tilespmem:s23+$0x0];
	_ =	sdelay $0x1  }
0x72: {  	s24 =	sadd.s32 $0x10, s24  }
0x73: {  	p1 =	slt.u32 s24, $0x4E10  }
.Ltmp2:
0x74: {  	_ = 	snop;
	(pc) =	sbr.rel @p1 .LBB2_6-.Ltmp2, $2  }
0x75: {  	_ =	sdelay $0x2  }
0x76: {  	s23 =	sadd.s32 $0x10, s23;
	[tilespmem:v2+s2+$0x0] =	vst.idx.add.f32.msk $0xffff, v1  }
0x77: {  	[spmem:s4] =	stream.linear.scatter [tilespmem:s2], [sflag:$0x5], $0x2800, $0x38;
	[tilespmem:$0x120C0] =	vst v63  }
0x78: {  	_ =	swait.ge [sflag:s30], $0x2800  }
0x79: {  	[sflag:s30] =	ssyncset.done $0x0  }
0x7a: {  	[sflag:s30] =	ssyncadd.s32 $0xFFFFD800  }
0x7b: {  	[bflag:$0x0] =	sbarrier.arrive $0xFFFF  }
0x7c: {  	[tilespmem:s31], [sflag:$0x3] =	stream.linear.gather [spmem:s5], $0x280, $0x38;
	[tilespmem:$0x120C0] =	vst v63  }
0x7d: {  	_ =	swait.ge [sflag:s0], $0x280  }
0x7e: {  	[sflag:s0] =	ssyncset.done $0x0  }
0x7f: {  	s24 =	simm.s32 $0xEC80;
	[sflag:s0] =	ssyncadd.s32 $0xFFFFFD80  }
0x80: {  	[tilespmem:s3], [sflag:$0x4] =	stream.linear.gather [spmem:s6], $0x280, $0x38;
	[tilespmem:$0x120C0] =	vst v63  }
0x81: {  	v5 =	vld [tilespmem:s24+$0x30]  }
0x82: {  	v6 =	vld [tilespmem:s24+$0xFFFFFFD0]  }
0x83: {  	v7 =	vld [tilespmem:s24+$0xFFFFFFE0]  }
0x84: {  	v2 =	vld [tilespmem:s24+$0xFFFFFFF0]  }
0x85: {  	s20 =	simm.s32 $0xF180;
	v3 =	vld [tilespmem:s24+$0x0]  }
0x86: {  	v4 =	vld [tilespmem:s24+$0x10];
	[tilespmem:s20+$0x30] =	vst v5  }
0x87: {  	[tilespmem:s20+$0xFFFFFFD0] =	vst v6;
	v5 =	vld [tilespmem:s24+$0x20]  }
0x88: {  	s23 =	simm.s32 $0x0;
	v6 =	vld [tilespmem:s24+$0xFFFFFFC0];
	[tilespmem:s20+$0xFFFFFFE0] =	vst v7;
	s24 =	simm.s32 $0xED00  }
.LBB2_8:
0x89: {  	v7 =	vld [tilespmem:s24+$0x30];
	s23 =	sadd.s32 $0x80, s23;
	[tilespmem:s20+$0xFFFFFFF0] =	vst v2  }
0x8a: {  	v8 =	vld [tilespmem:s24+$0xFFFFFFD0];
	p1 =	slt.u32 s23, $0x200;
	[tilespmem:s20+$0x0] =	vst v3  }
0x8b: {  	v9 =	vld [tilespmem:s24+$0xFFFFFFE0];
	[tilespmem:s20+$0x10] =	vst v4  }
.Ltmp3:
0x8c: {  	v2 =	vld [tilespmem:s24+$0xFFFFFFF0];
	[tilespmem:s20+$0x20] =	vst v5;
	(pc) =	sbr.rel @p1 .LBB2_8-.Ltmp3, $4  }
0x8d: {  	v3 =	vld [tilespmem:s24+$0x0];
	[tilespmem:s20+$0xFFFFFFC0] =	vst v6;
	s20 =	sadd.s32 $0x80, s20  }
0x8e: {  	v4 =	vld [tilespmem:s24+$0x10];
	[tilespmem:s20+$0x30] =	vst v7  }
0x8f: {  	[tilespmem:s20+$0xFFFFFFD0] =	vst v8;
	v5 =	vld [tilespmem:s24+$0x20]  }
0x90: {  	v6 =	vld [tilespmem:s24+$0xFFFFFFC0];
	[tilespmem:s20+$0xFFFFFFE0] =	vst v9;
	s24 =	sadd.s32 $0x80, s24  }
0x91: {  	[tilespmem:s20+$0xFFFFFFF0] =	vst v2  }
0x92: {  	[tilespmem:s20+$0x0] =	vst v3  }
0x93: {  	[tilespmem:s20+$0x10] =	vst v4  }
0x94: {  	[tilespmem:s20+$0x20] =	vst v5  }
0x95: {  	[tilespmem:s20+$0xFFFFFFC0] =	vst v6  }
0x96: {  	_ =	swait.ge [sflag:s26], $0x280  }
0x97: {  	[sflag:s26] =	ssyncset.done $0x0  }
0x98: {  	s20 =	simm.s32 $0xF180;
	[sflag:s26] =	ssyncadd.s32 $0xFFFFFD80  }
0x99: {  	[tilespmem:s31], [sflag:$0x3] =	stream.linear.gather [spmem:s7], $0x280, $0x38;
	[tilespmem:$0x120C0] =	vst v63  }
0x9a: {  	s23 =	simm.s32 $0xEF00;
	v3 =	vld [tilespmem:s20+$0x30]  }
0x9b: {  	v4 =	vld [tilespmem:s23+$0x30]  }
0x9c: {  	v2 =	vld [tilespmem:s23+$0xFFFFFFC0]  }
0x9d: {  	v5 =	vld [tilespmem:s20+$0xFFFFFFD0]  }
0x9e: {  	v6 =	vld [tilespmem:s23+$0xFFFFFFD0]  }
0x9f: {  	v7 =	vld [tilespmem:s20+$0xFFFFFFE0]  }
0xa0: {  	v8 =	vld [tilespmem:s23+$0xFFFFFFE0]  }
0xa1: {  	v9 =	vld [tilespmem:s20+$0xFFFFFFF0]  }
0xa2: {  	v10 =	vld [tilespmem:s23+$0xFFFFFFF0]  }
0xa3: {  	v11 =	vld [tilespmem:s20+$0x0]  }
0xa4: {  	v12 =	vld [tilespmem:s23+$0x0];
	v4 =	vadd.f32 v4, v3  }
0xa5: {  	v6 =	vadd.f32 v6, v5;
	v3 =	vld [tilespmem:s20+$0x10]  }
0xa6: {  	v7 =	vadd.f32 v8, v7;
	v5 =	vld [tilespmem:s23+$0x10];
	[tilespmem:s20+$0x30] =	vst v4  }
0xa7: {  	v8 =	vadd.f32 v10, v9;
	[tilespmem:s20+$0xFFFFFFD0] =	vst v6;
	v4 =	vld [tilespmem:s20+$0x20]  }
0xa8: {  	[tilespmem:s20+$0xFFFFFFE0] =	vst v7;
	v7 =	vld [tilespmem:s23+$0x20]  }
0xa9: {  	s24 =	simm.s32 $0x0;
	s25 =	simm.s32 $0xF200;
	v6 =	vld [tilespmem:s20+$0xFFFFFFC0];
	[tilespmem:s20+$0xFFFFFFF0] =	vst v8;
	v8 =	vadd.f32 v12, v11  }
.LBB2_10:
0xaa: {  	v9 =	vld [tilespmem:s25+$0x30];
	s23 =	sadd.s32 $0x80, s23  }
0xab: {  	s24 =	sadd.s32 $0x80, s24;
	v10 =	vld [tilespmem:s23+$0x30];
	[tilespmem:s20+$0x0] =	vst v8;
	v3 =	vadd.f32 v5, v3  }
0xac: {  	p1 =	slt.u32 s24, $0x200;
	v5 =	vld [tilespmem:s23+$0xFFFFFFC0]  }
0xad: {  	v8 =	vld [tilespmem:s25+$0xFFFFFFD0];
	[tilespmem:s20+$0x10] =	vst v3;
	v3 =	vadd.f32 v7, v4  }
0xae: {  	v4 =	vld [tilespmem:s23+$0xFFFFFFD0];
	v11 =	vadd.f32 v2, v6  }
0xaf: {  	v6 =	vld [tilespmem:s25+$0xFFFFFFE0];
	[tilespmem:s20+$0x20] =	vst v3  }
0xb0: {  	v3 =	vld [tilespmem:s23+$0xFFFFFFE0];
	v7 =	vadd.f32 v10, v9;
	[tilespmem:s20+$0xFFFFFFC0] =	vst v11;
	s20 =	smov.u32 s25  }
0xb1: {  	v9 =	vld [tilespmem:s25+$0xFFFFFFF0];
	v2 =	vmov v5  }
0xb2: {  	v10 =	vld [tilespmem:s23+$0xFFFFFFF0];
	[tilespmem:s25+$0x30] =	vst v7  }
0xb3: {  	v4 =	vadd.f32 v4, v8;
	v8 =	vld [tilespmem:s25+$0x0]  }
0xb4: {  	v11 =	vld [tilespmem:s23+$0x0]  }
.Ltmp4:
0xb5: {  	[tilespmem:s25+$0xFFFFFFD0] =	vst v4;
	v4 =	vadd.f32 v3, v6;
	v3 =	vld [tilespmem:s25+$0x10];
	(pc) =	sbr.rel @p1 .LBB2_10-.Ltmp4, $4  }
0xb6: {  	v5 =	vld [tilespmem:s23+$0x10]  }
0xb7: {  	[tilespmem:s25+$0xFFFFFFE0] =	vst v4;
	v9 =	vadd.f32 v10, v9;
	v4 =	vld [tilespmem:s25+$0x20]  }
0xb8: {  	v7 =	vld [tilespmem:s23+$0x20]  }
0xb9: {  	s25 =	sadd.s32 $0x80, s25;
	v6 =	vld [tilespmem:s20+$0xFFFFFFC0];
	[tilespmem:s20+$0xFFFFFFF0] =	vst v9;
	v8 =	vadd.f32 v11, v8  }
0xba: {  	_ =	sdelay $0x1  }
0xbb: {  	v3 =	vadd.f32 v5, v3  }
0xbc: {  	[tilespmem:s20+$0x0] =	vst v8;
	v4 =	vadd.f32 v7, v4  }
0xbd: {  	[tilespmem:s20+$0x10] =	vst v3;
	v2 =	vadd.f32 v2, v6  }
0xbe: {  	[tilespmem:s20+$0x20] =	vst v4  }
0xbf: {  	[tilespmem:s20+$0xFFFFFFC0] =	vst v2  }
0xc0: {  	_ =	swait.ge [sflag:s0], $0x280  }
0xc1: {  	[sflag:s0] =	ssyncset.done $0x0  }
0xc2: {  	s20 =	simm.s32 $0xF180;
	[sflag:s0] =	ssyncadd.s32 $0xFFFFFD80  }
0xc3: {  	[tilespmem:s3], [sflag:$0x4] =	stream.linear.gather [spmem:s8], $0x280, $0x38;
	[tilespmem:$0x120C0] =	vst v63  }
0xc4: {  	s23 =	simm.s32 $0xEC80;
	v3 =	vld [tilespmem:s20+$0x30]  }
0xc5: {  	v4 =	vld [tilespmem:s23+$0x30]  }
0xc6: {  	v2 =	vld [tilespmem:s23+$0xFFFFFFC0]  }
0xc7: {  	v5 =	vld [tilespmem:s20+$0xFFFFFFD0]  }
0xc8: {  	v6 =	vld [tilespmem:s23+$0xFFFFFFD0]  }
0xc9: {  	v7 =	vld [tilespmem:s20+$0xFFFFFFE0]  }
0xca: {  	v8 =	vld [tilespmem:s23+$0xFFFFFFE0]  }
0xcb: {  	v9 =	vld [tilespmem:s20+$0xFFFFFFF0]  }
0xcc: {  	v10 =	vld [tilespmem:s23+$0xFFFFFFF0]  }
0xcd: {  	v11 =	vld [tilespmem:s20+$0x0]  }
0xce: {  	v12 =	vld [tilespmem:s23+$0x0];
	v4 =	vadd.f32 v4, v3  }
0xcf: {  	v6 =	vadd.f32 v6, v5;
	v3 =	vld [tilespmem:s20+$0x10]  }
0xd0: {  	v7 =	vadd.f32 v8, v7;
	v5 =	vld [tilespmem:s23+$0x10];
	[tilespmem:s20+$0x30] =	vst v4  }
0xd1: {  	v8 =	vadd.f32 v10, v9;
	[tilespmem:s20+$0xFFFFFFD0] =	vst v6;
	v4 =	vld [tilespmem:s20+$0x20]  }
0xd2: {  	[tilespmem:s20+$0xFFFFFFE0] =	vst v7;
	v7 =	vld [tilespmem:s23+$0x20]  }
0xd3: {  	s24 =	simm.s32 $0x0;
	s25 =	simm.s32 $0xF200;
	v6 =	vld [tilespmem:s20+$0xFFFFFFC0];
	[tilespmem:s20+$0xFFFFFFF0] =	vst v8;
	v8 =	vadd.f32 v12, v11  }
.LBB2_12:
0xd4: {  	v9 =	vld [tilespmem:s25+$0x30];
	s23 =	sadd.s32 $0x80, s23  }
0xd5: {  	s24 =	sadd.s32 $0x80, s24;
	v10 =	vld [tilespmem:s23+$0x30];
	[tilespmem:s20+$0x0] =	vst v8;
	v3 =	vadd.f32 v5, v3  }
0xd6: {  	p1 =	slt.u32 s24, $0x200;
	v5 =	vld [tilespmem:s23+$0xFFFFFFC0]  }
0xd7: {  	v8 =	vld [tilespmem:s25+$0xFFFFFFD0];
	[tilespmem:s20+$0x10] =	vst v3;
	v3 =	vadd.f32 v7, v4  }
0xd8: {  	v4 =	vld [tilespmem:s23+$0xFFFFFFD0];
	v11 =	vadd.f32 v2, v6  }
0xd9: {  	v6 =	vld [tilespmem:s25+$0xFFFFFFE0];
	[tilespmem:s20+$0x20] =	vst v3  }
0xda: {  	v3 =	vld [tilespmem:s23+$0xFFFFFFE0];
	v7 =	vadd.f32 v10, v9;
	[tilespmem:s20+$0xFFFFFFC0] =	vst v11;
	s20 =	smov.u32 s25  }
0xdb: {  	v9 =	vld [tilespmem:s25+$0xFFFFFFF0];
	v2 =	vmov v5  }
0xdc: {  	v10 =	vld [tilespmem:s23+$0xFFFFFFF0];
	[tilespmem:s25+$0x30] =	vst v7  }
0xdd: {  	v4 =	vadd.f32 v4, v8;
	v8 =	vld [tilespmem:s25+$0x0]  }
0xde: {  	v11 =	vld [tilespmem:s23+$0x0]  }
.Ltmp5:
0xdf: {  	[tilespmem:s25+$0xFFFFFFD0] =	vst v4;
	v4 =	vadd.f32 v3, v6;
	v3 =	vld [tilespmem:s25+$0x10];
	(pc) =	sbr.rel @p1 .LBB2_12-.Ltmp5, $4  }
0xe0: {  	v5 =	vld [tilespmem:s23+$0x10]  }
0xe1: {  	[tilespmem:s25+$0xFFFFFFE0] =	vst v4;
	v9 =	vadd.f32 v10, v9;
	v4 =	vld [tilespmem:s25+$0x20]  }
0xe2: {  	v7 =	vld [tilespmem:s23+$0x20]  }
0xe3: {  	s25 =	sadd.s32 $0x80, s25;
	v6 =	vld [tilespmem:s20+$0xFFFFFFC0];
	[tilespmem:s20+$0xFFFFFFF0] =	vst v9;
	v8 =	vadd.f32 v11, v8  }
0xe4: {  	_ =	sdelay $0x1  }
0xe5: {  	v3 =	vadd.f32 v5, v3  }
0xe6: {  	[tilespmem:s20+$0x0] =	vst v8;
	v4 =	vadd.f32 v7, v4  }
0xe7: {  	[tilespmem:s20+$0x10] =	vst v3;
	v2 =	vadd.f32 v2, v6  }
0xe8: {  	[tilespmem:s20+$0x20] =	vst v4  }
0xe9: {  	[tilespmem:s20+$0xFFFFFFC0] =	vst v2  }
0xea: {  	_ =	swait.ge [sflag:s26], $0x280  }
0xeb: {  	[sflag:s26] =	ssyncset.done $0x0  }
0xec: {  	s20 =	simm.s32 $0xF180;
	[sflag:s26] =	ssyncadd.s32 $0xFFFFFD80  }
0xed: {  	[tilespmem:s31], [sflag:$0x3] =	stream.linear.gather [spmem:s9], $0x280, $0x38;
	[tilespmem:$0x120C0] =	vst v63  }
0xee: {  	s23 =	simm.s32 $0xEF00;
	v3 =	vld [tilespmem:s20+$0x30]  }
0xef: {  	v4 =	vld [tilespmem:s23+$0x30]  }
0xf0: {  	v2 =	vld [tilespmem:s23+$0xFFFFFFC0]  }
0xf1: {  	v5 =	vld [tilespmem:s20+$0xFFFFFFD0]  }
0xf2: {  	v6 =	vld [tilespmem:s23+$0xFFFFFFD0]  }
0xf3: {  	v7 =	vld [tilespmem:s20+$0xFFFFFFE0]  }
0xf4: {  	v8 =	vld [tilespmem:s23+$0xFFFFFFE0]  }
0xf5: {  	v9 =	vld [tilespmem:s20+$0xFFFFFFF0]  }
0xf6: {  	v10 =	vld [tilespmem:s23+$0xFFFFFFF0]  }
0xf7: {  	v11 =	vld [tilespmem:s20+$0x0]  }
0xf8: {  	v12 =	vld [tilespmem:s23+$0x0];
	v4 =	vadd.f32 v4, v3  }
0xf9: {  	v6 =	vadd.f32 v6, v5;
	v3 =	vld [tilespmem:s20+$0x10]  }
0xfa: {  	v7 =	vadd.f32 v8, v7;
	v5 =	vld [tilespmem:s23+$0x10];
	[tilespmem:s20+$0x30] =	vst v4  }
0xfb: {  	v8 =	vadd.f32 v10, v9;
	[tilespmem:s20+$0xFFFFFFD0] =	vst v6;
	v4 =	vld [tilespmem:s20+$0x20]  }
0xfc: {  	[tilespmem:s20+$0xFFFFFFE0] =	vst v7;
	v7 =	vld [tilespmem:s23+$0x20]  }
0xfd: {  	s24 =	simm.s32 $0x0;
	s25 =	simm.s32 $0xF200;
	v6 =	vld [tilespmem:s20+$0xFFFFFFC0];
	[tilespmem:s20+$0xFFFFFFF0] =	vst v8;
	v8 =	vadd.f32 v12, v11  }
.LBB2_14:
0xfe: {  	v9 =	vld [tilespmem:s25+$0x30];
	s23 =	sadd.s32 $0x80, s23  }
0xff: {  	s24 =	sadd.s32 $0x80, s24;
	v10 =	vld [tilespmem:s23+$0x30];
	[tilespmem:s20+$0x0] =	vst v8;
	v3 =	vadd.f32 v5, v3  }
0x100: {  	p1 =	slt.u32 s24, $0x200;
	v5 =	vld [tilespmem:s23+$0xFFFFFFC0]  }
0x101: {  	v8 =	vld [tilespmem:s25+$0xFFFFFFD0];
	[tilespmem:s20+$0x10] =	vst v3;
	v3 =	vadd.f32 v7, v4  }
0x102: {  	v4 =	vld [tilespmem:s23+$0xFFFFFFD0];
	v11 =	vadd.f32 v2, v6  }
0x103: {  	v6 =	vld [tilespmem:s25+$0xFFFFFFE0];
	[tilespmem:s20+$0x20] =	vst v3  }
0x104: {  	v3 =	vld [tilespmem:s23+$0xFFFFFFE0];
	v7 =	vadd.f32 v10, v9;
	[tilespmem:s20+$0xFFFFFFC0] =	vst v11;
	s20 =	smov.u32 s25  }
0x105: {  	v9 =	vld [tilespmem:s25+$0xFFFFFFF0];
	v2 =	vmov v5  }
0x106: {  	v10 =	vld [tilespmem:s23+$0xFFFFFFF0];
	[tilespmem:s25+$0x30] =	vst v7  }
0x107: {  	v4 =	vadd.f32 v4, v8;
	v8 =	vld [tilespmem:s25+$0x0]  }
0x108: {  	v11 =	vld [tilespmem:s23+$0x0]  }
.Ltmp6:
0x109: {  	[tilespmem:s25+$0xFFFFFFD0] =	vst v4;
	v4 =	vadd.f32 v3, v6;
	v3 =	vld [tilespmem:s25+$0x10];
	(pc) =	sbr.rel @p1 .LBB2_14-.Ltmp6, $4  }
0x10a: {  	v5 =	vld [tilespmem:s23+$0x10]  }
0x10b: {  	[tilespmem:s25+$0xFFFFFFE0] =	vst v4;
	v9 =	vadd.f32 v10, v9;
	v4 =	vld [tilespmem:s25+$0x20]  }
0x10c: {  	v7 =	vld [tilespmem:s23+$0x20]  }
0x10d: {  	s25 =	sadd.s32 $0x80, s25;
	v6 =	vld [tilespmem:s20+$0xFFFFFFC0];
	[tilespmem:s20+$0xFFFFFFF0] =	vst v9;
	v8 =	vadd.f32 v11, v8  }
0x10e: {  	_ =	sdelay $0x1  }
0x10f: {  	v3 =	vadd.f32 v5, v3  }
0x110: {  	[tilespmem:s20+$0x0] =	vst v8;
	v4 =	vadd.f32 v7, v4  }
0x111: {  	[tilespmem:s20+$0x10] =	vst v3;
	v2 =	vadd.f32 v2, v6  }
0x112: {  	[tilespmem:s20+$0x20] =	vst v4  }
0x113: {  	[tilespmem:s20+$0xFFFFFFC0] =	vst v2  }
0x114: {  	_ =	swait.ge [sflag:s0], $0x280  }
0x115: {  	[sflag:s0] =	ssyncset.done $0x0  }
0x116: {  	s20 =	simm.s32 $0xF180;
	[sflag:s0] =	ssyncadd.s32 $0xFFFFFD80  }
0x117: {  	[tilespmem:s3], [sflag:$0x4] =	stream.linear.gather [spmem:s10], $0x280, $0x38;
	[tilespmem:$0x120C0] =	vst v63  }
0x118: {  	s23 =	simm.s32 $0xEC80;
	v3 =	vld [tilespmem:s20+$0x30]  }
0x119: {  	v4 =	vld [tilespmem:s23+$0x30]  }
0x11a: {  	v2 =	vld [tilespmem:s23+$0xFFFFFFC0]  }
0x11b: {  	v5 =	vld [tilespmem:s20+$0xFFFFFFD0]  }
0x11c: {  	v6 =	vld [tilespmem:s23+$0xFFFFFFD0]  }
0x11d: {  	v7 =	vld [tilespmem:s20+$0xFFFFFFE0]  }
0x11e: {  	v8 =	vld [tilespmem:s23+$0xFFFFFFE0]  }
0x11f: {  	v9 =	vld [tilespmem:s20+$0xFFFFFFF0]  }
0x120: {  	v10 =	vld [tilespmem:s23+$0xFFFFFFF0]  }
0x121: {  	v11 =	vld [tilespmem:s20+$0x0]  }
0x122: {  	v12 =	vld [tilespmem:s23+$0x0];
	v4 =	vadd.f32 v4, v3  }
0x123: {  	v6 =	vadd.f32 v6, v5;
	v3 =	vld [tilespmem:s20+$0x10]  }
0x124: {  	v7 =	vadd.f32 v8, v7;
	v5 =	vld [tilespmem:s23+$0x10];
	[tilespmem:s20+$0x30] =	vst v4  }
0x125: {  	v8 =	vadd.f32 v10, v9;
	[tilespmem:s20+$0xFFFFFFD0] =	vst v6;
	v4 =	vld [tilespmem:s20+$0x20]  }
0x126: {  	[tilespmem:s20+$0xFFFFFFE0] =	vst v7;
	v7 =	vld [tilespmem:s23+$0x20]  }
0x127: {  	s24 =	simm.s32 $0x0;
	s25 =	simm.s32 $0xF200;
	v6 =	vld [tilespmem:s20+$0xFFFFFFC0];
	[tilespmem:s20+$0xFFFFFFF0] =	vst v8;
	v8 =	vadd.f32 v12, v11  }
.LBB2_16:
0x128: {  	v9 =	vld [tilespmem:s25+$0x30];
	s23 =	sadd.s32 $0x80, s23  }
0x129: {  	s24 =	sadd.s32 $0x80, s24;
	v10 =	vld [tilespmem:s23+$0x30];
	[tilespmem:s20+$0x0] =	vst v8;
	v3 =	vadd.f32 v5, v3  }
0x12a: {  	p1 =	slt.u32 s24, $0x200;
	v5 =	vld [tilespmem:s23+$0xFFFFFFC0]  }
0x12b: {  	v8 =	vld [tilespmem:s25+$0xFFFFFFD0];
	[tilespmem:s20+$0x10] =	vst v3;
	v3 =	vadd.f32 v7, v4  }
0x12c: {  	v4 =	vld [tilespmem:s23+$0xFFFFFFD0];
	v11 =	vadd.f32 v2, v6  }
0x12d: {  	v6 =	vld [tilespmem:s25+$0xFFFFFFE0];
	[tilespmem:s20+$0x20] =	vst v3  }
0x12e: {  	v3 =	vld [tilespmem:s23+$0xFFFFFFE0];
	v7 =	vadd.f32 v10, v9;
	[tilespmem:s20+$0xFFFFFFC0] =	vst v11;
	s20 =	smov.u32 s25  }
0x12f: {  	v9 =	vld [tilespmem:s25+$0xFFFFFFF0];
	v2 =	vmov v5  }
0x130: {  	v10 =	vld [tilespmem:s23+$0xFFFFFFF0];
	[tilespmem:s25+$0x30] =	vst v7  }
0x131: {  	v4 =	vadd.f32 v4, v8;
	v8 =	vld [tilespmem:s25+$0x0]  }
0x132: {  	v11 =	vld [tilespmem:s23+$0x0]  }
.Ltmp7:
0x133: {  	[tilespmem:s25+$0xFFFFFFD0] =	vst v4;
	v4 =	vadd.f32 v3, v6;
	v3 =	vld [tilespmem:s25+$0x10];
	(pc) =	sbr.rel @p1 .LBB2_16-.Ltmp7, $4  }
0x134: {  	v5 =	vld [tilespmem:s23+$0x10]  }
0x135: {  	[tilespmem:s25+$0xFFFFFFE0] =	vst v4;
	v9 =	vadd.f32 v10, v9;
	v4 =	vld [tilespmem:s25+$0x20]  }
0x136: {  	v7 =	vld [tilespmem:s23+$0x20]  }
0x137: {  	s25 =	sadd.s32 $0x80, s25;
	v6 =	vld [tilespmem:s20+$0xFFFFFFC0];
	[tilespmem:s20+$0xFFFFFFF0] =	vst v9;
	v8 =	vadd.f32 v11, v8  }
0x138: {  	_ =	sdelay $0x1  }
0x139: {  	v3 =	vadd.f32 v5, v3  }
0x13a: {  	[tilespmem:s20+$0x0] =	vst v8;
	v4 =	vadd.f32 v7, v4  }
0x13b: {  	[tilespmem:s20+$0x10] =	vst v3;
	v2 =	vadd.f32 v2, v6  }
0x13c: {  	[tilespmem:s20+$0x20] =	vst v4  }
0x13d: {  	[tilespmem:s20+$0xFFFFFFC0] =	vst v2  }
0x13e: {  	_ =	swait.ge [sflag:s26], $0x280  }
0x13f: {  	[sflag:s26] =	ssyncset.done $0x0  }
0x140: {  	s20 =	simm.s32 $0xF180;
	[sflag:s26] =	ssyncadd.s32 $0xFFFFFD80  }
0x141: {  	[tilespmem:s31], [sflag:$0x3] =	stream.linear.gather [spmem:s11], $0x280, $0x38;
	[tilespmem:$0x120C0] =	vst v63  }
0x142: {  	s23 =	simm.s32 $0xEF00;
	v3 =	vld [tilespmem:s20+$0x30]  }
0x143: {  	v4 =	vld [tilespmem:s23+$0x30]  }
0x144: {  	v2 =	vld [tilespmem:s23+$0xFFFFFFC0]  }
0x145: {  	v5 =	vld [tilespmem:s20+$0xFFFFFFD0]  }
0x146: {  	v6 =	vld [tilespmem:s23+$0xFFFFFFD0]  }
0x147: {  	v7 =	vld [tilespmem:s20+$0xFFFFFFE0]  }
0x148: {  	v8 =	vld [tilespmem:s23+$0xFFFFFFE0]  }
0x149: {  	v9 =	vld [tilespmem:s20+$0xFFFFFFF0]  }
0x14a: {  	v10 =	vld [tilespmem:s23+$0xFFFFFFF0]  }
0x14b: {  	v11 =	vld [tilespmem:s20+$0x0]  }
0x14c: {  	v12 =	vld [tilespmem:s23+$0x0];
	v4 =	vadd.f32 v4, v3  }
0x14d: {  	v6 =	vadd.f32 v6, v5;
	v3 =	vld [tilespmem:s20+$0x10]  }
0x14e: {  	v7 =	vadd.f32 v8, v7;
	v5 =	vld [tilespmem:s23+$0x10];
	[tilespmem:s20+$0x30] =	vst v4  }
0x14f: {  	v8 =	vadd.f32 v10, v9;
	[tilespmem:s20+$0xFFFFFFD0] =	vst v6;
	v4 =	vld [tilespmem:s20+$0x20]  }
0x150: {  	[tilespmem:s20+$0xFFFFFFE0] =	vst v7;
	v7 =	vld [tilespmem:s23+$0x20]  }
0x151: {  	s24 =	simm.s32 $0x0;
	s25 =	simm.s32 $0xF200;
	v6 =	vld [tilespmem:s20+$0xFFFFFFC0];
	[tilespmem:s20+$0xFFFFFFF0] =	vst v8;
	v8 =	vadd.f32 v12, v11  }
.LBB2_18:
0x152: {  	v9 =	vld [tilespmem:s25+$0x30];
	s23 =	sadd.s32 $0x80, s23  }
0x153: {  	s24 =	sadd.s32 $0x80, s24;
	v10 =	vld [tilespmem:s23+$0x30];
	[tilespmem:s20+$0x0] =	vst v8;
	v3 =	vadd.f32 v5, v3  }
0x154: {  	p1 =	slt.u32 s24, $0x200;
	v5 =	vld [tilespmem:s23+$0xFFFFFFC0]  }
0x155: {  	v8 =	vld [tilespmem:s25+$0xFFFFFFD0];
	[tilespmem:s20+$0x10] =	vst v3;
	v3 =	vadd.f32 v7, v4  }
0x156: {  	v4 =	vld [tilespmem:s23+$0xFFFFFFD0];
	v11 =	vadd.f32 v2, v6  }
0x157: {  	v6 =	vld [tilespmem:s25+$0xFFFFFFE0];
	[tilespmem:s20+$0x20] =	vst v3  }
0x158: {  	v3 =	vld [tilespmem:s23+$0xFFFFFFE0];
	v7 =	vadd.f32 v10, v9;
	[tilespmem:s20+$0xFFFFFFC0] =	vst v11;
	s20 =	smov.u32 s25  }
0x159: {  	v9 =	vld [tilespmem:s25+$0xFFFFFFF0];
	v2 =	vmov v5  }
0x15a: {  	v10 =	vld [tilespmem:s23+$0xFFFFFFF0];
	[tilespmem:s25+$0x30] =	vst v7  }
0x15b: {  	v4 =	vadd.f32 v4, v8;
	v8 =	vld [tilespmem:s25+$0x0]  }
0x15c: {  	v11 =	vld [tilespmem:s23+$0x0]  }
.Ltmp8:
0x15d: {  	[tilespmem:s25+$0xFFFFFFD0] =	vst v4;
	v4 =	vadd.f32 v3, v6;
	v3 =	vld [tilespmem:s25+$0x10];
	(pc) =	sbr.rel @p1 .LBB2_18-.Ltmp8, $4  }
0x15e: {  	v5 =	vld [tilespmem:s23+$0x10]  }
0x15f: {  	[tilespmem:s25+$0xFFFFFFE0] =	vst v4;
	v9 =	vadd.f32 v10, v9;
	v4 =	vld [tilespmem:s25+$0x20]  }
0x160: {  	v7 =	vld [tilespmem:s23+$0x20]  }
0x161: {  	s25 =	sadd.s32 $0x80, s25;
	v6 =	vld [tilespmem:s20+$0xFFFFFFC0];
	[tilespmem:s20+$0xFFFFFFF0] =	vst v9;
	v8 =	vadd.f32 v11, v8  }
0x162: {  	_ =	sdelay $0x1  }
0x163: {  	v3 =	vadd.f32 v5, v3  }
0x164: {  	[tilespmem:s20+$0x0] =	vst v8;
	v4 =	vadd.f32 v7, v4  }
0x165: {  	[tilespmem:s20+$0x10] =	vst v3;
	v2 =	vadd.f32 v2, v6  }
0x166: {  	[tilespmem:s20+$0x20] =	vst v4  }
0x167: {  	[tilespmem:s20+$0xFFFFFFC0] =	vst v2  }
0x168: {  	_ =	swait.ge [sflag:s0], $0x280  }
0x169: {  	[sflag:s0] =	ssyncset.done $0x0  }
0x16a: {  	s20 =	simm.s32 $0xF180;
	[sflag:s0] =	ssyncadd.s32 $0xFFFFFD80  }
0x16b: {  	[tilespmem:s3], [sflag:$0x4] =	stream.linear.gather [spmem:s12], $0x280, $0x38;
	[tilespmem:$0x120C0] =	vst v63  }
0x16c: {  	s23 =	simm.s32 $0xEC80;
	v3 =	vld [tilespmem:s20+$0x30]  }
0x16d: {  	v4 =	vld [tilespmem:s23+$0x30]  }
0x16e: {  	v2 =	vld [tilespmem:s23+$0xFFFFFFC0]  }
0x16f: {  	v5 =	vld [tilespmem:s20+$0xFFFFFFD0]  }
0x170: {  	v6 =	vld [tilespmem:s23+$0xFFFFFFD0]  }
0x171: {  	v7 =	vld [tilespmem:s20+$0xFFFFFFE0]  }
0x172: {  	v8 =	vld [tilespmem:s23+$0xFFFFFFE0]  }
0x173: {  	v9 =	vld [tilespmem:s20+$0xFFFFFFF0]  }
0x174: {  	v10 =	vld [tilespmem:s23+$0xFFFFFFF0]  }
0x175: {  	v11 =	vld [tilespmem:s20+$0x0]  }
0x176: {  	v12 =	vld [tilespmem:s23+$0x0];
	v4 =	vadd.f32 v4, v3  }
0x177: {  	v6 =	vadd.f32 v6, v5;
	v3 =	vld [tilespmem:s20+$0x10]  }
0x178: {  	v7 =	vadd.f32 v8, v7;
	v5 =	vld [tilespmem:s23+$0x10];
	[tilespmem:s20+$0x30] =	vst v4  }
0x179: {  	v8 =	vadd.f32 v10, v9;
	[tilespmem:s20+$0xFFFFFFD0] =	vst v6;
	v4 =	vld [tilespmem:s20+$0x20]  }
0x17a: {  	[tilespmem:s20+$0xFFFFFFE0] =	vst v7;
	v7 =	vld [tilespmem:s23+$0x20]  }
0x17b: {  	s24 =	simm.s32 $0x0;
	s25 =	simm.s32 $0xF200;
	v6 =	vld [tilespmem:s20+$0xFFFFFFC0];
	[tilespmem:s20+$0xFFFFFFF0] =	vst v8;
	v8 =	vadd.f32 v12, v11  }
.LBB2_20:
0x17c: {  	v9 =	vld [tilespmem:s25+$0x30];
	s23 =	sadd.s32 $0x80, s23  }
0x17d: {  	s24 =	sadd.s32 $0x80, s24;
	v10 =	vld [tilespmem:s23+$0x30];
	[tilespmem:s20+$0x0] =	vst v8;
	v3 =	vadd.f32 v5, v3  }
0x17e: {  	p1 =	slt.u32 s24, $0x200;
	v5 =	vld [tilespmem:s23+$0xFFFFFFC0]  }
0x17f: {  	v8 =	vld [tilespmem:s25+$0xFFFFFFD0];
	[tilespmem:s20+$0x10] =	vst v3;
	v3 =	vadd.f32 v7, v4  }
0x180: {  	v4 =	vld [tilespmem:s23+$0xFFFFFFD0];
	v11 =	vadd.f32 v2, v6  }
0x181: {  	v6 =	vld [tilespmem:s25+$0xFFFFFFE0];
	[tilespmem:s20+$0x20] =	vst v3  }
0x182: {  	v3 =	vld [tilespmem:s23+$0xFFFFFFE0];
	v7 =	vadd.f32 v10, v9;
	[tilespmem:s20+$0xFFFFFFC0] =	vst v11;
	s20 =	smov.u32 s25  }
0x183: {  	v9 =	vld [tilespmem:s25+$0xFFFFFFF0];
	v2 =	vmov v5  }
0x184: {  	v10 =	vld [tilespmem:s23+$0xFFFFFFF0];
	[tilespmem:s25+$0x30] =	vst v7  }
0x185: {  	v4 =	vadd.f32 v4, v8;
	v8 =	vld [tilespmem:s25+$0x0]  }
0x186: {  	v11 =	vld [tilespmem:s23+$0x0]  }
.Ltmp9:
0x187: {  	[tilespmem:s25+$0xFFFFFFD0] =	vst v4;
	v4 =	vadd.f32 v3, v6;
	v3 =	vld [tilespmem:s25+$0x10];
	(pc) =	sbr.rel @p1 .LBB2_20-.Ltmp9, $4  }
0x188: {  	v5 =	vld [tilespmem:s23+$0x10]  }
0x189: {  	[tilespmem:s25+$0xFFFFFFE0] =	vst v4;
	v9 =	vadd.f32 v10, v9;
	v4 =	vld [tilespmem:s25+$0x20]  }
0x18a: {  	v7 =	vld [tilespmem:s23+$0x20]  }
0x18b: {  	s25 =	sadd.s32 $0x80, s25;
	v6 =	vld [tilespmem:s20+$0xFFFFFFC0];
	[tilespmem:s20+$0xFFFFFFF0] =	vst v9;
	v8 =	vadd.f32 v11, v8  }
0x18c: {  	_ =	sdelay $0x1  }
0x18d: {  	v3 =	vadd.f32 v5, v3  }
0x18e: {  	[tilespmem:s20+$0x0] =	vst v8;
	v4 =	vadd.f32 v7, v4  }
0x18f: {  	[tilespmem:s20+$0x10] =	vst v3;
	v2 =	vadd.f32 v2, v6  }
0x190: {  	[tilespmem:s20+$0x20] =	vst v4  }
0x191: {  	[tilespmem:s20+$0xFFFFFFC0] =	vst v2  }
0x192: {  	_ =	swait.ge [sflag:s26], $0x280  }
0x193: {  	[sflag:s26] =	ssyncset.done $0x0  }
0x194: {  	s20 =	simm.s32 $0xF180;
	[sflag:s26] =	ssyncadd.s32 $0xFFFFFD80  }
0x195: {  	[tilespmem:s31], [sflag:$0x3] =	stream.linear.gather [spmem:s13], $0x280, $0x38;
	[tilespmem:$0x120C0] =	vst v63  }
0x196: {  	s23 =	simm.s32 $0xEF00;
	v3 =	vld [tilespmem:s20+$0x30]  }
0x197: {  	v4 =	vld [tilespmem:s23+$0x30]  }
0x198: {  	v2 =	vld [tilespmem:s23+$0xFFFFFFC0]  }
0x199: {  	v5 =	vld [tilespmem:s20+$0xFFFFFFD0]  }
0x19a: {  	v6 =	vld [tilespmem:s23+$0xFFFFFFD0]  }
0x19b: {  	v7 =	vld [tilespmem:s20+$0xFFFFFFE0]  }
0x19c: {  	v8 =	vld [tilespmem:s23+$0xFFFFFFE0]  }
0x19d: {  	v9 =	vld [tilespmem:s20+$0xFFFFFFF0]  }
0x19e: {  	v10 =	vld [tilespmem:s23+$0xFFFFFFF0]  }
0x19f: {  	v11 =	vld [tilespmem:s20+$0x0]  }
0x1a0: {  	v12 =	vld [tilespmem:s23+$0x0];
	v4 =	vadd.f32 v4, v3  }
0x1a1: {  	v6 =	vadd.f32 v6, v5;
	v3 =	vld [tilespmem:s20+$0x10]  }
0x1a2: {  	v7 =	vadd.f32 v8, v7;
	v5 =	vld [tilespmem:s23+$0x10];
	[tilespmem:s20+$0x30] =	vst v4  }
0x1a3: {  	v8 =	vadd.f32 v10, v9;
	[tilespmem:s20+$0xFFFFFFD0] =	vst v6;
	v4 =	vld [tilespmem:s20+$0x20]  }
0x1a4: {  	[tilespmem:s20+$0xFFFFFFE0] =	vst v7;
	v7 =	vld [tilespmem:s23+$0x20]  }
0x1a5: {  	s24 =	simm.s32 $0x0;
	s25 =	simm.s32 $0xF200;
	v6 =	vld [tilespmem:s20+$0xFFFFFFC0];
	[tilespmem:s20+$0xFFFFFFF0] =	vst v8;
	v8 =	vadd.f32 v12, v11  }
.LBB2_22:
0x1a6: {  	v9 =	vld [tilespmem:s25+$0x30];
	s23 =	sadd.s32 $0x80, s23  }
0x1a7: {  	s24 =	sadd.s32 $0x80, s24;
	v10 =	vld [tilespmem:s23+$0x30];
	[tilespmem:s20+$0x0] =	vst v8;
	v3 =	vadd.f32 v5, v3  }
0x1a8: {  	p1 =	slt.u32 s24, $0x200;
	v5 =	vld [tilespmem:s23+$0xFFFFFFC0]  }
0x1a9: {  	v8 =	vld [tilespmem:s25+$0xFFFFFFD0];
	[tilespmem:s20+$0x10] =	vst v3;
	v3 =	vadd.f32 v7, v4  }
0x1aa: {  	v4 =	vld [tilespmem:s23+$0xFFFFFFD0];
	v11 =	vadd.f32 v2, v6  }
0x1ab: {  	v6 =	vld [tilespmem:s25+$0xFFFFFFE0];
	[tilespmem:s20+$0x20] =	vst v3  }
0x1ac: {  	v3 =	vld [tilespmem:s23+$0xFFFFFFE0];
	v7 =	vadd.f32 v10, v9;
	[tilespmem:s20+$0xFFFFFFC0] =	vst v11;
	s20 =	smov.u32 s25  }
0x1ad: {  	v9 =	vld [tilespmem:s25+$0xFFFFFFF0];
	v2 =	vmov v5  }
0x1ae: {  	v10 =	vld [tilespmem:s23+$0xFFFFFFF0];
	[tilespmem:s25+$0x30] =	vst v7  }
0x1af: {  	v4 =	vadd.f32 v4, v8;
	v8 =	vld [tilespmem:s25+$0x0]  }
0x1b0: {  	v11 =	vld [tilespmem:s23+$0x0]  }
.Ltmp10:
0x1b1: {  	[tilespmem:s25+$0xFFFFFFD0] =	vst v4;
	v4 =	vadd.f32 v3, v6;
	v3 =	vld [tilespmem:s25+$0x10];
	(pc) =	sbr.rel @p1 .LBB2_22-.Ltmp10, $4  }
0x1b2: {  	v5 =	vld [tilespmem:s23+$0x10]  }
0x1b3: {  	[tilespmem:s25+$0xFFFFFFE0] =	vst v4;
	v9 =	vadd.f32 v10, v9;
	v4 =	vld [tilespmem:s25+$0x20]  }
0x1b4: {  	v7 =	vld [tilespmem:s23+$0x20]  }
0x1b5: {  	s25 =	sadd.s32 $0x80, s25;
	v6 =	vld [tilespmem:s20+$0xFFFFFFC0];
	[tilespmem:s20+$0xFFFFFFF0] =	vst v9;
	v8 =	vadd.f32 v11, v8  }
0x1b6: {  	_ =	sdelay $0x1  }
0x1b7: {  	v3 =	vadd.f32 v5, v3  }
0x1b8: {  	[tilespmem:s20+$0x0] =	vst v8;
	v4 =	vadd.f32 v7, v4  }
0x1b9: {  	[tilespmem:s20+$0x10] =	vst v3;
	v2 =	vadd.f32 v2, v6  }
0x1ba: {  	[tilespmem:s20+$0x20] =	vst v4  }
0x1bb: {  	[tilespmem:s20+$0xFFFFFFC0] =	vst v2  }
0x1bc: {  	_ =	swait.ge [sflag:s0], $0x280  }
0x1bd: {  	[sflag:s0] =	ssyncset.done $0x0  }
0x1be: {  	s20 =	simm.s32 $0xF180;
	[sflag:s0] =	ssyncadd.s32 $0xFFFFFD80  }
0x1bf: {  	[tilespmem:s3], [sflag:$0x4] =	stream.linear.gather [spmem:s14], $0x280, $0x38;
	[tilespmem:$0x120C0] =	vst v63  }
0x1c0: {  	s23 =	simm.s32 $0xEC80;
	v3 =	vld [tilespmem:s20+$0x30]  }
0x1c1: {  	v4 =	vld [tilespmem:s23+$0x30]  }
0x1c2: {  	v2 =	vld [tilespmem:s23+$0xFFFFFFC0]  }
0x1c3: {  	v5 =	vld [tilespmem:s20+$0xFFFFFFD0]  }
0x1c4: {  	v6 =	vld [tilespmem:s23+$0xFFFFFFD0]  }
0x1c5: {  	v7 =	vld [tilespmem:s20+$0xFFFFFFE0]  }
0x1c6: {  	v8 =	vld [tilespmem:s23+$0xFFFFFFE0]  }
0x1c7: {  	v9 =	vld [tilespmem:s20+$0xFFFFFFF0]  }
0x1c8: {  	v10 =	vld [tilespmem:s23+$0xFFFFFFF0]  }
0x1c9: {  	v11 =	vld [tilespmem:s20+$0x0]  }
0x1ca: {  	v12 =	vld [tilespmem:s23+$0x0];
	v4 =	vadd.f32 v4, v3  }
0x1cb: {  	v6 =	vadd.f32 v6, v5;
	v3 =	vld [tilespmem:s20+$0x10]  }
0x1cc: {  	v7 =	vadd.f32 v8, v7;
	v5 =	vld [tilespmem:s23+$0x10];
	[tilespmem:s20+$0x30] =	vst v4  }
0x1cd: {  	v8 =	vadd.f32 v10, v9;
	[tilespmem:s20+$0xFFFFFFD0] =	vst v6;
	v4 =	vld [tilespmem:s20+$0x20]  }
0x1ce: {  	[tilespmem:s20+$0xFFFFFFE0] =	vst v7;
	v7 =	vld [tilespmem:s23+$0x20]  }
0x1cf: {  	s24 =	simm.s32 $0x0;
	s25 =	simm.s32 $0xF200;
	v6 =	vld [tilespmem:s20+$0xFFFFFFC0];
	[tilespmem:s20+$0xFFFFFFF0] =	vst v8;
	v8 =	vadd.f32 v12, v11  }
.LBB2_24:
0x1d0: {  	v9 =	vld [tilespmem:s25+$0x30];
	s23 =	sadd.s32 $0x80, s23  }
0x1d1: {  	s24 =	sadd.s32 $0x80, s24;
	v10 =	vld [tilespmem:s23+$0x30];
	[tilespmem:s20+$0x0] =	vst v8;
	v3 =	vadd.f32 v5, v3  }
0x1d2: {  	p1 =	slt.u32 s24, $0x200;
	v5 =	vld [tilespmem:s23+$0xFFFFFFC0]  }
0x1d3: {  	v8 =	vld [tilespmem:s25+$0xFFFFFFD0];
	[tilespmem:s20+$0x10] =	vst v3;
	v3 =	vadd.f32 v7, v4  }
0x1d4: {  	v4 =	vld [tilespmem:s23+$0xFFFFFFD0];
	v11 =	vadd.f32 v2, v6  }
0x1d5: {  	v6 =	vld [tilespmem:s25+$0xFFFFFFE0];
	[tilespmem:s20+$0x20] =	vst v3  }
0x1d6: {  	v3 =	vld [tilespmem:s23+$0xFFFFFFE0];
	v7 =	vadd.f32 v10, v9;
	[tilespmem:s20+$0xFFFFFFC0] =	vst v11;
	s20 =	smov.u32 s25  }
0x1d7: {  	v9 =	vld [tilespmem:s25+$0xFFFFFFF0];
	v2 =	vmov v5  }
0x1d8: {  	v10 =	vld [tilespmem:s23+$0xFFFFFFF0];
	[tilespmem:s25+$0x30] =	vst v7  }
0x1d9: {  	v4 =	vadd.f32 v4, v8;
	v8 =	vld [tilespmem:s25+$0x0]  }
0x1da: {  	v11 =	vld [tilespmem:s23+$0x0]  }
.Ltmp11:
0x1db: {  	[tilespmem:s25+$0xFFFFFFD0] =	vst v4;
	v4 =	vadd.f32 v3, v6;
	v3 =	vld [tilespmem:s25+$0x10];
	(pc) =	sbr.rel @p1 .LBB2_24-.Ltmp11, $4  }
0x1dc: {  	v5 =	vld [tilespmem:s23+$0x10]  }
0x1dd: {  	[tilespmem:s25+$0xFFFFFFE0] =	vst v4;
	v9 =	vadd.f32 v10, v9;
	v4 =	vld [tilespmem:s25+$0x20]  }
0x1de: {  	v7 =	vld [tilespmem:s23+$0x20]  }
0x1df: {  	s25 =	sadd.s32 $0x80, s25;
	v6 =	vld [tilespmem:s20+$0xFFFFFFC0];
	[tilespmem:s20+$0xFFFFFFF0] =	vst v9;
	v8 =	vadd.f32 v11, v8  }
0x1e0: {  	_ =	sdelay $0x1  }
0x1e1: {  	v3 =	vadd.f32 v5, v3  }
0x1e2: {  	[tilespmem:s20+$0x0] =	vst v8;
	v4 =	vadd.f32 v7, v4  }
0x1e3: {  	[tilespmem:s20+$0x10] =	vst v3;
	v2 =	vadd.f32 v2, v6  }
0x1e4: {  	[tilespmem:s20+$0x20] =	vst v4  }
0x1e5: {  	[tilespmem:s20+$0xFFFFFFC0] =	vst v2  }
0x1e6: {  	_ =	swait.ge [sflag:s26], $0x280  }
0x1e7: {  	[sflag:s26] =	ssyncset.done $0x0  }
0x1e8: {  	s20 =	simm.s32 $0xF180;
	[sflag:s26] =	ssyncadd.s32 $0xFFFFFD80  }
0x1e9: {  	[tilespmem:s31], [sflag:$0x3] =	stream.linear.gather [spmem:s15], $0x280, $0x38;
	[tilespmem:$0x120C0] =	vst v63  }
0x1ea: {  	s23 =	simm.s32 $0xEF00;
	v3 =	vld [tilespmem:s20+$0x30]  }
0x1eb: {  	v4 =	vld [tilespmem:s23+$0x30]  }
0x1ec: {  	v2 =	vld [tilespmem:s23+$0xFFFFFFC0]  }
0x1ed: {  	v5 =	vld [tilespmem:s20+$0xFFFFFFD0]  }
0x1ee: {  	v6 =	vld [tilespmem:s23+$0xFFFFFFD0]  }
0x1ef: {  	v7 =	vld [tilespmem:s20+$0xFFFFFFE0]  }
0x1f0: {  	v8 =	vld [tilespmem:s23+$0xFFFFFFE0]  }
0x1f1: {  	v9 =	vld [tilespmem:s20+$0xFFFFFFF0]  }
0x1f2: {  	v10 =	vld [tilespmem:s23+$0xFFFFFFF0]  }
0x1f3: {  	v11 =	vld [tilespmem:s20+$0x0]  }
0x1f4: {  	v12 =	vld [tilespmem:s23+$0x0];
	v4 =	vadd.f32 v4, v3  }
0x1f5: {  	v6 =	vadd.f32 v6, v5;
	v3 =	vld [tilespmem:s20+$0x10]  }
0x1f6: {  	v7 =	vadd.f32 v8, v7;
	v5 =	vld [tilespmem:s23+$0x10];
	[tilespmem:s20+$0x30] =	vst v4  }
0x1f7: {  	v8 =	vadd.f32 v10, v9;
	[tilespmem:s20+$0xFFFFFFD0] =	vst v6;
	v4 =	vld [tilespmem:s20+$0x20]  }
0x1f8: {  	[tilespmem:s20+$0xFFFFFFE0] =	vst v7;
	v7 =	vld [tilespmem:s23+$0x20]  }
0x1f9: {  	s24 =	simm.s32 $0x0;
	s25 =	simm.s32 $0xF200;
	v6 =	vld [tilespmem:s20+$0xFFFFFFC0];
	[tilespmem:s20+$0xFFFFFFF0] =	vst v8;
	v8 =	vadd.f32 v12, v11  }
.LBB2_26:
0x1fa: {  	v9 =	vld [tilespmem:s25+$0x30];
	s23 =	sadd.s32 $0x80, s23  }
0x1fb: {  	s24 =	sadd.s32 $0x80, s24;
	v10 =	vld [tilespmem:s23+$0x30];
	[tilespmem:s20+$0x0] =	vst v8;
	v3 =	vadd.f32 v5, v3  }
0x1fc: {  	p1 =	slt.u32 s24, $0x200;
	v5 =	vld [tilespmem:s23+$0xFFFFFFC0]  }
0x1fd: {  	v8 =	vld [tilespmem:s25+$0xFFFFFFD0];
	[tilespmem:s20+$0x10] =	vst v3;
	v3 =	vadd.f32 v7, v4  }
0x1fe: {  	v4 =	vld [tilespmem:s23+$0xFFFFFFD0];
	v11 =	vadd.f32 v2, v6  }
0x1ff: {  	v6 =	vld [tilespmem:s25+$0xFFFFFFE0];
	[tilespmem:s20+$0x20] =	vst v3  }
0x200: {  	v3 =	vld [tilespmem:s23+$0xFFFFFFE0];
	v7 =	vadd.f32 v10, v9;
	[tilespmem:s20+$0xFFFFFFC0] =	vst v11;
	s20 =	smov.u32 s25  }
0x201: {  	v9 =	vld [tilespmem:s25+$0xFFFFFFF0];
	v2 =	vmov v5  }
0x202: {  	v10 =	vld [tilespmem:s23+$0xFFFFFFF0];
	[tilespmem:s25+$0x30] =	vst v7  }
0x203: {  	v4 =	vadd.f32 v4, v8;
	v8 =	vld [tilespmem:s25+$0x0]  }
0x204: {  	v11 =	vld [tilespmem:s23+$0x0]  }
.Ltmp12:
0x205: {  	[tilespmem:s25+$0xFFFFFFD0] =	vst v4;
	v4 =	vadd.f32 v3, v6;
	v3 =	vld [tilespmem:s25+$0x10];
	(pc) =	sbr.rel @p1 .LBB2_26-.Ltmp12, $4  }
0x206: {  	v5 =	vld [tilespmem:s23+$0x10]  }
0x207: {  	[tilespmem:s25+$0xFFFFFFE0] =	vst v4;
	v9 =	vadd.f32 v10, v9;
	v4 =	vld [tilespmem:s25+$0x20]  }
0x208: {  	v7 =	vld [tilespmem:s23+$0x20]  }
0x209: {  	s25 =	sadd.s32 $0x80, s25;
	v6 =	vld [tilespmem:s20+$0xFFFFFFC0];
	[tilespmem:s20+$0xFFFFFFF0] =	vst v9;
	v8 =	vadd.f32 v11, v8  }
0x20a: {  	_ =	sdelay $0x1  }
0x20b: {  	v3 =	vadd.f32 v5, v3  }
0x20c: {  	[tilespmem:s20+$0x0] =	vst v8;
	v4 =	vadd.f32 v7, v4  }
0x20d: {  	[tilespmem:s20+$0x10] =	vst v3;
	v2 =	vadd.f32 v2, v6  }
0x20e: {  	[tilespmem:s20+$0x20] =	vst v4  }
0x20f: {  	[tilespmem:s20+$0xFFFFFFC0] =	vst v2  }
0x210: {  	_ =	swait.ge [sflag:s0], $0x280  }
0x211: {  	[sflag:s0] =	ssyncset.done $0x0  }
0x212: {  	s20 =	simm.s32 $0xF180;
	[sflag:s0] =	ssyncadd.s32 $0xFFFFFD80  }
0x213: {  	[tilespmem:s3], [sflag:$0x4] =	stream.linear.gather [spmem:s16], $0x280, $0x38;
	[tilespmem:$0x120C0] =	vst v63  }
0x214: {  	s23 =	simm.s32 $0xEC80;
	v3 =	vld [tilespmem:s20+$0x30]  }
0x215: {  	v4 =	vld [tilespmem:s23+$0x30]  }
0x216: {  	v2 =	vld [tilespmem:s23+$0xFFFFFFC0]  }
0x217: {  	v5 =	vld [tilespmem:s20+$0xFFFFFFD0]  }
0x218: {  	v6 =	vld [tilespmem:s23+$0xFFFFFFD0]  }
0x219: {  	v7 =	vld [tilespmem:s20+$0xFFFFFFE0]  }
0x21a: {  	v8 =	vld [tilespmem:s23+$0xFFFFFFE0]  }
0x21b: {  	v9 =	vld [tilespmem:s20+$0xFFFFFFF0]  }
0x21c: {  	v10 =	vld [tilespmem:s23+$0xFFFFFFF0]  }
0x21d: {  	v11 =	vld [tilespmem:s20+$0x0]  }
0x21e: {  	v12 =	vld [tilespmem:s23+$0x0];
	v4 =	vadd.f32 v4, v3  }
0x21f: {  	v6 =	vadd.f32 v6, v5;
	v3 =	vld [tilespmem:s20+$0x10]  }
0x220: {  	v7 =	vadd.f32 v8, v7;
	v5 =	vld [tilespmem:s23+$0x10];
	[tilespmem:s20+$0x30] =	vst v4  }
0x221: {  	v8 =	vadd.f32 v10, v9;
	[tilespmem:s20+$0xFFFFFFD0] =	vst v6;
	v4 =	vld [tilespmem:s20+$0x20]  }
0x222: {  	[tilespmem:s20+$0xFFFFFFE0] =	vst v7;
	v7 =	vld [tilespmem:s23+$0x20]  }
0x223: {  	s24 =	simm.s32 $0x0;
	s25 =	simm.s32 $0xF200;
	v6 =	vld [tilespmem:s20+$0xFFFFFFC0];
	[tilespmem:s20+$0xFFFFFFF0] =	vst v8;
	v8 =	vadd.f32 v12, v11  }
.LBB2_28:
0x224: {  	v9 =	vld [tilespmem:s25+$0x30];
	s23 =	sadd.s32 $0x80, s23  }
0x225: {  	s24 =	sadd.s32 $0x80, s24;
	v10 =	vld [tilespmem:s23+$0x30];
	[tilespmem:s20+$0x0] =	vst v8;
	v3 =	vadd.f32 v5, v3  }
0x226: {  	p1 =	slt.u32 s24, $0x200;
	v5 =	vld [tilespmem:s23+$0xFFFFFFC0]  }
0x227: {  	v8 =	vld [tilespmem:s25+$0xFFFFFFD0];
	[tilespmem:s20+$0x10] =	vst v3;
	v3 =	vadd.f32 v7, v4  }
0x228: {  	v4 =	vld [tilespmem:s23+$0xFFFFFFD0];
	v11 =	vadd.f32 v2, v6  }
0x229: {  	v6 =	vld [tilespmem:s25+$0xFFFFFFE0];
	[tilespmem:s20+$0x20] =	vst v3  }
0x22a: {  	v3 =	vld [tilespmem:s23+$0xFFFFFFE0];
	v7 =	vadd.f32 v10, v9;
	[tilespmem:s20+$0xFFFFFFC0] =	vst v11;
	s20 =	smov.u32 s25  }
0x22b: {  	v9 =	vld [tilespmem:s25+$0xFFFFFFF0];
	v2 =	vmov v5  }
0x22c: {  	v10 =	vld [tilespmem:s23+$0xFFFFFFF0];
	[tilespmem:s25+$0x30] =	vst v7  }
0x22d: {  	v4 =	vadd.f32 v4, v8;
	v8 =	vld [tilespmem:s25+$0x0]  }
0x22e: {  	v11 =	vld [tilespmem:s23+$0x0]  }
.Ltmp13:
0x22f: {  	[tilespmem:s25+$0xFFFFFFD0] =	vst v4;
	v4 =	vadd.f32 v3, v6;
	v3 =	vld [tilespmem:s25+$0x10];
	(pc) =	sbr.rel @p1 .LBB2_28-.Ltmp13, $4  }
0x230: {  	v5 =	vld [tilespmem:s23+$0x10]  }
0x231: {  	[tilespmem:s25+$0xFFFFFFE0] =	vst v4;
	v9 =	vadd.f32 v10, v9;
	v4 =	vld [tilespmem:s25+$0x20]  }
0x232: {  	v7 =	vld [tilespmem:s23+$0x20]  }
0x233: {  	s25 =	sadd.s32 $0x80, s25;
	v6 =	vld [tilespmem:s20+$0xFFFFFFC0];
	[tilespmem:s20+$0xFFFFFFF0] =	vst v9;
	v8 =	vadd.f32 v11, v8  }
0x234: {  	_ =	sdelay $0x1  }
0x235: {  	v3 =	vadd.f32 v5, v3  }
0x236: {  	[tilespmem:s20+$0x0] =	vst v8;
	v4 =	vadd.f32 v7, v4  }
0x237: {  	[tilespmem:s20+$0x10] =	vst v3;
	v2 =	vadd.f32 v2, v6  }
0x238: {  	[tilespmem:s20+$0x20] =	vst v4  }
0x239: {  	[tilespmem:s20+$0xFFFFFFC0] =	vst v2  }
0x23a: {  	_ =	swait.ge [sflag:s26], $0x280  }
0x23b: {  	[sflag:s26] =	ssyncset.done $0x0  }
0x23c: {  	s20 =	simm.s32 $0xF180;
	[sflag:s26] =	ssyncadd.s32 $0xFFFFFD80  }
0x23d: {  	[tilespmem:s31], [sflag:$0x3] =	stream.linear.gather [spmem:s17], $0x280, $0x38;
	[tilespmem:$0x120C0] =	vst v63  }
0x23e: {  	s23 =	simm.s32 $0xEF00;
	v3 =	vld [tilespmem:s20+$0x30]  }
0x23f: {  	v4 =	vld [tilespmem:s23+$0x30]  }
0x240: {  	v2 =	vld [tilespmem:s23+$0xFFFFFFC0]  }
0x241: {  	v5 =	vld [tilespmem:s20+$0xFFFFFFD0]  }
0x242: {  	v6 =	vld [tilespmem:s23+$0xFFFFFFD0]  }
0x243: {  	v7 =	vld [tilespmem:s20+$0xFFFFFFE0]  }
0x244: {  	v8 =	vld [tilespmem:s23+$0xFFFFFFE0]  }
0x245: {  	v9 =	vld [tilespmem:s20+$0xFFFFFFF0]  }
0x246: {  	v10 =	vld [tilespmem:s23+$0xFFFFFFF0]  }
0x247: {  	v11 =	vld [tilespmem:s20+$0x0]  }
0x248: {  	v12 =	vld [tilespmem:s23+$0x0];
	v4 =	vadd.f32 v4, v3  }
0x249: {  	v6 =	vadd.f32 v6, v5;
	v3 =	vld [tilespmem:s20+$0x10]  }
0x24a: {  	v7 =	vadd.f32 v8, v7;
	v5 =	vld [tilespmem:s23+$0x10];
	[tilespmem:s20+$0x30] =	vst v4  }
0x24b: {  	v8 =	vadd.f32 v10, v9;
	[tilespmem:s20+$0xFFFFFFD0] =	vst v6;
	v4 =	vld [tilespmem:s20+$0x20]  }
0x24c: {  	[tilespmem:s20+$0xFFFFFFE0] =	vst v7;
	v7 =	vld [tilespmem:s23+$0x20]  }
0x24d: {  	s24 =	simm.s32 $0x0;
	s25 =	simm.s32 $0xF200;
	v6 =	vld [tilespmem:s20+$0xFFFFFFC0];
	[tilespmem:s20+$0xFFFFFFF0] =	vst v8;
	v8 =	vadd.f32 v12, v11  }
.LBB2_30:
0x24e: {  	v9 =	vld [tilespmem:s25+$0x30];
	s23 =	sadd.s32 $0x80, s23  }
0x24f: {  	s24 =	sadd.s32 $0x80, s24;
	v10 =	vld [tilespmem:s23+$0x30];
	[tilespmem:s20+$0x0] =	vst v8;
	v3 =	vadd.f32 v5, v3  }
0x250: {  	p1 =	slt.u32 s24, $0x200;
	v5 =	vld [tilespmem:s23+$0xFFFFFFC0]  }
0x251: {  	v8 =	vld [tilespmem:s25+$0xFFFFFFD0];
	[tilespmem:s20+$0x10] =	vst v3;
	v3 =	vadd.f32 v7, v4  }
0x252: {  	v4 =	vld [tilespmem:s23+$0xFFFFFFD0];
	v11 =	vadd.f32 v2, v6  }
0x253: {  	v6 =	vld [tilespmem:s25+$0xFFFFFFE0];
	[tilespmem:s20+$0x20] =	vst v3  }
0x254: {  	v3 =	vld [tilespmem:s23+$0xFFFFFFE0];
	v7 =	vadd.f32 v10, v9;
	[tilespmem:s20+$0xFFFFFFC0] =	vst v11;
	s20 =	smov.u32 s25  }
0x255: {  	v9 =	vld [tilespmem:s25+$0xFFFFFFF0];
	v2 =	vmov v5  }
0x256: {  	v10 =	vld [tilespmem:s23+$0xFFFFFFF0];
	[tilespmem:s25+$0x30] =	vst v7  }
0x257: {  	v4 =	vadd.f32 v4, v8;
	v8 =	vld [tilespmem:s25+$0x0]  }
0x258: {  	v11 =	vld [tilespmem:s23+$0x0]  }
.Ltmp14:
0x259: {  	[tilespmem:s25+$0xFFFFFFD0] =	vst v4;
	v4 =	vadd.f32 v3, v6;
	v3 =	vld [tilespmem:s25+$0x10];
	(pc) =	sbr.rel @p1 .LBB2_30-.Ltmp14, $4  }
0x25a: {  	v5 =	vld [tilespmem:s23+$0x10]  }
0x25b: {  	[tilespmem:s25+$0xFFFFFFE0] =	vst v4;
	v9 =	vadd.f32 v10, v9;
	v4 =	vld [tilespmem:s25+$0x20]  }
0x25c: {  	v7 =	vld [tilespmem:s23+$0x20]  }
0x25d: {  	s25 =	sadd.s32 $0x80, s25;
	v6 =	vld [tilespmem:s20+$0xFFFFFFC0];
	[tilespmem:s20+$0xFFFFFFF0] =	vst v9;
	v8 =	vadd.f32 v11, v8  }
0x25e: {  	_ =	sdelay $0x1  }
0x25f: {  	v3 =	vadd.f32 v5, v3  }
0x260: {  	[tilespmem:s20+$0x0] =	vst v8;
	v4 =	vadd.f32 v7, v4  }
0x261: {  	[tilespmem:s20+$0x10] =	vst v3;
	v2 =	vadd.f32 v2, v6  }
0x262: {  	[tilespmem:s20+$0x20] =	vst v4  }
0x263: {  	[tilespmem:s20+$0xFFFFFFC0] =	vst v2  }
0x264: {  	_ =	swait.ge [sflag:s0], $0x280  }
0x265: {  	[sflag:s0] =	ssyncset.done $0x0  }
0x266: {  	s20 =	simm.s32 $0xF180;
	[sflag:s0] =	ssyncadd.s32 $0xFFFFFD80  }
0x267: {  	[tilespmem:s3], [sflag:$0x4] =	stream.linear.gather [spmem:s18], $0x280, $0x38;
	[tilespmem:$0x120C0] =	vst v63  }
0x268: {  	s23 =	simm.s32 $0xEC80;
	v3 =	vld [tilespmem:s20+$0x30]  }
0x269: {  	v4 =	vld [tilespmem:s23+$0x30]  }
0x26a: {  	v2 =	vld [tilespmem:s23+$0xFFFFFFC0]  }
0x26b: {  	v5 =	vld [tilespmem:s20+$0xFFFFFFD0]  }
0x26c: {  	v6 =	vld [tilespmem:s23+$0xFFFFFFD0]  }
0x26d: {  	v7 =	vld [tilespmem:s20+$0xFFFFFFE0]  }
0x26e: {  	v8 =	vld [tilespmem:s23+$0xFFFFFFE0]  }
0x26f: {  	v9 =	vld [tilespmem:s20+$0xFFFFFFF0]  }
0x270: {  	v10 =	vld [tilespmem:s23+$0xFFFFFFF0]  }
0x271: {  	v11 =	vld [tilespmem:s20+$0x0]  }
0x272: {  	v12 =	vld [tilespmem:s23+$0x0];
	v4 =	vadd.f32 v4, v3  }
0x273: {  	v6 =	vadd.f32 v6, v5;
	v3 =	vld [tilespmem:s20+$0x10]  }
0x274: {  	v7 =	vadd.f32 v8, v7;
	v5 =	vld [tilespmem:s23+$0x10];
	[tilespmem:s20+$0x30] =	vst v4  }
0x275: {  	v8 =	vadd.f32 v10, v9;
	[tilespmem:s20+$0xFFFFFFD0] =	vst v6;
	v4 =	vld [tilespmem:s20+$0x20]  }
0x276: {  	[tilespmem:s20+$0xFFFFFFE0] =	vst v7;
	v7 =	vld [tilespmem:s23+$0x20]  }
0x277: {  	s24 =	simm.s32 $0x0;
	s25 =	simm.s32 $0xF200;
	v6 =	vld [tilespmem:s20+$0xFFFFFFC0];
	[tilespmem:s20+$0xFFFFFFF0] =	vst v8;
	v8 =	vadd.f32 v12, v11  }
.LBB2_32:
0x278: {  	v9 =	vld [tilespmem:s25+$0x30];
	s23 =	sadd.s32 $0x80, s23  }
0x279: {  	s24 =	sadd.s32 $0x80, s24;
	v10 =	vld [tilespmem:s23+$0x30];
	[tilespmem:s20+$0x0] =	vst v8;
	v3 =	vadd.f32 v5, v3  }
0x27a: {  	p1 =	slt.u32 s24, $0x200;
	v5 =	vld [tilespmem:s23+$0xFFFFFFC0]  }
0x27b: {  	v8 =	vld [tilespmem:s25+$0xFFFFFFD0];
	[tilespmem:s20+$0x10] =	vst v3;
	v3 =	vadd.f32 v7, v4  }
0x27c: {  	v4 =	vld [tilespmem:s23+$0xFFFFFFD0];
	v11 =	vadd.f32 v2, v6  }
0x27d: {  	v6 =	vld [tilespmem:s25+$0xFFFFFFE0];
	[tilespmem:s20+$0x20] =	vst v3  }
0x27e: {  	v3 =	vld [tilespmem:s23+$0xFFFFFFE0];
	v7 =	vadd.f32 v10, v9;
	[tilespmem:s20+$0xFFFFFFC0] =	vst v11;
	s20 =	smov.u32 s25  }
0x27f: {  	v9 =	vld [tilespmem:s25+$0xFFFFFFF0];
	v2 =	vmov v5  }
0x280: {  	v10 =	vld [tilespmem:s23+$0xFFFFFFF0];
	[tilespmem:s25+$0x30] =	vst v7  }
0x281: {  	v4 =	vadd.f32 v4, v8;
	v8 =	vld [tilespmem:s25+$0x0]  }
0x282: {  	v11 =	vld [tilespmem:s23+$0x0]  }
.Ltmp15:
0x283: {  	[tilespmem:s25+$0xFFFFFFD0] =	vst v4;
	v4 =	vadd.f32 v3, v6;
	v3 =	vld [tilespmem:s25+$0x10];
	(pc) =	sbr.rel @p1 .LBB2_32-.Ltmp15, $4  }
0x284: {  	v5 =	vld [tilespmem:s23+$0x10]  }
0x285: {  	[tilespmem:s25+$0xFFFFFFE0] =	vst v4;
	v9 =	vadd.f32 v10, v9;
	v4 =	vld [tilespmem:s25+$0x20]  }
0x286: {  	v7 =	vld [tilespmem:s23+$0x20]  }
0x287: {  	s25 =	sadd.s32 $0x80, s25;
	v6 =	vld [tilespmem:s20+$0xFFFFFFC0];
	[tilespmem:s20+$0xFFFFFFF0] =	vst v9;
	v8 =	vadd.f32 v11, v8  }
0x288: {  	_ =	sdelay $0x1  }
0x289: {  	v3 =	vadd.f32 v5, v3  }
0x28a: {  	[tilespmem:s20+$0x0] =	vst v8;
	v4 =	vadd.f32 v7, v4  }
0x28b: {  	[tilespmem:s20+$0x10] =	vst v3;
	v2 =	vadd.f32 v2, v6  }
0x28c: {  	[tilespmem:s20+$0x20] =	vst v4  }
0x28d: {  	[tilespmem:s20+$0xFFFFFFC0] =	vst v2  }
0x28e: {  	_ =	swait.ge [sflag:s26], $0x280  }
0x28f: {  	[sflag:s26] =	ssyncset.done $0x0  }
0x290: {  	s20 =	simm.s32 $0xF180;
	[sflag:s26] =	ssyncadd.s32 $0xFFFFFD80  }
0x291: {  	[tilespmem:s31], [sflag:$0x3] =	stream.linear.gather [spmem:s19], $0x280, $0x38;
	[tilespmem:$0x120C0] =	vst v63  }
0x292: {  	s23 =	simm.s32 $0xEF00;
	v3 =	vld [tilespmem:s20+$0x30]  }
0x293: {  	v4 =	vld [tilespmem:s23+$0x30]  }
0x294: {  	v2 =	vld [tilespmem:s23+$0xFFFFFFC0]  }
0x295: {  	v5 =	vld [tilespmem:s20+$0xFFFFFFD0]  }
0x296: {  	v6 =	vld [tilespmem:s23+$0xFFFFFFD0]  }
0x297: {  	v7 =	vld [tilespmem:s20+$0xFFFFFFE0]  }
0x298: {  	v8 =	vld [tilespmem:s23+$0xFFFFFFE0]  }
0x299: {  	v9 =	vld [tilespmem:s20+$0xFFFFFFF0]  }
0x29a: {  	v10 =	vld [tilespmem:s23+$0xFFFFFFF0]  }
0x29b: {  	v11 =	vld [tilespmem:s20+$0x0]  }
0x29c: {  	v12 =	vld [tilespmem:s23+$0x0];
	v4 =	vadd.f32 v4, v3  }
0x29d: {  	v6 =	vadd.f32 v6, v5;
	v3 =	vld [tilespmem:s20+$0x10]  }
0x29e: {  	v7 =	vadd.f32 v8, v7;
	v5 =	vld [tilespmem:s23+$0x10];
	[tilespmem:s20+$0x30] =	vst v4  }
0x29f: {  	v8 =	vadd.f32 v10, v9;
	[tilespmem:s20+$0xFFFFFFD0] =	vst v6;
	v4 =	vld [tilespmem:s20+$0x20]  }
0x2a0: {  	[tilespmem:s20+$0xFFFFFFE0] =	vst v7;
	v7 =	vld [tilespmem:s23+$0x20]  }
0x2a1: {  	s24 =	simm.s32 $0x0;
	s25 =	simm.s32 $0xF200;
	v6 =	vld [tilespmem:s20+$0xFFFFFFC0];
	[tilespmem:s20+$0xFFFFFFF0] =	vst v8;
	v8 =	vadd.f32 v12, v11  }
.LBB2_34:
0x2a2: {  	v9 =	vld [tilespmem:s25+$0x30];
	s23 =	sadd.s32 $0x80, s23  }
0x2a3: {  	s24 =	sadd.s32 $0x80, s24;
	v10 =	vld [tilespmem:s23+$0x30];
	[tilespmem:s20+$0x0] =	vst v8;
	v3 =	vadd.f32 v5, v3  }
0x2a4: {  	p1 =	slt.u32 s24, $0x200;
	v5 =	vld [tilespmem:s23+$0xFFFFFFC0]  }
0x2a5: {  	v8 =	vld [tilespmem:s25+$0xFFFFFFD0];
	[tilespmem:s20+$0x10] =	vst v3;
	v3 =	vadd.f32 v7, v4  }
0x2a6: {  	v4 =	vld [tilespmem:s23+$0xFFFFFFD0];
	v11 =	vadd.f32 v2, v6  }
0x2a7: {  	v6 =	vld [tilespmem:s25+$0xFFFFFFE0];
	[tilespmem:s20+$0x20] =	vst v3  }
0x2a8: {  	v3 =	vld [tilespmem:s23+$0xFFFFFFE0];
	v7 =	vadd.f32 v10, v9;
	[tilespmem:s20+$0xFFFFFFC0] =	vst v11;
	s20 =	smov.u32 s25  }
0x2a9: {  	v9 =	vld [tilespmem:s25+$0xFFFFFFF0];
	v2 =	vmov v5  }
0x2aa: {  	v10 =	vld [tilespmem:s23+$0xFFFFFFF0];
	[tilespmem:s25+$0x30] =	vst v7  }
0x2ab: {  	v4 =	vadd.f32 v4, v8;
	v8 =	vld [tilespmem:s25+$0x0]  }
0x2ac: {  	v11 =	vld [tilespmem:s23+$0x0]  }
.Ltmp16:
0x2ad: {  	[tilespmem:s25+$0xFFFFFFD0] =	vst v4;
	v4 =	vadd.f32 v3, v6;
	v3 =	vld [tilespmem:s25+$0x10];
	(pc) =	sbr.rel @p1 .LBB2_34-.Ltmp16, $4  }
0x2ae: {  	v5 =	vld [tilespmem:s23+$0x10]  }
0x2af: {  	[tilespmem:s25+$0xFFFFFFE0] =	vst v4;
	v9 =	vadd.f32 v10, v9;
	v4 =	vld [tilespmem:s25+$0x20]  }
0x2b0: {  	v7 =	vld [tilespmem:s23+$0x20]  }
0x2b1: {  	s25 =	sadd.s32 $0x80, s25;
	v6 =	vld [tilespmem:s20+$0xFFFFFFC0];
	[tilespmem:s20+$0xFFFFFFF0] =	vst v9;
	v8 =	vadd.f32 v11, v8  }
0x2b2: {  	_ =	sdelay $0x1  }
0x2b3: {  	v3 =	vadd.f32 v5, v3  }
0x2b4: {  	[tilespmem:s20+$0x0] =	vst v8;
	v4 =	vadd.f32 v7, v4  }
0x2b5: {  	[tilespmem:s20+$0x10] =	vst v3;
	v2 =	vadd.f32 v2, v6  }
0x2b6: {  	[tilespmem:s20+$0x20] =	vst v4  }
0x2b7: {  	[tilespmem:s20+$0xFFFFFFC0] =	vst v2  }
0x2b8: {  	_ =	swait.ge [sflag:s0], $0x280  }
0x2b9: {  	[sflag:s0] =	ssyncset.done $0x0  }
0x2ba: {  	s20 =	simm.s32 $0xF180;
	[sflag:s0] =	ssyncadd.s32 $0xFFFFFD80  }
0x2bb: {  	[tilespmem:s3], [sflag:$0x4] =	stream.linear.gather [spmem:s22], $0x280, $0x38;
	[tilespmem:$0x120C0] =	vst v63  }
0x2bc: {  	s23 =	simm.s32 $0xEC80;
	v3 =	vld [tilespmem:s20+$0x30]  }
0x2bd: {  	v4 =	vld [tilespmem:s23+$0x30]  }
0x2be: {  	v2 =	vld [tilespmem:s23+$0xFFFFFFC0]  }
0x2bf: {  	v5 =	vld [tilespmem:s20+$0xFFFFFFD0]  }
0x2c0: {  	v6 =	vld [tilespmem:s23+$0xFFFFFFD0]  }
0x2c1: {  	v7 =	vld [tilespmem:s20+$0xFFFFFFE0]  }
0x2c2: {  	v8 =	vld [tilespmem:s23+$0xFFFFFFE0]  }
0x2c3: {  	v9 =	vld [tilespmem:s20+$0xFFFFFFF0]  }
0x2c4: {  	v10 =	vld [tilespmem:s23+$0xFFFFFFF0]  }
0x2c5: {  	v11 =	vld [tilespmem:s20+$0x0]  }
0x2c6: {  	v12 =	vld [tilespmem:s23+$0x0];
	v4 =	vadd.f32 v4, v3  }
0x2c7: {  	v6 =	vadd.f32 v6, v5;
	v3 =	vld [tilespmem:s20+$0x10]  }
0x2c8: {  	v7 =	vadd.f32 v8, v7;
	v5 =	vld [tilespmem:s23+$0x10];
	[tilespmem:s20+$0x30] =	vst v4  }
0x2c9: {  	v8 =	vadd.f32 v10, v9;
	[tilespmem:s20+$0xFFFFFFD0] =	vst v6;
	v4 =	vld [tilespmem:s20+$0x20]  }
0x2ca: {  	[tilespmem:s20+$0xFFFFFFE0] =	vst v7;
	v7 =	vld [tilespmem:s23+$0x20]  }
0x2cb: {  	s24 =	simm.s32 $0x0;
	s25 =	simm.s32 $0xF200;
	v6 =	vld [tilespmem:s20+$0xFFFFFFC0];
	[tilespmem:s20+$0xFFFFFFF0] =	vst v8;
	v8 =	vadd.f32 v12, v11  }
.LBB2_36:
0x2cc: {  	v9 =	vld [tilespmem:s25+$0x30];
	s23 =	sadd.s32 $0x80, s23  }
0x2cd: {  	s24 =	sadd.s32 $0x80, s24;
	v10 =	vld [tilespmem:s23+$0x30];
	[tilespmem:s20+$0x0] =	vst v8;
	v3 =	vadd.f32 v5, v3  }
0x2ce: {  	p1 =	slt.u32 s24, $0x200;
	v5 =	vld [tilespmem:s23+$0xFFFFFFC0]  }
0x2cf: {  	v8 =	vld [tilespmem:s25+$0xFFFFFFD0];
	[tilespmem:s20+$0x10] =	vst v3;
	v3 =	vadd.f32 v7, v4  }
0x2d0: {  	v4 =	vld [tilespmem:s23+$0xFFFFFFD0];
	v11 =	vadd.f32 v2, v6  }
0x2d1: {  	v6 =	vld [tilespmem:s25+$0xFFFFFFE0];
	[tilespmem:s20+$0x20] =	vst v3  }
0x2d2: {  	v3 =	vld [tilespmem:s23+$0xFFFFFFE0];
	v7 =	vadd.f32 v10, v9;
	[tilespmem:s20+$0xFFFFFFC0] =	vst v11;
	s20 =	smov.u32 s25  }
0x2d3: {  	v9 =	vld [tilespmem:s25+$0xFFFFFFF0];
	v2 =	vmov v5  }
0x2d4: {  	v10 =	vld [tilespmem:s23+$0xFFFFFFF0];
	[tilespmem:s25+$0x30] =	vst v7  }
0x2d5: {  	v4 =	vadd.f32 v4, v8;
	v8 =	vld [tilespmem:s25+$0x0]  }
0x2d6: {  	v11 =	vld [tilespmem:s23+$0x0]  }
.Ltmp17:
0x2d7: {  	[tilespmem:s25+$0xFFFFFFD0] =	vst v4;
	v4 =	vadd.f32 v3, v6;
	v3 =	vld [tilespmem:s25+$0x10];
	(pc) =	sbr.rel @p1 .LBB2_36-.Ltmp17, $4  }
0x2d8: {  	v5 =	vld [tilespmem:s23+$0x10]  }
0x2d9: {  	[tilespmem:s25+$0xFFFFFFE0] =	vst v4;
	v9 =	vadd.f32 v10, v9;
	v4 =	vld [tilespmem:s25+$0x20]  }
0x2da: {  	v7 =	vld [tilespmem:s23+$0x20]  }
0x2db: {  	s25 =	sadd.s32 $0x80, s25;
	v6 =	vld [tilespmem:s20+$0xFFFFFFC0];
	[tilespmem:s20+$0xFFFFFFF0] =	vst v9;
	v8 =	vadd.f32 v11, v8  }
0x2dc: {  	_ =	sdelay $0x1  }
0x2dd: {  	v3 =	vadd.f32 v5, v3  }
0x2de: {  	[tilespmem:s20+$0x0] =	vst v8;
	v4 =	vadd.f32 v7, v4  }
0x2df: {  	[tilespmem:s20+$0x10] =	vst v3;
	v2 =	vadd.f32 v2, v6  }
0x2e0: {  	[tilespmem:s20+$0x20] =	vst v4  }
0x2e1: {  	[tilespmem:s20+$0xFFFFFFC0] =	vst v2  }
0x2e2: {  	_ =	swait.ge [sflag:s26], $0x280  }
0x2e3: {  	[sflag:s26] =	ssyncset.done $0x0  }
0x2e4: {  	s20 =	simm.s32 $0xF180;
	[sflag:s26] =	ssyncadd.s32 $0xFFFFFD80  }
0x2e5: {  	s24 =	simm.s32 $0xEF00;
	v3 =	vld [tilespmem:s20+$0x30]  }
0x2e6: {  	v4 =	vld [tilespmem:s24+$0x30]  }
0x2e7: {  	v2 =	vld [tilespmem:s24+$0xFFFFFFC0]  }
0x2e8: {  	v5 =	vld [tilespmem:s20+$0xFFFFFFD0]  }
0x2e9: {  	v6 =	vld [tilespmem:s24+$0xFFFFFFD0]  }
0x2ea: {  	v7 =	vld [tilespmem:s20+$0xFFFFFFE0]  }
0x2eb: {  	v8 =	vld [tilespmem:s24+$0xFFFFFFE0]  }
0x2ec: {  	v9 =	vld [tilespmem:s20+$0xFFFFFFF0]  }
0x2ed: {  	v10 =	vld [tilespmem:s24+$0xFFFFFFF0]  }
0x2ee: {  	v11 =	vld [tilespmem:s20+$0x0]  }
0x2ef: {  	v12 =	vld [tilespmem:s24+$0x0];
	v4 =	vadd.f32 v4, v3  }
0x2f0: {  	v6 =	vadd.f32 v6, v5;
	v3 =	vld [tilespmem:s20+$0x10]  }
0x2f1: {  	v7 =	vadd.f32 v8, v7;
	v5 =	vld [tilespmem:s24+$0x10];
	[tilespmem:s20+$0x30] =	vst v4  }
0x2f2: {  	v8 =	vadd.f32 v10, v9;
	[tilespmem:s20+$0xFFFFFFD0] =	vst v6;
	v4 =	vld [tilespmem:s20+$0x20]  }
0x2f3: {  	[tilespmem:s20+$0xFFFFFFE0] =	vst v7;
	v6 =	vld [tilespmem:s24+$0x20]  }
0x2f4: {  	s25 =	simm.s32 $0x0;
	s23 =	simm.s32 $0xF160;
	s29 =	simm.s32 $0xF200;
	v7 =	vld [tilespmem:s20+$0xFFFFFFC0];
	[tilespmem:s20+$0xFFFFFFF0] =	vst v8;
	v8 =	vadd.f32 v12, v11  }
.LBB2_38:
0x2f5: {  	v9 =	vld [tilespmem:s29+$0x30];
	s24 =	sadd.s32 $0x80, s24  }
0x2f6: {  	s25 =	sadd.s32 $0x80, s25;
	v10 =	vld [tilespmem:s24+$0x30];
	[tilespmem:s20+$0x0] =	vst v8;
	v3 =	vadd.f32 v5, v3  }
0x2f7: {  	p1 =	slt.u32 s25, $0x200;
	v5 =	vld [tilespmem:s24+$0xFFFFFFC0]  }
0x2f8: {  	v8 =	vld [tilespmem:s29+$0xFFFFFFD0];
	[tilespmem:s20+$0x10] =	vst v3;
	v3 =	vadd.f32 v6, v4  }
0x2f9: {  	v4 =	vld [tilespmem:s24+$0xFFFFFFD0];
	v11 =	vadd.f32 v2, v7  }
0x2fa: {  	v6 =	vld [tilespmem:s29+$0xFFFFFFE0];
	[tilespmem:s20+$0x20] =	vst v3  }
0x2fb: {  	v3 =	vld [tilespmem:s24+$0xFFFFFFE0];
	v7 =	vadd.f32 v10, v9;
	[tilespmem:s20+$0xFFFFFFC0] =	vst v11;
	s20 =	smov.u32 s29  }
0x2fc: {  	v9 =	vld [tilespmem:s29+$0xFFFFFFF0];
	v2 =	vmov v5  }
0x2fd: {  	v10 =	vld [tilespmem:s24+$0xFFFFFFF0];
	[tilespmem:s29+$0x30] =	vst v7  }
0x2fe: {  	v4 =	vadd.f32 v4, v8;
	v8 =	vld [tilespmem:s29+$0x0]  }
0x2ff: {  	v11 =	vld [tilespmem:s24+$0x0]  }
.Ltmp18:
0x300: {  	[tilespmem:s29+$0xFFFFFFD0] =	vst v4;
	v4 =	vadd.f32 v3, v6;
	v3 =	vld [tilespmem:s29+$0x10];
	(pc) =	sbr.rel @p1 .LBB2_38-.Ltmp18, $4  }
0x301: {  	v5 =	vld [tilespmem:s24+$0x10]  }
0x302: {  	[tilespmem:s29+$0xFFFFFFE0] =	vst v4;
	v9 =	vadd.f32 v10, v9;
	v4 =	vld [tilespmem:s29+$0x20]  }
0x303: {  	v6 =	vld [tilespmem:s24+$0x20]  }
0x304: {  	s29 =	sadd.s32 $0x80, s29;
	v7 =	vld [tilespmem:s20+$0xFFFFFFC0];
	[tilespmem:s20+$0xFFFFFFF0] =	vst v9;
	v8 =	vadd.f32 v11, v8  }
0x305: {  	_ =	sdelay $0x1  }
0x306: {  	v3 =	vadd.f32 v5, v3  }
0x307: {  	[tilespmem:s20+$0x0] =	vst v8;
	v4 =	vadd.f32 v6, v4  }
0x308: {  	[tilespmem:s20+$0x10] =	vst v3;
	v2 =	vadd.f32 v2, v7  }
0x309: {  	[tilespmem:s20+$0x20] =	vst v4  }
0x30a: {  	[tilespmem:s20+$0xFFFFFFC0] =	vst v2  }
0x30b: {  	v2 =	vld [tilespmem:s23+$0x10];
	_ =	sdelay $0x4  }
0x30c: {  	v2 =	vadd.f32 $1.000000000e+00, v2  }
0x30d: {  	v3 =	vld [tilespmem:s23+$0xFFFFFFE0]  }
0x30e: {  	v4 =	vshrl.u32 v2, $0x1;
	v2 =	vmul.f32 $5.000000000e-01, v2  }
0x30f: {  	v4 =	vsub.s32 $0x5F3759DF, v4  }
0x310: {  	v5 =	vld [tilespmem:s23+$0xFFFFFFF0];
	v6 =	vmul.f32 v4, v2;
	_ =	sdelay $0x1  }
0x311: {  	v7 =	vld [tilespmem:s23+$0x0];
	v3 =	vadd.f32 $1.000000000e+00, v3;
	v6 =	vmul.f32 v4, v6;
	_ =	sdelay $0x1  }
0x312: {  	v8 =	vshrl.u32 v3, $0x1;
	v9 =	vmul.f32 $5.000000000e-01, v3;
	v6 =	vsub.f32 $1.500000000e+00, v6  }
0x313: {  	s24 =	simm.s32 $0xF1A0;
	v3 =	vadd.f32 $1.000000000e+00, v5;
	v5 =	vsub.s32 $0x5F3759DF, v8  }
0x314: {  	v11 =	vld [tilespmem:s24+$0x10];
	v8 =	vmul.f32 v5, v9;
	v4 =	vmul.f32 v4, v6  }
0x315: {  	v10 =	vmul.f32 $5.000000000e-01, v3;
	v6 =	vshrl.u32 v3, $0x1;
	v3 =	vadd.f32 $1.000000000e+00, v7  }
0x316: {  	v6 =	vsub.s32 $0x5F3759DF, v6;
	v7 =	vmul.f32 v4, v2  }
0x317: {  	v8 =	vmul.f32 v5, v8;
	v12 =	vmul.f32 v6, v10;
	v13 =	vshrl.u32 v3, $0x1  }
0x318: {  	v14 =	vmul.f32 $5.000000000e-01, v3;
	v3 =	vmul.f32 v7, v4;
	v7 =	vsub.s32 $0x5F3759DF, v13;
	v13 =	vld [tilespmem:s24+$0xFFFFFFE0]  }
0x319: {  	v11 =	vadd.f32 $1.000000000e+00, v11;
	v8 =	vsub.f32 $1.500000000e+00, v8;
	v12 =	vmul.f32 v6, v12  }
0x31a: {  	v15 =	vmul.f32 v7, v14;
	v3 =	vsub.f32 $1.500000000e+00, v3  }
0x31b: {  	v17 =	vmul.f32 $5.000000000e-01, v11;
	v8 =	vmul.f32 v5, v8;
	v5 =	vsub.f32 $1.500000000e+00, v12  }
0x31c: {  	v12 =	vmul.f32 v7, v15;
	v15 =	vld [tilespmem:s24+$0x0];
	v3 =	vmul.f32 v3, v4  }
0x31d: {  	v4 =	vld [tilespmem:s24+$0xFFFFFFF0];
	v16 =	vmul.f32 v6, v5;
	v5 =	vshrl.u32 v11, $0x1;
	v6 =	vadd.f32 $1.000000000e+00, v13  }
0x31e: {  	v5 =	vsub.s32 $0x5F3759DF, v5;
	v12 =	vsub.f32 $1.500000000e+00, v12;
	v13 =	vmul.f32 v8, v9  }
0x31f: {  	v11 =	vmul.f32 v3, v2;
	v18 =	vmul.f32 v5, v17  }
0x320: {  	v19 =	vshrl.u32 v6, $0x1;
	v2 =	vmul.f32 $5.000000000e-01, v6;
	v7 =	vmul.f32 v7, v12  }
0x321: {  	v6 =	vmul.f32 v11, v3;
	v11 =	vadd.f32 $1.000000000e+00, v15;
	v15 =	vsub.s32 $0x5F3759DF, v19  }
0x322: {  	v18 =	vmul.f32 v5, v18;
	v19 =	vadd.f32 $1.000000000e+00, v4;
	v4 =	vmul.f32 v16, v10  }
0x323: {  	v13 =	vmul.f32 v13, v8;
	v20 =	vmul.f32 v15, v2  }
0x324: {  	v18 =	vsub.f32 $1.500000000e+00, v18;
	v21 =	vmul.f32 v4, v16;
	v4 =	vshrl.u32 v19, $0x1  }
0x325: {  	v20 =	vmul.f32 v15, v20;
	v22 =	vsub.s32 $0x5F3759DF, v4;
	v4 =	vmul.f32 $5.000000000e-01, v11  }
0x326: {  	v12 =	vshrl.u32 v11, $0x1;
	v11 =	vmul.f32 v5, v18;
	v5 =	vmul.f32 $5.000000000e-01, v19  }
0x327: {  	v19 =	vsub.f32 $1.500000000e+00, v6;
	v18 =	vsub.f32 $1.500000000e+00, v20;
	v20 =	vmul.f32 v7, v14  }
0x328: {  	v24 =	vsub.s32 $0x5F3759DF, v12;
	v23 =	vmul.f32 v11, v17;
	v12 =	vmul.f32 v22, v5  }
0x329: {  	v3 =	vmul.f32 v19, v3;
	v6 =	vmul.f32 v15, v18;
	v15 =	vsub.f32 $1.500000000e+00, v21  }
0x32a: {  	s25 =	simm.s32 $0xF1E0;
	v21 =	vmul.f32 v24, v4;
	v18 =	vmul.f32 v23, v11  }
0x32b: {  	v19 =	vld [tilespmem:s25+$0xFFFFFFE0];
	v12 =	vmul.f32 v22, v12;
	v26 =	vmul.f32 v15, v16  }
0x32c: {  	v23 =	vld [tilespmem:s25+$0x10];
	v16 =	vmul.f32 v24, v21;
	v21 =	vmul.f32 v6, v2;
	v18 =	vsub.f32 $1.500000000e+00, v18  }
0x32d: {  	v13 =	vsub.f32 $1.500000000e+00, v13;
	v15 =	vmul.f32 v20, v7;
	v12 =	vsub.f32 $1.500000000e+00, v12  }
0x32e: {  	v62 =	vmul.f32 v21, v6;
	v25 =	vmul.f32 v18, v11  }
0x32f: {  	v18 =	vmul.f32 v13, v8;
	v8 =	vsub.f32 $1.500000000e+00, v15;
	v11 =	vmul.f32 v22, v12  }
0x330: {  	v13 =	vsub.f32 $1.500000000e+00, v16;
	v16 =	vmul.f32 v26, v10;
	v10 =	vadd.f32 $1.000000000e+00, v19  }
0x331: {  	v20 =	vld [tilespmem:s25+$0x0];
	v17 =	vmul.f32 v25, v17;
	v12 =	vmul.f32 v8, v7;
	v8 =	vadd.f32 $1.000000000e+00, v23  }
0x332: {  	v15 =	vld [tilespmem:s25+$0xFFFFFFF0];
	v19 =	vmul.f32 v18, v9;
	v22 =	vshrl.u32 v10, $0x1;
	v7 =	vmul.f32 $5.000000000e-01, v10  }
0x333: {  	v9 =	vmul.f32 v24, v13;
	v16 =	vmul.f32 v16, v26;
	v22 =	vsub.s32 $0x5F3759DF, v22  }
0x334: {  	v17 =	vmul.f32 v17, v25;
	v13 =	vshrl.u32 v8, $0x1;
	v10 =	vmul.f32 $5.000000000e-01, v8  }
0x335: {  	v19 =	vmul.f32 v19, v18;
	v8 =	vmul.f32 v12, v14;
	v23 =	vsub.s32 $0x5F3759DF, v13  }
0x336: {  	v20 =	vadd.f32 $1.000000000e+00, v20;
	v28 =	vmul.f32 v22, v7;
	v24 =	vmul.f32 v23, v10  }
0x337: {  	v21 =	vmul.f32 v9, v4;
	v14 =	vadd.f32 $1.000000000e+00, v15;
	v15 =	vmul.f32 v11, v5  }
0x338: {  	v13 =	vshrl.u32 v20, $0x1;
	v27 =	vmul.f32 v8, v12;
	v24 =	vmul.f32 v23, v24  }
0x339: {  	v30 =	vsub.f32 $1.500000000e+00, v19;
	v8 =	vshrl.u32 v14, $0x1;
	v29 =	vmul.f32 v15, v11  }
0x33a: {  	v15 =	vsub.s32 $0x5F3759DF, v8;
	v8 =	vmul.f32 $5.000000000e-01, v20;
	v20 =	vsub.f32 $1.500000000e+00, v24  }
0x33b: {  	v14 =	vmul.f32 $5.000000000e-01, v14;
	v24 =	vmul.f32 v22, v28  }
0x33c: {  	v63 =	vsub.f32 $1.500000000e+00, v16;
	v61 =	vmul.f32 v30, v18;
	v18 =	vmul.f32 v23, v20  }
0x33d: {  	v13 =	vsub.s32 $0x5F3759DF, v13;
	v20 =	vsub.f32 $1.500000000e+00, v24;
	v23 =	vsub.f32 $1.500000000e+00, v17  }
0x33e: {  	v19 =	vsub.f32 $1.500000000e+00, v29;
	v24 =	vmul.f32 v15, v14;
	v31 =	vmul.f32 v18, v10  }
0x33f: {  	v17 =	vmul.f32 v22, v20;
	v16 =	vmul.f32 v23, v25;
	v22 =	vsub.f32 $1.500000000e+00, v27  }
0x340: {  	s29 =	simm.s32 $0xF220;
	s20 =	simm.s32 $0x80;
	[tilespmem:s23+$0xFFFFFFE0] =	vst v61;
	v23 =	vsub.f32 $1.500000000e+00, v62;
	v20 =	vmul.f32 v63, v26;
	v25 =	vmul.f32 v31, v18  }
.LBB2_40:
0x341: {  	v26 =	vld [tilespmem:s29+$0xFFFFFFE0];
	s20 =	sadd.s32 $0x40, s20;
	v24 =	vmul.f32 v15, v24;
	v27 =	vmul.f32 v13, v8  }
0x342: {  	v29 =	vmul.f32 v19, v11;
	v11 =	vmul.f32 v21, v9;
	v28 =	vld [tilespmem:s29+$0x10];
	p1 =	slt.u32 s20, $0x240;
	v25 =	vsub.f32 $1.500000000e+00, v25;
	[tilespmem:s23+$0xFFFFFFF0] =	vst v20  }
0x343: {  	v12 =	vmul.f32 v22, v12;
	v19 =	vld [tilespmem:s29+$0xFFFFFFF0];
	v20 =	vsub.f32 $1.500000000e+00, v24;
	v21 =	vmul.f32 v13, v27;
	[tilespmem:s23+$0x10] =	vst v3;
	v3 =	vmovc v16  }
0x344: {  	v16 =	vld [tilespmem:s29+$0x0];
	v22 =	vmul.f32 v25, v18;
	v18 =	vmul.f32 v23, v6;
	v23 =	vsub.f32 $1.500000000e+00, v11;
	v6 =	vmovc v17  }
0x345: {  	v17 =	vmul.f32 v29, v5;
	v5 =	vmovc v14;
	v11 =	vmul.f32 v15, v20;
	v15 =	vsub.f32 $1.500000000e+00, v21;
	[tilespmem:s23+$0x0] =	vst v12;
	s23 =	smov.u32 s24;
	s24 =	smov.u32 s25;
	s25 =	smov.u32 s29  }
0x346: {  	v14 =	vadd.f32 $1.000000000e+00, v26;
	v10 =	vmul.f32 v22, v10;
	v12 =	vmul.f32 v23, v9  }
0x347: {  	v21 =	vmul.f32 v6, v7;
	v23 =	vmul.f32 v18, v2;
	v2 =	vmovc v7;
	v20 =	vadd.f32 $1.000000000e+00, v28  }
0x348: {  	v24 =	vshrl.u32 v14, $0x1;
	v7 =	vmul.f32 $5.000000000e-01, v14;
	v14 =	vmul.f32 v10, v22  }
0x349: {  	v9 =	vmul.f32 v13, v15;
	v15 =	vmul.f32 v23, v18;
	v16 =	vadd.f32 $1.000000000e+00, v16  }
0x34a: {  	v13 =	vshrl.u32 v20, $0x1;
	v10 =	vmul.f32 $5.000000000e-01, v20;
	v20 =	vmul.f32 v12, v4;
	v4 =	vmovc v8  }
0x34b: {  	v23 =	vadd.f32 $1.000000000e+00, v19;
	v8 =	vmul.f32 v11, v5;
	v25 =	vsub.s32 $0x5F3759DF, v13  }
0x34c: {  	v13 =	vshrl.u32 v16, $0x1;
	v19 =	vmul.f32 v25, v10;
	v20 =	vmul.f32 v20, v12  }
0x34d: {  	v26 =	vsub.s32 $0x5F3759DF, v24;
	v8 =	vmul.f32 v8, v11;
	v13 =	vsub.s32 $0x5F3759DF, v13  }
0x34e: {  	v24 =	vshrl.u32 v23, $0x1;
	v28 =	vsub.f32 $1.500000000e+00, v15;
	v27 =	vmul.f32 v25, v19  }
0x34f: {  	v30 =	vmul.f32 v26, v7;
	v15 =	vsub.s32 $0x5F3759DF, v24;
	v19 =	vsub.f32 $1.500000000e+00, v8  }
0x350: {  	v17 =	vmul.f32 v17, v29;
	v8 =	vmul.f32 $5.000000000e-01, v16;
	v16 =	vsub.f32 $1.500000000e+00, v27  }
0x351: {  	v24 =	vmul.f32 v26, v30;
	v28 =	vmul.f32 v28, v18;
	v27 =	vsub.f32 $1.500000000e+00, v14  }
.Ltmp19:
0x352: {  	v30 =	vsub.f32 $1.500000000e+00, v17;
	v14 =	vmul.f32 $5.000000000e-01, v23;
	v18 =	vmul.f32 v25, v16;
	(pc) =	sbr.rel @p1 .LBB2_40-.Ltmp19, $4  }
0x353: {  	v23 =	vmul.f32 v21, v6;
	v21 =	vmul.f32 v9, v4;
	v16 =	vsub.f32 $1.500000000e+00, v24;
	[tilespmem:s23+$0xFFFFFFE0] =	vst v28  }
0x354: {  	v24 =	vmul.f32 v15, v14;
	v25 =	vmul.f32 v18, v10  }
0x355: {  	v17 =	vmul.f32 v26, v16;
	v16 =	vmul.f32 v27, v22;
	v22 =	vsub.f32 $1.500000000e+00, v20  }
0x356: {  	s29 =	sadd.s32 $0x40, s29;
	v23 =	vsub.f32 $1.500000000e+00, v23;
	v20 =	vmul.f32 v30, v29;
	v25 =	vmul.f32 v25, v18  }
0x357: {  	v24 =	vmul.f32 v15, v24;
	v26 =	vmul.f32 v13, v8  }
0x358: {  	v11 =	vmul.f32 v19, v11;
	v34 =	vmul.f32 v21, v9  }
0x359: {  	v12 =	vmul.f32 v22, v12;
	v35 =	vsub.f32 $1.500000000e+00, v24;
	v36 =	vmul.f32 v13, v26  }
0x35a: {  	v40 =	vmul.f32 v17, v7;
	v25 =	vsub.f32 $1.500000000e+00, v25;
	v6 =	vmul.f32 v23, v6  }
0x35b: {  	v5 =	vmul.f32 v11, v5;
	v37 =	vmul.f32 v15, v35;
	v38 =	vsub.f32 $1.500000000e+00, v36  }
0x35c: {  	v19 =	vsub.f32 $1.500000000e+00, v34;
	v18 =	vmul.f32 v25, v18;
	v2 =	vmul.f32 v6, v2  }
0x35d: {  	v41 =	vmul.f32 v13, v38;
	v42 =	vmul.f32 v37, v14  }
0x35e: {  	v39 =	vmul.f32 v19, v9;
	v19 =	vmul.f32 v40, v17  }
0x35f: {  	v21 =	vmul.f32 v42, v37;
	v43 =	vmul.f32 v41, v8  }
0x360: {  	v5 =	vmul.f32 v5, v11;
	v10 =	vmul.f32 v18, v10;
	v19 =	vsub.f32 $1.500000000e+00, v19  }
0x361: {  	v4 =	vmul.f32 v39, v4;
	v21 =	vsub.f32 $1.500000000e+00, v21;
	v22 =	vmul.f32 v43, v41  }
0x362: {  	v2 =	vmul.f32 v2, v6;
	v5 =	vsub.f32 $1.500000000e+00, v5;
	v44 =	vmul.f32 v19, v17  }
0x363: {  	v4 =	vmul.f32 v4, v39;
	v15 =	vmul.f32 v21, v37;
	v45 =	vsub.f32 $1.500000000e+00, v22  }
0x364: {  	[tilespmem:s23+$0x10] =	vst v3;
	v2 =	vsub.f32 $1.500000000e+00, v2;
	v3 =	vmul.f32 v5, v11;
	v46 =	vmul.f32 v44, v7  }
0x365: {  	v47 =	vmul.f32 v15, v14;
	v13 =	vmul.f32 v45, v41  }
0x366: {  	[tilespmem:s24+$0x10] =	vst v16;
	v2 =	vmul.f32 v2, v6;
	v5 =	vmul.f32 v46, v44  }
0x367: {  	[tilespmem:s23+$0xFFFFFFF0] =	vst v20;
	v4 =	vsub.f32 $1.500000000e+00, v4;
	v48 =	vmul.f32 v13, v8;
	v7 =	vmul.f32 v47, v15  }
0x368: {  	v49 =	vmul.f32 v10, v18;
	[tilespmem:s24+$0xFFFFFFE0] =	vst v2;
	v2 =	vsub.f32 $1.500000000e+00, v5  }
0x369: {  	[tilespmem:s24+$0xFFFFFFF0] =	vst v3;
	v3 =	vmul.f32 v4, v39;
	v4 =	vmul.f32 v48, v13;
	v5 =	vsub.f32 $1.500000000e+00, v7  }
0x36a: {  	[tilespmem:s23+$0x0] =	vst v12;
	v50 =	vsub.f32 $1.500000000e+00, v49;
	v2 =	vmul.f32 v2, v44  }
0x36b: {  	[tilespmem:s24+$0x0] =	vst v3;
	v3 =	vsub.f32 $1.500000000e+00, v4;
	v4 =	vmul.f32 v5, v15  }
0x36c: {  	[tilespmem:s25+$0xFFFFFFE0] =	vst v2;
	v5 =	vmul.f32 v50, v18  }
0x36d: {  	[tilespmem:s25+$0xFFFFFFF0] =	vst v4;
	v2 =	vmul.f32 v3, v13  }
0x36e: {  	[tilespmem:s25+$0x10] =	vst v5  }
0x36f: {  	[tilespmem:s25+$0x0] =	vst v2  }
0x370: {  	s24 =	simm.s32 $0xF140;
	s20 =	rddreg [dreg:$0x6]  }
0x371: {  	[spmem:s20] =	stream.linear.scatter [tilespmem:s24], [sflag:$0x5], $0x280, $0x38;
	[tilespmem:$0x120C0] =	vst v63  }
0x372: {  	_ =	swait.ge [sflag:s30], $0x280  }
0x373: {  	[sflag:s30] =	ssyncset.done $0x0  }
0x374: {  	[sflag:s30] =	ssyncadd.s32 $0xFFFFFD80  }
0x375: {  	[bflag:$0x0] =	sbarrier.arrive $0xFFFF  }
0x376: {  	s25 =	rddreg [dreg:$0x2]  }
0x377: {  	[tilespmem:s2], [sflag:$0x5] =	stream.linear.gather [spmem:s25], $0x2800, $0x38;
	[tilespmem:$0x120C0] =	vst v63  }
0x378: {  	_ =	swait.ge [sflag:s30], $0x2800  }
0x379: {  	[sflag:s30] =	ssyncset.done $0x0  }
0x37a: {  	s28 =	simm.s32 $0x1;
	[sflag:s30] =	ssyncadd.s32 $0xFFFFD800  }
0x37b: {  	_ =	swait.ge [sflag:s28], $0x4E20  }
0x37c: {  	[sflag:s28] =	ssyncset.done $0x0  }
0x37d: {  	s29 =	simm.s32 $0x9E60;
	[sflag:s28] =	ssyncadd.s32 $0xFFFFB1E0  }
0x37e: {  	v2 =	vld [tilespmem:s29+$0x30]  }
0x37f: {  	v3 =	vld [tilespmem:s29+$0xFFFFFFD0]  }
0x380: {  	v4 =	vld [tilespmem:s29+$0xFFFFFFE0]  }
0x381: {  	v5 =	vld [tilespmem:s29+$0xFFFFFFF0]  }
0x382: {  	v51 =	vld [tilespmem:s29+$0x0]  }
0x383: {  	s20 =	simm.s32 $0x5040;
	v52 =	vld [tilespmem:s29+$0x10]  }
0x384: {  	v53 =	vld [tilespmem:s20+$0x30]  }
0x385: {  	v54 =	vld [tilespmem:s29+$0x20]  }
0x386: {  	v55 =	vld [tilespmem:s29+$0xFFFFFFC0]  }
0x387: {  	v58 =	vld [tilespmem:s20+$0xFFFFFFC0]  }
0x388: {  	v59 =	vld [tilespmem:s20+$0xFFFFFFD0]  }
0x389: {  	v60 =	vld [tilespmem:s20+$0xFFFFFFE0]  }
0x38a: {  	v61 =	vld [tilespmem:s20+$0xFFFFFFF0]  }
0x38b: {  	v62 =	vld [tilespmem:s20+$0x0]  }
0x38c: {  	v63 =	vld [tilespmem:s20+$0x10]  }
0x38d: {  	v2 =	vld.idx.msk [tilespmem:v2+s2+$0x0], $0xffff  }
0x38e: {  	v56 =	vld.idx.msk [tilespmem:v3+s2+$0x0], $0xffff  }
0x38f: {  	v4 =	vld.idx.msk [tilespmem:v4+s2+$0x0], $0xffff  }
0x390: {  	v5 =	vld.idx.msk [tilespmem:v5+s2+$0x0], $0xffff  }
0x391: {  	v6 =	vld.idx.msk [tilespmem:v51+s2+$0x0], $0xffff  }
0x392: {  	v57 =	vld.idx.msk [tilespmem:v55+s2+$0x0], $0xffff  }
0x393: {  	v7 =	vld.idx.msk [tilespmem:v52+s2+$0x0], $0xffff  }
0x394: {  	v3 =	vld [tilespmem:s20+$0x20]  }
0x395: {  	[tilespmem:v53+s1+$0x0] =	vst.idx.add.f32.msk $0xffff, v2  }
0x396: {  	v2 =	vld.idx.msk [tilespmem:v54+s2+$0x0], $0xffff  }
0x397: {  	[tilespmem:v58+s1+$0x0] =	vst.idx.add.f32.msk $0xffff, v57  }
0x398: {  	[tilespmem:v59+s1+$0x0] =	vst.idx.add.f32.msk $0xffff, v56  }
0x399: {  	[tilespmem:v60+s1+$0x0] =	vst.idx.add.f32.msk $0xffff, v4  }
0x39a: {  	[tilespmem:v61+s1+$0x0] =	vst.idx.add.f32.msk $0xffff, v5  }
0x39b: {  	[tilespmem:v62+s1+$0x0] =	vst.idx.add.f32.msk $0xffff, v6  }
0x39c: {  	s23 =	simm.s32 $0x9E00;
	s24 =	simm.s32 $0x0;
	s25 =	simm.s32 $0x9EE0;
	[tilespmem:v63+s1+$0x0] =	vst.idx.add.f32.msk $0xffff, v7  }
.LBB2_42:
0x39d: {  	v4 =	vld [tilespmem:s25+$0x30];
	s24 =	sadd.s32 $0x80, s24  }
0x39e: {  	v5 =	vld [tilespmem:s25+$0xFFFFFFD0];
	p1 =	slt.u32 s24, $0x4D80  }
0x39f: {  	v6 =	vld [tilespmem:s25+$0xFFFFFFE0]  }
0x3a0: {  	v7 =	vld [tilespmem:s25+$0xFFFFFFF0]  }
0x3a1: {  	v8 =	vld [tilespmem:s25+$0x0]  }
0x3a2: {  	s20 =	sadd.s32 $0x80, s20;
	v9 =	vld [tilespmem:s25+$0x10]  }
0x3a3: {  	v10 =	vld [tilespmem:s20+$0x30]  }
0x3a4: {  	v11 =	vld [tilespmem:s25+$0x20]  }
0x3a5: {  	v4 =	vld.idx.msk [tilespmem:v4+s2+$0x0], $0xffff  }
0x3a6: {  	v12 =	vld [tilespmem:s25+$0xFFFFFFC0]  }
0x3a7: {  	v5 =	vld.idx.msk [tilespmem:v5+s2+$0x0], $0xffff  }
0x3a8: {  	v6 =	vld.idx.msk [tilespmem:v6+s2+$0x0], $0xffff  }
0x3a9: {  	v7 =	vld.idx.msk [tilespmem:v7+s2+$0x0], $0xffff  }
0x3aa: {  	v8 =	vld.idx.msk [tilespmem:v8+s2+$0x0], $0xffff  }
0x3ab: {  	s29 =	simm.s32 $0x4DF0;
	s28 =	simm.s32 $0xEC20;
	[tilespmem:v10+s1+$0x0] =	vst.idx.add.f32.msk $0xffff, v4  }
0x3ac: {  	v4 =	vld.idx.msk [tilespmem:v9+s2+$0x0], $0xffff  }
0x3ad: {  	v9 =	vld.idx.msk [tilespmem:v11+s2+$0x0], $0xffff  }
0x3ae: {  	v10 =	vld.idx.msk [tilespmem:v12+s2+$0x0], $0xffff  }
0x3af: {  	v11 =	vld [tilespmem:s20+$0xFFFFFFC0]  }
0x3b0: {  	v12 =	vld [tilespmem:s20+$0xFFFFFFD0]  }
0x3b1: {  	v13 =	vld [tilespmem:s20+$0xFFFFFFE0]  }
0x3b2: {  	v14 =	vld [tilespmem:s20+$0xFFFFFFF0]  }
0x3b3: {  	v15 =	vld [tilespmem:s20+$0x0]  }
0x3b4: {  	v16 =	vld [tilespmem:s20+$0x10]  }
0x3b5: {  	v17 =	vld [tilespmem:s20+$0x20]  }
0x3b6: {  	[tilespmem:v3+s1+$0x0] =	vst.idx.add.f32.msk $0xffff, v2;
	v2 =	vmov v9  }
0x3b7: {  	[tilespmem:v11+s1+$0x0] =	vst.idx.add.f32.msk $0xffff, v10  }
.Ltmp20:
0x3b8: {  	[tilespmem:v12+s1+$0x0] =	vst.idx.add.f32.msk $0xffff, v5;
	(pc) =	sbr.rel @p1 .LBB2_42-.Ltmp20, $4  }
0x3b9: {  	[tilespmem:v13+s1+$0x0] =	vst.idx.add.f32.msk $0xffff, v6  }
0x3ba: {  	[tilespmem:v14+s1+$0x0] =	vst.idx.add.f32.msk $0xffff, v7;
	v3 =	vmov v17  }
0x3bb: {  	[tilespmem:v15+s1+$0x0] =	vst.idx.add.f32.msk $0xffff, v8  }
0x3bc: {  	s25 =	sadd.s32 $0x80, s25;
	[tilespmem:v16+s1+$0x0] =	vst.idx.add.f32.msk $0xffff, v4  }
0x3bd: {  	_ =	sdelay $0x3  }
0x3be: {  	[tilespmem:v3+s1+$0x0] =	vst.idx.add.f32.msk $0xffff, v2  }
.LBB2_44:
0x3bf: {  	v2 =	vld [tilespmem:s28+$0x0];
	_ =	sdelay $0x4  }
0x3c0: {  	v3 =	vld [tilespmem:s23+$0x0];
	_ =	sdelay $0x1  }
0x3c1: {  	s29 =	sadd.s32 $0x10, s29  }
0x3c2: {  	p1 =	slt.u32 s29, $0x4E10;
	v2 =	vld.idx.msk [tilespmem:v2+s2+$0x0], $0xffff  }
.Ltmp21:
0x3c3: {  	_ = 	snop;
	(pc) =	sbr.rel @p1 .LBB2_44-.Ltmp21, $2  }
0x3c4: {  	_ =	sdelay $0x2  }
0x3c5: {  	s23 =	sadd.s32 $0x10, s23;
	s28 =	sadd.s32 $0x10, s28;
	[tilespmem:v3+s1+$0x0] =	vst.idx.add.f32.msk $0xffff, v2  }
0x3c6: {  	[spmem:s4] =	stream.linear.scatter [tilespmem:s1], [sflag:$0x5], $0x2800, $0x38;
	[tilespmem:$0x120C0] =	vst v63  }
0x3c7: {  	_ =	swait.ge [sflag:s30], $0x2800  }
0x3c8: {  	[sflag:s30] =	ssyncset.done $0x0  }
0x3c9: {  	[sflag:s30] =	ssyncadd.s32 $0xFFFFD800  }
0x3ca: {  	[bflag:$0x0] =	sbarrier.arrive $0xFFFF  }
0x3cb: {  	[tilespmem:s31], [sflag:$0x3] =	stream.linear.gather [spmem:s5], $0x280, $0x38;
	[tilespmem:$0x120C0] =	vst v63  }
0x3cc: {  	_ =	swait.ge [sflag:s0], $0x280  }
0x3cd: {  	[sflag:s0] =	ssyncset.done $0x0  }
0x3ce: {  	s24 =	simm.s32 $0xEC80;
	[sflag:s0] =	ssyncadd.s32 $0xFFFFFD80  }
0x3cf: {  	[tilespmem:s3], [sflag:$0x4] =	stream.linear.gather [spmem:s6], $0x280, $0x38;
	[tilespmem:$0x120C0] =	vst v63  }
0x3d0: {  	v5 =	vld [tilespmem:s24+$0x30]  }
0x3d1: {  	v6 =	vld [tilespmem:s24+$0xFFFFFFD0]  }
0x3d2: {  	v7 =	vld [tilespmem:s24+$0xFFFFFFE0]  }
0x3d3: {  	v2 =	vld [tilespmem:s24+$0xFFFFFFF0]  }
0x3d4: {  	s20 =	simm.s32 $0xF400;
	v3 =	vld [tilespmem:s24+$0x0]  }
0x3d5: {  	v4 =	vld [tilespmem:s24+$0x10];
	[tilespmem:s20+$0x30] =	vst v5  }
0x3d6: {  	[tilespmem:s20+$0xFFFFFFD0] =	vst v6;
	v5 =	vld [tilespmem:s24+$0x20]  }
0x3d7: {  	s23 =	simm.s32 $0x0;
	v6 =	vld [tilespmem:s24+$0xFFFFFFC0];
	[tilespmem:s20+$0xFFFFFFE0] =	vst v7;
	s24 =	simm.s32 $0xED00  }
.LBB2_46:
0x3d8: {  	v7 =	vld [tilespmem:s24+$0x30];
	s23 =	sadd.s32 $0x80, s23;
	[tilespmem:s20+$0xFFFFFFF0] =	vst v2  }
0x3d9: {  	v8 =	vld [tilespmem:s24+$0xFFFFFFD0];
	p1 =	slt.u32 s23, $0x200;
	[tilespmem:s20+$0x0] =	vst v3  }
0x3da: {  	v9 =	vld [tilespmem:s24+$0xFFFFFFE0];
	[tilespmem:s20+$0x10] =	vst v4  }
.Ltmp22:
0x3db: {  	v2 =	vld [tilespmem:s24+$0xFFFFFFF0];
	[tilespmem:s20+$0x20] =	vst v5;
	(pc) =	sbr.rel @p1 .LBB2_46-.Ltmp22, $4  }
0x3dc: {  	v3 =	vld [tilespmem:s24+$0x0];
	[tilespmem:s20+$0xFFFFFFC0] =	vst v6;
	s20 =	sadd.s32 $0x80, s20  }
0x3dd: {  	v4 =	vld [tilespmem:s24+$0x10];
	[tilespmem:s20+$0x30] =	vst v7  }
0x3de: {  	[tilespmem:s20+$0xFFFFFFD0] =	vst v8;
	v5 =	vld [tilespmem:s24+$0x20]  }
0x3df: {  	v6 =	vld [tilespmem:s24+$0xFFFFFFC0];
	[tilespmem:s20+$0xFFFFFFE0] =	vst v9;
	s24 =	sadd.s32 $0x80, s24  }
0x3e0: {  	[tilespmem:s20+$0xFFFFFFF0] =	vst v2  }
0x3e1: {  	[tilespmem:s20+$0x0] =	vst v3  }
0x3e2: {  	[tilespmem:s20+$0x10] =	vst v4  }
0x3e3: {  	[tilespmem:s20+$0x20] =	vst v5  }
0x3e4: {  	[tilespmem:s20+$0xFFFFFFC0] =	vst v6  }
0x3e5: {  	_ =	swait.ge [sflag:s26], $0x280  }
0x3e6: {  	[sflag:s26] =	ssyncset.done $0x0  }
0x3e7: {  	s20 =	simm.s32 $0xF400;
	[sflag:s26] =	ssyncadd.s32 $0xFFFFFD80  }
0x3e8: {  	[tilespmem:s31], [sflag:$0x3] =	stream.linear.gather [spmem:s7], $0x280, $0x38;
	[tilespmem:$0x120C0] =	vst v63  }
0x3e9: {  	s23 =	simm.s32 $0xEF00;
	v3 =	vld [tilespmem:s20+$0x30]  }
0x3ea: {  	v4 =	vld [tilespmem:s23+$0x30]  }
0x3eb: {  	v2 =	vld [tilespmem:s23+$0xFFFFFFC0]  }
0x3ec: {  	v5 =	vld [tilespmem:s20+$0xFFFFFFD0]  }
0x3ed: {  	v6 =	vld [tilespmem:s23+$0xFFFFFFD0]  }
0x3ee: {  	v7 =	vld [tilespmem:s20+$0xFFFFFFE0]  }
0x3ef: {  	v8 =	vld [tilespmem:s23+$0xFFFFFFE0]  }
0x3f0: {  	v9 =	vld [tilespmem:s20+$0xFFFFFFF0]  }
0x3f1: {  	v10 =	vld [tilespmem:s23+$0xFFFFFFF0]  }
0x3f2: {  	v11 =	vld [tilespmem:s20+$0x0]  }
0x3f3: {  	v12 =	vld [tilespmem:s23+$0x0];
	v4 =	vadd.f32 v4, v3  }
0x3f4: {  	v6 =	vadd.f32 v6, v5;
	v3 =	vld [tilespmem:s20+$0x10]  }
0x3f5: {  	v7 =	vadd.f32 v8, v7;
	v5 =	vld [tilespmem:s23+$0x10];
	[tilespmem:s20+$0x30] =	vst v4  }
0x3f6: {  	v8 =	vadd.f32 v10, v9;
	[tilespmem:s20+$0xFFFFFFD0] =	vst v6;
	v4 =	vld [tilespmem:s20+$0x20]  }
0x3f7: {  	[tilespmem:s20+$0xFFFFFFE0] =	vst v7;
	v7 =	vld [tilespmem:s23+$0x20]  }
0x3f8: {  	s24 =	simm.s32 $0x0;
	s25 =	simm.s32 $0xF480;
	v6 =	vld [tilespmem:s20+$0xFFFFFFC0];
	[tilespmem:s20+$0xFFFFFFF0] =	vst v8;
	v8 =	vadd.f32 v12, v11  }
.LBB2_48:
0x3f9: {  	v9 =	vld [tilespmem:s25+$0x30];
	s23 =	sadd.s32 $0x80, s23  }
0x3fa: {  	s24 =	sadd.s32 $0x80, s24;
	v10 =	vld [tilespmem:s23+$0x30];
	[tilespmem:s20+$0x0] =	vst v8;
	v3 =	vadd.f32 v5, v3  }
0x3fb: {  	p1 =	slt.u32 s24, $0x200;
	v5 =	vld [tilespmem:s23+$0xFFFFFFC0]  }
0x3fc: {  	v8 =	vld [tilespmem:s25+$0xFFFFFFD0];
	[tilespmem:s20+$0x10] =	vst v3;
	v3 =	vadd.f32 v7, v4  }
0x3fd: {  	v4 =	vld [tilespmem:s23+$0xFFFFFFD0];
	v11 =	vadd.f32 v2, v6  }
0x3fe: {  	v6 =	vld [tilespmem:s25+$0xFFFFFFE0];
	[tilespmem:s20+$0x20] =	vst v3  }
0x3ff: {  	v3 =	vld [tilespmem:s23+$0xFFFFFFE0];
	v7 =	vadd.f32 v10, v9;
	[tilespmem:s20+$0xFFFFFFC0] =	vst v11;
	s20 =	smov.u32 s25  }
0x400: {  	v9 =	vld [tilespmem:s25+$0xFFFFFFF0];
	v2 =	vmov v5  }
0x401: {  	v10 =	vld [tilespmem:s23+$0xFFFFFFF0];
	[tilespmem:s25+$0x30] =	vst v7  }
0x402: {  	v4 =	vadd.f32 v4, v8;
	v8 =	vld [tilespmem:s25+$0x0]  }
0x403: {  	v11 =	vld [tilespmem:s23+$0x0]  }
.Ltmp23:
0x404: {  	[tilespmem:s25+$0xFFFFFFD0] =	vst v4;
	v4 =	vadd.f32 v3, v6;
	v3 =	vld [tilespmem:s25+$0x10];
	(pc) =	sbr.rel @p1 .LBB2_48-.Ltmp23, $4  }
0x405: {  	v5 =	vld [tilespmem:s23+$0x10]  }
0x406: {  	[tilespmem:s25+$0xFFFFFFE0] =	vst v4;
	v9 =	vadd.f32 v10, v9;
	v4 =	vld [tilespmem:s25+$0x20]  }
0x407: {  	v7 =	vld [tilespmem:s23+$0x20]  }
0x408: {  	s25 =	sadd.s32 $0x80, s25;
	v6 =	vld [tilespmem:s20+$0xFFFFFFC0];
	[tilespmem:s20+$0xFFFFFFF0] =	vst v9;
	v8 =	vadd.f32 v11, v8  }
0x409: {  	_ =	sdelay $0x1  }
0x40a: {  	v3 =	vadd.f32 v5, v3  }
0x40b: {  	[tilespmem:s20+$0x0] =	vst v8;
	v4 =	vadd.f32 v7, v4  }
0x40c: {  	[tilespmem:s20+$0x10] =	vst v3;
	v2 =	vadd.f32 v2, v6  }
0x40d: {  	[tilespmem:s20+$0x20] =	vst v4  }
0x40e: {  	[tilespmem:s20+$0xFFFFFFC0] =	vst v2  }
0x40f: {  	_ =	swait.ge [sflag:s0], $0x280  }
0x410: {  	[sflag:s0] =	ssyncset.done $0x0  }
0x411: {  	s20 =	simm.s32 $0xF400;
	[sflag:s0] =	ssyncadd.s32 $0xFFFFFD80  }
0x412: {  	[tilespmem:s3], [sflag:$0x4] =	stream.linear.gather [spmem:s8], $0x280, $0x38;
	[tilespmem:$0x120C0] =	vst v63  }
0x413: {  	s23 =	simm.s32 $0xEC80;
	v3 =	vld [tilespmem:s20+$0x30]  }
0x414: {  	v4 =	vld [tilespmem:s23+$0x30]  }
0x415: {  	v2 =	vld [tilespmem:s23+$0xFFFFFFC0]  }
0x416: {  	v5 =	vld [tilespmem:s20+$0xFFFFFFD0]  }
0x417: {  	v6 =	vld [tilespmem:s23+$0xFFFFFFD0]  }
0x418: {  	v7 =	vld [tilespmem:s20+$0xFFFFFFE0]  }
0x419: {  	v8 =	vld [tilespmem:s23+$0xFFFFFFE0]  }
0x41a: {  	v9 =	vld [tilespmem:s20+$0xFFFFFFF0]  }
0x41b: {  	v10 =	vld [tilespmem:s23+$0xFFFFFFF0]  }
0x41c: {  	v11 =	vld [tilespmem:s20+$0x0]  }
0x41d: {  	v12 =	vld [tilespmem:s23+$0x0];
	v4 =	vadd.f32 v4, v3  }
0x41e: {  	v6 =	vadd.f32 v6, v5;
	v3 =	vld [tilespmem:s20+$0x10]  }
0x41f: {  	v7 =	vadd.f32 v8, v7;
	v5 =	vld [tilespmem:s23+$0x10];
	[tilespmem:s20+$0x30] =	vst v4  }
0x420: {  	v8 =	vadd.f32 v10, v9;
	[tilespmem:s20+$0xFFFFFFD0] =	vst v6;
	v4 =	vld [tilespmem:s20+$0x20]  }
0x421: {  	[tilespmem:s20+$0xFFFFFFE0] =	vst v7;
	v7 =	vld [tilespmem:s23+$0x20]  }
0x422: {  	s24 =	simm.s32 $0x0;
	s25 =	simm.s32 $0xF480;
	v6 =	vld [tilespmem:s20+$0xFFFFFFC0];
	[tilespmem:s20+$0xFFFFFFF0] =	vst v8;
	v8 =	vadd.f32 v12, v11  }
.LBB2_50:
0x423: {  	v9 =	vld [tilespmem:s25+$0x30];
	s23 =	sadd.s32 $0x80, s23  }
0x424: {  	s24 =	sadd.s32 $0x80, s24;
	v10 =	vld [tilespmem:s23+$0x30];
	[tilespmem:s20+$0x0] =	vst v8;
	v3 =	vadd.f32 v5, v3  }
0x425: {  	p1 =	slt.u32 s24, $0x200;
	v5 =	vld [tilespmem:s23+$0xFFFFFFC0]  }
0x426: {  	v8 =	vld [tilespmem:s25+$0xFFFFFFD0];
	[tilespmem:s20+$0x10] =	vst v3;
	v3 =	vadd.f32 v7, v4  }
0x427: {  	v4 =	vld [tilespmem:s23+$0xFFFFFFD0];
	v11 =	vadd.f32 v2, v6  }
0x428: {  	v6 =	vld [tilespmem:s25+$0xFFFFFFE0];
	[tilespmem:s20+$0x20] =	vst v3  }
0x429: {  	v3 =	vld [tilespmem:s23+$0xFFFFFFE0];
	v7 =	vadd.f32 v10, v9;
	[tilespmem:s20+$0xFFFFFFC0] =	vst v11;
	s20 =	smov.u32 s25  }
0x42a: {  	v9 =	vld [tilespmem:s25+$0xFFFFFFF0];
	v2 =	vmov v5  }
0x42b: {  	v10 =	vld [tilespmem:s23+$0xFFFFFFF0];
	[tilespmem:s25+$0x30] =	vst v7  }
0x42c: {  	v4 =	vadd.f32 v4, v8;
	v8 =	vld [tilespmem:s25+$0x0]  }
0x42d: {  	v11 =	vld [tilespmem:s23+$0x0]  }
.Ltmp24:
0x42e: {  	[tilespmem:s25+$0xFFFFFFD0] =	vst v4;
	v4 =	vadd.f32 v3, v6;
	v3 =	vld [tilespmem:s25+$0x10];
	(pc) =	sbr.rel @p1 .LBB2_50-.Ltmp24, $4  }
0x42f: {  	v5 =	vld [tilespmem:s23+$0x10]  }
0x430: {  	[tilespmem:s25+$0xFFFFFFE0] =	vst v4;
	v9 =	vadd.f32 v10, v9;
	v4 =	vld [tilespmem:s25+$0x20]  }
0x431: {  	v7 =	vld [tilespmem:s23+$0x20]  }
0x432: {  	s25 =	sadd.s32 $0x80, s25;
	v6 =	vld [tilespmem:s20+$0xFFFFFFC0];
	[tilespmem:s20+$0xFFFFFFF0] =	vst v9;
	v8 =	vadd.f32 v11, v8  }
0x433: {  	_ =	sdelay $0x1  }
0x434: {  	v3 =	vadd.f32 v5, v3  }
0x435: {  	[tilespmem:s20+$0x0] =	vst v8;
	v4 =	vadd.f32 v7, v4  }
0x436: {  	[tilespmem:s20+$0x10] =	vst v3;
	v2 =	vadd.f32 v2, v6  }
0x437: {  	[tilespmem:s20+$0x20] =	vst v4  }
0x438: {  	[tilespmem:s20+$0xFFFFFFC0] =	vst v2  }
0x439: {  	_ =	swait.ge [sflag:s26], $0x280  }
0x43a: {  	[sflag:s26] =	ssyncset.done $0x0  }
0x43b: {  	s20 =	simm.s32 $0xF400;
	[sflag:s26] =	ssyncadd.s32 $0xFFFFFD80  }
0x43c: {  	[tilespmem:s31], [sflag:$0x3] =	stream.linear.gather [spmem:s9], $0x280, $0x38;
	[tilespmem:$0x120C0] =	vst v63  }
0x43d: {  	s23 =	simm.s32 $0xEF00;
	v3 =	vld [tilespmem:s20+$0x30]  }
0x43e: {  	v4 =	vld [tilespmem:s23+$0x30]  }
0x43f: {  	v2 =	vld [tilespmem:s23+$0xFFFFFFC0]  }
0x440: {  	v5 =	vld [tilespmem:s20+$0xFFFFFFD0]  }
0x441: {  	v6 =	vld [tilespmem:s23+$0xFFFFFFD0]  }
0x442: {  	v7 =	vld [tilespmem:s20+$0xFFFFFFE0]  }
0x443: {  	v8 =	vld [tilespmem:s23+$0xFFFFFFE0]  }
0x444: {  	v9 =	vld [tilespmem:s20+$0xFFFFFFF0]  }
0x445: {  	v10 =	vld [tilespmem:s23+$0xFFFFFFF0]  }
0x446: {  	v11 =	vld [tilespmem:s20+$0x0]  }
0x447: {  	v12 =	vld [tilespmem:s23+$0x0];
	v4 =	vadd.f32 v4, v3  }
0x448: {  	v6 =	vadd.f32 v6, v5;
	v3 =	vld [tilespmem:s20+$0x10]  }
0x449: {  	v7 =	vadd.f32 v8, v7;
	v5 =	vld [tilespmem:s23+$0x10];
	[tilespmem:s20+$0x30] =	vst v4  }
0x44a: {  	v8 =	vadd.f32 v10, v9;
	[tilespmem:s20+$0xFFFFFFD0] =	vst v6;
	v4 =	vld [tilespmem:s20+$0x20]  }
0x44b: {  	[tilespmem:s20+$0xFFFFFFE0] =	vst v7;
	v7 =	vld [tilespmem:s23+$0x20]  }
0x44c: {  	s24 =	simm.s32 $0x0;
	s25 =	simm.s32 $0xF480;
	v6 =	vld [tilespmem:s20+$0xFFFFFFC0];
	[tilespmem:s20+$0xFFFFFFF0] =	vst v8;
	v8 =	vadd.f32 v12, v11  }
.LBB2_52:
0x44d: {  	v9 =	vld [tilespmem:s25+$0x30];
	s23 =	sadd.s32 $0x80, s23  }
0x44e: {  	s24 =	sadd.s32 $0x80, s24;
	v10 =	vld [tilespmem:s23+$0x30];
	[tilespmem:s20+$0x0] =	vst v8;
	v3 =	vadd.f32 v5, v3  }
0x44f: {  	p1 =	slt.u32 s24, $0x200;
	v5 =	vld [tilespmem:s23+$0xFFFFFFC0]  }
0x450: {  	v8 =	vld [tilespmem:s25+$0xFFFFFFD0];
	[tilespmem:s20+$0x10] =	vst v3;
	v3 =	vadd.f32 v7, v4  }
0x451: {  	v4 =	vld [tilespmem:s23+$0xFFFFFFD0];
	v11 =	vadd.f32 v2, v6  }
0x452: {  	v6 =	vld [tilespmem:s25+$0xFFFFFFE0];
	[tilespmem:s20+$0x20] =	vst v3  }
0x453: {  	v3 =	vld [tilespmem:s23+$0xFFFFFFE0];
	v7 =	vadd.f32 v10, v9;
	[tilespmem:s20+$0xFFFFFFC0] =	vst v11;
	s20 =	smov.u32 s25  }
0x454: {  	v9 =	vld [tilespmem:s25+$0xFFFFFFF0];
	v2 =	vmov v5  }
0x455: {  	v10 =	vld [tilespmem:s23+$0xFFFFFFF0];
	[tilespmem:s25+$0x30] =	vst v7  }
0x456: {  	v4 =	vadd.f32 v4, v8;
	v8 =	vld [tilespmem:s25+$0x0]  }
0x457: {  	v11 =	vld [tilespmem:s23+$0x0]  }
.Ltmp25:
0x458: {  	[tilespmem:s25+$0xFFFFFFD0] =	vst v4;
	v4 =	vadd.f32 v3, v6;
	v3 =	vld [tilespmem:s25+$0x10];
	(pc) =	sbr.rel @p1 .LBB2_52-.Ltmp25, $4  }
0x459: {  	v5 =	vld [tilespmem:s23+$0x10]  }
0x45a: {  	[tilespmem:s25+$0xFFFFFFE0] =	vst v4;
	v9 =	vadd.f32 v10, v9;
	v4 =	vld [tilespmem:s25+$0x20]  }
0x45b: {  	v7 =	vld [tilespmem:s23+$0x20]  }
0x45c: {  	s25 =	sadd.s32 $0x80, s25;
	v6 =	vld [tilespmem:s20+$0xFFFFFFC0];
	[tilespmem:s20+$0xFFFFFFF0] =	vst v9;
	v8 =	vadd.f32 v11, v8  }
0x45d: {  	_ =	sdelay $0x1  }
0x45e: {  	v3 =	vadd.f32 v5, v3  }
0x45f: {  	[tilespmem:s20+$0x0] =	vst v8;
	v4 =	vadd.f32 v7, v4  }
0x460: {  	[tilespmem:s20+$0x10] =	vst v3;
	v2 =	vadd.f32 v2, v6  }
0x461: {  	[tilespmem:s20+$0x20] =	vst v4  }
0x462: {  	[tilespmem:s20+$0xFFFFFFC0] =	vst v2  }
0x463: {  	_ =	swait.ge [sflag:s0], $0x280  }
0x464: {  	[sflag:s0] =	ssyncset.done $0x0  }
0x465: {  	s20 =	simm.s32 $0xF400;
	[sflag:s0] =	ssyncadd.s32 $0xFFFFFD80  }
0x466: {  	[tilespmem:s3], [sflag:$0x4] =	stream.linear.gather [spmem:s10], $0x280, $0x38;
	[tilespmem:$0x120C0] =	vst v63  }
0x467: {  	s23 =	simm.s32 $0xEC80;
	v3 =	vld [tilespmem:s20+$0x30]  }
0x468: {  	v4 =	vld [tilespmem:s23+$0x30]  }
0x469: {  	v2 =	vld [tilespmem:s23+$0xFFFFFFC0]  }
0x46a: {  	v5 =	vld [tilespmem:s20+$0xFFFFFFD0]  }
0x46b: {  	v6 =	vld [tilespmem:s23+$0xFFFFFFD0]  }
0x46c: {  	v7 =	vld [tilespmem:s20+$0xFFFFFFE0]  }
0x46d: {  	v8 =	vld [tilespmem:s23+$0xFFFFFFE0]  }
0x46e: {  	v9 =	vld [tilespmem:s20+$0xFFFFFFF0]  }
0x46f: {  	v10 =	vld [tilespmem:s23+$0xFFFFFFF0]  }
0x470: {  	v11 =	vld [tilespmem:s20+$0x0]  }
0x471: {  	v12 =	vld [tilespmem:s23+$0x0];
	v4 =	vadd.f32 v4, v3  }
0x472: {  	v6 =	vadd.f32 v6, v5;
	v3 =	vld [tilespmem:s20+$0x10]  }
0x473: {  	v7 =	vadd.f32 v8, v7;
	v5 =	vld [tilespmem:s23+$0x10];
	[tilespmem:s20+$0x30] =	vst v4  }
0x474: {  	v8 =	vadd.f32 v10, v9;
	[tilespmem:s20+$0xFFFFFFD0] =	vst v6;
	v4 =	vld [tilespmem:s20+$0x20]  }
0x475: {  	[tilespmem:s20+$0xFFFFFFE0] =	vst v7;
	v7 =	vld [tilespmem:s23+$0x20]  }
0x476: {  	s24 =	simm.s32 $0x0;
	s25 =	simm.s32 $0xF480;
	v6 =	vld [tilespmem:s20+$0xFFFFFFC0];
	[tilespmem:s20+$0xFFFFFFF0] =	vst v8;
	v8 =	vadd.f32 v12, v11  }
.LBB2_54:
0x477: {  	v9 =	vld [tilespmem:s25+$0x30];
	s23 =	sadd.s32 $0x80, s23  }
0x478: {  	s24 =	sadd.s32 $0x80, s24;
	v10 =	vld [tilespmem:s23+$0x30];
	[tilespmem:s20+$0x0] =	vst v8;
	v3 =	vadd.f32 v5, v3  }
0x479: {  	p1 =	slt.u32 s24, $0x200;
	v5 =	vld [tilespmem:s23+$0xFFFFFFC0]  }
0x47a: {  	v8 =	vld [tilespmem:s25+$0xFFFFFFD0];
	[tilespmem:s20+$0x10] =	vst v3;
	v3 =	vadd.f32 v7, v4  }
0x47b: {  	v4 =	vld [tilespmem:s23+$0xFFFFFFD0];
	v11 =	vadd.f32 v2, v6  }
0x47c: {  	v6 =	vld [tilespmem:s25+$0xFFFFFFE0];
	[tilespmem:s20+$0x20] =	vst v3  }
0x47d: {  	v3 =	vld [tilespmem:s23+$0xFFFFFFE0];
	v7 =	vadd.f32 v10, v9;
	[tilespmem:s20+$0xFFFFFFC0] =	vst v11;
	s20 =	smov.u32 s25  }
0x47e: {  	v9 =	vld [tilespmem:s25+$0xFFFFFFF0];
	v2 =	vmov v5  }
0x47f: {  	v10 =	vld [tilespmem:s23+$0xFFFFFFF0];
	[tilespmem:s25+$0x30] =	vst v7  }
0x480: {  	v4 =	vadd.f32 v4, v8;
	v8 =	vld [tilespmem:s25+$0x0]  }
0x481: {  	v11 =	vld [tilespmem:s23+$0x0]  }
.Ltmp26:
0x482: {  	[tilespmem:s25+$0xFFFFFFD0] =	vst v4;
	v4 =	vadd.f32 v3, v6;
	v3 =	vld [tilespmem:s25+$0x10];
	(pc) =	sbr.rel @p1 .LBB2_54-.Ltmp26, $4  }
0x483: {  	v5 =	vld [tilespmem:s23+$0x10]  }
0x484: {  	[tilespmem:s25+$0xFFFFFFE0] =	vst v4;
	v9 =	vadd.f32 v10, v9;
	v4 =	vld [tilespmem:s25+$0x20]  }
0x485: {  	v7 =	vld [tilespmem:s23+$0x20]  }
0x486: {  	s25 =	sadd.s32 $0x80, s25;
	v6 =	vld [tilespmem:s20+$0xFFFFFFC0];
	[tilespmem:s20+$0xFFFFFFF0] =	vst v9;
	v8 =	vadd.f32 v11, v8  }
0x487: {  	_ =	sdelay $0x1  }
0x488: {  	v3 =	vadd.f32 v5, v3  }
0x489: {  	[tilespmem:s20+$0x0] =	vst v8;
	v4 =	vadd.f32 v7, v4  }
0x48a: {  	[tilespmem:s20+$0x10] =	vst v3;
	v2 =	vadd.f32 v2, v6  }
0x48b: {  	[tilespmem:s20+$0x20] =	vst v4  }
0x48c: {  	[tilespmem:s20+$0xFFFFFFC0] =	vst v2  }
0x48d: {  	_ =	swait.ge [sflag:s26], $0x280  }
0x48e: {  	[sflag:s26] =	ssyncset.done $0x0  }
0x48f: {  	s20 =	simm.s32 $0xF400;
	[sflag:s26] =	ssyncadd.s32 $0xFFFFFD80  }
0x490: {  	[tilespmem:s31], [sflag:$0x3] =	stream.linear.gather [spmem:s11], $0x280, $0x38;
	[tilespmem:$0x120C0] =	vst v63  }
0x491: {  	s23 =	simm.s32 $0xEF00;
	v3 =	vld [tilespmem:s20+$0x30]  }
0x492: {  	v4 =	vld [tilespmem:s23+$0x30]  }
0x493: {  	v2 =	vld [tilespmem:s23+$0xFFFFFFC0]  }
0x494: {  	v5 =	vld [tilespmem:s20+$0xFFFFFFD0]  }
0x495: {  	v6 =	vld [tilespmem:s23+$0xFFFFFFD0]  }
0x496: {  	v7 =	vld [tilespmem:s20+$0xFFFFFFE0]  }
0x497: {  	v8 =	vld [tilespmem:s23+$0xFFFFFFE0]  }
0x498: {  	v9 =	vld [tilespmem:s20+$0xFFFFFFF0]  }
0x499: {  	v10 =	vld [tilespmem:s23+$0xFFFFFFF0]  }
0x49a: {  	v11 =	vld [tilespmem:s20+$0x0]  }
0x49b: {  	v12 =	vld [tilespmem:s23+$0x0];
	v4 =	vadd.f32 v4, v3  }
0x49c: {  	v6 =	vadd.f32 v6, v5;
	v3 =	vld [tilespmem:s20+$0x10]  }
0x49d: {  	v7 =	vadd.f32 v8, v7;
	v5 =	vld [tilespmem:s23+$0x10];
	[tilespmem:s20+$0x30] =	vst v4  }
0x49e: {  	v8 =	vadd.f32 v10, v9;
	[tilespmem:s20+$0xFFFFFFD0] =	vst v6;
	v4 =	vld [tilespmem:s20+$0x20]  }
0x49f: {  	[tilespmem:s20+$0xFFFFFFE0] =	vst v7;
	v7 =	vld [tilespmem:s23+$0x20]  }
0x4a0: {  	s24 =	simm.s32 $0x0;
	s25 =	simm.s32 $0xF480;
	v6 =	vld [tilespmem:s20+$0xFFFFFFC0];
	[tilespmem:s20+$0xFFFFFFF0] =	vst v8;
	v8 =	vadd.f32 v12, v11  }
.LBB2_56:
0x4a1: {  	v9 =	vld [tilespmem:s25+$0x30];
	s23 =	sadd.s32 $0x80, s23  }
0x4a2: {  	s24 =	sadd.s32 $0x80, s24;
	v10 =	vld [tilespmem:s23+$0x30];
	[tilespmem:s20+$0x0] =	vst v8;
	v3 =	vadd.f32 v5, v3  }
0x4a3: {  	p1 =	slt.u32 s24, $0x200;
	v5 =	vld [tilespmem:s23+$0xFFFFFFC0]  }
0x4a4: {  	v8 =	vld [tilespmem:s25+$0xFFFFFFD0];
	[tilespmem:s20+$0x10] =	vst v3;
	v3 =	vadd.f32 v7, v4  }
0x4a5: {  	v4 =	vld [tilespmem:s23+$0xFFFFFFD0];
	v11 =	vadd.f32 v2, v6  }
0x4a6: {  	v6 =	vld [tilespmem:s25+$0xFFFFFFE0];
	[tilespmem:s20+$0x20] =	vst v3  }
0x4a7: {  	v3 =	vld [tilespmem:s23+$0xFFFFFFE0];
	v7 =	vadd.f32 v10, v9;
	[tilespmem:s20+$0xFFFFFFC0] =	vst v11;
	s20 =	smov.u32 s25  }
0x4a8: {  	v9 =	vld [tilespmem:s25+$0xFFFFFFF0];
	v2 =	vmov v5  }
0x4a9: {  	v10 =	vld [tilespmem:s23+$0xFFFFFFF0];
	[tilespmem:s25+$0x30] =	vst v7  }
0x4aa: {  	v4 =	vadd.f32 v4, v8;
	v8 =	vld [tilespmem:s25+$0x0]  }
0x4ab: {  	v11 =	vld [tilespmem:s23+$0x0]  }
.Ltmp27:
0x4ac: {  	[tilespmem:s25+$0xFFFFFFD0] =	vst v4;
	v4 =	vadd.f32 v3, v6;
	v3 =	vld [tilespmem:s25+$0x10];
	(pc) =	sbr.rel @p1 .LBB2_56-.Ltmp27, $4  }
0x4ad: {  	v5 =	vld [tilespmem:s23+$0x10]  }
0x4ae: {  	[tilespmem:s25+$0xFFFFFFE0] =	vst v4;
	v9 =	vadd.f32 v10, v9;
	v4 =	vld [tilespmem:s25+$0x20]  }
0x4af: {  	v7 =	vld [tilespmem:s23+$0x20]  }
0x4b0: {  	s25 =	sadd.s32 $0x80, s25;
	v6 =	vld [tilespmem:s20+$0xFFFFFFC0];
	[tilespmem:s20+$0xFFFFFFF0] =	vst v9;
	v8 =	vadd.f32 v11, v8  }
0x4b1: {  	_ =	sdelay $0x1  }
0x4b2: {  	v3 =	vadd.f32 v5, v3  }
0x4b3: {  	[tilespmem:s20+$0x0] =	vst v8;
	v4 =	vadd.f32 v7, v4  }
0x4b4: {  	[tilespmem:s20+$0x10] =	vst v3;
	v2 =	vadd.f32 v2, v6  }
0x4b5: {  	[tilespmem:s20+$0x20] =	vst v4  }
0x4b6: {  	[tilespmem:s20+$0xFFFFFFC0] =	vst v2  }
0x4b7: {  	_ =	swait.ge [sflag:s0], $0x280  }
0x4b8: {  	[sflag:s0] =	ssyncset.done $0x0  }
0x4b9: {  	s20 =	simm.s32 $0xF400;
	[sflag:s0] =	ssyncadd.s32 $0xFFFFFD80  }
0x4ba: {  	[tilespmem:s3], [sflag:$0x4] =	stream.linear.gather [spmem:s12], $0x280, $0x38;
	[tilespmem:$0x120C0] =	vst v63  }
0x4bb: {  	s23 =	simm.s32 $0xEC80;
	v3 =	vld [tilespmem:s20+$0x30]  }
0x4bc: {  	v4 =	vld [tilespmem:s23+$0x30]  }
0x4bd: {  	v2 =	vld [tilespmem:s23+$0xFFFFFFC0]  }
0x4be: {  	v5 =	vld [tilespmem:s20+$0xFFFFFFD0]  }
0x4bf: {  	v6 =	vld [tilespmem:s23+$0xFFFFFFD0]  }
0x4c0: {  	v7 =	vld [tilespmem:s20+$0xFFFFFFE0]  }
0x4c1: {  	v8 =	vld [tilespmem:s23+$0xFFFFFFE0]  }
0x4c2: {  	v9 =	vld [tilespmem:s20+$0xFFFFFFF0]  }
0x4c3: {  	v10 =	vld [tilespmem:s23+$0xFFFFFFF0]  }
0x4c4: {  	v11 =	vld [tilespmem:s20+$0x0]  }
0x4c5: {  	v12 =	vld [tilespmem:s23+$0x0];
	v4 =	vadd.f32 v4, v3  }
0x4c6: {  	v6 =	vadd.f32 v6, v5;
	v3 =	vld [tilespmem:s20+$0x10]  }
0x4c7: {  	v7 =	vadd.f32 v8, v7;
	v5 =	vld [tilespmem:s23+$0x10];
	[tilespmem:s20+$0x30] =	vst v4  }
0x4c8: {  	v8 =	vadd.f32 v10, v9;
	[tilespmem:s20+$0xFFFFFFD0] =	vst v6;
	v4 =	vld [tilespmem:s20+$0x20]  }
0x4c9: {  	[tilespmem:s20+$0xFFFFFFE0] =	vst v7;
	v7 =	vld [tilespmem:s23+$0x20]  }
0x4ca: {  	s24 =	simm.s32 $0x0;
	s25 =	simm.s32 $0xF480;
	v6 =	vld [tilespmem:s20+$0xFFFFFFC0];
	[tilespmem:s20+$0xFFFFFFF0] =	vst v8;
	v8 =	vadd.f32 v12, v11  }
.LBB2_58:
0x4cb: {  	v9 =	vld [tilespmem:s25+$0x30];
	s23 =	sadd.s32 $0x80, s23  }
0x4cc: {  	s24 =	sadd.s32 $0x80, s24;
	v10 =	vld [tilespmem:s23+$0x30];
	[tilespmem:s20+$0x0] =	vst v8;
	v3 =	vadd.f32 v5, v3  }
0x4cd: {  	p1 =	slt.u32 s24, $0x200;
	v5 =	vld [tilespmem:s23+$0xFFFFFFC0]  }
0x4ce: {  	v8 =	vld [tilespmem:s25+$0xFFFFFFD0];
	[tilespmem:s20+$0x10] =	vst v3;
	v3 =	vadd.f32 v7, v4  }
0x4cf: {  	v4 =	vld [tilespmem:s23+$0xFFFFFFD0];
	v11 =	vadd.f32 v2, v6  }
0x4d0: {  	v6 =	vld [tilespmem:s25+$0xFFFFFFE0];
	[tilespmem:s20+$0x20] =	vst v3  }
0x4d1: {  	v3 =	vld [tilespmem:s23+$0xFFFFFFE0];
	v7 =	vadd.f32 v10, v9;
	[tilespmem:s20+$0xFFFFFFC0] =	vst v11;
	s20 =	smov.u32 s25  }
0x4d2: {  	v9 =	vld [tilespmem:s25+$0xFFFFFFF0];
	v2 =	vmov v5  }
0x4d3: {  	v10 =	vld [tilespmem:s23+$0xFFFFFFF0];
	[tilespmem:s25+$0x30] =	vst v7  }
0x4d4: {  	v4 =	vadd.f32 v4, v8;
	v8 =	vld [tilespmem:s25+$0x0]  }
0x4d5: {  	v11 =	vld [tilespmem:s23+$0x0]  }
.Ltmp28:
0x4d6: {  	[tilespmem:s25+$0xFFFFFFD0] =	vst v4;
	v4 =	vadd.f32 v3, v6;
	v3 =	vld [tilespmem:s25+$0x10];
	(pc) =	sbr.rel @p1 .LBB2_58-.Ltmp28, $4  }
0x4d7: {  	v5 =	vld [tilespmem:s23+$0x10]  }
0x4d8: {  	[tilespmem:s25+$0xFFFFFFE0] =	vst v4;
	v9 =	vadd.f32 v10, v9;
	v4 =	vld [tilespmem:s25+$0x20]  }
0x4d9: {  	v7 =	vld [tilespmem:s23+$0x20]  }
0x4da: {  	s25 =	sadd.s32 $0x80, s25;
	v6 =	vld [tilespmem:s20+$0xFFFFFFC0];
	[tilespmem:s20+$0xFFFFFFF0] =	vst v9;
	v8 =	vadd.f32 v11, v8  }
0x4db: {  	_ =	sdelay $0x1  }
0x4dc: {  	v3 =	vadd.f32 v5, v3  }
0x4dd: {  	[tilespmem:s20+$0x0] =	vst v8;
	v4 =	vadd.f32 v7, v4  }
0x4de: {  	[tilespmem:s20+$0x10] =	vst v3;
	v2 =	vadd.f32 v2, v6  }
0x4df: {  	[tilespmem:s20+$0x20] =	vst v4  }
0x4e0: {  	[tilespmem:s20+$0xFFFFFFC0] =	vst v2  }
0x4e1: {  	_ =	swait.ge [sflag:s26], $0x280  }
0x4e2: {  	[sflag:s26] =	ssyncset.done $0x0  }
0x4e3: {  	s20 =	simm.s32 $0xF400;
	[sflag:s26] =	ssyncadd.s32 $0xFFFFFD80  }
0x4e4: {  	[tilespmem:s31], [sflag:$0x3] =	stream.linear.gather [spmem:s13], $0x280, $0x38;
	[tilespmem:$0x120C0] =	vst v63  }
0x4e5: {  	s23 =	simm.s32 $0xEF00;
	v3 =	vld [tilespmem:s20+$0x30]  }
0x4e6: {  	v4 =	vld [tilespmem:s23+$0x30]  }
0x4e7: {  	v2 =	vld [tilespmem:s23+$0xFFFFFFC0]  }
0x4e8: {  	v5 =	vld [tilespmem:s20+$0xFFFFFFD0]  }
0x4e9: {  	v6 =	vld [tilespmem:s23+$0xFFFFFFD0]  }
0x4ea: {  	v7 =	vld [tilespmem:s20+$0xFFFFFFE0]  }
0x4eb: {  	v8 =	vld [tilespmem:s23+$0xFFFFFFE0]  }
0x4ec: {  	v9 =	vld [tilespmem:s20+$0xFFFFFFF0]  }
0x4ed: {  	v10 =	vld [tilespmem:s23+$0xFFFFFFF0]  }
0x4ee: {  	v11 =	vld [tilespmem:s20+$0x0]  }
0x4ef: {  	v12 =	vld [tilespmem:s23+$0x0];
	v4 =	vadd.f32 v4, v3  }
0x4f0: {  	v6 =	vadd.f32 v6, v5;
	v3 =	vld [tilespmem:s20+$0x10]  }
0x4f1: {  	v7 =	vadd.f32 v8, v7;
	v5 =	vld [tilespmem:s23+$0x10];
	[tilespmem:s20+$0x30] =	vst v4  }
0x4f2: {  	v8 =	vadd.f32 v10, v9;
	[tilespmem:s20+$0xFFFFFFD0] =	vst v6;
	v4 =	vld [tilespmem:s20+$0x20]  }
0x4f3: {  	[tilespmem:s20+$0xFFFFFFE0] =	vst v7;
	v7 =	vld [tilespmem:s23+$0x20]  }
0x4f4: {  	s24 =	simm.s32 $0x0;
	s25 =	simm.s32 $0xF480;
	v6 =	vld [tilespmem:s20+$0xFFFFFFC0];
	[tilespmem:s20+$0xFFFFFFF0] =	vst v8;
	v8 =	vadd.f32 v12, v11  }
.LBB2_60:
0x4f5: {  	v9 =	vld [tilespmem:s25+$0x30];
	s23 =	sadd.s32 $0x80, s23  }
0x4f6: {  	s24 =	sadd.s32 $0x80, s24;
	v10 =	vld [tilespmem:s23+$0x30];
	[tilespmem:s20+$0x0] =	vst v8;
	v3 =	vadd.f32 v5, v3  }
0x4f7: {  	p1 =	slt.u32 s24, $0x200;
	v5 =	vld [tilespmem:s23+$0xFFFFFFC0]  }
0x4f8: {  	v8 =	vld [tilespmem:s25+$0xFFFFFFD0];
	[tilespmem:s20+$0x10] =	vst v3;
	v3 =	vadd.f32 v7, v4  }
0x4f9: {  	v4 =	vld [tilespmem:s23+$0xFFFFFFD0];
	v11 =	vadd.f32 v2, v6  }
0x4fa: {  	v6 =	vld [tilespmem:s25+$0xFFFFFFE0];
	[tilespmem:s20+$0x20] =	vst v3  }
0x4fb: {  	v3 =	vld [tilespmem:s23+$0xFFFFFFE0];
	v7 =	vadd.f32 v10, v9;
	[tilespmem:s20+$0xFFFFFFC0] =	vst v11;
	s20 =	smov.u32 s25  }
0x4fc: {  	v9 =	vld [tilespmem:s25+$0xFFFFFFF0];
	v2 =	vmov v5  }
0x4fd: {  	v10 =	vld [tilespmem:s23+$0xFFFFFFF0];
	[tilespmem:s25+$0x30] =	vst v7  }
0x4fe: {  	v4 =	vadd.f32 v4, v8;
	v8 =	vld [tilespmem:s25+$0x0]  }
0x4ff: {  	v11 =	vld [tilespmem:s23+$0x0]  }
.Ltmp29:
0x500: {  	[tilespmem:s25+$0xFFFFFFD0] =	vst v4;
	v4 =	vadd.f32 v3, v6;
	v3 =	vld [tilespmem:s25+$0x10];
	(pc) =	sbr.rel @p1 .LBB2_60-.Ltmp29, $4  }
0x501: {  	v5 =	vld [tilespmem:s23+$0x10]  }
0x502: {  	[tilespmem:s25+$0xFFFFFFE0] =	vst v4;
	v9 =	vadd.f32 v10, v9;
	v4 =	vld [tilespmem:s25+$0x20]  }
0x503: {  	v7 =	vld [tilespmem:s23+$0x20]  }
0x504: {  	s25 =	sadd.s32 $0x80, s25;
	v6 =	vld [tilespmem:s20+$0xFFFFFFC0];
	[tilespmem:s20+$0xFFFFFFF0] =	vst v9;
	v8 =	vadd.f32 v11, v8  }
0x505: {  	_ =	sdelay $0x1  }
0x506: {  	v3 =	vadd.f32 v5, v3  }
0x507: {  	[tilespmem:s20+$0x0] =	vst v8;
	v4 =	vadd.f32 v7, v4  }
0x508: {  	[tilespmem:s20+$0x10] =	vst v3;
	v2 =	vadd.f32 v2, v6  }
0x509: {  	[tilespmem:s20+$0x20] =	vst v4  }
0x50a: {  	[tilespmem:s20+$0xFFFFFFC0] =	vst v2  }
0x50b: {  	_ =	swait.ge [sflag:s0], $0x280  }
0x50c: {  	[sflag:s0] =	ssyncset.done $0x0  }
0x50d: {  	s20 =	simm.s32 $0xF400;
	[sflag:s0] =	ssyncadd.s32 $0xFFFFFD80  }
0x50e: {  	[tilespmem:s3], [sflag:$0x4] =	stream.linear.gather [spmem:s14], $0x280, $0x38;
	[tilespmem:$0x120C0] =	vst v63  }
0x50f: {  	s23 =	simm.s32 $0xEC80;
	v3 =	vld [tilespmem:s20+$0x30]  }
0x510: {  	v4 =	vld [tilespmem:s23+$0x30]  }
0x511: {  	v2 =	vld [tilespmem:s23+$0xFFFFFFC0]  }
0x512: {  	v5 =	vld [tilespmem:s20+$0xFFFFFFD0]  }
0x513: {  	v6 =	vld [tilespmem:s23+$0xFFFFFFD0]  }
0x514: {  	v7 =	vld [tilespmem:s20+$0xFFFFFFE0]  }
0x515: {  	v8 =	vld [tilespmem:s23+$0xFFFFFFE0]  }
0x516: {  	v9 =	vld [tilespmem:s20+$0xFFFFFFF0]  }
0x517: {  	v10 =	vld [tilespmem:s23+$0xFFFFFFF0]  }
0x518: {  	v11 =	vld [tilespmem:s20+$0x0]  }
0x519: {  	v12 =	vld [tilespmem:s23+$0x0];
	v4 =	vadd.f32 v4, v3  }
0x51a: {  	v6 =	vadd.f32 v6, v5;
	v3 =	vld [tilespmem:s20+$0x10]  }
0x51b: {  	v7 =	vadd.f32 v8, v7;
	v5 =	vld [tilespmem:s23+$0x10];
	[tilespmem:s20+$0x30] =	vst v4  }
0x51c: {  	v8 =	vadd.f32 v10, v9;
	[tilespmem:s20+$0xFFFFFFD0] =	vst v6;
	v4 =	vld [tilespmem:s20+$0x20]  }
0x51d: {  	[tilespmem:s20+$0xFFFFFFE0] =	vst v7;
	v7 =	vld [tilespmem:s23+$0x20]  }
0x51e: {  	s24 =	simm.s32 $0x0;
	s25 =	simm.s32 $0xF480;
	v6 =	vld [tilespmem:s20+$0xFFFFFFC0];
	[tilespmem:s20+$0xFFFFFFF0] =	vst v8;
	v8 =	vadd.f32 v12, v11  }
.LBB2_62:
0x51f: {  	v9 =	vld [tilespmem:s25+$0x30];
	s23 =	sadd.s32 $0x80, s23  }
0x520: {  	s24 =	sadd.s32 $0x80, s24;
	v10 =	vld [tilespmem:s23+$0x30];
	[tilespmem:s20+$0x0] =	vst v8;
	v3 =	vadd.f32 v5, v3  }
0x521: {  	p1 =	slt.u32 s24, $0x200;
	v5 =	vld [tilespmem:s23+$0xFFFFFFC0]  }
0x522: {  	v8 =	vld [tilespmem:s25+$0xFFFFFFD0];
	[tilespmem:s20+$0x10] =	vst v3;
	v3 =	vadd.f32 v7, v4  }
0x523: {  	v4 =	vld [tilespmem:s23+$0xFFFFFFD0];
	v11 =	vadd.f32 v2, v6  }
0x524: {  	v6 =	vld [tilespmem:s25+$0xFFFFFFE0];
	[tilespmem:s20+$0x20] =	vst v3  }
0x525: {  	v3 =	vld [tilespmem:s23+$0xFFFFFFE0];
	v7 =	vadd.f32 v10, v9;
	[tilespmem:s20+$0xFFFFFFC0] =	vst v11;
	s20 =	smov.u32 s25  }
0x526: {  	v9 =	vld [tilespmem:s25+$0xFFFFFFF0];
	v2 =	vmov v5  }
0x527: {  	v10 =	vld [tilespmem:s23+$0xFFFFFFF0];
	[tilespmem:s25+$0x30] =	vst v7  }
0x528: {  	v4 =	vadd.f32 v4, v8;
	v8 =	vld [tilespmem:s25+$0x0]  }
0x529: {  	v11 =	vld [tilespmem:s23+$0x0]  }
.Ltmp30:
0x52a: {  	[tilespmem:s25+$0xFFFFFFD0] =	vst v4;
	v4 =	vadd.f32 v3, v6;
	v3 =	vld [tilespmem:s25+$0x10];
	(pc) =	sbr.rel @p1 .LBB2_62-.Ltmp30, $4  }
0x52b: {  	v5 =	vld [tilespmem:s23+$0x10]  }
0x52c: {  	[tilespmem:s25+$0xFFFFFFE0] =	vst v4;
	v9 =	vadd.f32 v10, v9;
	v4 =	vld [tilespmem:s25+$0x20]  }
0x52d: {  	v7 =	vld [tilespmem:s23+$0x20]  }
0x52e: {  	s25 =	sadd.s32 $0x80, s25;
	v6 =	vld [tilespmem:s20+$0xFFFFFFC0];
	[tilespmem:s20+$0xFFFFFFF0] =	vst v9;
	v8 =	vadd.f32 v11, v8  }
0x52f: {  	_ =	sdelay $0x1  }
0x530: {  	v3 =	vadd.f32 v5, v3  }
0x531: {  	[tilespmem:s20+$0x0] =	vst v8;
	v4 =	vadd.f32 v7, v4  }
0x532: {  	[tilespmem:s20+$0x10] =	vst v3;
	v2 =	vadd.f32 v2, v6  }
0x533: {  	[tilespmem:s20+$0x20] =	vst v4  }
0x534: {  	[tilespmem:s20+$0xFFFFFFC0] =	vst v2  }
0x535: {  	_ =	swait.ge [sflag:s26], $0x280  }
0x536: {  	[sflag:s26] =	ssyncset.done $0x0  }
0x537: {  	s20 =	simm.s32 $0xF400;
	[sflag:s26] =	ssyncadd.s32 $0xFFFFFD80  }
0x538: {  	[tilespmem:s31], [sflag:$0x3] =	stream.linear.gather [spmem:s15], $0x280, $0x38;
	[tilespmem:$0x120C0] =	vst v63  }
0x539: {  	s23 =	simm.s32 $0xEF00;
	v3 =	vld [tilespmem:s20+$0x30]  }
0x53a: {  	v4 =	vld [tilespmem:s23+$0x30]  }
0x53b: {  	v2 =	vld [tilespmem:s23+$0xFFFFFFC0]  }
0x53c: {  	v5 =	vld [tilespmem:s20+$0xFFFFFFD0]  }
0x53d: {  	v6 =	vld [tilespmem:s23+$0xFFFFFFD0]  }
0x53e: {  	v7 =	vld [tilespmem:s20+$0xFFFFFFE0]  }
0x53f: {  	v8 =	vld [tilespmem:s23+$0xFFFFFFE0]  }
0x540: {  	v9 =	vld [tilespmem:s20+$0xFFFFFFF0]  }
0x541: {  	v10 =	vld [tilespmem:s23+$0xFFFFFFF0]  }
0x542: {  	v11 =	vld [tilespmem:s20+$0x0]  }
0x543: {  	v12 =	vld [tilespmem:s23+$0x0];
	v4 =	vadd.f32 v4, v3  }
0x544: {  	v6 =	vadd.f32 v6, v5;
	v3 =	vld [tilespmem:s20+$0x10]  }
0x545: {  	v7 =	vadd.f32 v8, v7;
	v5 =	vld [tilespmem:s23+$0x10];
	[tilespmem:s20+$0x30] =	vst v4  }
0x546: {  	v8 =	vadd.f32 v10, v9;
	[tilespmem:s20+$0xFFFFFFD0] =	vst v6;
	v4 =	vld [tilespmem:s20+$0x20]  }
0x547: {  	[tilespmem:s20+$0xFFFFFFE0] =	vst v7;
	v7 =	vld [tilespmem:s23+$0x20]  }
0x548: {  	s24 =	simm.s32 $0x0;
	s25 =	simm.s32 $0xF480;
	v6 =	vld [tilespmem:s20+$0xFFFFFFC0];
	[tilespmem:s20+$0xFFFFFFF0] =	vst v8;
	v8 =	vadd.f32 v12, v11  }
.LBB2_64:
0x549: {  	v9 =	vld [tilespmem:s25+$0x30];
	s23 =	sadd.s32 $0x80, s23  }
0x54a: {  	s24 =	sadd.s32 $0x80, s24;
	v10 =	vld [tilespmem:s23+$0x30];
	[tilespmem:s20+$0x0] =	vst v8;
	v3 =	vadd.f32 v5, v3  }
0x54b: {  	p1 =	slt.u32 s24, $0x200;
	v5 =	vld [tilespmem:s23+$0xFFFFFFC0]  }
0x54c: {  	v8 =	vld [tilespmem:s25+$0xFFFFFFD0];
	[tilespmem:s20+$0x10] =	vst v3;
	v3 =	vadd.f32 v7, v4  }
0x54d: {  	v4 =	vld [tilespmem:s23+$0xFFFFFFD0];
	v11 =	vadd.f32 v2, v6  }
0x54e: {  	v6 =	vld [tilespmem:s25+$0xFFFFFFE0];
	[tilespmem:s20+$0x20] =	vst v3  }
0x54f: {  	v3 =	vld [tilespmem:s23+$0xFFFFFFE0];
	v7 =	vadd.f32 v10, v9;
	[tilespmem:s20+$0xFFFFFFC0] =	vst v11;
	s20 =	smov.u32 s25  }
0x550: {  	v9 =	vld [tilespmem:s25+$0xFFFFFFF0];
	v2 =	vmov v5  }
0x551: {  	v10 =	vld [tilespmem:s23+$0xFFFFFFF0];
	[tilespmem:s25+$0x30] =	vst v7  }
0x552: {  	v4 =	vadd.f32 v4, v8;
	v8 =	vld [tilespmem:s25+$0x0]  }
0x553: {  	v11 =	vld [tilespmem:s23+$0x0]  }
.Ltmp31:
0x554: {  	[tilespmem:s25+$0xFFFFFFD0] =	vst v4;
	v4 =	vadd.f32 v3, v6;
	v3 =	vld [tilespmem:s25+$0x10];
	(pc) =	sbr.rel @p1 .LBB2_64-.Ltmp31, $4  }
0x555: {  	v5 =	vld [tilespmem:s23+$0x10]  }
0x556: {  	[tilespmem:s25+$0xFFFFFFE0] =	vst v4;
	v9 =	vadd.f32 v10, v9;
	v4 =	vld [tilespmem:s25+$0x20]  }
0x557: {  	v7 =	vld [tilespmem:s23+$0x20]  }
0x558: {  	s25 =	sadd.s32 $0x80, s25;
	v6 =	vld [tilespmem:s20+$0xFFFFFFC0];
	[tilespmem:s20+$0xFFFFFFF0] =	vst v9;
	v8 =	vadd.f32 v11, v8  }
0x559: {  	_ =	sdelay $0x1  }
0x55a: {  	v3 =	vadd.f32 v5, v3  }
0x55b: {  	[tilespmem:s20+$0x0] =	vst v8;
	v4 =	vadd.f32 v7, v4  }
0x55c: {  	[tilespmem:s20+$0x10] =	vst v3;
	v2 =	vadd.f32 v2, v6  }
0x55d: {  	[tilespmem:s20+$0x20] =	vst v4  }
0x55e: {  	[tilespmem:s20+$0xFFFFFFC0] =	vst v2  }
0x55f: {  	_ =	swait.ge [sflag:s0], $0x280  }
0x560: {  	[sflag:s0] =	ssyncset.done $0x0  }
0x561: {  	s20 =	simm.s32 $0xF400;
	[sflag:s0] =	ssyncadd.s32 $0xFFFFFD80  }
0x562: {  	[tilespmem:s3], [sflag:$0x4] =	stream.linear.gather [spmem:s16], $0x280, $0x38;
	[tilespmem:$0x120C0] =	vst v63  }
0x563: {  	s23 =	simm.s32 $0xEC80;
	v3 =	vld [tilespmem:s20+$0x30]  }
0x564: {  	v4 =	vld [tilespmem:s23+$0x30]  }
0x565: {  	v2 =	vld [tilespmem:s23+$0xFFFFFFC0]  }
0x566: {  	v5 =	vld [tilespmem:s20+$0xFFFFFFD0]  }
0x567: {  	v6 =	vld [tilespmem:s23+$0xFFFFFFD0]  }
0x568: {  	v7 =	vld [tilespmem:s20+$0xFFFFFFE0]  }
0x569: {  	v8 =	vld [tilespmem:s23+$0xFFFFFFE0]  }
0x56a: {  	v9 =	vld [tilespmem:s20+$0xFFFFFFF0]  }
0x56b: {  	v10 =	vld [tilespmem:s23+$0xFFFFFFF0]  }
0x56c: {  	v11 =	vld [tilespmem:s20+$0x0]  }
0x56d: {  	v12 =	vld [tilespmem:s23+$0x0];
	v4 =	vadd.f32 v4, v3  }
0x56e: {  	v6 =	vadd.f32 v6, v5;
	v3 =	vld [tilespmem:s20+$0x10]  }
0x56f: {  	v7 =	vadd.f32 v8, v7;
	v5 =	vld [tilespmem:s23+$0x10];
	[tilespmem:s20+$0x30] =	vst v4  }
0x570: {  	v8 =	vadd.f32 v10, v9;
	[tilespmem:s20+$0xFFFFFFD0] =	vst v6;
	v4 =	vld [tilespmem:s20+$0x20]  }
0x571: {  	[tilespmem:s20+$0xFFFFFFE0] =	vst v7;
	v7 =	vld [tilespmem:s23+$0x20]  }
0x572: {  	s24 =	simm.s32 $0x0;
	s25 =	simm.s32 $0xF480;
	v6 =	vld [tilespmem:s20+$0xFFFFFFC0];
	[tilespmem:s20+$0xFFFFFFF0] =	vst v8;
	v8 =	vadd.f32 v12, v11  }
.LBB2_66:
0x573: {  	v9 =	vld [tilespmem:s25+$0x30];
	s23 =	sadd.s32 $0x80, s23  }
0x574: {  	s24 =	sadd.s32 $0x80, s24;
	v10 =	vld [tilespmem:s23+$0x30];
	[tilespmem:s20+$0x0] =	vst v8;
	v3 =	vadd.f32 v5, v3  }
0x575: {  	p1 =	slt.u32 s24, $0x200;
	v5 =	vld [tilespmem:s23+$0xFFFFFFC0]  }
0x576: {  	v8 =	vld [tilespmem:s25+$0xFFFFFFD0];
	[tilespmem:s20+$0x10] =	vst v3;
	v3 =	vadd.f32 v7, v4  }
0x577: {  	v4 =	vld [tilespmem:s23+$0xFFFFFFD0];
	v11 =	vadd.f32 v2, v6  }
0x578: {  	v6 =	vld [tilespmem:s25+$0xFFFFFFE0];
	[tilespmem:s20+$0x20] =	vst v3  }
0x579: {  	v3 =	vld [tilespmem:s23+$0xFFFFFFE0];
	v7 =	vadd.f32 v10, v9;
	[tilespmem:s20+$0xFFFFFFC0] =	vst v11;
	s20 =	smov.u32 s25  }
0x57a: {  	v9 =	vld [tilespmem:s25+$0xFFFFFFF0];
	v2 =	vmov v5  }
0x57b: {  	v10 =	vld [tilespmem:s23+$0xFFFFFFF0];
	[tilespmem:s25+$0x30] =	vst v7  }
0x57c: {  	v4 =	vadd.f32 v4, v8;
	v8 =	vld [tilespmem:s25+$0x0]  }
0x57d: {  	v11 =	vld [tilespmem:s23+$0x0]  }
.Ltmp32:
0x57e: {  	[tilespmem:s25+$0xFFFFFFD0] =	vst v4;
	v4 =	vadd.f32 v3, v6;
	v3 =	vld [tilespmem:s25+$0x10];
	(pc) =	sbr.rel @p1 .LBB2_66-.Ltmp32, $4  }
0x57f: {  	v5 =	vld [tilespmem:s23+$0x10]  }
0x580: {  	[tilespmem:s25+$0xFFFFFFE0] =	vst v4;
	v9 =	vadd.f32 v10, v9;
	v4 =	vld [tilespmem:s25+$0x20]  }
0x581: {  	v7 =	vld [tilespmem:s23+$0x20]  }
0x582: {  	s25 =	sadd.s32 $0x80, s25;
	v6 =	vld [tilespmem:s20+$0xFFFFFFC0];
	[tilespmem:s20+$0xFFFFFFF0] =	vst v9;
	v8 =	vadd.f32 v11, v8  }
0x583: {  	_ =	sdelay $0x1  }
0x584: {  	v3 =	vadd.f32 v5, v3  }
0x585: {  	[tilespmem:s20+$0x0] =	vst v8;
	v4 =	vadd.f32 v7, v4  }
0x586: {  	[tilespmem:s20+$0x10] =	vst v3;
	v2 =	vadd.f32 v2, v6  }
0x587: {  	[tilespmem:s20+$0x20] =	vst v4  }
0x588: {  	[tilespmem:s20+$0xFFFFFFC0] =	vst v2  }
0x589: {  	_ =	swait.ge [sflag:s26], $0x280  }
0x58a: {  	[sflag:s26] =	ssyncset.done $0x0  }
0x58b: {  	s20 =	simm.s32 $0xF400;
	[sflag:s26] =	ssyncadd.s32 $0xFFFFFD80  }
0x58c: {  	[tilespmem:s31], [sflag:$0x3] =	stream.linear.gather [spmem:s17], $0x280, $0x38;
	[tilespmem:$0x120C0] =	vst v63  }
0x58d: {  	s23 =	simm.s32 $0xEF00;
	v3 =	vld [tilespmem:s20+$0x30]  }
0x58e: {  	v4 =	vld [tilespmem:s23+$0x30]  }
0x58f: {  	v2 =	vld [tilespmem:s23+$0xFFFFFFC0]  }
0x590: {  	v5 =	vld [tilespmem:s20+$0xFFFFFFD0]  }
0x591: {  	v6 =	vld [tilespmem:s23+$0xFFFFFFD0]  }
0x592: {  	v7 =	vld [tilespmem:s20+$0xFFFFFFE0]  }
0x593: {  	v8 =	vld [tilespmem:s23+$0xFFFFFFE0]  }
0x594: {  	v9 =	vld [tilespmem:s20+$0xFFFFFFF0]  }
0x595: {  	v10 =	vld [tilespmem:s23+$0xFFFFFFF0]  }
0x596: {  	v11 =	vld [tilespmem:s20+$0x0]  }
0x597: {  	v12 =	vld [tilespmem:s23+$0x0];
	v4 =	vadd.f32 v4, v3  }
0x598: {  	v6 =	vadd.f32 v6, v5;
	v3 =	vld [tilespmem:s20+$0x10]  }
0x599: {  	v7 =	vadd.f32 v8, v7;
	v5 =	vld [tilespmem:s23+$0x10];
	[tilespmem:s20+$0x30] =	vst v4  }
0x59a: {  	v8 =	vadd.f32 v10, v9;
	[tilespmem:s20+$0xFFFFFFD0] =	vst v6;
	v4 =	vld [tilespmem:s20+$0x20]  }
0x59b: {  	[tilespmem:s20+$0xFFFFFFE0] =	vst v7;
	v7 =	vld [tilespmem:s23+$0x20]  }
0x59c: {  	s24 =	simm.s32 $0x0;
	s25 =	simm.s32 $0xF480;
	v6 =	vld [tilespmem:s20+$0xFFFFFFC0];
	[tilespmem:s20+$0xFFFFFFF0] =	vst v8;
	v8 =	vadd.f32 v12, v11  }
.LBB2_68:
0x59d: {  	v9 =	vld [tilespmem:s25+$0x30];
	s23 =	sadd.s32 $0x80, s23  }
0x59e: {  	s24 =	sadd.s32 $0x80, s24;
	v10 =	vld [tilespmem:s23+$0x30];
	[tilespmem:s20+$0x0] =	vst v8;
	v3 =	vadd.f32 v5, v3  }
0x59f: {  	p1 =	slt.u32 s24, $0x200;
	v5 =	vld [tilespmem:s23+$0xFFFFFFC0]  }
0x5a0: {  	v8 =	vld [tilespmem:s25+$0xFFFFFFD0];
	[tilespmem:s20+$0x10] =	vst v3;
	v3 =	vadd.f32 v7, v4  }
0x5a1: {  	v4 =	vld [tilespmem:s23+$0xFFFFFFD0];
	v11 =	vadd.f32 v2, v6  }
0x5a2: {  	v6 =	vld [tilespmem:s25+$0xFFFFFFE0];
	[tilespmem:s20+$0x20] =	vst v3  }
0x5a3: {  	v3 =	vld [tilespmem:s23+$0xFFFFFFE0];
	v7 =	vadd.f32 v10, v9;
	[tilespmem:s20+$0xFFFFFFC0] =	vst v11;
	s20 =	smov.u32 s25  }
0x5a4: {  	v9 =	vld [tilespmem:s25+$0xFFFFFFF0];
	v2 =	vmov v5  }
0x5a5: {  	v10 =	vld [tilespmem:s23+$0xFFFFFFF0];
	[tilespmem:s25+$0x30] =	vst v7  }
0x5a6: {  	v4 =	vadd.f32 v4, v8;
	v8 =	vld [tilespmem:s25+$0x0]  }
0x5a7: {  	v11 =	vld [tilespmem:s23+$0x0]  }
.Ltmp33:
0x5a8: {  	[tilespmem:s25+$0xFFFFFFD0] =	vst v4;
	v4 =	vadd.f32 v3, v6;
	v3 =	vld [tilespmem:s25+$0x10];
	(pc) =	sbr.rel @p1 .LBB2_68-.Ltmp33, $4  }
0x5a9: {  	v5 =	vld [tilespmem:s23+$0x10]  }
0x5aa: {  	[tilespmem:s25+$0xFFFFFFE0] =	vst v4;
	v9 =	vadd.f32 v10, v9;
	v4 =	vld [tilespmem:s25+$0x20]  }
0x5ab: {  	v7 =	vld [tilespmem:s23+$0x20]  }
0x5ac: {  	s25 =	sadd.s32 $0x80, s25;
	v6 =	vld [tilespmem:s20+$0xFFFFFFC0];
	[tilespmem:s20+$0xFFFFFFF0] =	vst v9;
	v8 =	vadd.f32 v11, v8  }
0x5ad: {  	_ =	sdelay $0x1  }
0x5ae: {  	v3 =	vadd.f32 v5, v3  }
0x5af: {  	[tilespmem:s20+$0x0] =	vst v8;
	v4 =	vadd.f32 v7, v4  }
0x5b0: {  	[tilespmem:s20+$0x10] =	vst v3;
	v2 =	vadd.f32 v2, v6  }
0x5b1: {  	[tilespmem:s20+$0x20] =	vst v4  }
0x5b2: {  	[tilespmem:s20+$0xFFFFFFC0] =	vst v2  }
0x5b3: {  	_ =	swait.ge [sflag:s0], $0x280  }
0x5b4: {  	[sflag:s0] =	ssyncset.done $0x0  }
0x5b5: {  	s20 =	simm.s32 $0xF400;
	[sflag:s0] =	ssyncadd.s32 $0xFFFFFD80  }
0x5b6: {  	[tilespmem:s3], [sflag:$0x4] =	stream.linear.gather [spmem:s18], $0x280, $0x38;
	[tilespmem:$0x120C0] =	vst v63  }
0x5b7: {  	s23 =	simm.s32 $0xEC80;
	v3 =	vld [tilespmem:s20+$0x30]  }
0x5b8: {  	v4 =	vld [tilespmem:s23+$0x30]  }
0x5b9: {  	v2 =	vld [tilespmem:s23+$0xFFFFFFC0]  }
0x5ba: {  	v5 =	vld [tilespmem:s20+$0xFFFFFFD0]  }
0x5bb: {  	v6 =	vld [tilespmem:s23+$0xFFFFFFD0]  }
0x5bc: {  	v7 =	vld [tilespmem:s20+$0xFFFFFFE0]  }
0x5bd: {  	v8 =	vld [tilespmem:s23+$0xFFFFFFE0]  }
0x5be: {  	v9 =	vld [tilespmem:s20+$0xFFFFFFF0]  }
0x5bf: {  	v10 =	vld [tilespmem:s23+$0xFFFFFFF0]  }
0x5c0: {  	v11 =	vld [tilespmem:s20+$0x0]  }
0x5c1: {  	v12 =	vld [tilespmem:s23+$0x0];
	v4 =	vadd.f32 v4, v3  }
0x5c2: {  	v6 =	vadd.f32 v6, v5;
	v3 =	vld [tilespmem:s20+$0x10]  }
0x5c3: {  	v7 =	vadd.f32 v8, v7;
	v5 =	vld [tilespmem:s23+$0x10];
	[tilespmem:s20+$0x30] =	vst v4  }
0x5c4: {  	v8 =	vadd.f32 v10, v9;
	[tilespmem:s20+$0xFFFFFFD0] =	vst v6;
	v4 =	vld [tilespmem:s20+$0x20]  }
0x5c5: {  	[tilespmem:s20+$0xFFFFFFE0] =	vst v7;
	v7 =	vld [tilespmem:s23+$0x20]  }
0x5c6: {  	s24 =	simm.s32 $0x0;
	s25 =	simm.s32 $0xF480;
	v6 =	vld [tilespmem:s20+$0xFFFFFFC0];
	[tilespmem:s20+$0xFFFFFFF0] =	vst v8;
	v8 =	vadd.f32 v12, v11  }
.LBB2_70:
0x5c7: {  	v9 =	vld [tilespmem:s25+$0x30];
	s23 =	sadd.s32 $0x80, s23  }
0x5c8: {  	s24 =	sadd.s32 $0x80, s24;
	v10 =	vld [tilespmem:s23+$0x30];
	[tilespmem:s20+$0x0] =	vst v8;
	v3 =	vadd.f32 v5, v3  }
0x5c9: {  	p1 =	slt.u32 s24, $0x200;
	v5 =	vld [tilespmem:s23+$0xFFFFFFC0]  }
0x5ca: {  	v8 =	vld [tilespmem:s25+$0xFFFFFFD0];
	[tilespmem:s20+$0x10] =	vst v3;
	v3 =	vadd.f32 v7, v4  }
0x5cb: {  	v4 =	vld [tilespmem:s23+$0xFFFFFFD0];
	v11 =	vadd.f32 v2, v6  }
0x5cc: {  	v6 =	vld [tilespmem:s25+$0xFFFFFFE0];
	[tilespmem:s20+$0x20] =	vst v3  }
0x5cd: {  	v3 =	vld [tilespmem:s23+$0xFFFFFFE0];
	v7 =	vadd.f32 v10, v9;
	[tilespmem:s20+$0xFFFFFFC0] =	vst v11;
	s20 =	smov.u32 s25  }
0x5ce: {  	v9 =	vld [tilespmem:s25+$0xFFFFFFF0];
	v2 =	vmov v5  }
0x5cf: {  	v10 =	vld [tilespmem:s23+$0xFFFFFFF0];
	[tilespmem:s25+$0x30] =	vst v7  }
0x5d0: {  	v4 =	vadd.f32 v4, v8;
	v8 =	vld [tilespmem:s25+$0x0]  }
0x5d1: {  	v11 =	vld [tilespmem:s23+$0x0]  }
.Ltmp34:
0x5d2: {  	[tilespmem:s25+$0xFFFFFFD0] =	vst v4;
	v4 =	vadd.f32 v3, v6;
	v3 =	vld [tilespmem:s25+$0x10];
	(pc) =	sbr.rel @p1 .LBB2_70-.Ltmp34, $4  }
0x5d3: {  	v5 =	vld [tilespmem:s23+$0x10]  }
0x5d4: {  	[tilespmem:s25+$0xFFFFFFE0] =	vst v4;
	v9 =	vadd.f32 v10, v9;
	v4 =	vld [tilespmem:s25+$0x20]  }
0x5d5: {  	v7 =	vld [tilespmem:s23+$0x20]  }
0x5d6: {  	s25 =	sadd.s32 $0x80, s25;
	v6 =	vld [tilespmem:s20+$0xFFFFFFC0];
	[tilespmem:s20+$0xFFFFFFF0] =	vst v9;
	v8 =	vadd.f32 v11, v8  }
0x5d7: {  	_ =	sdelay $0x1  }
0x5d8: {  	v3 =	vadd.f32 v5, v3  }
0x5d9: {  	[tilespmem:s20+$0x0] =	vst v8;
	v4 =	vadd.f32 v7, v4  }
0x5da: {  	[tilespmem:s20+$0x10] =	vst v3;
	v2 =	vadd.f32 v2, v6  }
0x5db: {  	[tilespmem:s20+$0x20] =	vst v4  }
0x5dc: {  	[tilespmem:s20+$0xFFFFFFC0] =	vst v2  }
0x5dd: {  	_ =	swait.ge [sflag:s26], $0x280  }
0x5de: {  	[sflag:s26] =	ssyncset.done $0x0  }
0x5df: {  	s20 =	simm.s32 $0xF400;
	[sflag:s26] =	ssyncadd.s32 $0xFFFFFD80  }
0x5e0: {  	[tilespmem:s31], [sflag:$0x3] =	stream.linear.gather [spmem:s19], $0x280, $0x38;
	[tilespmem:$0x120C0] =	vst v63  }
0x5e1: {  	s23 =	simm.s32 $0xEF00;
	v3 =	vld [tilespmem:s20+$0x30]  }
0x5e2: {  	v4 =	vld [tilespmem:s23+$0x30]  }
0x5e3: {  	v2 =	vld [tilespmem:s23+$0xFFFFFFC0]  }
0x5e4: {  	v5 =	vld [tilespmem:s20+$0xFFFFFFD0]  }
0x5e5: {  	v6 =	vld [tilespmem:s23+$0xFFFFFFD0]  }
0x5e6: {  	v7 =	vld [tilespmem:s20+$0xFFFFFFE0]  }
0x5e7: {  	v8 =	vld [tilespmem:s23+$0xFFFFFFE0]  }
0x5e8: {  	v9 =	vld [tilespmem:s20+$0xFFFFFFF0]  }
0x5e9: {  	v10 =	vld [tilespmem:s23+$0xFFFFFFF0]  }
0x5ea: {  	v11 =	vld [tilespmem:s20+$0x0]  }
0x5eb: {  	v12 =	vld [tilespmem:s23+$0x0];
	v4 =	vadd.f32 v4, v3  }
0x5ec: {  	v6 =	vadd.f32 v6, v5;
	v3 =	vld [tilespmem:s20+$0x10]  }
0x5ed: {  	v7 =	vadd.f32 v8, v7;
	v5 =	vld [tilespmem:s23+$0x10];
	[tilespmem:s20+$0x30] =	vst v4  }
0x5ee: {  	v8 =	vadd.f32 v10, v9;
	[tilespmem:s20+$0xFFFFFFD0] =	vst v6;
	v4 =	vld [tilespmem:s20+$0x20]  }
0x5ef: {  	[tilespmem:s20+$0xFFFFFFE0] =	vst v7;
	v7 =	vld [tilespmem:s23+$0x20]  }
0x5f0: {  	s24 =	simm.s32 $0x0;
	s25 =	simm.s32 $0xF480;
	v6 =	vld [tilespmem:s20+$0xFFFFFFC0];
	[tilespmem:s20+$0xFFFFFFF0] =	vst v8;
	v8 =	vadd.f32 v12, v11  }
.LBB2_72:
0x5f1: {  	v9 =	vld [tilespmem:s25+$0x30];
	s23 =	sadd.s32 $0x80, s23  }
0x5f2: {  	s24 =	sadd.s32 $0x80, s24;
	v10 =	vld [tilespmem:s23+$0x30];
	[tilespmem:s20+$0x0] =	vst v8;
	v3 =	vadd.f32 v5, v3  }
0x5f3: {  	p1 =	slt.u32 s24, $0x200;
	v5 =	vld [tilespmem:s23+$0xFFFFFFC0]  }
0x5f4: {  	v8 =	vld [tilespmem:s25+$0xFFFFFFD0];
	[tilespmem:s20+$0x10] =	vst v3;
	v3 =	vadd.f32 v7, v4  }
0x5f5: {  	v4 =	vld [tilespmem:s23+$0xFFFFFFD0];
	v11 =	vadd.f32 v2, v6  }
0x5f6: {  	v6 =	vld [tilespmem:s25+$0xFFFFFFE0];
	[tilespmem:s20+$0x20] =	vst v3  }
0x5f7: {  	v3 =	vld [tilespmem:s23+$0xFFFFFFE0];
	v7 =	vadd.f32 v10, v9;
	[tilespmem:s20+$0xFFFFFFC0] =	vst v11;
	s20 =	smov.u32 s25  }
0x5f8: {  	v9 =	vld [tilespmem:s25+$0xFFFFFFF0];
	v2 =	vmov v5  }
0x5f9: {  	v10 =	vld [tilespmem:s23+$0xFFFFFFF0];
	[tilespmem:s25+$0x30] =	vst v7  }
0x5fa: {  	v4 =	vadd.f32 v4, v8;
	v8 =	vld [tilespmem:s25+$0x0]  }
0x5fb: {  	v11 =	vld [tilespmem:s23+$0x0]  }
.Ltmp35:
0x5fc: {  	[tilespmem:s25+$0xFFFFFFD0] =	vst v4;
	v4 =	vadd.f32 v3, v6;
	v3 =	vld [tilespmem:s25+$0x10];
	(pc) =	sbr.rel @p1 .LBB2_72-.Ltmp35, $4  }
0x5fd: {  	v5 =	vld [tilespmem:s23+$0x10]  }
0x5fe: {  	[tilespmem:s25+$0xFFFFFFE0] =	vst v4;
	v9 =	vadd.f32 v10, v9;
	v4 =	vld [tilespmem:s25+$0x20]  }
0x5ff: {  	v7 =	vld [tilespmem:s23+$0x20]  }
0x600: {  	s25 =	sadd.s32 $0x80, s25;
	v6 =	vld [tilespmem:s20+$0xFFFFFFC0];
	[tilespmem:s20+$0xFFFFFFF0] =	vst v9;
	v8 =	vadd.f32 v11, v8  }
0x601: {  	_ =	sdelay $0x1  }
0x602: {  	v3 =	vadd.f32 v5, v3  }
0x603: {  	[tilespmem:s20+$0x0] =	vst v8;
	v4 =	vadd.f32 v7, v4  }
0x604: {  	[tilespmem:s20+$0x10] =	vst v3;
	v2 =	vadd.f32 v2, v6  }
0x605: {  	[tilespmem:s20+$0x20] =	vst v4  }
0x606: {  	[tilespmem:s20+$0xFFFFFFC0] =	vst v2  }
0x607: {  	_ =	swait.ge [sflag:s0], $0x280  }
0x608: {  	[sflag:s0] =	ssyncset.done $0x0  }
0x609: {  	s20 =	simm.s32 $0xF400;
	[sflag:s0] =	ssyncadd.s32 $0xFFFFFD80  }
0x60a: {  	[tilespmem:s3], [sflag:$0x4] =	stream.linear.gather [spmem:s22], $0x280, $0x38;
	[tilespmem:$0x120C0] =	vst v63  }
0x60b: {  	s23 =	simm.s32 $0xEC80;
	v3 =	vld [tilespmem:s20+$0x30]  }
0x60c: {  	v4 =	vld [tilespmem:s23+$0x30]  }
0x60d: {  	v2 =	vld [tilespmem:s23+$0xFFFFFFC0]  }
0x60e: {  	v5 =	vld [tilespmem:s20+$0xFFFFFFD0]  }
0x60f: {  	v6 =	vld [tilespmem:s23+$0xFFFFFFD0]  }
0x610: {  	v7 =	vld [tilespmem:s20+$0xFFFFFFE0]  }
0x611: {  	v8 =	vld [tilespmem:s23+$0xFFFFFFE0]  }
0x612: {  	v9 =	vld [tilespmem:s20+$0xFFFFFFF0]  }
0x613: {  	v10 =	vld [tilespmem:s23+$0xFFFFFFF0]  }
0x614: {  	v11 =	vld [tilespmem:s20+$0x0]  }
0x615: {  	v12 =	vld [tilespmem:s23+$0x0];
	v4 =	vadd.f32 v4, v3  }
0x616: {  	v6 =	vadd.f32 v6, v5;
	v3 =	vld [tilespmem:s20+$0x10]  }
0x617: {  	v7 =	vadd.f32 v8, v7;
	v5 =	vld [tilespmem:s23+$0x10];
	[tilespmem:s20+$0x30] =	vst v4  }
0x618: {  	v8 =	vadd.f32 v10, v9;
	[tilespmem:s20+$0xFFFFFFD0] =	vst v6;
	v4 =	vld [tilespmem:s20+$0x20]  }
0x619: {  	[tilespmem:s20+$0xFFFFFFE0] =	vst v7;
	v7 =	vld [tilespmem:s23+$0x20]  }
0x61a: {  	s24 =	simm.s32 $0x0;
	s25 =	simm.s32 $0xF480;
	v6 =	vld [tilespmem:s20+$0xFFFFFFC0];
	[tilespmem:s20+$0xFFFFFFF0] =	vst v8;
	v8 =	vadd.f32 v12, v11  }
.LBB2_74:
0x61b: {  	v9 =	vld [tilespmem:s25+$0x30];
	s23 =	sadd.s32 $0x80, s23  }
0x61c: {  	s24 =	sadd.s32 $0x80, s24;
	v10 =	vld [tilespmem:s23+$0x30];
	[tilespmem:s20+$0x0] =	vst v8;
	v3 =	vadd.f32 v5, v3  }
0x61d: {  	p1 =	slt.u32 s24, $0x200;
	v5 =	vld [tilespmem:s23+$0xFFFFFFC0]  }
0x61e: {  	v8 =	vld [tilespmem:s25+$0xFFFFFFD0];
	[tilespmem:s20+$0x10] =	vst v3;
	v3 =	vadd.f32 v7, v4  }
0x61f: {  	v4 =	vld [tilespmem:s23+$0xFFFFFFD0];
	v11 =	vadd.f32 v2, v6  }
0x620: {  	v6 =	vld [tilespmem:s25+$0xFFFFFFE0];
	[tilespmem:s20+$0x20] =	vst v3  }
0x621: {  	v3 =	vld [tilespmem:s23+$0xFFFFFFE0];
	v7 =	vadd.f32 v10, v9;
	[tilespmem:s20+$0xFFFFFFC0] =	vst v11;
	s20 =	smov.u32 s25  }
0x622: {  	v9 =	vld [tilespmem:s25+$0xFFFFFFF0];
	v2 =	vmov v5  }
0x623: {  	v10 =	vld [tilespmem:s23+$0xFFFFFFF0];
	[tilespmem:s25+$0x30] =	vst v7  }
0x624: {  	v4 =	vadd.f32 v4, v8;
	v8 =	vld [tilespmem:s25+$0x0]  }
0x625: {  	v11 =	vld [tilespmem:s23+$0x0]  }
.Ltmp36:
0x626: {  	[tilespmem:s25+$0xFFFFFFD0] =	vst v4;
	v4 =	vadd.f32 v3, v6;
	v3 =	vld [tilespmem:s25+$0x10];
	(pc) =	sbr.rel @p1 .LBB2_74-.Ltmp36, $4  }
0x627: {  	v5 =	vld [tilespmem:s23+$0x10]  }
0x628: {  	[tilespmem:s25+$0xFFFFFFE0] =	vst v4;
	v9 =	vadd.f32 v10, v9;
	v4 =	vld [tilespmem:s25+$0x20]  }
0x629: {  	v7 =	vld [tilespmem:s23+$0x20]  }
0x62a: {  	s25 =	sadd.s32 $0x80, s25;
	v6 =	vld [tilespmem:s20+$0xFFFFFFC0];
	[tilespmem:s20+$0xFFFFFFF0] =	vst v9;
	v8 =	vadd.f32 v11, v8  }
0x62b: {  	_ =	sdelay $0x1  }
0x62c: {  	v3 =	vadd.f32 v5, v3  }
0x62d: {  	[tilespmem:s20+$0x0] =	vst v8;
	v4 =	vadd.f32 v7, v4  }
0x62e: {  	[tilespmem:s20+$0x10] =	vst v3;
	v2 =	vadd.f32 v2, v6  }
0x62f: {  	[tilespmem:s20+$0x20] =	vst v4  }
0x630: {  	[tilespmem:s20+$0xFFFFFFC0] =	vst v2  }
0x631: {  	_ =	swait.ge [sflag:s26], $0x280  }
0x632: {  	[sflag:s26] =	ssyncset.done $0x0  }
0x633: {  	s20 =	simm.s32 $0xF400;
	[sflag:s26] =	ssyncadd.s32 $0xFFFFFD80  }
0x634: {  	s23 =	simm.s32 $0xEF00;
	v3 =	vld [tilespmem:s20+$0x30]  }
0x635: {  	v4 =	vld [tilespmem:s23+$0x30]  }
0x636: {  	v2 =	vld [tilespmem:s23+$0xFFFFFFC0]  }
0x637: {  	v5 =	vld [tilespmem:s20+$0xFFFFFFD0]  }
0x638: {  	v6 =	vld [tilespmem:s23+$0xFFFFFFD0]  }
0x639: {  	v7 =	vld [tilespmem:s20+$0xFFFFFFE0]  }
0x63a: {  	v8 =	vld [tilespmem:s23+$0xFFFFFFE0]  }
0x63b: {  	v9 =	vld [tilespmem:s20+$0xFFFFFFF0]  }
0x63c: {  	v10 =	vld [tilespmem:s23+$0xFFFFFFF0]  }
0x63d: {  	v11 =	vld [tilespmem:s20+$0x0]  }
0x63e: {  	v12 =	vld [tilespmem:s23+$0x0];
	v4 =	vadd.f32 v4, v3  }
0x63f: {  	v6 =	vadd.f32 v6, v5;
	v3 =	vld [tilespmem:s20+$0x10]  }
0x640: {  	v7 =	vadd.f32 v8, v7;
	v5 =	vld [tilespmem:s23+$0x10];
	[tilespmem:s20+$0x30] =	vst v4  }
0x641: {  	v8 =	vadd.f32 v10, v9;
	[tilespmem:s20+$0xFFFFFFD0] =	vst v6;
	v4 =	vld [tilespmem:s20+$0x20]  }
0x642: {  	[tilespmem:s20+$0xFFFFFFE0] =	vst v7;
	v7 =	vld [tilespmem:s23+$0x20]  }
0x643: {  	s24 =	simm.s32 $0x0;
	s25 =	simm.s32 $0xF480;
	v6 =	vld [tilespmem:s20+$0xFFFFFFC0];
	[tilespmem:s20+$0xFFFFFFF0] =	vst v8;
	v8 =	vadd.f32 v12, v11  }
.LBB2_76:
0x644: {  	v9 =	vld [tilespmem:s25+$0x30];
	s23 =	sadd.s32 $0x80, s23  }
0x645: {  	s24 =	sadd.s32 $0x80, s24;
	v10 =	vld [tilespmem:s23+$0x30];
	[tilespmem:s20+$0x0] =	vst v8;
	v3 =	vadd.f32 v5, v3  }
0x646: {  	p1 =	slt.u32 s24, $0x200;
	v5 =	vld [tilespmem:s23+$0xFFFFFFC0]  }
0x647: {  	v8 =	vld [tilespmem:s25+$0xFFFFFFD0];
	[tilespmem:s20+$0x10] =	vst v3;
	v3 =	vadd.f32 v7, v4  }
0x648: {  	v4 =	vld [tilespmem:s23+$0xFFFFFFD0];
	v11 =	vadd.f32 v2, v6  }
0x649: {  	v6 =	vld [tilespmem:s25+$0xFFFFFFE0];
	[tilespmem:s20+$0x20] =	vst v3  }
0x64a: {  	v3 =	vld [tilespmem:s23+$0xFFFFFFE0];
	v7 =	vadd.f32 v10, v9;
	[tilespmem:s20+$0xFFFFFFC0] =	vst v11;
	s20 =	smov.u32 s25  }
0x64b: {  	v9 =	vld [tilespmem:s25+$0xFFFFFFF0];
	v2 =	vmov v5  }
0x64c: {  	v10 =	vld [tilespmem:s23+$0xFFFFFFF0];
	[tilespmem:s25+$0x30] =	vst v7  }
0x64d: {  	v4 =	vadd.f32 v4, v8;
	v8 =	vld [tilespmem:s25+$0x0]  }
0x64e: {  	v11 =	vld [tilespmem:s23+$0x0]  }
.Ltmp37:
0x64f: {  	[tilespmem:s25+$0xFFFFFFD0] =	vst v4;
	v4 =	vadd.f32 v3, v6;
	v3 =	vld [tilespmem:s25+$0x10];
	(pc) =	sbr.rel @p1 .LBB2_76-.Ltmp37, $4  }
0x650: {  	v5 =	vld [tilespmem:s23+$0x10]  }
0x651: {  	[tilespmem:s25+$0xFFFFFFE0] =	vst v4;
	v9 =	vadd.f32 v10, v9;
	v4 =	vld [tilespmem:s25+$0x20]  }
0x652: {  	v7 =	vld [tilespmem:s23+$0x20]  }
0x653: {  	s25 =	sadd.s32 $0x80, s25;
	v6 =	vld [tilespmem:s20+$0xFFFFFFC0];
	[tilespmem:s20+$0xFFFFFFF0] =	vst v9;
	v8 =	vadd.f32 v11, v8  }
0x654: {  	_ =	sdelay $0x1  }
0x655: {  	v3 =	vadd.f32 v5, v3  }
0x656: {  	[tilespmem:s20+$0x0] =	vst v8;
	v4 =	vadd.f32 v7, v4  }
0x657: {  	[tilespmem:s20+$0x10] =	vst v3;
	v2 =	vadd.f32 v2, v6  }
0x658: {  	[tilespmem:s20+$0x20] =	vst v4  }
0x659: {  	[tilespmem:s20+$0xFFFFFFC0] =	vst v2  }
0x65a: {  	v2 =	vld [tilespmem:$0xF140]  }
0x65b: {  	v3 =	vld [tilespmem:$0xF3C0]  }
0x65c: {  	v4 =	vld [tilespmem:$0xF150]  }
0x65d: {  	v57 =	vld [tilespmem:$0xF3D0]  }
0x65e: {  	v58 =	vld [tilespmem:$0xF160]  }
0x65f: {  	v59 =	vld [tilespmem:$0xF3E0]  }
0x660: {  	v8 =	vld [tilespmem:$0xF170]  }
0x661: {  	v9 =	vld [tilespmem:$0xF3F0]  }
0x662: {  	v10 =	vld [tilespmem:$0xF180]  }
0x663: {  	v11 =	vld [tilespmem:$0xF400]  }
0x664: {  	v12 =	vld [tilespmem:$0xF190]  }
0x665: {  	v13 =	vld [tilespmem:$0xF410]  }
0x666: {  	v14 =	vld [tilespmem:$0xF1A0]  }
0x667: {  	v15 =	vld [tilespmem:$0xF420]  }
0x668: {  	v16 =	vld [tilespmem:$0xF1B0]  }
0x669: {  	v17 =	vld [tilespmem:$0xF430]  }
0x66a: {  	v18 =	vld [tilespmem:$0xF1C0]  }
0x66b: {  	v19 =	vld [tilespmem:$0xF440]  }
0x66c: {  	v20 =	vld [tilespmem:$0xF1D0]  }
0x66d: {  	v21 =	vld [tilespmem:$0xF450]  }
0x66e: {  	v22 =	vld [tilespmem:$0xF1E0]  }
0x66f: {  	v23 =	vld [tilespmem:$0xF460]  }
0x670: {  	v24 =	vld [tilespmem:$0xF1F0]  }
0x671: {  	v25 =	vld [tilespmem:$0xF470]  }
0x672: {  	v26 =	vld [tilespmem:$0xF200]  }
0x673: {  	v27 =	vld [tilespmem:$0xF480]  }
0x674: {  	v28 =	vld [tilespmem:$0xF210]  }
0x675: {  	v29 =	vld [tilespmem:$0xF490]  }
0x676: {  	v30 =	vld [tilespmem:$0xF220]  }
0x677: {  	v31 =	vld [tilespmem:$0xF4A0]  }
0x678: {  	v32 =	vld [tilespmem:$0xF230]  }
0x679: {  	v33 =	vld [tilespmem:$0xF4B0]  }
0x67a: {  	v34 =	vld [tilespmem:$0xF240]  }
0x67b: {  	v35 =	vld [tilespmem:$0xF4C0]  }
0x67c: {  	v36 =	vld [tilespmem:$0xF250]  }
0x67d: {  	v37 =	vld [tilespmem:$0xF4D0]  }
0x67e: {  	v38 =	vld [tilespmem:$0xF260]  }
0x67f: {  	v39 =	vld [tilespmem:$0xF4E0]  }
0x680: {  	v40 =	vld [tilespmem:$0xF270]  }
0x681: {  	v41 =	vld [tilespmem:$0xF4F0]  }
0x682: {  	v42 =	vld [tilespmem:$0xF280]  }
0x683: {  	v43 =	vld [tilespmem:$0xF500]  }
0x684: {  	v44 =	vld [tilespmem:$0xF290]  }
0x685: {  	v45 =	vld [tilespmem:$0xF510]  }
0x686: {  	v46 =	vld [tilespmem:$0xF2A0]  }
0x687: {  	v47 =	vld [tilespmem:$0xF520]  }
0x688: {  	v48 =	vld [tilespmem:$0xF2B0];
	v3 =	vadd.f32 v3, v2  }
0x689: {  	v49 =	vld [tilespmem:$0xF530];
	v5 =	vadd.f32 v57, v4  }
0x68a: {  	v7 =	vld [tilespmem:$0xF2C0];
	v2 =	vmul.f32 v3, v2;
	v3 =	vadd.f32 v59, v58  }
0x68b: {  	v6 =	vld [tilespmem:$0xF2D0];
	v60 =	vadd.f32 v9, v8;
	v4 =	vmul.f32 v5, v4  }
0x68c: {  	v51 =	vld [tilespmem:$0xF5A0];
	[tilespmem:$0xF3C0] =	vst v2;
	v2 =	vmul.f32 v3, v58;
	v3 =	vadd.f32 v11, v10  }
0x68d: {  	v54 =	vld [tilespmem:$0xF5B0];
	v62 =	vadd.f32 v13, v12;
	v61 =	vmul.f32 v60, v8;
	[tilespmem:$0xF3D0] =	vst v4  }
0x68e: {  	v55 =	vld [tilespmem:$0xF340];
	[tilespmem:$0xF3E0] =	vst v2;
	v2 =	vmul.f32 v3, v10;
	v3 =	vadd.f32 v15, v14  }
0x68f: {  	v9 =	vld [tilespmem:$0xF540];
	v50 =	vadd.f32 v33, v32;
	v63 =	vmul.f32 v62, v12;
	[tilespmem:$0xF3F0] =	vst v61  }
0x690: {  	v13 =	vld [tilespmem:$0xF570];
	[tilespmem:$0xF400] =	vst v2;
	v2 =	vmul.f32 v3, v14;
	v3 =	vadd.f32 v19, v18  }
0x691: {  	v53 =	vadd.f32 v37, v36;
	v33 =	vld [tilespmem:$0xF370];
	v52 =	vmul.f32 v50, v32;
	[tilespmem:$0xF410] =	vst v63  }
0x692: {  	v57 =	vadd.f32 v41, v40;
	v41 =	vld [tilespmem:$0xF600];
	[tilespmem:$0xF420] =	vst v2;
	v2 =	vmul.f32 v3, v18;
	v3 =	vadd.f32 v23, v22  }
0x693: {  	v8 =	vld [tilespmem:$0xF550];
	v56 =	vmul.f32 v53, v36;
	[tilespmem:$0xF4B0] =	vst v52  }
0x694: {  	v12 =	vld [tilespmem:$0xF2F0];
	[tilespmem:$0xF440] =	vst v2;
	v2 =	vmul.f32 v3, v22;
	v3 =	vadd.f32 v27, v26  }
0x695: {  	v17 =	vadd.f32 v17, v16;
	v59 =	vld [tilespmem:$0xF350];
	v60 =	vmul.f32 v57, v40;
	[tilespmem:$0xF4D0] =	vst v56  }
0x696: {  	v62 =	vld [tilespmem:$0xF5D0];
	[tilespmem:$0xF460] =	vst v2;
	v2 =	vmul.f32 v3, v26;
	v3 =	vadd.f32 v31, v30  }
0x697: {  	v21 =	vadd.f32 v21, v20;
	v32 =	vld [tilespmem:$0xF5E0];
	[tilespmem:$0xF4F0] =	vst v60;
	v19 =	vmul.f32 v17, v16  }
0x698: {  	v36 =	vld [tilespmem:$0xF5F0];
	[tilespmem:$0xF480] =	vst v2;
	v2 =	vmul.f32 v3, v30;
	v3 =	vadd.f32 v35, v34  }
0x699: {  	v25 =	vadd.f32 v25, v24;
	v11 =	vld [tilespmem:$0xF560];
	[tilespmem:$0xF430] =	vst v19;
	v23 =	vmul.f32 v21, v20  }
0x69a: {  	v10 =	vld [tilespmem:$0xF2E0];
	[tilespmem:$0xF4A0] =	vst v2;
	v2 =	vmul.f32 v3, v34;
	v3 =	vadd.f32 v39, v38  }
0x69b: {  	v29 =	vadd.f32 v29, v28;
	v15 =	vld [tilespmem:$0xF580];
	[tilespmem:$0xF450] =	vst v23;
	v27 =	vmul.f32 v25, v24  }
0x69c: {  	v14 =	vld [tilespmem:$0xF300];
	[tilespmem:$0xF4C0] =	vst v2;
	v2 =	vmul.f32 v3, v38;
	v3 =	vadd.f32 v43, v42  }
0x69d: {  	v61 =	vadd.f32 v45, v44;
	v16 =	vld [tilespmem:$0xF310];
	[tilespmem:$0xF470] =	vst v27;
	v31 =	vmul.f32 v29, v28  }
0x69e: {  	v18 =	vld [tilespmem:$0xF320];
	[tilespmem:$0xF4E0] =	vst v2;
	v2 =	vmul.f32 v3, v42;
	v3 =	vadd.f32 v47, v46  }
0x69f: {  	v17 =	vld [tilespmem:$0xF590];
	[tilespmem:$0xF490] =	vst v31;
	v30 =	vmul.f32 v61, v44;
	v31 =	vadd.f32 v49, v48  }
0x6a0: {  	s20 =	sld [smem:$0x7F5];
	v53 =	vld [tilespmem:$0xF3B0];
	v8 =	vadd.f32 v8, v6;
	[tilespmem:$0xF500] =	vst v2;
	v2 =	vmul.f32 v3, v46;
	v3 =	vadd.f32 v9, v7  }
0x6a1: {  	s23 =	sld [smem:$0x7F6];
	v20 =	vld [tilespmem:$0xF330];
	v35 =	vadd.f32 v11, v10;
	[tilespmem:$0xF510] =	vst v30;
	v34 =	vmul.f32 v31, v48  }
0x6a2: {  	s24 =	sld [smem:$0x7F7];
	v58 =	vld [tilespmem:$0xF5C0];
	v37 =	vadd.f32 v13, v12;
	[tilespmem:$0xF520] =	vst v2;
	v2 =	vmul.f32 v3, v7;
	v3 =	vmul.f32 v8, v6  }
0x6a3: {  	s25 =	sld [smem:$0x7F8];
	p1 =	seq.s32 s20, $0x1;
	v63 =	vld [tilespmem:$0xF360];
	v40 =	vadd.f32 v15, v14;
	v45 =	vadd.f32 v51, v18;
	v39 =	vmul.f32 v35, v10;
	[tilespmem:$0xF530] =	vst v34  }
0x6a4: {  	s28 =	sld [smem:$0x7F9];
	v51 =	vld [tilespmem:$0xF620];
	v42 =	vadd.f32 v17, v16;
	[tilespmem:$0xF540] =	vst v2;
	v2 =	vpsel !p1, $0x0, v3;
	v3 =	vmul.f32 v37, v12;
	p1 =	seq.s32 s23, $0x1  }
0x6a5: {  	s29 =	sld [smem:$0x7FA];
	v44 =	vmul.f32 v40, v14;
	v38 =	vld [tilespmem:$0xF380];
	[tilespmem:$0xF550] =	vst v2;
	v2 =	vpsel !p1, $0x0, v39;
	p1 =	seq.s32 s24, $0x1  }
0x6a6: {  	v43 =	vld [tilespmem:$0xF390];
	v47 =	vadd.f32 v54, v20;
	s23 =	sld [smem:$0x7FB];
	[tilespmem:$0xF560] =	vst v2;
	v2 =	vpsel !p1, $0x0, v3;
	v3 =	vmul.f32 v42, v16;
	p1 =	seq.s32 s25, $0x1  }
0x6a7: {  	v50 =	vadd.f32 v58, v55;
	v49 =	vmul.f32 v45, v18;
	v46 =	vld [tilespmem:$0xF610];
	s24 =	sld [smem:$0x7FC];
	[tilespmem:$0xF570] =	vst v2;
	v2 =	vpsel !p1, $0x0, v44;
	p1 =	seq.s32 s28, $0x1  }
0x6a8: {  	v52 =	vadd.f32 v62, v59;
	v48 =	vld [tilespmem:$0xF3A0];
	s25 =	sld [smem:$0x7FD];
	[tilespmem:$0xF580] =	vst v2;
	v2 =	vpsel !p1, $0x0, v3;
	v3 =	vmul.f32 v47, v20;
	p1 =	seq.s32 s29, $0x1  }
0x6a9: {  	v56 =	vld [tilespmem:$0xF630];
	v54 =	vmul.f32 v50, v55;
	v55 =	vadd.f32 v32, v63;
	[tilespmem:$0xF590] =	vst v2;
	v2 =	vpsel !p1, $0x0, v49;
	p1 =	seq.s32 s23, $0x1  }
0x6aa: {  	v57 =	vadd.f32 v36, v33;
	[tilespmem:$0xF5A0] =	vst v2;
	v2 =	vmul.f32 v52, v59;
	v3 =	vpsel !p1, $0x0, v3;
	p1 =	seq.s32 s24, $0x1  }
0x6ab: {  	v58 =	vadd.f32 v41, v38;
	[tilespmem:$0xF5B0] =	vst v3;
	v3 =	vmul.f32 v55, v63;
	v4 =	vpsel !p1, $0x0, v54;
	p1 =	seq.s32 s25, $0x1  }
0x6ac: {  	v60 =	vadd.f32 v46, v43;
	v59 =	vmul.f32 v57, v33;
	[tilespmem:$0xF5C0] =	vst v4;
	v2 =	vpsel !p1, $0x0, v2  }
0x6ad: {  	v61 =	vadd.f32 v51, v48;
	[tilespmem:$0xF5D0] =	vst v2;
	v2 =	vmul.f32 v58, v38;
	v3 =	vpsel !p2, $0x0, v3  }
0x6ae: {  	v62 =	vadd.f32 v56, v53;
	v4 =	vpsel !p3, $0x0, v59;
	[tilespmem:$0xF5E0] =	vst v3;
	v3 =	vmul.f32 v60, v43  }
0x6af: {  	v63 =	vmul.f32 v61, v48;
	[tilespmem:$0xF5F0] =	vst v4;
	v2 =	vpsel !p4, $0x0, v2  }
0x6b0: {  	[tilespmem:$0xF600] =	vst v2;
	v2 =	vpsel !p5, $0x0, v3;
	v3 =	vmul.f32 v62, v53  }
0x6b1: {  	[tilespmem:$0xF610] =	vst v2;
	v2 =	vpsel !p6, $0x0, v63  }
0x6b2: {  	[tilespmem:$0xF620] =	vst v2;
	v2 =	vpsel !p0, $0x0, v3  }
0x6b3: {  	s28 =	rddreg [dreg:$0x5];
	s23 =	simm.s32 $0xF3C0;
	[tilespmem:$0xF630] =	vst v2  }
0x6b4: {  	[hbm4b:s28+s2] =	stream.linear.scatter [tilespmem:s23], [sflag:$0x5], $0x280, $0x38;
	[tilespmem:$0x120C0] =	vst v63  }
0x6b5: {  	_ =	swait.ge [sflag:s30], $0x280  }
0x6b6: {  	s21 =	sadd.s32 $0x1, s21;
	s29 =	rddreg [dreg:$0x7]  }
0x6b7: {  	p1 =	sne.s32 s21, s29  }
.Ltmp38:
0x6b8: {  	_ = 	snop;
	(pc) =	sbr.rel @p1 .LBB2_1-.Ltmp38, $3  }
0x6b9: {  	_ =	sdelay $0x1  }
0x6ba: {  	[sflag:s30] =	ssyncset.done $0x0  }
0x6bb: {  	[sflag:s30] =	ssyncadd.s32 $0xFFFFFD80  }
0x6bc: {  	_ =	sfence.sel $0x180000  }
0x6bd: {  	[bflag:$0x0] =	sbarrier.arrive $0xFFFF  }
0x6be: {  	_ =	strace $0x90000047  }
0x6bf: {  	s0 =	stileid.u32;
	[bflag:$0x2] =	sbarrier.arrive $0xFFFF  }
0x6c0: {  	p0 =	sne.s32 s0, $0x0;
	s0 =	rddreg [dreg:$0x3]  }
0x6c1: {  	s0 =	sadd.s32 @!p0 $0x100000, s0  }
0x6c2: {  	[sflag:s0] =	ssyncadd.tile.s32 @!p0 $0x1;
	_ =	shalt  }
.Lfunc_end2:
_tile_overlayer_lowered:
.L_overlay_start_2:
0x6c3: {  	(tag) =	ssettag $0x2  }
0x6c4: {  	s0 =	rddreg [dreg:$0x0];
	s2 =	stileid.u32  }
0x6c5: {  	s1 =	rddreg [dreg:$0x1];
	p0 =	sne.s32 s2, $0x0  }
0x6c6: {  	s3 =	rddreg [dreg:$0x2];
	[bflag:$0x3] =	sbarrier.arrive $0xFFFF;
	s2 =	simm.s32 @!p0 $0x1C05  }
0x6c7: {  	[timem:s3], [sflag:s2] =	dma.local @!p0 [hbm:s0], s1  }
0x6c8: {  	s0 =	simm.s32 @!p0 $0x5  }
0x6c9: {  	_ =	swait.ge @!p0 [sflag:s0], s1  }
0x6ca: {  	s1 =	ssub.s32 @!p0 $0x0, s1;
	[sflag:s0] =	ssyncset.done @!p0 $0x0  }
0x6cb: {  	[sflag:s0] =	ssyncadd.s32 @!p0 s1  }
0x6cc: {  	[bflag:$0x3] =	sbarrier.arrive $0xFFFF  }
0x6cd: {  	_ =	shalt  }

</sc_bundles>
